<compile_context>
chip_gen: v7x
topology: tpu7x:2x2x1
jax: 0.10.2.dev20260603
libtpu: 0.0.44.dev20260713+nightly
codegen_flags: <defaults>
</compile_context>

<pallas_src>
import functools

import jax
import jax.numpy as jnp
from jax import lax
from jax.experimental import pallas as pl
from jax.experimental.pallas import tpu as pltpu
from jax.experimental.pallas import tpu_sc as plsc

NUM_FEATURES = 1000000
EMBED_DIM = 16
BATCH = 16384
FIELDS = 26

NC, NS, L = 2, 16, 16
NW = NC * NS
RPW = BATCH // NW
IDX_W = 128
ROWS_PW = RPW * FIELDS // IDX_W
CB = 64
G = CB * FIELDS
J = G // IDX_W
NCH = RPW // CB

VBLK = 128
NFULL = NUM_FEATURES // VBLK
OUT_W = 128
TILE_OUT = VBLK * EMBED_DIM // OUT_W
SLAB = 8
SLAB_V = SLAB * VBLK
SLAB_OUT = SLAB * TILE_OUT
NSLAB = NFULL // SLAB
PER_W = NSLAB // NW
EXTRA = NSLAB - PER_W * NW
NREST = NFULL - NSLAB * SLAB


def _tr_body(embt_hbm, tail_hbm, out_hbm, in_buf, stage, isem, osem):
    wid = lax.axis_index("s") * NC + lax.axis_index("c")
    n = PER_W + jnp.where(wid < EXTRA, 1, 0)
    start = wid * PER_W + jnp.minimum(wid, EXTRA)
    rows = lax.iota(jnp.int32, L)

    def in_copies(slot, sb, width=SLAB_V):
        return (
            pltpu.make_async_copy(
                embt_hbm.at[pl.ds(0, 8), pl.ds(sb * SLAB_V, width)],
                in_buf.at[slot, pl.ds(0, 8), pl.ds(0, width)], isem),
            pltpu.make_async_copy(
                embt_hbm.at[pl.ds(8, 8), pl.ds(sb * SLAB_V, width)],
                in_buf.at[slot, pl.ds(8, 8), pl.ds(0, width)], isem),
        )

    SLABW = SLAB_OUT * OUT_W

    def out_copy(slot, sb, nw=SLAB_OUT * OUT_W):
        return pltpu.make_async_copy(
            stage.at[pl.ds(slot * SLABW, nw)],
            out_hbm.at[pl.ds(sb * SLAB_OUT * OUT_W, nw)], osem)

    perms = [lax.rem(rows + k, L) for k in range(L)]

    def transpose(slot, nblk):
        src = in_buf.at[slot]
        base = slot * SLABW

        def tr_step(blk, _):
            v0 = blk * L
            for k in range(L):
                val = plsc.load_gather(src, [rows, perms[k] + v0])
                plsc.store_scatter(
                    stage, [base + (perms[k] + v0) * EMBED_DIM + rows], val)
            return 0

        lax.fori_loop(0, nblk, tr_step, 0)

    for p in range(2):
        for cp in in_copies(p, start + p):
            cp.start()

    def step(i, _):
        slot = lax.rem(i, 3)
        sb = start + i
        for cp in in_copies(slot, sb):
            cp.wait()

        @pl.when(i + 2 < n)
        def _():
            for cp in in_copies(lax.rem(i + 2, 3), sb + 2):
                cp.start()

        @pl.when(i >= 3)
        def _():
            out_copy(slot, sb - 3).wait()

        transpose(slot, SLAB_V // L)
        out_copy(slot, sb).start()
        return 0

    lax.fori_loop(0, n, step, 0)
    for p in range(3):
        out_copy(p, start).wait()

    @pl.when(wid == 0)
    def _():
        for cp in in_copies(0, NSLAB, width=NREST * VBLK):
            cp.start()
        for cp in in_copies(0, NSLAB, width=NREST * VBLK):
            cp.wait()
        transpose(0, NREST * VBLK // L)
        pltpu.sync_copy(
            stage.at[pl.ds(0, NREST * VBLK * EMBED_DIM)],
            out_hbm.at[pl.ds(NSLAB * SLAB_OUT * OUT_W,
                             NREST * VBLK * EMBED_DIM)])
        pltpu.sync_copy(tail_hbm, stage.at[pl.ds(0, 8 * OUT_W)])
        pltpu.sync_copy(stage.at[pl.ds(0, 8 * OUT_W)],
                        out_hbm.at[pl.ds(NFULL * TILE_OUT * OUT_W,
                                         8 * OUT_W)])


def _fm_body(idx_hbm, lin_hbm, emb_hbm, out_hbm,
             idx_all, emb_buf, lin_buf, out_buf, stage, gsem, lsem):
    wid = lax.axis_index("s") * NC + lax.axis_index("c")
    row0 = wid * ROWS_PW
    iota = lax.iota(jnp.int32, L)
    LB = G + L

    pltpu.sync_copy(idx_hbm.at[pl.ds(row0, ROWS_PW)], idx_all)

    def chunk_copies(c):
        slot = lax.rem(c, 2)
        base = c * J
        copies = []
        for j in range(J):
            idx_row = idx_all.at[base + j]
            copies.append(pltpu.make_async_copy(
                emb_hbm.at[idx_row],
                emb_buf.at[pl.ds(slot * G + j * IDX_W, IDX_W), :], gsem))
            copies.append(pltpu.make_async_copy(
                lin_hbm.at[idx_row],
                lin_buf.at[pl.ds(slot * LB + j * IDX_W, IDX_W)], lsem))
        return copies

    for cp in chunk_copies(0):
        cp.start()

    def chunk_body(c, _):
        slot = lax.rem(c, 2)
        for cp in chunk_copies(c):
            cp.wait()

        @pl.when(c + 1 < NCH)
        def _():
            for cp in chunk_copies(c + 1):
                cp.start()

        def group_body(grp, _):
            r0 = grp * L

            def row_body(r, _):
                g0 = slot * G + (r0 + r) * FIELDS
                l0 = slot * LB + (r0 + r) * FIELDS
                s = jnp.zeros((L,), jnp.float32)
                q = jnp.zeros((L,), jnp.float32)
                for f in range(FIELDS):
                    e = emb_buf[g0 + f]
                    s = s + e
                    q = q + e * e
                lin_a = lin_buf[pl.ds(l0, L)]
                lin_b = lin_buf[pl.ds(l0 + L, L)]
                tail = jnp.where(iota < (FIELDS - L), lin_b,
                                 jnp.zeros((L,), jnp.float32))
                stage[pl.ds(r * L, L)] = 0.5 * (s * s - q) + lin_a + tail
                return 0

            lax.fori_loop(0, L, row_body, 0)
            acc = jnp.zeros((L,), jnp.float32)
            for k in range(L):
                acc = acc + plsc.load_gather(
                    stage, [iota * L + lax.rem(iota + k, L)])
            out_buf[pl.ds(c * CB + r0, L)] = acc
            return 0

        lax.fori_loop(0, CB // L, group_body, 0)
        return 0

    lax.fori_loop(0, NCH, chunk_body, 0)
    pltpu.sync_copy(out_buf, out_hbm.at[pl.ds(wid * RPW, RPW)])


def kernel(feature_indices, linear_w, embedding_w, bias):
    idx_flat = feature_indices.reshape(BATCH * FIELDS // IDX_W, IDX_W)
    lin = linear_w.reshape(NUM_FEATURES)
    embt = embedding_w.T
    tail = embedding_w[NFULL * VBLK:].reshape(8 * OUT_W)

    mesh = plsc.VectorSubcoreMesh(core_axis_name="c", subcore_axis_name="s")

    tr = pl.kernel(
        _tr_body,
        out_type=jax.ShapeDtypeStruct(
            (NUM_FEATURES * EMBED_DIM,), jnp.float32),
        mesh=mesh,
        compiler_params=pltpu.CompilerParams(
            needs_layout_passes=False, use_tc_tiling_on_sc=True),
        scratch_types=[
            pltpu.VMEM((3, L, SLAB_V), jnp.float32),
            pltpu.VMEM((3 * SLAB_OUT * OUT_W,), jnp.float32),
            pltpu.SemaphoreType.DMA,
            pltpu.SemaphoreType.DMA,
        ],
    )
    table = tr(embt, tail).reshape(NUM_FEATURES, EMBED_DIM)

    fm = pl.kernel(
        _fm_body,
        out_type=jax.ShapeDtypeStruct((BATCH,), jnp.float32),
        mesh=mesh,
        compiler_params=pltpu.CompilerParams(
            needs_layout_passes=False, use_tc_tiling_on_sc=False),
        scratch_types=[
            pltpu.VMEM((ROWS_PW, IDX_W), jnp.int32),
            pltpu.VMEM((2 * G, EMBED_DIM), jnp.float32),
            pltpu.VMEM((2 * (G + L),), jnp.float32),
            pltpu.VMEM((RPW,), jnp.float32),
            pltpu.VMEM((L * L,), jnp.float32),
            pltpu.SemaphoreType.DMA,
            pltpu.SemaphoreType.DMA,
        ],
    )
    out = fm(idx_flat, lin, table)
    return out + bias

# --- scband reference (transcript-rebuilt; emitter-appended) ---
"""Pipeline reference for scband-fmmodel-24627342475276 (READ-ONLY COPY).

The authoritative reference and input builder live on the scoring server;
editing this copy changes nothing except your own understanding.
"""

import jax, jax.numpy as jnp
import numpy as np

NUM_FEATURES = 1000000
EMBED_DIM = 16
BATCH = 16384
FIELDS = 26

def setup_inputs(seed: int = 0) -> dict:
    key = jax.random.key(seed)
    k1, k2, k3 = jax.random.split(key, 3)
    feature_indices = jax.random.randint(k1, (BATCH, FIELDS), 0, NUM_FEATURES, dtype=jnp.int64 if jax.config.jax_enable_x64 else jnp.int32)
    linear_w = jax.random.normal(k2, (NUM_FEATURES, 1), dtype=jnp.float32) * 0.01
    embedding_w = jax.random.normal(k3, (NUM_FEATURES, EMBED_DIM), dtype=jnp.float32) * 0.01
    bias = jnp.zeros((1,), dtype=jnp.float32)
    return {"feature_indices": feature_indices, "linear_w": linear_w, "embedding_w": embedding_w, "bias": bias}

def reference(feature_indices, linear_w, embedding_w, bias):
    # linear part: gather [B, F, 1] -> sum over fields -> squeeze -> [B]
    linear_part = jnp.take(linear_w, feature_indices, axis=0).sum(axis=1).squeeze(-1)
    # embedding gather: [B, F, D]
    embeddings = jnp.take(embedding_w, feature_indices, axis=0)
    square_of_sum = jnp.power(embeddings.sum(axis=1), 2)      # [B, D]
    sum_of_square = jnp.power(embeddings, 2).sum(axis=1)      # [B, D]
    interaction_part = 0.5 * (square_of_sum - sum_of_square).sum(axis=1)  # [B]
    output = linear_part + interaction_part + bias
    return output

if __name__ == "__main__":
    import jax
    _d = setup_inputs()
    print(jax.jit(kernel)(*tuple(_d.values())))

</pallas_src>

<mosaic_0001>
#map = affine_map<(d0, d1) -> (0, 0)>
#map1 = affine_map<(d0, d1) -> (0)>
module attributes {stable_mosaic.version = 14 : i64} {
  func.func @_fm_body(%arg0: i32, %arg1: i32, %arg2: memref<3328x128xi32, #tpu.memory_space<hbm>>, %arg3: memref<1000000xf32, #tpu.memory_space<hbm>>, %arg4: memref<1000000x16xf32, #tpu.memory_space<hbm>>, %arg5: memref<16384xf32, #tpu.memory_space<hbm>>, %arg6: memref<104x128xi32, #tpu.memory_space<vmem>>, %arg7: memref<3328x16xf32, #tpu.memory_space<vmem>>, %arg8: memref<3360xf32, #tpu.memory_space<vmem>>, %arg9: memref<512xf32, #tpu.memory_space<vmem>>, %arg10: memref<256xf32, #tpu.memory_space<vmem>>, %arg11: memref<!tpu.dma_semaphore, #tpu.memory_space<semaphore_mem>>, %arg12: memref<!tpu.dma_semaphore, #tpu.memory_space<semaphore_mem>>) attributes {dimension_semantics = [#tpu.dimension_semantics<core_parallel>, #tpu.dimension_semantics<subcore_parallel>], iteration_bounds = array<i64: 2, 16>, scalar_prefetch = 0 : i64, scratch_operands = 7 : i64, tpu.core_type = #tpu.core_type<sc_vector_subcore>, window_params = [{transform_indices = #map}, {transform_indices = #map1}, {transform_indices = #map}, {transform_indices = #map1}]} {
    %mul3A = arith.constant 2 : i32
    %mul3A_0 = arith.muli %arg1, %mul3A : i32
    %add3A = arith.addi %mul3A_0, %arg0 : i32
    %mul3A_1 = arith.constant 104 : i32
    %mul3A_2 = arith.muli %add3A, %mul3A_1 : i32
    %iota3A = tpu.iota {dimensions = array<i32: 0>} : vector<16xi32>
    "tpu.region"() ({
      %run_scoped3A = tpu.sem_alloc : memref<!tpu.dma_semaphore, #tpu.memory_space<semaphore_mem>>
      %dma_start3A_324 = arith.constant 0 : i32
      %dma_start3A_325 = tpu.memref_slice %arg2[%mul3A_2, %dma_start3A_324] : memref<3328x128xi32, #tpu.memory_space<hbm>> -> memref<104x128xi32, #tpu.memory_space<hbm>>
      %dma_start3A_326 = arith.constant 0 : i32
      %dma_start3A_327 = tpu.memref_slice %arg2[%mul3A_2, %dma_start3A_326] : memref<3328x128xi32, #tpu.memory_space<hbm>> -> memref<104x128xi32, #tpu.memory_space<hbm>>
      tpu.enqueue_dma source(%dma_start3A_327 : memref<104x128xi32, #tpu.memory_space<hbm>>) target(%arg6 : memref<104x128xi32, #tpu.memory_space<vmem>>) target_semaphore(%run_scoped3A : memref<!tpu.dma_semaphore, #tpu.memory_space<semaphore_mem>>)
      %dma_wait3A = arith.constant 0 : i32
      %dma_wait3A_328 = tpu.memref_slice %arg2[%mul3A_2, %dma_wait3A] : memref<3328x128xi32, #tpu.memory_space<hbm>> -> memref<104x128xi32, #tpu.memory_space<hbm>>
      %dma_wait3A_329 = arith.constant 0 : i32
      %dma_wait3A_330 = tpu.memref_slice %arg2[%mul3A_2, %dma_wait3A_329] : memref<3328x128xi32, #tpu.memory_space<hbm>> -> memref<104x128xi32, #tpu.memory_space<hbm>>
      tpu.wait_dma2 semaphore(%run_scoped3A : memref<!tpu.dma_semaphore, #tpu.memory_space<semaphore_mem>>) src(%dma_wait3A_330 : memref<104x128xi32, #tpu.memory_space<hbm>>) dst(%arg6 : memref<104x128xi32, #tpu.memory_space<vmem>>)
      tpu.yield
    }) : () -> ()
    %rem3A = arith.constant 0 : i32
    %rem3A_3 = arith.constant 2 : i32
    %rem3A_4 = arith.remsi %rem3A, %rem3A_3 : i32
    %mul3A_5 = arith.constant 1664 : i32
    %mul3A_6 = arith.muli %rem3A_4, %mul3A_5 : i32
    %add3A_7 = arith.constant 0 : i32
    %add3A_8 = arith.addi %mul3A_6, %add3A_7 : i32
    %mul3A_9 = arith.constant 1680 : i32
    %mul3A_10 = arith.muli %rem3A_4, %mul3A_9 : i32
    %add3A_11 = arith.constant 0 : i32
    %add3A_12 = arith.addi %mul3A_10, %add3A_11 : i32
    %mul3A_13 = arith.constant 1664 : i32
    %mul3A_14 = arith.muli %rem3A_4, %mul3A_13 : i32
    %add3A_15 = arith.constant 128 : i32
    %add3A_16 = arith.addi %mul3A_14, %add3A_15 : i32
    %mul3A_17 = arith.constant 1680 : i32
    %mul3A_18 = arith.muli %rem3A_4, %mul3A_17 : i32
    %add3A_19 = arith.constant 128 : i32
    %add3A_20 = arith.addi %mul3A_18, %add3A_19 : i32
    %mul3A_21 = arith.constant 1664 : i32
    %mul3A_22 = arith.muli %rem3A_4, %mul3A_21 : i32
    %add3A_23 = arith.constant 256 : i32
    %add3A_24 = arith.addi %mul3A_22, %add3A_23 : i32
    %mul3A_25 = arith.constant 1680 : i32
    %mul3A_26 = arith.muli %rem3A_4, %mul3A_25 : i32
    %add3A_27 = arith.constant 256 : i32
    %add3A_28 = arith.addi %mul3A_26, %add3A_27 : i32
    %mul3A_29 = arith.constant 1664 : i32
    %mul3A_30 = arith.muli %rem3A_4, %mul3A_29 : i32
    %add3A_31 = arith.constant 384 : i32
    %add3A_32 = arith.addi %mul3A_30, %add3A_31 : i32
    %mul3A_33 = arith.constant 1680 : i32
    %mul3A_34 = arith.muli %rem3A_4, %mul3A_33 : i32
    %add3A_35 = arith.constant 384 : i32
    %add3A_36 = arith.addi %mul3A_34, %add3A_35 : i32
    %mul3A_37 = arith.constant 1664 : i32
    %mul3A_38 = arith.muli %rem3A_4, %mul3A_37 : i32
    %add3A_39 = arith.constant 512 : i32
    %add3A_40 = arith.addi %mul3A_38, %add3A_39 : i32
    %mul3A_41 = arith.constant 1680 : i32
    %mul3A_42 = arith.muli %rem3A_4, %mul3A_41 : i32
    %add3A_43 = arith.constant 512 : i32
    %add3A_44 = arith.addi %mul3A_42, %add3A_43 : i32
    %mul3A_45 = arith.constant 1664 : i32
    %mul3A_46 = arith.muli %rem3A_4, %mul3A_45 : i32
    %add3A_47 = arith.constant 640 : i32
    %add3A_48 = arith.addi %mul3A_46, %add3A_47 : i32
    %mul3A_49 = arith.constant 1680 : i32
    %mul3A_50 = arith.muli %rem3A_4, %mul3A_49 : i32
    %add3A_51 = arith.constant 640 : i32
    %add3A_52 = arith.addi %mul3A_50, %add3A_51 : i32
    %mul3A_53 = arith.constant 1664 : i32
    %mul3A_54 = arith.muli %rem3A_4, %mul3A_53 : i32
    %add3A_55 = arith.constant 768 : i32
    %add3A_56 = arith.addi %mul3A_54, %add3A_55 : i32
    %mul3A_57 = arith.constant 1680 : i32
    %mul3A_58 = arith.muli %rem3A_4, %mul3A_57 : i32
    %add3A_59 = arith.constant 768 : i32
    %add3A_60 = arith.addi %mul3A_58, %add3A_59 : i32
    %mul3A_61 = arith.constant 1664 : i32
    %mul3A_62 = arith.muli %rem3A_4, %mul3A_61 : i32
    %add3A_63 = arith.constant 896 : i32
    %add3A_64 = arith.addi %mul3A_62, %add3A_63 : i32
    %mul3A_65 = arith.constant 1680 : i32
    %mul3A_66 = arith.muli %rem3A_4, %mul3A_65 : i32
    %add3A_67 = arith.constant 896 : i32
    %add3A_68 = arith.addi %mul3A_66, %add3A_67 : i32
    %mul3A_69 = arith.constant 1664 : i32
    %mul3A_70 = arith.muli %rem3A_4, %mul3A_69 : i32
    %add3A_71 = arith.constant 1024 : i32
    %add3A_72 = arith.addi %mul3A_70, %add3A_71 : i32
    %mul3A_73 = arith.constant 1680 : i32
    %mul3A_74 = arith.muli %rem3A_4, %mul3A_73 : i32
    %add3A_75 = arith.constant 1024 : i32
    %add3A_76 = arith.addi %mul3A_74, %add3A_75 : i32
    %mul3A_77 = arith.constant 1664 : i32
    %mul3A_78 = arith.muli %rem3A_4, %mul3A_77 : i32
    %add3A_79 = arith.constant 1152 : i32
    %add3A_80 = arith.addi %mul3A_78, %add3A_79 : i32
    %mul3A_81 = arith.constant 1680 : i32
    %mul3A_82 = arith.muli %rem3A_4, %mul3A_81 : i32
    %add3A_83 = arith.constant 1152 : i32
    %add3A_84 = arith.addi %mul3A_82, %add3A_83 : i32
    %mul3A_85 = arith.constant 1664 : i32
    %mul3A_86 = arith.muli %rem3A_4, %mul3A_85 : i32
    %add3A_87 = arith.constant 1280 : i32
    %add3A_88 = arith.addi %mul3A_86, %add3A_87 : i32
    %mul3A_89 = arith.constant 1680 : i32
    %mul3A_90 = arith.muli %rem3A_4, %mul3A_89 : i32
    %add3A_91 = arith.constant 1280 : i32
    %add3A_92 = arith.addi %mul3A_90, %add3A_91 : i32
    %mul3A_93 = arith.constant 1664 : i32
    %mul3A_94 = arith.muli %rem3A_4, %mul3A_93 : i32
    %add3A_95 = arith.constant 1408 : i32
    %add3A_96 = arith.addi %mul3A_94, %add3A_95 : i32
    %mul3A_97 = arith.constant 1680 : i32
    %mul3A_98 = arith.muli %rem3A_4, %mul3A_97 : i32
    %add3A_99 = arith.constant 1408 : i32
    %add3A_100 = arith.addi %mul3A_98, %add3A_99 : i32
    %mul3A_101 = arith.constant 1664 : i32
    %mul3A_102 = arith.muli %rem3A_4, %mul3A_101 : i32
    %add3A_103 = arith.constant 1536 : i32
    %add3A_104 = arith.addi %mul3A_102, %add3A_103 : i32
    %mul3A_105 = arith.constant 1680 : i32
    %mul3A_106 = arith.muli %rem3A_4, %mul3A_105 : i32
    %add3A_107 = arith.constant 1536 : i32
    %add3A_108 = arith.addi %mul3A_106, %add3A_107 : i32
    %dma_start3A = arith.constant 0 : i32
    %dma_start3A_109 = arith.constant 0 : i32
    %dma_start3A_110 = tpu.memref_slice %arg7[%add3A_8, %dma_start3A_109] : memref<3328x16xf32, #tpu.memory_space<vmem>> -> memref<128x16xf32, #tpu.memory_space<vmem>>
    %dma_start3A_111 = arith.constant 0 : i32
    %dma_start3A_112 = tpu.memref_slice %arg6[%dma_start3A, %dma_start3A_111] : memref<104x128xi32, #tpu.memory_space<vmem>> -> memref<1x128xi32, #tpu.memory_space<vmem>>
    %dma_start3A_113 = tpu.memref_squeeze %dma_start3A_112 : memref<1x128xi32, #tpu.memory_space<vmem>> -> memref<128xi32, #tpu.memory_space<vmem>>
    %dma_start3A_114 = arith.constant 0 : i32
    %dma_start3A_115 = arith.constant 0 : i32
    %dma_start3A_116 = tpu.memref_slice %arg4[%dma_start3A_114, %dma_start3A_115] : memref<1000000x16xf32, #tpu.memory_space<hbm>> -> memref<1000000x16xf32, #tpu.memory_space<hbm>>
    tpu.enqueue_indirect_dma source(%dma_start3A_116 : memref<1000000x16xf32, #tpu.memory_space<hbm>>) target(%dma_start3A_110 : memref<128x16xf32, #tpu.memory_space<vmem>>) offsets(%dma_start3A_113 : memref<128xi32, #tpu.memory_space<vmem>>) semaphore(%arg11 : memref<!tpu.dma_semaphore, #tpu.memory_space<semaphore_mem>>)
    %dma_start3A_117 = arith.constant 0 : i32
    %dma_start3A_118 = tpu.memref_slice %arg8[%add3A_12] : memref<3360xf32, #tpu.memory_space<vmem>> -> memref<128xf32, #tpu.memory_space<vmem>>
    %dma_start3A_119 = arith.constant 0 : i32
    %dma_start3A_120 = tpu.memref_slice %arg6[%dma_start3A_117, %dma_start3A_119] : memref<104x128xi32, #tpu.memory_space<vmem>> -> memref<1x128xi32, #tpu.memory_space<vmem>>
    %dma_start3A_121 = tpu.memref_squeeze %dma_start3A_120 : memref<1x128xi32, #tpu.memory_space<vmem>> -> memref<128xi32, #tpu.memory_space<vmem>>
    %dma_start3A_122 = arith.constant 0 : i32
    %dma_start3A_123 = tpu.memref_slice %arg3[%dma_start3A_122] : memref<1000000xf32, #tpu.memory_space<hbm>> -> memref<1000000xf32, #tpu.memory_space<hbm>>
    tpu.enqueue_indirect_dma source(%dma_start3A_123 : memref<1000000xf32, #tpu.memory_space<hbm>>) target(%dma_start3A_118 : memref<128xf32, #tpu.memory_space<vmem>>) offsets(%dma_start3A_121 : memref<128xi32, #tpu.memory_space<vmem>>) semaphore(%arg12 : memref<!tpu.dma_semaphore, #tpu.memory_space<semaphore_mem>>)
    %dma_start3A_124 = arith.constant 1 : i32
    %dma_start3A_125 = arith.constant 0 : i32
    %dma_start3A_126 = tpu.memref_slice %arg7[%add3A_16, %dma_start3A_125] : memref<3328x16xf32, #tpu.memory_space<vmem>> -> memref<128x16xf32, #tpu.memory_space<vmem>>
    %dma_start3A_127 = arith.constant 0 : i32
    %dma_start3A_128 = tpu.memref_slice %arg6[%dma_start3A_124, %dma_start3A_127] : memref<104x128xi32, #tpu.memory_space<vmem>> -> memref<1x128xi32, #tpu.memory_space<vmem>>
    %dma_start3A_129 = tpu.memref_squeeze %dma_start3A_128 : memref<1x128xi32, #tpu.memory_space<vmem>> -> memref<128xi32, #tpu.memory_space<vmem>>
    %dma_start3A_130 = arith.constant 0 : i32
    %dma_start3A_131 = arith.constant 0 : i32
    %dma_start3A_132 = tpu.memref_slice %arg4[%dma_start3A_130, %dma_start3A_131] : memref<1000000x16xf32, #tpu.memory_space<hbm>> -> memref<1000000x16xf32, #tpu.memory_space<hbm>>
    tpu.enqueue_indirect_dma source(%dma_start3A_132 : memref<1000000x16xf32, #tpu.memory_space<hbm>>) target(%dma_start3A_126 : memref<128x16xf32, #tpu.memory_space<vmem>>) offsets(%dma_start3A_129 : memref<128xi32, #tpu.memory_space<vmem>>) semaphore(%arg11 : memref<!tpu.dma_semaphore, #tpu.memory_space<semaphore_mem>>)
    %dma_start3A_133 = arith.constant 1 : i32
    %dma_start3A_134 = tpu.memref_slice %arg8[%add3A_20] : memref<3360xf32, #tpu.memory_space<vmem>> -> memref<128xf32, #tpu.memory_space<vmem>>
    %dma_start3A_135 = arith.constant 0 : i32
    %dma_start3A_136 = tpu.memref_slice %arg6[%dma_start3A_133, %dma_start3A_135] : memref<104x128xi32, #tpu.memory_space<vmem>> -> memref<1x128xi32, #tpu.memory_space<vmem>>
    %dma_start3A_137 = tpu.memref_squeeze %dma_start3A_136 : memref<1x128xi32, #tpu.memory_space<vmem>> -> memref<128xi32, #tpu.memory_space<vmem>>
    %dma_start3A_138 = arith.constant 0 : i32
    %dma_start3A_139 = tpu.memref_slice %arg3[%dma_start3A_138] : memref<1000000xf32, #tpu.memory_space<hbm>> -> memref<1000000xf32, #tpu.memory_space<hbm>>
    tpu.enqueue_indirect_dma source(%dma_start3A_139 : memref<1000000xf32, #tpu.memory_space<hbm>>) target(%dma_start3A_134 : memref<128xf32, #tpu.memory_space<vmem>>) offsets(%dma_start3A_137 : memref<128xi32, #tpu.memory_space<vmem>>) semaphore(%arg12 : memref<!tpu.dma_semaphore, #tpu.memory_space<semaphore_mem>>)
    %dma_start3A_140 = arith.constant 2 : i32
    %dma_start3A_141 = arith.constant 0 : i32
    %dma_start3A_142 = tpu.memref_slice %arg7[%add3A_24, %dma_start3A_141] : memref<3328x16xf32, #tpu.memory_space<vmem>> -> memref<128x16xf32, #tpu.memory_space<vmem>>
    %dma_start3A_143 = arith.constant 0 : i32
    %dma_start3A_144 = tpu.memref_slice %arg6[%dma_start3A_140, %dma_start3A_143] : memref<104x128xi32, #tpu.memory_space<vmem>> -> memref<1x128xi32, #tpu.memory_space<vmem>>
    %dma_start3A_145 = tpu.memref_squeeze %dma_start3A_144 : memref<1x128xi32, #tpu.memory_space<vmem>> -> memref<128xi32, #tpu.memory_space<vmem>>
    %dma_start3A_146 = arith.constant 0 : i32
    %dma_start3A_147 = arith.constant 0 : i32
    %dma_start3A_148 = tpu.memref_slice %arg4[%dma_start3A_146, %dma_start3A_147] : memref<1000000x16xf32, #tpu.memory_space<hbm>> -> memref<1000000x16xf32, #tpu.memory_space<hbm>>
    tpu.enqueue_indirect_dma source(%dma_start3A_148 : memref<1000000x16xf32, #tpu.memory_space<hbm>>) target(%dma_start3A_142 : memref<128x16xf32, #tpu.memory_space<vmem>>) offsets(%dma_start3A_145 : memref<128xi32, #tpu.memory_space<vmem>>) semaphore(%arg11 : memref<!tpu.dma_semaphore, #tpu.memory_space<semaphore_mem>>)
    %dma_start3A_149 = arith.constant 2 : i32
    %dma_start3A_150 = tpu.memref_slice %arg8[%add3A_28] : memref<3360xf32, #tpu.memory_space<vmem>> -> memref<128xf32, #tpu.memory_space<vmem>>
    %dma_start3A_151 = arith.constant 0 : i32
    %dma_start3A_152 = tpu.memref_slice %arg6[%dma_start3A_149, %dma_start3A_151] : memref<104x128xi32, #tpu.memory_space<vmem>> -> memref<1x128xi32, #tpu.memory_space<vmem>>
    %dma_start3A_153 = tpu.memref_squeeze %dma_start3A_152 : memref<1x128xi32, #tpu.memory_space<vmem>> -> memref<128xi32, #tpu.memory_space<vmem>>
    %dma_start3A_154 = arith.constant 0 : i32
    %dma_start3A_155 = tpu.memref_slice %arg3[%dma_start3A_154] : memref<1000000xf32, #tpu.memory_space<hbm>> -> memref<1000000xf32, #tpu.memory_space<hbm>>
    tpu.enqueue_indirect_dma source(%dma_start3A_155 : memref<1000000xf32, #tpu.memory_space<hbm>>) target(%dma_start3A_150 : memref<128xf32, #tpu.memory_space<vmem>>) offsets(%dma_start3A_153 : memref<128xi32, #tpu.memory_space<vmem>>) semaphore(%arg12 : memref<!tpu.dma_semaphore, #tpu.memory_space<semaphore_mem>>)
    %dma_start3A_156 = arith.constant 3 : i32
    %dma_start3A_157 = arith.constant 0 : i32
    %dma_start3A_158 = tpu.memref_slice %arg7[%add3A_32, %dma_start3A_157] : memref<3328x16xf32, #tpu.memory_space<vmem>> -> memref<128x16xf32, #tpu.memory_space<vmem>>
    %dma_start3A_159 = arith.constant 0 : i32
    %dma_start3A_160 = tpu.memref_slice %arg6[%dma_start3A_156, %dma_start3A_159] : memref<104x128xi32, #tpu.memory_space<vmem>> -> memref<1x128xi32, #tpu.memory_space<vmem>>
    %dma_start3A_161 = tpu.memref_squeeze %dma_start3A_160 : memref<1x128xi32, #tpu.memory_space<vmem>> -> memref<128xi32, #tpu.memory_space<vmem>>
    %dma_start3A_162 = arith.constant 0 : i32
    %dma_start3A_163 = arith.constant 0 : i32
    %dma_start3A_164 = tpu.memref_slice %arg4[%dma_start3A_162, %dma_start3A_163] : memref<1000000x16xf32, #tpu.memory_space<hbm>> -> memref<1000000x16xf32, #tpu.memory_space<hbm>>
    tpu.enqueue_indirect_dma source(%dma_start3A_164 : memref<1000000x16xf32, #tpu.memory_space<hbm>>) target(%dma_start3A_158 : memref<128x16xf32, #tpu.memory_space<vmem>>) offsets(%dma_start3A_161 : memref<128xi32, #tpu.memory_space<vmem>>) semaphore(%arg11 : memref<!tpu.dma_semaphore, #tpu.memory_space<semaphore_mem>>)
    %dma_start3A_165 = arith.constant 3 : i32
    %dma_start3A_166 = tpu.memref_slice %arg8[%add3A_36] : memref<3360xf32, #tpu.memory_space<vmem>> -> memref<128xf32, #tpu.memory_space<vmem>>
    %dma_start3A_167 = arith.constant 0 : i32
    %dma_start3A_168 = tpu.memref_slice %arg6[%dma_start3A_165, %dma_start3A_167] : memref<104x128xi32, #tpu.memory_space<vmem>> -> memref<1x128xi32, #tpu.memory_space<vmem>>
    %dma_start3A_169 = tpu.memref_squeeze %dma_start3A_168 : memref<1x128xi32, #tpu.memory_space<vmem>> -> memref<128xi32, #tpu.memory_space<vmem>>
    %dma_start3A_170 = arith.constant 0 : i32
    %dma_start3A_171 = tpu.memref_slice %arg3[%dma_start3A_170] : memref<1000000xf32, #tpu.memory_space<hbm>> -> memref<1000000xf32, #tpu.memory_space<hbm>>
    tpu.enqueue_indirect_dma source(%dma_start3A_171 : memref<1000000xf32, #tpu.memory_space<hbm>>) target(%dma_start3A_166 : memref<128xf32, #tpu.memory_space<vmem>>) offsets(%dma_start3A_169 : memref<128xi32, #tpu.memory_space<vmem>>) semaphore(%arg12 : memref<!tpu.dma_semaphore, #tpu.memory_space<semaphore_mem>>)
    %dma_start3A_172 = arith.constant 4 : i32
    %dma_start3A_173 = arith.constant 0 : i32
    %dma_start3A_174 = tpu.memref_slice %arg7[%add3A_40, %dma_start3A_173] : memref<3328x16xf32, #tpu.memory_space<vmem>> -> memref<128x16xf32, #tpu.memory_space<vmem>>
    %dma_start3A_175 = arith.constant 0 : i32
    %dma_start3A_176 = tpu.memref_slice %arg6[%dma_start3A_172, %dma_start3A_175] : memref<104x128xi32, #tpu.memory_space<vmem>> -> memref<1x128xi32, #tpu.memory_space<vmem>>
    %dma_start3A_177 = tpu.memref_squeeze %dma_start3A_176 : memref<1x128xi32, #tpu.memory_space<vmem>> -> memref<128xi32, #tpu.memory_space<vmem>>
    %dma_start3A_178 = arith.constant 0 : i32
    %dma_start3A_179 = arith.constant 0 : i32
    %dma_start3A_180 = tpu.memref_slice %arg4[%dma_start3A_178, %dma_start3A_179] : memref<1000000x16xf32, #tpu.memory_space<hbm>> -> memref<1000000x16xf32, #tpu.memory_space<hbm>>
    tpu.enqueue_indirect_dma source(%dma_start3A_180 : memref<1000000x16xf32, #tpu.memory_space<hbm>>) target(%dma_start3A_174 : memref<128x16xf32, #tpu.memory_space<vmem>>) offsets(%dma_start3A_177 : memref<128xi32, #tpu.memory_space<vmem>>) semaphore(%arg11 : memref<!tpu.dma_semaphore, #tpu.memory_space<semaphore_mem>>)
    %dma_start3A_181 = arith.constant 4 : i32
    %dma_start3A_182 = tpu.memref_slice %arg8[%add3A_44] : memref<3360xf32, #tpu.memory_space<vmem>> -> memref<128xf32, #tpu.memory_space<vmem>>
    %dma_start3A_183 = arith.constant 0 : i32
    %dma_start3A_184 = tpu.memref_slice %arg6[%dma_start3A_181, %dma_start3A_183] : memref<104x128xi32, #tpu.memory_space<vmem>> -> memref<1x128xi32, #tpu.memory_space<vmem>>
    %dma_start3A_185 = tpu.memref_squeeze %dma_start3A_184 : memref<1x128xi32, #tpu.memory_space<vmem>> -> memref<128xi32, #tpu.memory_space<vmem>>
    %dma_start3A_186 = arith.constant 0 : i32
    %dma_start3A_187 = tpu.memref_slice %arg3[%dma_start3A_186] : memref<1000000xf32, #tpu.memory_space<hbm>> -> memref<1000000xf32, #tpu.memory_space<hbm>>
    tpu.enqueue_indirect_dma source(%dma_start3A_187 : memref<1000000xf32, #tpu.memory_space<hbm>>) target(%dma_start3A_182 : memref<128xf32, #tpu.memory_space<vmem>>) offsets(%dma_start3A_185 : memref<128xi32, #tpu.memory_space<vmem>>) semaphore(%arg12 : memref<!tpu.dma_semaphore, #tpu.memory_space<semaphore_mem>>)
    %dma_start3A_188 = arith.constant 5 : i32
    %dma_start3A_189 = arith.constant 0 : i32
    %dma_start3A_190 = tpu.memref_slice %arg7[%add3A_48, %dma_start3A_189] : memref<3328x16xf32, #tpu.memory_space<vmem>> -> memref<128x16xf32, #tpu.memory_space<vmem>>
    %dma_start3A_191 = arith.constant 0 : i32
    %dma_start3A_192 = tpu.memref_slice %arg6[%dma_start3A_188, %dma_start3A_191] : memref<104x128xi32, #tpu.memory_space<vmem>> -> memref<1x128xi32, #tpu.memory_space<vmem>>
    %dma_start3A_193 = tpu.memref_squeeze %dma_start3A_192 : memref<1x128xi32, #tpu.memory_space<vmem>> -> memref<128xi32, #tpu.memory_space<vmem>>
    %dma_start3A_194 = arith.constant 0 : i32
    %dma_start3A_195 = arith.constant 0 : i32
    %dma_start3A_196 = tpu.memref_slice %arg4[%dma_start3A_194, %dma_start3A_195] : memref<1000000x16xf32, #tpu.memory_space<hbm>> -> memref<1000000x16xf32, #tpu.memory_space<hbm>>
    tpu.enqueue_indirect_dma source(%dma_start3A_196 : memref<1000000x16xf32, #tpu.memory_space<hbm>>) target(%dma_start3A_190 : memref<128x16xf32, #tpu.memory_space<vmem>>) offsets(%dma_start3A_193 : memref<128xi32, #tpu.memory_space<vmem>>) semaphore(%arg11 : memref<!tpu.dma_semaphore, #tpu.memory_space<semaphore_mem>>)
    %dma_start3A_197 = arith.constant 5 : i32
    %dma_start3A_198 = tpu.memref_slice %arg8[%add3A_52] : memref<3360xf32, #tpu.memory_space<vmem>> -> memref<128xf32, #tpu.memory_space<vmem>>
    %dma_start3A_199 = arith.constant 0 : i32
    %dma_start3A_200 = tpu.memref_slice %arg6[%dma_start3A_197, %dma_start3A_199] : memref<104x128xi32, #tpu.memory_space<vmem>> -> memref<1x128xi32, #tpu.memory_space<vmem>>
    %dma_start3A_201 = tpu.memref_squeeze %dma_start3A_200 : memref<1x128xi32, #tpu.memory_space<vmem>> -> memref<128xi32, #tpu.memory_space<vmem>>
    %dma_start3A_202 = arith.constant 0 : i32
    %dma_start3A_203 = tpu.memref_slice %arg3[%dma_start3A_202] : memref<1000000xf32, #tpu.memory_space<hbm>> -> memref<1000000xf32, #tpu.memory_space<hbm>>
    tpu.enqueue_indirect_dma source(%dma_start3A_203 : memref<1000000xf32, #tpu.memory_space<hbm>>) target(%dma_start3A_198 : memref<128xf32, #tpu.memory_space<vmem>>) offsets(%dma_start3A_201 : memref<128xi32, #tpu.memory_space<vmem>>) semaphore(%arg12 : memref<!tpu.dma_semaphore, #tpu.memory_space<semaphore_mem>>)
    %dma_start3A_204 = arith.constant 6 : i32
    %dma_start3A_205 = arith.constant 0 : i32
    %dma_start3A_206 = tpu.memref_slice %arg7[%add3A_56, %dma_start3A_205] : memref<3328x16xf32, #tpu.memory_space<vmem>> -> memref<128x16xf32, #tpu.memory_space<vmem>>
    %dma_start3A_207 = arith.constant 0 : i32
    %dma_start3A_208 = tpu.memref_slice %arg6[%dma_start3A_204, %dma_start3A_207] : memref<104x128xi32, #tpu.memory_space<vmem>> -> memref<1x128xi32, #tpu.memory_space<vmem>>
    %dma_start3A_209 = tpu.memref_squeeze %dma_start3A_208 : memref<1x128xi32, #tpu.memory_space<vmem>> -> memref<128xi32, #tpu.memory_space<vmem>>
    %dma_start3A_210 = arith.constant 0 : i32
    %dma_start3A_211 = arith.constant 0 : i32
    %dma_start3A_212 = tpu.memref_slice %arg4[%dma_start3A_210, %dma_start3A_211] : memref<1000000x16xf32, #tpu.memory_space<hbm>> -> memref<1000000x16xf32, #tpu.memory_space<hbm>>
    tpu.enqueue_indirect_dma source(%dma_start3A_212 : memref<1000000x16xf32, #tpu.memory_space<hbm>>) target(%dma_start3A_206 : memref<128x16xf32, #tpu.memory_space<vmem>>) offsets(%dma_start3A_209 : memref<128xi32, #tpu.memory_space<vmem>>) semaphore(%arg11 : memref<!tpu.dma_semaphore, #tpu.memory_space<semaphore_mem>>)
    %dma_start3A_213 = arith.constant 6 : i32
    %dma_start3A_214 = tpu.memref_slice %arg8[%add3A_60] : memref<3360xf32, #tpu.memory_space<vmem>> -> memref<128xf32, #tpu.memory_space<vmem>>
    %dma_start3A_215 = arith.constant 0 : i32
    %dma_start3A_216 = tpu.memref_slice %arg6[%dma_start3A_213, %dma_start3A_215] : memref<104x128xi32, #tpu.memory_space<vmem>> -> memref<1x128xi32, #tpu.memory_space<vmem>>
    %dma_start3A_217 = tpu.memref_squeeze %dma_start3A_216 : memref<1x128xi32, #tpu.memory_space<vmem>> -> memref<128xi32, #tpu.memory_space<vmem>>
    %dma_start3A_218 = arith.constant 0 : i32
    %dma_start3A_219 = tpu.memref_slice %arg3[%dma_start3A_218] : memref<1000000xf32, #tpu.memory_space<hbm>> -> memref<1000000xf32, #tpu.memory_space<hbm>>
    tpu.enqueue_indirect_dma source(%dma_start3A_219 : memref<1000000xf32, #tpu.memory_space<hbm>>) target(%dma_start3A_214 : memref<128xf32, #tpu.memory_space<vmem>>) offsets(%dma_start3A_217 : memref<128xi32, #tpu.memory_space<vmem>>) semaphore(%arg12 : memref<!tpu.dma_semaphore, #tpu.memory_space<semaphore_mem>>)
    %dma_start3A_220 = arith.constant 7 : i32
    %dma_start3A_221 = arith.constant 0 : i32
    %dma_start3A_222 = tpu.memref_slice %arg7[%add3A_64, %dma_start3A_221] : memref<3328x16xf32, #tpu.memory_space<vmem>> -> memref<128x16xf32, #tpu.memory_space<vmem>>
    %dma_start3A_223 = arith.constant 0 : i32
    %dma_start3A_224 = tpu.memref_slice %arg6[%dma_start3A_220, %dma_start3A_223] : memref<104x128xi32, #tpu.memory_space<vmem>> -> memref<1x128xi32, #tpu.memory_space<vmem>>
    %dma_start3A_225 = tpu.memref_squeeze %dma_start3A_224 : memref<1x128xi32, #tpu.memory_space<vmem>> -> memref<128xi32, #tpu.memory_space<vmem>>
    %dma_start3A_226 = arith.constant 0 : i32
    %dma_start3A_227 = arith.constant 0 : i32
    %dma_start3A_228 = tpu.memref_slice %arg4[%dma_start3A_226, %dma_start3A_227] : memref<1000000x16xf32, #tpu.memory_space<hbm>> -> memref<1000000x16xf32, #tpu.memory_space<hbm>>
    tpu.enqueue_indirect_dma source(%dma_start3A_228 : memref<1000000x16xf32, #tpu.memory_space<hbm>>) target(%dma_start3A_222 : memref<128x16xf32, #tpu.memory_space<vmem>>) offsets(%dma_start3A_225 : memref<128xi32, #tpu.memory_space<vmem>>) semaphore(%arg11 : memref<!tpu.dma_semaphore, #tpu.memory_space<semaphore_mem>>)
    %dma_start3A_229 = arith.constant 7 : i32
    %dma_start3A_230 = tpu.memref_slice %arg8[%add3A_68] : memref<3360xf32, #tpu.memory_space<vmem>> -> memref<128xf32, #tpu.memory_space<vmem>>
    %dma_start3A_231 = arith.constant 0 : i32
    %dma_start3A_232 = tpu.memref_slice %arg6[%dma_start3A_229, %dma_start3A_231] : memref<104x128xi32, #tpu.memory_space<vmem>> -> memref<1x128xi32, #tpu.memory_space<vmem>>
    %dma_start3A_233 = tpu.memref_squeeze %dma_start3A_232 : memref<1x128xi32, #tpu.memory_space<vmem>> -> memref<128xi32, #tpu.memory_space<vmem>>
    %dma_start3A_234 = arith.constant 0 : i32
    %dma_start3A_235 = tpu.memref_slice %arg3[%dma_start3A_234] : memref<1000000xf32, #tpu.memory_space<hbm>> -> memref<1000000xf32, #tpu.memory_space<hbm>>
    tpu.enqueue_indirect_dma source(%dma_start3A_235 : memref<1000000xf32, #tpu.memory_space<hbm>>) target(%dma_start3A_230 : memref<128xf32, #tpu.memory_space<vmem>>) offsets(%dma_start3A_233 : memref<128xi32, #tpu.memory_space<vmem>>) semaphore(%arg12 : memref<!tpu.dma_semaphore, #tpu.memory_space<semaphore_mem>>)
    %dma_start3A_236 = arith.constant 8 : i32
    %dma_start3A_237 = arith.constant 0 : i32
    %dma_start3A_238 = tpu.memref_slice %arg7[%add3A_72, %dma_start3A_237] : memref<3328x16xf32, #tpu.memory_space<vmem>> -> memref<128x16xf32, #tpu.memory_space<vmem>>
    %dma_start3A_239 = arith.constant 0 : i32
    %dma_start3A_240 = tpu.memref_slice %arg6[%dma_start3A_236, %dma_start3A_239] : memref<104x128xi32, #tpu.memory_space<vmem>> -> memref<1x128xi32, #tpu.memory_space<vmem>>
    %dma_start3A_241 = tpu.memref_squeeze %dma_start3A_240 : memref<1x128xi32, #tpu.memory_space<vmem>> -> memref<128xi32, #tpu.memory_space<vmem>>
    %dma_start3A_242 = arith.constant 0 : i32
    %dma_start3A_243 = arith.constant 0 : i32
    %dma_start3A_244 = tpu.memref_slice %arg4[%dma_start3A_242, %dma_start3A_243] : memref<1000000x16xf32, #tpu.memory_space<hbm>> -> memref<1000000x16xf32, #tpu.memory_space<hbm>>
    tpu.enqueue_indirect_dma source(%dma_start3A_244 : memref<1000000x16xf32, #tpu.memory_space<hbm>>) target(%dma_start3A_238 : memref<128x16xf32, #tpu.memory_space<vmem>>) offsets(%dma_start3A_241 : memref<128xi32, #tpu.memory_space<vmem>>) semaphore(%arg11 : memref<!tpu.dma_semaphore, #tpu.memory_space<semaphore_mem>>)
    %dma_start3A_245 = arith.constant 8 : i32
    %dma_start3A_246 = tpu.memref_slice %arg8[%add3A_76] : memref<3360xf32, #tpu.memory_space<vmem>> -> memref<128xf32, #tpu.memory_space<vmem>>
    %dma_start3A_247 = arith.constant 0 : i32
    %dma_start3A_248 = tpu.memref_slice %arg6[%dma_start3A_245, %dma_start3A_247] : memref<104x128xi32, #tpu.memory_space<vmem>> -> memref<1x128xi32, #tpu.memory_space<vmem>>
    %dma_start3A_249 = tpu.memref_squeeze %dma_start3A_248 : memref<1x128xi32, #tpu.memory_space<vmem>> -> memref<128xi32, #tpu.memory_space<vmem>>
    %dma_start3A_250 = arith.constant 0 : i32
    %dma_start3A_251 = tpu.memref_slice %arg3[%dma_start3A_250] : memref<1000000xf32, #tpu.memory_space<hbm>> -> memref<1000000xf32, #tpu.memory_space<hbm>>
    tpu.enqueue_indirect_dma source(%dma_start3A_251 : memref<1000000xf32, #tpu.memory_space<hbm>>) target(%dma_start3A_246 : memref<128xf32, #tpu.memory_space<vmem>>) offsets(%dma_start3A_249 : memref<128xi32, #tpu.memory_space<vmem>>) semaphore(%arg12 : memref<!tpu.dma_semaphore, #tpu.memory_space<semaphore_mem>>)
    %dma_start3A_252 = arith.constant 9 : i32
    %dma_start3A_253 = arith.constant 0 : i32
    %dma_start3A_254 = tpu.memref_slice %arg7[%add3A_80, %dma_start3A_253] : memref<3328x16xf32, #tpu.memory_space<vmem>> -> memref<128x16xf32, #tpu.memory_space<vmem>>
    %dma_start3A_255 = arith.constant 0 : i32
    %dma_start3A_256 = tpu.memref_slice %arg6[%dma_start3A_252, %dma_start3A_255] : memref<104x128xi32, #tpu.memory_space<vmem>> -> memref<1x128xi32, #tpu.memory_space<vmem>>
    %dma_start3A_257 = tpu.memref_squeeze %dma_start3A_256 : memref<1x128xi32, #tpu.memory_space<vmem>> -> memref<128xi32, #tpu.memory_space<vmem>>
    %dma_start3A_258 = arith.constant 0 : i32
    %dma_start3A_259 = arith.constant 0 : i32
    %dma_start3A_260 = tpu.memref_slice %arg4[%dma_start3A_258, %dma_start3A_259] : memref<1000000x16xf32, #tpu.memory_space<hbm>> -> memref<1000000x16xf32, #tpu.memory_space<hbm>>
    tpu.enqueue_indirect_dma source(%dma_start3A_260 : memref<1000000x16xf32, #tpu.memory_space<hbm>>) target(%dma_start3A_254 : memref<128x16xf32, #tpu.memory_space<vmem>>) offsets(%dma_start3A_257 : memref<128xi32, #tpu.memory_space<vmem>>) semaphore(%arg11 : memref<!tpu.dma_semaphore, #tpu.memory_space<semaphore_mem>>)
    %dma_start3A_261 = arith.constant 9 : i32
    %dma_start3A_262 = tpu.memref_slice %arg8[%add3A_84] : memref<3360xf32, #tpu.memory_space<vmem>> -> memref<128xf32, #tpu.memory_space<vmem>>
    %dma_start3A_263 = arith.constant 0 : i32
    %dma_start3A_264 = tpu.memref_slice %arg6[%dma_start3A_261, %dma_start3A_263] : memref<104x128xi32, #tpu.memory_space<vmem>> -> memref<1x128xi32, #tpu.memory_space<vmem>>
    %dma_start3A_265 = tpu.memref_squeeze %dma_start3A_264 : memref<1x128xi32, #tpu.memory_space<vmem>> -> memref<128xi32, #tpu.memory_space<vmem>>
    %dma_start3A_266 = arith.constant 0 : i32
    %dma_start3A_267 = tpu.memref_slice %arg3[%dma_start3A_266] : memref<1000000xf32, #tpu.memory_space<hbm>> -> memref<1000000xf32, #tpu.memory_space<hbm>>
    tpu.enqueue_indirect_dma source(%dma_start3A_267 : memref<1000000xf32, #tpu.memory_space<hbm>>) target(%dma_start3A_262 : memref<128xf32, #tpu.memory_space<vmem>>) offsets(%dma_start3A_265 : memref<128xi32, #tpu.memory_space<vmem>>) semaphore(%arg12 : memref<!tpu.dma_semaphore, #tpu.memory_space<semaphore_mem>>)
    %dma_start3A_268 = arith.constant 10 : i32
    %dma_start3A_269 = arith.constant 0 : i32
    %dma_start3A_270 = tpu.memref_slice %arg7[%add3A_88, %dma_start3A_269] : memref<3328x16xf32, #tpu.memory_space<vmem>> -> memref<128x16xf32, #tpu.memory_space<vmem>>
    %dma_start3A_271 = arith.constant 0 : i32
    %dma_start3A_272 = tpu.memref_slice %arg6[%dma_start3A_268, %dma_start3A_271] : memref<104x128xi32, #tpu.memory_space<vmem>> -> memref<1x128xi32, #tpu.memory_space<vmem>>
    %dma_start3A_273 = tpu.memref_squeeze %dma_start3A_272 : memref<1x128xi32, #tpu.memory_space<vmem>> -> memref<128xi32, #tpu.memory_space<vmem>>
    %dma_start3A_274 = arith.constant 0 : i32
    %dma_start3A_275 = arith.constant 0 : i32
    %dma_start3A_276 = tpu.memref_slice %arg4[%dma_start3A_274, %dma_start3A_275] : memref<1000000x16xf32, #tpu.memory_space<hbm>> -> memref<1000000x16xf32, #tpu.memory_space<hbm>>
    tpu.enqueue_indirect_dma source(%dma_start3A_276 : memref<1000000x16xf32, #tpu.memory_space<hbm>>) target(%dma_start3A_270 : memref<128x16xf32, #tpu.memory_space<vmem>>) offsets(%dma_start3A_273 : memref<128xi32, #tpu.memory_space<vmem>>) semaphore(%arg11 : memref<!tpu.dma_semaphore, #tpu.memory_space<semaphore_mem>>)
    %dma_start3A_277 = arith.constant 10 : i32
    %dma_start3A_278 = tpu.memref_slice %arg8[%add3A_92] : memref<3360xf32, #tpu.memory_space<vmem>> -> memref<128xf32, #tpu.memory_space<vmem>>
    %dma_start3A_279 = arith.constant 0 : i32
    %dma_start3A_280 = tpu.memref_slice %arg6[%dma_start3A_277, %dma_start3A_279] : memref<104x128xi32, #tpu.memory_space<vmem>> -> memref<1x128xi32, #tpu.memory_space<vmem>>
    %dma_start3A_281 = tpu.memref_squeeze %dma_start3A_280 : memref<1x128xi32, #tpu.memory_space<vmem>> -> memref<128xi32, #tpu.memory_space<vmem>>
    %dma_start3A_282 = arith.constant 0 : i32
    %dma_start3A_283 = tpu.memref_slice %arg3[%dma_start3A_282] : memref<1000000xf32, #tpu.memory_space<hbm>> -> memref<1000000xf32, #tpu.memory_space<hbm>>
    tpu.enqueue_indirect_dma source(%dma_start3A_283 : memref<1000000xf32, #tpu.memory_space<hbm>>) target(%dma_start3A_278 : memref<128xf32, #tpu.memory_space<vmem>>) offsets(%dma_start3A_281 : memref<128xi32, #tpu.memory_space<vmem>>) semaphore(%arg12 : memref<!tpu.dma_semaphore, #tpu.memory_space<semaphore_mem>>)
    %dma_start3A_284 = arith.constant 11 : i32
    %dma_start3A_285 = arith.constant 0 : i32
    %dma_start3A_286 = tpu.memref_slice %arg7[%add3A_96, %dma_start3A_285] : memref<3328x16xf32, #tpu.memory_space<vmem>> -> memref<128x16xf32, #tpu.memory_space<vmem>>
    %dma_start3A_287 = arith.constant 0 : i32
    %dma_start3A_288 = tpu.memref_slice %arg6[%dma_start3A_284, %dma_start3A_287] : memref<104x128xi32, #tpu.memory_space<vmem>> -> memref<1x128xi32, #tpu.memory_space<vmem>>
    %dma_start3A_289 = tpu.memref_squeeze %dma_start3A_288 : memref<1x128xi32, #tpu.memory_space<vmem>> -> memref<128xi32, #tpu.memory_space<vmem>>
    %dma_start3A_290 = arith.constant 0 : i32
    %dma_start3A_291 = arith.constant 0 : i32
    %dma_start3A_292 = tpu.memref_slice %arg4[%dma_start3A_290, %dma_start3A_291] : memref<1000000x16xf32, #tpu.memory_space<hbm>> -> memref<1000000x16xf32, #tpu.memory_space<hbm>>
    tpu.enqueue_indirect_dma source(%dma_start3A_292 : memref<1000000x16xf32, #tpu.memory_space<hbm>>) target(%dma_start3A_286 : memref<128x16xf32, #tpu.memory_space<vmem>>) offsets(%dma_start3A_289 : memref<128xi32, #tpu.memory_space<vmem>>) semaphore(%arg11 : memref<!tpu.dma_semaphore, #tpu.memory_space<semaphore_mem>>)
    %dma_start3A_293 = arith.constant 11 : i32
    %dma_start3A_294 = tpu.memref_slice %arg8[%add3A_100] : memref<3360xf32, #tpu.memory_space<vmem>> -> memref<128xf32, #tpu.memory_space<vmem>>
    %dma_start3A_295 = arith.constant 0 : i32
    %dma_start3A_296 = tpu.memref_slice %arg6[%dma_start3A_293, %dma_start3A_295] : memref<104x128xi32, #tpu.memory_space<vmem>> -> memref<1x128xi32, #tpu.memory_space<vmem>>
    %dma_start3A_297 = tpu.memref_squeeze %dma_start3A_296 : memref<1x128xi32, #tpu.memory_space<vmem>> -> memref<128xi32, #tpu.memory_space<vmem>>
    %dma_start3A_298 = arith.constant 0 : i32
    %dma_start3A_299 = tpu.memref_slice %arg3[%dma_start3A_298] : memref<1000000xf32, #tpu.memory_space<hbm>> -> memref<1000000xf32, #tpu.memory_space<hbm>>
    tpu.enqueue_indirect_dma source(%dma_start3A_299 : memref<1000000xf32, #tpu.memory_space<hbm>>) target(%dma_start3A_294 : memref<128xf32, #tpu.memory_space<vmem>>) offsets(%dma_start3A_297 : memref<128xi32, #tpu.memory_space<vmem>>) semaphore(%arg12 : memref<!tpu.dma_semaphore, #tpu.memory_space<semaphore_mem>>)
    %dma_start3A_300 = arith.constant 12 : i32
    %dma_start3A_301 = arith.constant 0 : i32
    %dma_start3A_302 = tpu.memref_slice %arg7[%add3A_104, %dma_start3A_301] : memref<3328x16xf32, #tpu.memory_space<vmem>> -> memref<128x16xf32, #tpu.memory_space<vmem>>
    %dma_start3A_303 = arith.constant 0 : i32
    %dma_start3A_304 = tpu.memref_slice %arg6[%dma_start3A_300, %dma_start3A_303] : memref<104x128xi32, #tpu.memory_space<vmem>> -> memref<1x128xi32, #tpu.memory_space<vmem>>
    %dma_start3A_305 = tpu.memref_squeeze %dma_start3A_304 : memref<1x128xi32, #tpu.memory_space<vmem>> -> memref<128xi32, #tpu.memory_space<vmem>>
    %dma_start3A_306 = arith.constant 0 : i32
    %dma_start3A_307 = arith.constant 0 : i32
    %dma_start3A_308 = tpu.memref_slice %arg4[%dma_start3A_306, %dma_start3A_307] : memref<1000000x16xf32, #tpu.memory_space<hbm>> -> memref<1000000x16xf32, #tpu.memory_space<hbm>>
    tpu.enqueue_indirect_dma source(%dma_start3A_308 : memref<1000000x16xf32, #tpu.memory_space<hbm>>) target(%dma_start3A_302 : memref<128x16xf32, #tpu.memory_space<vmem>>) offsets(%dma_start3A_305 : memref<128xi32, #tpu.memory_space<vmem>>) semaphore(%arg11 : memref<!tpu.dma_semaphore, #tpu.memory_space<semaphore_mem>>)
    %dma_start3A_309 = arith.constant 12 : i32
    %dma_start3A_310 = tpu.memref_slice %arg8[%add3A_108] : memref<3360xf32, #tpu.memory_space<vmem>> -> memref<128xf32, #tpu.memory_space<vmem>>
    %dma_start3A_311 = arith.constant 0 : i32
    %dma_start3A_312 = tpu.memref_slice %arg6[%dma_start3A_309, %dma_start3A_311] : memref<104x128xi32, #tpu.memory_space<vmem>> -> memref<1x128xi32, #tpu.memory_space<vmem>>
    %dma_start3A_313 = tpu.memref_squeeze %dma_start3A_312 : memref<1x128xi32, #tpu.memory_space<vmem>> -> memref<128xi32, #tpu.memory_space<vmem>>
    %dma_start3A_314 = arith.constant 0 : i32
    %dma_start3A_315 = tpu.memref_slice %arg3[%dma_start3A_314] : memref<1000000xf32, #tpu.memory_space<hbm>> -> memref<1000000xf32, #tpu.memory_space<hbm>>
    tpu.enqueue_indirect_dma source(%dma_start3A_315 : memref<1000000xf32, #tpu.memory_space<hbm>>) target(%dma_start3A_310 : memref<128xf32, #tpu.memory_space<vmem>>) offsets(%dma_start3A_313 : memref<128xi32, #tpu.memory_space<vmem>>) semaphore(%arg12 : memref<!tpu.dma_semaphore, #tpu.memory_space<semaphore_mem>>)
    %scan3A = arith.constant 0 : i32
    %scan3A_316 = arith.constant 0 : i32
    %scan3A_317 = arith.constant 8 : i32
    %scan3A_318 = arith.addi %scan3A_316, %scan3A_317 : i32
    %scan3A_319 = arith.constant 1 : i32
    %scan3A_320 = scf.for %scan3A_324 = %scan3A_316 to %scan3A_318 step %scan3A_319 iter_args(%scan3A_325 = %scan3A) -> (i32)  : i32 {
      %rem3A_326 = arith.constant 2 : i32
      %rem3A_327 = arith.remsi %scan3A_324, %rem3A_326 : i32
      %rem3A_328 = arith.constant 2 : i32
      %rem3A_329 = arith.remsi %scan3A_324, %rem3A_328 : i32
      %mul3A_330 = arith.constant 13 : i32
      %mul3A_331 = arith.muli %scan3A_324, %mul3A_330 : i32
      %add3A_332 = arith.constant 0 : i32
      %add3A_333 = arith.addi %mul3A_331, %add3A_332 : i32
      %mul3A_334 = arith.constant 1664 : i32
      %mul3A_335 = arith.muli %rem3A_329, %mul3A_334 : i32
      %add3A_336 = arith.constant 0 : i32
      %add3A_337 = arith.addi %mul3A_335, %add3A_336 : i32
      %mul3A_338 = arith.constant 1680 : i32
      %mul3A_339 = arith.muli %rem3A_329, %mul3A_338 : i32
      %add3A_340 = arith.constant 0 : i32
      %add3A_341 = arith.addi %mul3A_339, %add3A_340 : i32
      %add3A_342 = arith.constant 1 : i32
      %add3A_343 = arith.addi %mul3A_331, %add3A_342 : i32
      %mul3A_344 = arith.constant 1664 : i32
      %mul3A_345 = arith.muli %rem3A_329, %mul3A_344 : i32
      %add3A_346 = arith.constant 128 : i32
      %add3A_347 = arith.addi %mul3A_345, %add3A_346 : i32
      %mul3A_348 = arith.constant 1680 : i32
      %mul3A_349 = arith.muli %rem3A_329, %mul3A_348 : i32
      %add3A_350 = arith.constant 128 : i32
      %add3A_351 = arith.addi %mul3A_349, %add3A_350 : i32
      %add3A_352 = arith.constant 2 : i32
      %add3A_353 = arith.addi %mul3A_331, %add3A_352 : i32
      %mul3A_354 = arith.constant 1664 : i32
      %mul3A_355 = arith.muli %rem3A_329, %mul3A_354 : i32
      %add3A_356 = arith.constant 256 : i32
      %add3A_357 = arith.addi %mul3A_355, %add3A_356 : i32
      %mul3A_358 = arith.constant 1680 : i32
      %mul3A_359 = arith.muli %rem3A_329, %mul3A_358 : i32
      %add3A_360 = arith.constant 256 : i32
      %add3A_361 = arith.addi %mul3A_359, %add3A_360 : i32
      %add3A_362 = arith.constant 3 : i32
      %add3A_363 = arith.addi %mul3A_331, %add3A_362 : i32
      %mul3A_364 = arith.constant 1664 : i32
      %mul3A_365 = arith.muli %rem3A_329, %mul3A_364 : i32
      %add3A_366 = arith.constant 384 : i32
      %add3A_367 = arith.addi %mul3A_365, %add3A_366 : i32
      %mul3A_368 = arith.constant 1680 : i32
      %mul3A_369 = arith.muli %rem3A_329, %mul3A_368 : i32
      %add3A_370 = arith.constant 384 : i32
      %add3A_371 = arith.addi %mul3A_369, %add3A_370 : i32
      %add3A_372 = arith.constant 4 : i32
      %add3A_373 = arith.addi %mul3A_331, %add3A_372 : i32
      %mul3A_374 = arith.constant 1664 : i32
      %mul3A_375 = arith.muli %rem3A_329, %mul3A_374 : i32
      %add3A_376 = arith.constant 512 : i32
      %add3A_377 = arith.addi %mul3A_375, %add3A_376 : i32
      %mul3A_378 = arith.constant 1680 : i32
      %mul3A_379 = arith.muli %rem3A_329, %mul3A_378 : i32
      %add3A_380 = arith.constant 512 : i32
      %add3A_381 = arith.addi %mul3A_379, %add3A_380 : i32
      %add3A_382 = arith.constant 5 : i32
      %add3A_383 = arith.addi %mul3A_331, %add3A_382 : i32
      %mul3A_384 = arith.constant 1664 : i32
      %mul3A_385 = arith.muli %rem3A_329, %mul3A_384 : i32
      %add3A_386 = arith.constant 640 : i32
      %add3A_387 = arith.addi %mul3A_385, %add3A_386 : i32
      %mul3A_388 = arith.constant 1680 : i32
      %mul3A_389 = arith.muli %rem3A_329, %mul3A_388 : i32
      %add3A_390 = arith.constant 640 : i32
      %add3A_391 = arith.addi %mul3A_389, %add3A_390 : i32
      %add3A_392 = arith.constant 6 : i32
      %add3A_393 = arith.addi %mul3A_331, %add3A_392 : i32
      %mul3A_394 = arith.constant 1664 : i32
      %mul3A_395 = arith.muli %rem3A_329, %mul3A_394 : i32
      %add3A_396 = arith.constant 768 : i32
      %add3A_397 = arith.addi %mul3A_395, %add3A_396 : i32
      %mul3A_398 = arith.constant 1680 : i32
      %mul3A_399 = arith.muli %rem3A_329, %mul3A_398 : i32
      %add3A_400 = arith.constant 768 : i32
      %add3A_401 = arith.addi %mul3A_399, %add3A_400 : i32
      %add3A_402 = arith.constant 7 : i32
      %add3A_403 = arith.addi %mul3A_331, %add3A_402 : i32
      %mul3A_404 = arith.constant 1664 : i32
      %mul3A_405 = arith.muli %rem3A_329, %mul3A_404 : i32
      %add3A_406 = arith.constant 896 : i32
      %add3A_407 = arith.addi %mul3A_405, %add3A_406 : i32
      %mul3A_408 = arith.constant 1680 : i32
      %mul3A_409 = arith.muli %rem3A_329, %mul3A_408 : i32
      %add3A_410 = arith.constant 896 : i32
      %add3A_411 = arith.addi %mul3A_409, %add3A_410 : i32
      %add3A_412 = arith.constant 8 : i32
      %add3A_413 = arith.addi %mul3A_331, %add3A_412 : i32
      %mul3A_414 = arith.constant 1664 : i32
      %mul3A_415 = arith.muli %rem3A_329, %mul3A_414 : i32
      %add3A_416 = arith.constant 1024 : i32
      %add3A_417 = arith.addi %mul3A_415, %add3A_416 : i32
      %mul3A_418 = arith.constant 1680 : i32
      %mul3A_419 = arith.muli %rem3A_329, %mul3A_418 : i32
      %add3A_420 = arith.constant 1024 : i32
      %add3A_421 = arith.addi %mul3A_419, %add3A_420 : i32
      %add3A_422 = arith.constant 9 : i32
      %add3A_423 = arith.addi %mul3A_331, %add3A_422 : i32
      %mul3A_424 = arith.constant 1664 : i32
      %mul3A_425 = arith.muli %rem3A_329, %mul3A_424 : i32
      %add3A_426 = arith.constant 1152 : i32
      %add3A_427 = arith.addi %mul3A_425, %add3A_426 : i32
      %mul3A_428 = arith.constant 1680 : i32
      %mul3A_429 = arith.muli %rem3A_329, %mul3A_428 : i32
      %add3A_430 = arith.constant 1152 : i32
      %add3A_431 = arith.addi %mul3A_429, %add3A_430 : i32
      %add3A_432 = arith.constant 10 : i32
      %add3A_433 = arith.addi %mul3A_331, %add3A_432 : i32
      %mul3A_434 = arith.constant 1664 : i32
      %mul3A_435 = arith.muli %rem3A_329, %mul3A_434 : i32
      %add3A_436 = arith.constant 1280 : i32
      %add3A_437 = arith.addi %mul3A_435, %add3A_436 : i32
      %mul3A_438 = arith.constant 1680 : i32
      %mul3A_439 = arith.muli %rem3A_329, %mul3A_438 : i32
      %add3A_440 = arith.constant 1280 : i32
      %add3A_441 = arith.addi %mul3A_439, %add3A_440 : i32
      %add3A_442 = arith.constant 11 : i32
      %add3A_443 = arith.addi %mul3A_331, %add3A_442 : i32
      %mul3A_444 = arith.constant 1664 : i32
      %mul3A_445 = arith.muli %rem3A_329, %mul3A_444 : i32
      %add3A_446 = arith.constant 1408 : i32
      %add3A_447 = arith.addi %mul3A_445, %add3A_446 : i32
      %mul3A_448 = arith.constant 1680 : i32
      %mul3A_449 = arith.muli %rem3A_329, %mul3A_448 : i32
      %add3A_450 = arith.constant 1408 : i32
      %add3A_451 = arith.addi %mul3A_449, %add3A_450 : i32
      %add3A_452 = arith.constant 12 : i32
      %add3A_453 = arith.addi %mul3A_331, %add3A_452 : i32
      %mul3A_454 = arith.constant 1664 : i32
      %mul3A_455 = arith.muli %rem3A_329, %mul3A_454 : i32
      %add3A_456 = arith.constant 1536 : i32
      %add3A_457 = arith.addi %mul3A_455, %add3A_456 : i32
      %mul3A_458 = arith.constant 1680 : i32
      %mul3A_459 = arith.muli %rem3A_329, %mul3A_458 : i32
      %add3A_460 = arith.constant 1536 : i32
      %add3A_461 = arith.addi %mul3A_459, %add3A_460 : i32
      %dma_wait3A = arith.constant 0 : i32
      %dma_wait3A_462 = tpu.memref_slice %arg7[%add3A_337, %dma_wait3A] : memref<3328x16xf32, #tpu.memory_space<vmem>> -> memref<128x16xf32, #tpu.memory_space<vmem>>
      %dma_wait3A_463 = arith.constant 0 : i32
      %dma_wait3A_464 = tpu.memref_slice %arg6[%add3A_333, %dma_wait3A_463] : memref<104x128xi32, #tpu.memory_space<vmem>> -> memref<1x128xi32, #tpu.memory_space<vmem>>
      %dma_wait3A_465 = tpu.memref_squeeze %dma_wait3A_464 : memref<1x128xi32, #tpu.memory_space<vmem>> -> memref<128xi32, #tpu.memory_space<vmem>>
      %dma_wait3A_466 = arith.constant 0 : i32
      %dma_wait3A_467 = arith.constant 0 : i32
      %dma_wait3A_468 = tpu.memref_slice %arg4[%dma_wait3A_466, %dma_wait3A_467] : memref<1000000x16xf32, #tpu.memory_space<hbm>> -> memref<1000000x16xf32, #tpu.memory_space<hbm>>
      tpu.wait_indirect_dma semaphore(%arg11 : memref<!tpu.dma_semaphore, #tpu.memory_space<semaphore_mem>>) src(%dma_wait3A_468 : memref<1000000x16xf32, #tpu.memory_space<hbm>>) dst(%dma_wait3A_462 : memref<128x16xf32, #tpu.memory_space<vmem>>)
      %dma_wait3A_469 = tpu.memref_slice %arg8[%add3A_341] : memref<3360xf32, #tpu.memory_space<vmem>> -> memref<128xf32, #tpu.memory_space<vmem>>
      %dma_wait3A_470 = arith.constant 0 : i32
      %dma_wait3A_471 = tpu.memref_slice %arg6[%add3A_333, %dma_wait3A_470] : memref<104x128xi32, #tpu.memory_space<vmem>> -> memref<1x128xi32, #tpu.memory_space<vmem>>
      %dma_wait3A_472 = tpu.memref_squeeze %dma_wait3A_471 : memref<1x128xi32, #tpu.memory_space<vmem>> -> memref<128xi32, #tpu.memory_space<vmem>>
      %dma_wait3A_473 = arith.constant 0 : i32
      %dma_wait3A_474 = tpu.memref_slice %arg3[%dma_wait3A_473] : memref<1000000xf32, #tpu.memory_space<hbm>> -> memref<1000000xf32, #tpu.memory_space<hbm>>
      tpu.wait_indirect_dma semaphore(%arg12 : memref<!tpu.dma_semaphore, #tpu.memory_space<semaphore_mem>>) src(%dma_wait3A_474 : memref<1000000xf32, #tpu.memory_space<hbm>>) dst(%dma_wait3A_469 : memref<128xf32, #tpu.memory_space<vmem>>)
      %dma_wait3A_475 = arith.constant 0 : i32
      %dma_wait3A_476 = tpu.memref_slice %arg7[%add3A_347, %dma_wait3A_475] : memref<3328x16xf32, #tpu.memory_space<vmem>> -> memref<128x16xf32, #tpu.memory_space<vmem>>
      %dma_wait3A_477 = arith.constant 0 : i32
      %dma_wait3A_478 = tpu.memref_slice %arg6[%add3A_343, %dma_wait3A_477] : memref<104x128xi32, #tpu.memory_space<vmem>> -> memref<1x128xi32, #tpu.memory_space<vmem>>
      %dma_wait3A_479 = tpu.memref_squeeze %dma_wait3A_478 : memref<1x128xi32, #tpu.memory_space<vmem>> -> memref<128xi32, #tpu.memory_space<vmem>>
      %dma_wait3A_480 = arith.constant 0 : i32
      %dma_wait3A_481 = arith.constant 0 : i32
      %dma_wait3A_482 = tpu.memref_slice %arg4[%dma_wait3A_480, %dma_wait3A_481] : memref<1000000x16xf32, #tpu.memory_space<hbm>> -> memref<1000000x16xf32, #tpu.memory_space<hbm>>
      tpu.wait_indirect_dma semaphore(%arg11 : memref<!tpu.dma_semaphore, #tpu.memory_space<semaphore_mem>>) src(%dma_wait3A_482 : memref<1000000x16xf32, #tpu.memory_space<hbm>>) dst(%dma_wait3A_476 : memref<128x16xf32, #tpu.memory_space<vmem>>)
      %dma_wait3A_483 = tpu.memref_slice %arg8[%add3A_351] : memref<3360xf32, #tpu.memory_space<vmem>> -> memref<128xf32, #tpu.memory_space<vmem>>
      %dma_wait3A_484 = arith.constant 0 : i32
      %dma_wait3A_485 = tpu.memref_slice %arg6[%add3A_343, %dma_wait3A_484] : memref<104x128xi32, #tpu.memory_space<vmem>> -> memref<1x128xi32, #tpu.memory_space<vmem>>
      %dma_wait3A_486 = tpu.memref_squeeze %dma_wait3A_485 : memref<1x128xi32, #tpu.memory_space<vmem>> -> memref<128xi32, #tpu.memory_space<vmem>>
      %dma_wait3A_487 = arith.constant 0 : i32
      %dma_wait3A_488 = tpu.memref_slice %arg3[%dma_wait3A_487] : memref<1000000xf32, #tpu.memory_space<hbm>> -> memref<1000000xf32, #tpu.memory_space<hbm>>
      tpu.wait_indirect_dma semaphore(%arg12 : memref<!tpu.dma_semaphore, #tpu.memory_space<semaphore_mem>>) src(%dma_wait3A_488 : memref<1000000xf32, #tpu.memory_space<hbm>>) dst(%dma_wait3A_483 : memref<128xf32, #tpu.memory_space<vmem>>)
      %dma_wait3A_489 = arith.constant 0 : i32
      %dma_wait3A_490 = tpu.memref_slice %arg7[%add3A_357, %dma_wait3A_489] : memref<3328x16xf32, #tpu.memory_space<vmem>> -> memref<128x16xf32, #tpu.memory_space<vmem>>
      %dma_wait3A_491 = arith.constant 0 : i32
      %dma_wait3A_492 = tpu.memref_slice %arg6[%add3A_353, %dma_wait3A_491] : memref<104x128xi32, #tpu.memory_space<vmem>> -> memref<1x128xi32, #tpu.memory_space<vmem>>
      %dma_wait3A_493 = tpu.memref_squeeze %dma_wait3A_492 : memref<1x128xi32, #tpu.memory_space<vmem>> -> memref<128xi32, #tpu.memory_space<vmem>>
      %dma_wait3A_494 = arith.constant 0 : i32
      %dma_wait3A_495 = arith.constant 0 : i32
      %dma_wait3A_496 = tpu.memref_slice %arg4[%dma_wait3A_494, %dma_wait3A_495] : memref<1000000x16xf32, #tpu.memory_space<hbm>> -> memref<1000000x16xf32, #tpu.memory_space<hbm>>
      tpu.wait_indirect_dma semaphore(%arg11 : memref<!tpu.dma_semaphore, #tpu.memory_space<semaphore_mem>>) src(%dma_wait3A_496 : memref<1000000x16xf32, #tpu.memory_space<hbm>>) dst(%dma_wait3A_490 : memref<128x16xf32, #tpu.memory_space<vmem>>)
      %dma_wait3A_497 = tpu.memref_slice %arg8[%add3A_361] : memref<3360xf32, #tpu.memory_space<vmem>> -> memref<128xf32, #tpu.memory_space<vmem>>
      %dma_wait3A_498 = arith.constant 0 : i32
      %dma_wait3A_499 = tpu.memref_slice %arg6[%add3A_353, %dma_wait3A_498] : memref<104x128xi32, #tpu.memory_space<vmem>> -> memref<1x128xi32, #tpu.memory_space<vmem>>
      %dma_wait3A_500 = tpu.memref_squeeze %dma_wait3A_499 : memref<1x128xi32, #tpu.memory_space<vmem>> -> memref<128xi32, #tpu.memory_space<vmem>>
      %dma_wait3A_501 = arith.constant 0 : i32
      %dma_wait3A_502 = tpu.memref_slice %arg3[%dma_wait3A_501] : memref<1000000xf32, #tpu.memory_space<hbm>> -> memref<1000000xf32, #tpu.memory_space<hbm>>
      tpu.wait_indirect_dma semaphore(%arg12 : memref<!tpu.dma_semaphore, #tpu.memory_space<semaphore_mem>>) src(%dma_wait3A_502 : memref<1000000xf32, #tpu.memory_space<hbm>>) dst(%dma_wait3A_497 : memref<128xf32, #tpu.memory_space<vmem>>)
      %dma_wait3A_503 = arith.constant 0 : i32
      %dma_wait3A_504 = tpu.memref_slice %arg7[%add3A_367, %dma_wait3A_503] : memref<3328x16xf32, #tpu.memory_space<vmem>> -> memref<128x16xf32, #tpu.memory_space<vmem>>
      %dma_wait3A_505 = arith.constant 0 : i32
      %dma_wait3A_506 = tpu.memref_slice %arg6[%add3A_363, %dma_wait3A_505] : memref<104x128xi32, #tpu.memory_space<vmem>> -> memref<1x128xi32, #tpu.memory_space<vmem>>
      %dma_wait3A_507 = tpu.memref_squeeze %dma_wait3A_506 : memref<1x128xi32, #tpu.memory_space<vmem>> -> memref<128xi32, #tpu.memory_space<vmem>>
      %dma_wait3A_508 = arith.constant 0 : i32
      %dma_wait3A_509 = arith.constant 0 : i32
      %dma_wait3A_510 = tpu.memref_slice %arg4[%dma_wait3A_508, %dma_wait3A_509] : memref<1000000x16xf32, #tpu.memory_space<hbm>> -> memref<1000000x16xf32, #tpu.memory_space<hbm>>
      tpu.wait_indirect_dma semaphore(%arg11 : memref<!tpu.dma_semaphore, #tpu.memory_space<semaphore_mem>>) src(%dma_wait3A_510 : memref<1000000x16xf32, #tpu.memory_space<hbm>>) dst(%dma_wait3A_504 : memref<128x16xf32, #tpu.memory_space<vmem>>)
      %dma_wait3A_511 = tpu.memref_slice %arg8[%add3A_371] : memref<3360xf32, #tpu.memory_space<vmem>> -> memref<128xf32, #tpu.memory_space<vmem>>
      %dma_wait3A_512 = arith.constant 0 : i32
      %dma_wait3A_513 = tpu.memref_slice %arg6[%add3A_363, %dma_wait3A_512] : memref<104x128xi32, #tpu.memory_space<vmem>> -> memref<1x128xi32, #tpu.memory_space<vmem>>
      %dma_wait3A_514 = tpu.memref_squeeze %dma_wait3A_513 : memref<1x128xi32, #tpu.memory_space<vmem>> -> memref<128xi32, #tpu.memory_space<vmem>>
      %dma_wait3A_515 = arith.constant 0 : i32
      %dma_wait3A_516 = tpu.memref_slice %arg3[%dma_wait3A_515] : memref<1000000xf32, #tpu.memory_space<hbm>> -> memref<1000000xf32, #tpu.memory_space<hbm>>
      tpu.wait_indirect_dma semaphore(%arg12 : memref<!tpu.dma_semaphore, #tpu.memory_space<semaphore_mem>>) src(%dma_wait3A_516 : memref<1000000xf32, #tpu.memory_space<hbm>>) dst(%dma_wait3A_511 : memref<128xf32, #tpu.memory_space<vmem>>)
      %dma_wait3A_517 = arith.constant 0 : i32
      %dma_wait3A_518 = tpu.memref_slice %arg7[%add3A_377, %dma_wait3A_517] : memref<3328x16xf32, #tpu.memory_space<vmem>> -> memref<128x16xf32, #tpu.memory_space<vmem>>
      %dma_wait3A_519 = arith.constant 0 : i32
      %dma_wait3A_520 = tpu.memref_slice %arg6[%add3A_373, %dma_wait3A_519] : memref<104x128xi32, #tpu.memory_space<vmem>> -> memref<1x128xi32, #tpu.memory_space<vmem>>
      %dma_wait3A_521 = tpu.memref_squeeze %dma_wait3A_520 : memref<1x128xi32, #tpu.memory_space<vmem>> -> memref<128xi32, #tpu.memory_space<vmem>>
      %dma_wait3A_522 = arith.constant 0 : i32
      %dma_wait3A_523 = arith.constant 0 : i32
      %dma_wait3A_524 = tpu.memref_slice %arg4[%dma_wait3A_522, %dma_wait3A_523] : memref<1000000x16xf32, #tpu.memory_space<hbm>> -> memref<1000000x16xf32, #tpu.memory_space<hbm>>
      tpu.wait_indirect_dma semaphore(%arg11 : memref<!tpu.dma_semaphore, #tpu.memory_space<semaphore_mem>>) src(%dma_wait3A_524 : memref<1000000x16xf32, #tpu.memory_space<hbm>>) dst(%dma_wait3A_518 : memref<128x16xf32, #tpu.memory_space<vmem>>)
      %dma_wait3A_525 = tpu.memref_slice %arg8[%add3A_381] : memref<3360xf32, #tpu.memory_space<vmem>> -> memref<128xf32, #tpu.memory_space<vmem>>
      %dma_wait3A_526 = arith.constant 0 : i32
      %dma_wait3A_527 = tpu.memref_slice %arg6[%add3A_373, %dma_wait3A_526] : memref<104x128xi32, #tpu.memory_space<vmem>> -> memref<1x128xi32, #tpu.memory_space<vmem>>
      %dma_wait3A_528 = tpu.memref_squeeze %dma_wait3A_527 : memref<1x128xi32, #tpu.memory_space<vmem>> -> memref<128xi32, #tpu.memory_space<vmem>>
      %dma_wait3A_529 = arith.constant 0 : i32
      %dma_wait3A_530 = tpu.memref_slice %arg3[%dma_wait3A_529] : memref<1000000xf32, #tpu.memory_space<hbm>> -> memref<1000000xf32, #tpu.memory_space<hbm>>
      tpu.wait_indirect_dma semaphore(%arg12 : memref<!tpu.dma_semaphore, #tpu.memory_space<semaphore_mem>>) src(%dma_wait3A_530 : memref<1000000xf32, #tpu.memory_space<hbm>>) dst(%dma_wait3A_525 : memref<128xf32, #tpu.memory_space<vmem>>)
      %dma_wait3A_531 = arith.constant 0 : i32
      %dma_wait3A_532 = tpu.memref_slice %arg7[%add3A_387, %dma_wait3A_531] : memref<3328x16xf32, #tpu.memory_space<vmem>> -> memref<128x16xf32, #tpu.memory_space<vmem>>
      %dma_wait3A_533 = arith.constant 0 : i32
      %dma_wait3A_534 = tpu.memref_slice %arg6[%add3A_383, %dma_wait3A_533] : memref<104x128xi32, #tpu.memory_space<vmem>> -> memref<1x128xi32, #tpu.memory_space<vmem>>
      %dma_wait3A_535 = tpu.memref_squeeze %dma_wait3A_534 : memref<1x128xi32, #tpu.memory_space<vmem>> -> memref<128xi32, #tpu.memory_space<vmem>>
      %dma_wait3A_536 = arith.constant 0 : i32
      %dma_wait3A_537 = arith.constant 0 : i32
      %dma_wait3A_538 = tpu.memref_slice %arg4[%dma_wait3A_536, %dma_wait3A_537] : memref<1000000x16xf32, #tpu.memory_space<hbm>> -> memref<1000000x16xf32, #tpu.memory_space<hbm>>
      tpu.wait_indirect_dma semaphore(%arg11 : memref<!tpu.dma_semaphore, #tpu.memory_space<semaphore_mem>>) src(%dma_wait3A_538 : memref<1000000x16xf32, #tpu.memory_space<hbm>>) dst(%dma_wait3A_532 : memref<128x16xf32, #tpu.memory_space<vmem>>)
      %dma_wait3A_539 = tpu.memref_slice %arg8[%add3A_391] : memref<3360xf32, #tpu.memory_space<vmem>> -> memref<128xf32, #tpu.memory_space<vmem>>
      %dma_wait3A_540 = arith.constant 0 : i32
      %dma_wait3A_541 = tpu.memref_slice %arg6[%add3A_383, %dma_wait3A_540] : memref<104x128xi32, #tpu.memory_space<vmem>> -> memref<1x128xi32, #tpu.memory_space<vmem>>
      %dma_wait3A_542 = tpu.memref_squeeze %dma_wait3A_541 : memref<1x128xi32, #tpu.memory_space<vmem>> -> memref<128xi32, #tpu.memory_space<vmem>>
      %dma_wait3A_543 = arith.constant 0 : i32
      %dma_wait3A_544 = tpu.memref_slice %arg3[%dma_wait3A_543] : memref<1000000xf32, #tpu.memory_space<hbm>> -> memref<1000000xf32, #tpu.memory_space<hbm>>
      tpu.wait_indirect_dma semaphore(%arg12 : memref<!tpu.dma_semaphore, #tpu.memory_space<semaphore_mem>>) src(%dma_wait3A_544 : memref<1000000xf32, #tpu.memory_space<hbm>>) dst(%dma_wait3A_539 : memref<128xf32, #tpu.memory_space<vmem>>)
      %dma_wait3A_545 = arith.constant 0 : i32
      %dma_wait3A_546 = tpu.memref_slice %arg7[%add3A_397, %dma_wait3A_545] : memref<3328x16xf32, #tpu.memory_space<vmem>> -> memref<128x16xf32, #tpu.memory_space<vmem>>
      %dma_wait3A_547 = arith.constant 0 : i32
      %dma_wait3A_548 = tpu.memref_slice %arg6[%add3A_393, %dma_wait3A_547] : memref<104x128xi32, #tpu.memory_space<vmem>> -> memref<1x128xi32, #tpu.memory_space<vmem>>
      %dma_wait3A_549 = tpu.memref_squeeze %dma_wait3A_548 : memref<1x128xi32, #tpu.memory_space<vmem>> -> memref<128xi32, #tpu.memory_space<vmem>>
      %dma_wait3A_550 = arith.constant 0 : i32
      %dma_wait3A_551 = arith.constant 0 : i32
      %dma_wait3A_552 = tpu.memref_slice %arg4[%dma_wait3A_550, %dma_wait3A_551] : memref<1000000x16xf32, #tpu.memory_space<hbm>> -> memref<1000000x16xf32, #tpu.memory_space<hbm>>
      tpu.wait_indirect_dma semaphore(%arg11 : memref<!tpu.dma_semaphore, #tpu.memory_space<semaphore_mem>>) src(%dma_wait3A_552 : memref<1000000x16xf32, #tpu.memory_space<hbm>>) dst(%dma_wait3A_546 : memref<128x16xf32, #tpu.memory_space<vmem>>)
      %dma_wait3A_553 = tpu.memref_slice %arg8[%add3A_401] : memref<3360xf32, #tpu.memory_space<vmem>> -> memref<128xf32, #tpu.memory_space<vmem>>
      %dma_wait3A_554 = arith.constant 0 : i32
      %dma_wait3A_555 = tpu.memref_slice %arg6[%add3A_393, %dma_wait3A_554] : memref<104x128xi32, #tpu.memory_space<vmem>> -> memref<1x128xi32, #tpu.memory_space<vmem>>
      %dma_wait3A_556 = tpu.memref_squeeze %dma_wait3A_555 : memref<1x128xi32, #tpu.memory_space<vmem>> -> memref<128xi32, #tpu.memory_space<vmem>>
      %dma_wait3A_557 = arith.constant 0 : i32
      %dma_wait3A_558 = tpu.memref_slice %arg3[%dma_wait3A_557] : memref<1000000xf32, #tpu.memory_space<hbm>> -> memref<1000000xf32, #tpu.memory_space<hbm>>
      tpu.wait_indirect_dma semaphore(%arg12 : memref<!tpu.dma_semaphore, #tpu.memory_space<semaphore_mem>>) src(%dma_wait3A_558 : memref<1000000xf32, #tpu.memory_space<hbm>>) dst(%dma_wait3A_553 : memref<128xf32, #tpu.memory_space<vmem>>)
      %dma_wait3A_559 = arith.constant 0 : i32
      %dma_wait3A_560 = tpu.memref_slice %arg7[%add3A_407, %dma_wait3A_559] : memref<3328x16xf32, #tpu.memory_space<vmem>> -> memref<128x16xf32, #tpu.memory_space<vmem>>
      %dma_wait3A_561 = arith.constant 0 : i32
      %dma_wait3A_562 = tpu.memref_slice %arg6[%add3A_403, %dma_wait3A_561] : memref<104x128xi32, #tpu.memory_space<vmem>> -> memref<1x128xi32, #tpu.memory_space<vmem>>
      %dma_wait3A_563 = tpu.memref_squeeze %dma_wait3A_562 : memref<1x128xi32, #tpu.memory_space<vmem>> -> memref<128xi32, #tpu.memory_space<vmem>>
      %dma_wait3A_564 = arith.constant 0 : i32
      %dma_wait3A_565 = arith.constant 0 : i32
      %dma_wait3A_566 = tpu.memref_slice %arg4[%dma_wait3A_564, %dma_wait3A_565] : memref<1000000x16xf32, #tpu.memory_space<hbm>> -> memref<1000000x16xf32, #tpu.memory_space<hbm>>
      tpu.wait_indirect_dma semaphore(%arg11 : memref<!tpu.dma_semaphore, #tpu.memory_space<semaphore_mem>>) src(%dma_wait3A_566 : memref<1000000x16xf32, #tpu.memory_space<hbm>>) dst(%dma_wait3A_560 : memref<128x16xf32, #tpu.memory_space<vmem>>)
      %dma_wait3A_567 = tpu.memref_slice %arg8[%add3A_411] : memref<3360xf32, #tpu.memory_space<vmem>> -> memref<128xf32, #tpu.memory_space<vmem>>
      %dma_wait3A_568 = arith.constant 0 : i32
      %dma_wait3A_569 = tpu.memref_slice %arg6[%add3A_403, %dma_wait3A_568] : memref<104x128xi32, #tpu.memory_space<vmem>> -> memref<1x128xi32, #tpu.memory_space<vmem>>
      %dma_wait3A_570 = tpu.memref_squeeze %dma_wait3A_569 : memref<1x128xi32, #tpu.memory_space<vmem>> -> memref<128xi32, #tpu.memory_space<vmem>>
      %dma_wait3A_571 = arith.constant 0 : i32
      %dma_wait3A_572 = tpu.memref_slice %arg3[%dma_wait3A_571] : memref<1000000xf32, #tpu.memory_space<hbm>> -> memref<1000000xf32, #tpu.memory_space<hbm>>
      tpu.wait_indirect_dma semaphore(%arg12 : memref<!tpu.dma_semaphore, #tpu.memory_space<semaphore_mem>>) src(%dma_wait3A_572 : memref<1000000xf32, #tpu.memory_space<hbm>>) dst(%dma_wait3A_567 : memref<128xf32, #tpu.memory_space<vmem>>)
      %dma_wait3A_573 = arith.constant 0 : i32
      %dma_wait3A_574 = tpu.memref_slice %arg7[%add3A_417, %dma_wait3A_573] : memref<3328x16xf32, #tpu.memory_space<vmem>> -> memref<128x16xf32, #tpu.memory_space<vmem>>
      %dma_wait3A_575 = arith.constant 0 : i32
      %dma_wait3A_576 = tpu.memref_slice %arg6[%add3A_413, %dma_wait3A_575] : memref<104x128xi32, #tpu.memory_space<vmem>> -> memref<1x128xi32, #tpu.memory_space<vmem>>
      %dma_wait3A_577 = tpu.memref_squeeze %dma_wait3A_576 : memref<1x128xi32, #tpu.memory_space<vmem>> -> memref<128xi32, #tpu.memory_space<vmem>>
      %dma_wait3A_578 = arith.constant 0 : i32
      %dma_wait3A_579 = arith.constant 0 : i32
      %dma_wait3A_580 = tpu.memref_slice %arg4[%dma_wait3A_578, %dma_wait3A_579] : memref<1000000x16xf32, #tpu.memory_space<hbm>> -> memref<1000000x16xf32, #tpu.memory_space<hbm>>
      tpu.wait_indirect_dma semaphore(%arg11 : memref<!tpu.dma_semaphore, #tpu.memory_space<semaphore_mem>>) src(%dma_wait3A_580 : memref<1000000x16xf32, #tpu.memory_space<hbm>>) dst(%dma_wait3A_574 : memref<128x16xf32, #tpu.memory_space<vmem>>)
      %dma_wait3A_581 = tpu.memref_slice %arg8[%add3A_421] : memref<3360xf32, #tpu.memory_space<vmem>> -> memref<128xf32, #tpu.memory_space<vmem>>
      %dma_wait3A_582 = arith.constant 0 : i32
      %dma_wait3A_583 = tpu.memref_slice %arg6[%add3A_413, %dma_wait3A_582] : memref<104x128xi32, #tpu.memory_space<vmem>> -> memref<1x128xi32, #tpu.memory_space<vmem>>
      %dma_wait3A_584 = tpu.memref_squeeze %dma_wait3A_583 : memref<1x128xi32, #tpu.memory_space<vmem>> -> memref<128xi32, #tpu.memory_space<vmem>>
      %dma_wait3A_585 = arith.constant 0 : i32
      %dma_wait3A_586 = tpu.memref_slice %arg3[%dma_wait3A_585] : memref<1000000xf32, #tpu.memory_space<hbm>> -> memref<1000000xf32, #tpu.memory_space<hbm>>
      tpu.wait_indirect_dma semaphore(%arg12 : memref<!tpu.dma_semaphore, #tpu.memory_space<semaphore_mem>>) src(%dma_wait3A_586 : memref<1000000xf32, #tpu.memory_space<hbm>>) dst(%dma_wait3A_581 : memref<128xf32, #tpu.memory_space<vmem>>)
      %dma_wait3A_587 = arith.constant 0 : i32
      %dma_wait3A_588 = tpu.memref_slice %arg7[%add3A_427, %dma_wait3A_587] : memref<3328x16xf32, #tpu.memory_space<vmem>> -> memref<128x16xf32, #tpu.memory_space<vmem>>
      %dma_wait3A_589 = arith.constant 0 : i32
      %dma_wait3A_590 = tpu.memref_slice %arg6[%add3A_423, %dma_wait3A_589] : memref<104x128xi32, #tpu.memory_space<vmem>> -> memref<1x128xi32, #tpu.memory_space<vmem>>
      %dma_wait3A_591 = tpu.memref_squeeze %dma_wait3A_590 : memref<1x128xi32, #tpu.memory_space<vmem>> -> memref<128xi32, #tpu.memory_space<vmem>>
      %dma_wait3A_592 = arith.constant 0 : i32
      %dma_wait3A_593 = arith.constant 0 : i32
      %dma_wait3A_594 = tpu.memref_slice %arg4[%dma_wait3A_592, %dma_wait3A_593] : memref<1000000x16xf32, #tpu.memory_space<hbm>> -> memref<1000000x16xf32, #tpu.memory_space<hbm>>
      tpu.wait_indirect_dma semaphore(%arg11 : memref<!tpu.dma_semaphore, #tpu.memory_space<semaphore_mem>>) src(%dma_wait3A_594 : memref<1000000x16xf32, #tpu.memory_space<hbm>>) dst(%dma_wait3A_588 : memref<128x16xf32, #tpu.memory_space<vmem>>)
      %dma_wait3A_595 = tpu.memref_slice %arg8[%add3A_431] : memref<3360xf32, #tpu.memory_space<vmem>> -> memref<128xf32, #tpu.memory_space<vmem>>
      %dma_wait3A_596 = arith.constant 0 : i32
      %dma_wait3A_597 = tpu.memref_slice %arg6[%add3A_423, %dma_wait3A_596] : memref<104x128xi32, #tpu.memory_space<vmem>> -> memref<1x128xi32, #tpu.memory_space<vmem>>
      %dma_wait3A_598 = tpu.memref_squeeze %dma_wait3A_597 : memref<1x128xi32, #tpu.memory_space<vmem>> -> memref<128xi32, #tpu.memory_space<vmem>>
      %dma_wait3A_599 = arith.constant 0 : i32
      %dma_wait3A_600 = tpu.memref_slice %arg3[%dma_wait3A_599] : memref<1000000xf32, #tpu.memory_space<hbm>> -> memref<1000000xf32, #tpu.memory_space<hbm>>
      tpu.wait_indirect_dma semaphore(%arg12 : memref<!tpu.dma_semaphore, #tpu.memory_space<semaphore_mem>>) src(%dma_wait3A_600 : memref<1000000xf32, #tpu.memory_space<hbm>>) dst(%dma_wait3A_595 : memref<128xf32, #tpu.memory_space<vmem>>)
      %dma_wait3A_601 = arith.constant 0 : i32
      %dma_wait3A_602 = tpu.memref_slice %arg7[%add3A_437, %dma_wait3A_601] : memref<3328x16xf32, #tpu.memory_space<vmem>> -> memref<128x16xf32, #tpu.memory_space<vmem>>
      %dma_wait3A_603 = arith.constant 0 : i32
      %dma_wait3A_604 = tpu.memref_slice %arg6[%add3A_433, %dma_wait3A_603] : memref<104x128xi32, #tpu.memory_space<vmem>> -> memref<1x128xi32, #tpu.memory_space<vmem>>
      %dma_wait3A_605 = tpu.memref_squeeze %dma_wait3A_604 : memref<1x128xi32, #tpu.memory_space<vmem>> -> memref<128xi32, #tpu.memory_space<vmem>>
      %dma_wait3A_606 = arith.constant 0 : i32
      %dma_wait3A_607 = arith.constant 0 : i32
      %dma_wait3A_608 = tpu.memref_slice %arg4[%dma_wait3A_606, %dma_wait3A_607] : memref<1000000x16xf32, #tpu.memory_space<hbm>> -> memref<1000000x16xf32, #tpu.memory_space<hbm>>
      tpu.wait_indirect_dma semaphore(%arg11 : memref<!tpu.dma_semaphore, #tpu.memory_space<semaphore_mem>>) src(%dma_wait3A_608 : memref<1000000x16xf32, #tpu.memory_space<hbm>>) dst(%dma_wait3A_602 : memref<128x16xf32, #tpu.memory_space<vmem>>)
      %dma_wait3A_609 = tpu.memref_slice %arg8[%add3A_441] : memref<3360xf32, #tpu.memory_space<vmem>> -> memref<128xf32, #tpu.memory_space<vmem>>
      %dma_wait3A_610 = arith.constant 0 : i32
      %dma_wait3A_611 = tpu.memref_slice %arg6[%add3A_433, %dma_wait3A_610] : memref<104x128xi32, #tpu.memory_space<vmem>> -> memref<1x128xi32, #tpu.memory_space<vmem>>
      %dma_wait3A_612 = tpu.memref_squeeze %dma_wait3A_611 : memref<1x128xi32, #tpu.memory_space<vmem>> -> memref<128xi32, #tpu.memory_space<vmem>>
      %dma_wait3A_613 = arith.constant 0 : i32
      %dma_wait3A_614 = tpu.memref_slice %arg3[%dma_wait3A_613] : memref<1000000xf32, #tpu.memory_space<hbm>> -> memref<1000000xf32, #tpu.memory_space<hbm>>
      tpu.wait_indirect_dma semaphore(%arg12 : memref<!tpu.dma_semaphore, #tpu.memory_space<semaphore_mem>>) src(%dma_wait3A_614 : memref<1000000xf32, #tpu.memory_space<hbm>>) dst(%dma_wait3A_609 : memref<128xf32, #tpu.memory_space<vmem>>)
      %dma_wait3A_615 = arith.constant 0 : i32
      %dma_wait3A_616 = tpu.memref_slice %arg7[%add3A_447, %dma_wait3A_615] : memref<3328x16xf32, #tpu.memory_space<vmem>> -> memref<128x16xf32, #tpu.memory_space<vmem>>
      %dma_wait3A_617 = arith.constant 0 : i32
      %dma_wait3A_618 = tpu.memref_slice %arg6[%add3A_443, %dma_wait3A_617] : memref<104x128xi32, #tpu.memory_space<vmem>> -> memref<1x128xi32, #tpu.memory_space<vmem>>
      %dma_wait3A_619 = tpu.memref_squeeze %dma_wait3A_618 : memref<1x128xi32, #tpu.memory_space<vmem>> -> memref<128xi32, #tpu.memory_space<vmem>>
      %dma_wait3A_620 = arith.constant 0 : i32
      %dma_wait3A_621 = arith.constant 0 : i32
      %dma_wait3A_622 = tpu.memref_slice %arg4[%dma_wait3A_620, %dma_wait3A_621] : memref<1000000x16xf32, #tpu.memory_space<hbm>> -> memref<1000000x16xf32, #tpu.memory_space<hbm>>
      tpu.wait_indirect_dma semaphore(%arg11 : memref<!tpu.dma_semaphore, #tpu.memory_space<semaphore_mem>>) src(%dma_wait3A_622 : memref<1000000x16xf32, #tpu.memory_space<hbm>>) dst(%dma_wait3A_616 : memref<128x16xf32, #tpu.memory_space<vmem>>)
      %dma_wait3A_623 = tpu.memref_slice %arg8[%add3A_451] : memref<3360xf32, #tpu.memory_space<vmem>> -> memref<128xf32, #tpu.memory_space<vmem>>
      %dma_wait3A_624 = arith.constant 0 : i32
      %dma_wait3A_625 = tpu.memref_slice %arg6[%add3A_443, %dma_wait3A_624] : memref<104x128xi32, #tpu.memory_space<vmem>> -> memref<1x128xi32, #tpu.memory_space<vmem>>
      %dma_wait3A_626 = tpu.memref_squeeze %dma_wait3A_625 : memref<1x128xi32, #tpu.memory_space<vmem>> -> memref<128xi32, #tpu.memory_space<vmem>>
      %dma_wait3A_627 = arith.constant 0 : i32
      %dma_wait3A_628 = tpu.memref_slice %arg3[%dma_wait3A_627] : memref<1000000xf32, #tpu.memory_space<hbm>> -> memref<1000000xf32, #tpu.memory_space<hbm>>
      tpu.wait_indirect_dma semaphore(%arg12 : memref<!tpu.dma_semaphore, #tpu.memory_space<semaphore_mem>>) src(%dma_wait3A_628 : memref<1000000xf32, #tpu.memory_space<hbm>>) dst(%dma_wait3A_623 : memref<128xf32, #tpu.memory_space<vmem>>)
      %dma_wait3A_629 = arith.constant 0 : i32
      %dma_wait3A_630 = tpu.memref_slice %arg7[%add3A_457, %dma_wait3A_629] : memref<3328x16xf32, #tpu.memory_space<vmem>> -> memref<128x16xf32, #tpu.memory_space<vmem>>
      %dma_wait3A_631 = arith.constant 0 : i32
      %dma_wait3A_632 = tpu.memref_slice %arg6[%add3A_453, %dma_wait3A_631] : memref<104x128xi32, #tpu.memory_space<vmem>> -> memref<1x128xi32, #tpu.memory_space<vmem>>
      %dma_wait3A_633 = tpu.memref_squeeze %dma_wait3A_632 : memref<1x128xi32, #tpu.memory_space<vmem>> -> memref<128xi32, #tpu.memory_space<vmem>>
      %dma_wait3A_634 = arith.constant 0 : i32
      %dma_wait3A_635 = arith.constant 0 : i32
      %dma_wait3A_636 = tpu.memref_slice %arg4[%dma_wait3A_634, %dma_wait3A_635] : memref<1000000x16xf32, #tpu.memory_space<hbm>> -> memref<1000000x16xf32, #tpu.memory_space<hbm>>
      tpu.wait_indirect_dma semaphore(%arg11 : memref<!tpu.dma_semaphore, #tpu.memory_space<semaphore_mem>>) src(%dma_wait3A_636 : memref<1000000x16xf32, #tpu.memory_space<hbm>>) dst(%dma_wait3A_630 : memref<128x16xf32, #tpu.memory_space<vmem>>)
      %dma_wait3A_637 = tpu.memref_slice %arg8[%add3A_461] : memref<3360xf32, #tpu.memory_space<vmem>> -> memref<128xf32, #tpu.memory_space<vmem>>
      %dma_wait3A_638 = arith.constant 0 : i32
      %dma_wait3A_639 = tpu.memref_slice %arg6[%add3A_453, %dma_wait3A_638] : memref<104x128xi32, #tpu.memory_space<vmem>> -> memref<1x128xi32, #tpu.memory_space<vmem>>
      %dma_wait3A_640 = tpu.memref_squeeze %dma_wait3A_639 : memref<1x128xi32, #tpu.memory_space<vmem>> -> memref<128xi32, #tpu.memory_space<vmem>>
      %dma_wait3A_641 = arith.constant 0 : i32
      %dma_wait3A_642 = tpu.memref_slice %arg3[%dma_wait3A_641] : memref<1000000xf32, #tpu.memory_space<hbm>> -> memref<1000000xf32, #tpu.memory_space<hbm>>
      tpu.wait_indirect_dma semaphore(%arg12 : memref<!tpu.dma_semaphore, #tpu.memory_space<semaphore_mem>>) src(%dma_wait3A_642 : memref<1000000xf32, #tpu.memory_space<hbm>>) dst(%dma_wait3A_637 : memref<128xf32, #tpu.memory_space<vmem>>)
      %add3A_643 = arith.constant 1 : i32
      %add3A_644 = arith.addi %scan3A_324, %add3A_643 : i32
      %lt3A = arith.constant 8 : i32
      %lt3A_645 = arith.cmpi slt, %add3A_644, %lt3A : i32
      %convert_element_type3A = arith.extui %lt3A_645 : i1 to i32
      %cond3A = arith.constant 0 : i32
      %cond3A_646 = arith.cmpi ne, %convert_element_type3A, %cond3A : i32
      scf.if %cond3A_646 {
        %add3A_655 = arith.constant 1 : i32
        %add3A_656 = arith.addi %scan3A_324, %add3A_655 : i32
        %rem3A_657 = arith.constant 2 : i32
        %rem3A_658 = arith.remsi %add3A_656, %rem3A_657 : i32
        %mul3A_659 = arith.constant 13 : i32
        %mul3A_660 = arith.muli %add3A_656, %mul3A_659 : i32
        %add3A_661 = arith.constant 0 : i32
        %add3A_662 = arith.addi %mul3A_660, %add3A_661 : i32
        %mul3A_663 = arith.constant 1664 : i32
        %mul3A_664 = arith.muli %rem3A_658, %mul3A_663 : i32
        %add3A_665 = arith.constant 0 : i32
        %add3A_666 = arith.addi %mul3A_664, %add3A_665 : i32
        %mul3A_667 = arith.constant 1680 : i32
        %mul3A_668 = arith.muli %rem3A_658, %mul3A_667 : i32
        %add3A_669 = arith.constant 0 : i32
        %add3A_670 = arith.addi %mul3A_668, %add3A_669 : i32
        %add3A_671 = arith.constant 1 : i32
        %add3A_672 = arith.addi %mul3A_660, %add3A_671 : i32
        %mul3A_673 = arith.constant 1664 : i32
        %mul3A_674 = arith.muli %rem3A_658, %mul3A_673 : i32
        %add3A_675 = arith.constant 128 : i32
        %add3A_676 = arith.addi %mul3A_674, %add3A_675 : i32
        %mul3A_677 = arith.constant 1680 : i32
        %mul3A_678 = arith.muli %rem3A_658, %mul3A_677 : i32
        %add3A_679 = arith.constant 128 : i32
        %add3A_680 = arith.addi %mul3A_678, %add3A_679 : i32
        %add3A_681 = arith.constant 2 : i32
        %add3A_682 = arith.addi %mul3A_660, %add3A_681 : i32
        %mul3A_683 = arith.constant 1664 : i32
        %mul3A_684 = arith.muli %rem3A_658, %mul3A_683 : i32
        %add3A_685 = arith.constant 256 : i32
        %add3A_686 = arith.addi %mul3A_684, %add3A_685 : i32
        %mul3A_687 = arith.constant 1680 : i32
        %mul3A_688 = arith.muli %rem3A_658, %mul3A_687 : i32
        %add3A_689 = arith.constant 256 : i32
        %add3A_690 = arith.addi %mul3A_688, %add3A_689 : i32
        %add3A_691 = arith.constant 3 : i32
        %add3A_692 = arith.addi %mul3A_660, %add3A_691 : i32
        %mul3A_693 = arith.constant 1664 : i32
        %mul3A_694 = arith.muli %rem3A_658, %mul3A_693 : i32
        %add3A_695 = arith.constant 384 : i32
        %add3A_696 = arith.addi %mul3A_694, %add3A_695 : i32
        %mul3A_697 = arith.constant 1680 : i32
        %mul3A_698 = arith.muli %rem3A_658, %mul3A_697 : i32
        %add3A_699 = arith.constant 384 : i32
        %add3A_700 = arith.addi %mul3A_698, %add3A_699 : i32
        %add3A_701 = arith.constant 4 : i32
        %add3A_702 = arith.addi %mul3A_660, %add3A_701 : i32
        %mul3A_703 = arith.constant 1664 : i32
        %mul3A_704 = arith.muli %rem3A_658, %mul3A_703 : i32
        %add3A_705 = arith.constant 512 : i32
        %add3A_706 = arith.addi %mul3A_704, %add3A_705 : i32
        %mul3A_707 = arith.constant 1680 : i32
        %mul3A_708 = arith.muli %rem3A_658, %mul3A_707 : i32
        %add3A_709 = arith.constant 512 : i32
        %add3A_710 = arith.addi %mul3A_708, %add3A_709 : i32
        %add3A_711 = arith.constant 5 : i32
        %add3A_712 = arith.addi %mul3A_660, %add3A_711 : i32
        %mul3A_713 = arith.constant 1664 : i32
        %mul3A_714 = arith.muli %rem3A_658, %mul3A_713 : i32
        %add3A_715 = arith.constant 640 : i32
        %add3A_716 = arith.addi %mul3A_714, %add3A_715 : i32
        %mul3A_717 = arith.constant 1680 : i32
        %mul3A_718 = arith.muli %rem3A_658, %mul3A_717 : i32
        %add3A_719 = arith.constant 640 : i32
        %add3A_720 = arith.addi %mul3A_718, %add3A_719 : i32
        %add3A_721 = arith.constant 6 : i32
        %add3A_722 = arith.addi %mul3A_660, %add3A_721 : i32
        %mul3A_723 = arith.constant 1664 : i32
        %mul3A_724 = arith.muli %rem3A_658, %mul3A_723 : i32
        %add3A_725 = arith.constant 768 : i32
        %add3A_726 = arith.addi %mul3A_724, %add3A_725 : i32
        %mul3A_727 = arith.constant 1680 : i32
        %mul3A_728 = arith.muli %rem3A_658, %mul3A_727 : i32
        %add3A_729 = arith.constant 768 : i32
        %add3A_730 = arith.addi %mul3A_728, %add3A_729 : i32
        %add3A_731 = arith.constant 7 : i32
        %add3A_732 = arith.addi %mul3A_660, %add3A_731 : i32
        %mul3A_733 = arith.constant 1664 : i32
        %mul3A_734 = arith.muli %rem3A_658, %mul3A_733 : i32
        %add3A_735 = arith.constant 896 : i32
        %add3A_736 = arith.addi %mul3A_734, %add3A_735 : i32
        %mul3A_737 = arith.constant 1680 : i32
        %mul3A_738 = arith.muli %rem3A_658, %mul3A_737 : i32
        %add3A_739 = arith.constant 896 : i32
        %add3A_740 = arith.addi %mul3A_738, %add3A_739 : i32
        %add3A_741 = arith.constant 8 : i32
        %add3A_742 = arith.addi %mul3A_660, %add3A_741 : i32
        %mul3A_743 = arith.constant 1664 : i32
        %mul3A_744 = arith.muli %rem3A_658, %mul3A_743 : i32
        %add3A_745 = arith.constant 1024 : i32
        %add3A_746 = arith.addi %mul3A_744, %add3A_745 : i32
        %mul3A_747 = arith.constant 1680 : i32
        %mul3A_748 = arith.muli %rem3A_658, %mul3A_747 : i32
        %add3A_749 = arith.constant 1024 : i32
        %add3A_750 = arith.addi %mul3A_748, %add3A_749 : i32
        %add3A_751 = arith.constant 9 : i32
        %add3A_752 = arith.addi %mul3A_660, %add3A_751 : i32
        %mul3A_753 = arith.constant 1664 : i32
        %mul3A_754 = arith.muli %rem3A_658, %mul3A_753 : i32
        %add3A_755 = arith.constant 1152 : i32
        %add3A_756 = arith.addi %mul3A_754, %add3A_755 : i32
        %mul3A_757 = arith.constant 1680 : i32
        %mul3A_758 = arith.muli %rem3A_658, %mul3A_757 : i32
        %add3A_759 = arith.constant 1152 : i32
        %add3A_760 = arith.addi %mul3A_758, %add3A_759 : i32
        %add3A_761 = arith.constant 10 : i32
        %add3A_762 = arith.addi %mul3A_660, %add3A_761 : i32
        %mul3A_763 = arith.constant 1664 : i32
        %mul3A_764 = arith.muli %rem3A_658, %mul3A_763 : i32
        %add3A_765 = arith.constant 1280 : i32
        %add3A_766 = arith.addi %mul3A_764, %add3A_765 : i32
        %mul3A_767 = arith.constant 1680 : i32
        %mul3A_768 = arith.muli %rem3A_658, %mul3A_767 : i32
        %add3A_769 = arith.constant 1280 : i32
        %add3A_770 = arith.addi %mul3A_768, %add3A_769 : i32
        %add3A_771 = arith.constant 11 : i32
        %add3A_772 = arith.addi %mul3A_660, %add3A_771 : i32
        %mul3A_773 = arith.constant 1664 : i32
        %mul3A_774 = arith.muli %rem3A_658, %mul3A_773 : i32
        %add3A_775 = arith.constant 1408 : i32
        %add3A_776 = arith.addi %mul3A_774, %add3A_775 : i32
        %mul3A_777 = arith.constant 1680 : i32
        %mul3A_778 = arith.muli %rem3A_658, %mul3A_777 : i32
        %add3A_779 = arith.constant 1408 : i32
        %add3A_780 = arith.addi %mul3A_778, %add3A_779 : i32
        %add3A_781 = arith.constant 12 : i32
        %add3A_782 = arith.addi %mul3A_660, %add3A_781 : i32
        %mul3A_783 = arith.constant 1664 : i32
        %mul3A_784 = arith.muli %rem3A_658, %mul3A_783 : i32
        %add3A_785 = arith.constant 1536 : i32
        %add3A_786 = arith.addi %mul3A_784, %add3A_785 : i32
        %mul3A_787 = arith.constant 1680 : i32
        %mul3A_788 = arith.muli %rem3A_658, %mul3A_787 : i32
        %add3A_789 = arith.constant 1536 : i32
        %add3A_790 = arith.addi %mul3A_788, %add3A_789 : i32
        %dma_start3A_791 = arith.constant 0 : i32
        %dma_start3A_792 = tpu.memref_slice %arg7[%add3A_666, %dma_start3A_791] : memref<3328x16xf32, #tpu.memory_space<vmem>> -> memref<128x16xf32, #tpu.memory_space<vmem>>
        %dma_start3A_793 = arith.constant 0 : i32
        %dma_start3A_794 = tpu.memref_slice %arg6[%add3A_662, %dma_start3A_793] : memref<104x128xi32, #tpu.memory_space<vmem>> -> memref<1x128xi32, #tpu.memory_space<vmem>>
        %dma_start3A_795 = tpu.memref_squeeze %dma_start3A_794 : memref<1x128xi32, #tpu.memory_space<vmem>> -> memref<128xi32, #tpu.memory_space<vmem>>
        %dma_start3A_796 = arith.constant 0 : i32
        %dma_start3A_797 = arith.constant 0 : i32
        %dma_start3A_798 = tpu.memref_slice %arg4[%dma_start3A_796, %dma_start3A_797] : memref<1000000x16xf32, #tpu.memory_space<hbm>> -> memref<1000000x16xf32, #tpu.memory_space<hbm>>
        tpu.enqueue_indirect_dma source(%dma_start3A_798 : memref<1000000x16xf32, #tpu.memory_space<hbm>>) target(%dma_start3A_792 : memref<128x16xf32, #tpu.memory_space<vmem>>) offsets(%dma_start3A_795 : memref<128xi32, #tpu.memory_space<vmem>>) semaphore(%arg11 : memref<!tpu.dma_semaphore, #tpu.memory_space<semaphore_mem>>)
        %dma_start3A_799 = tpu.memref_slice %arg8[%add3A_670] : memref<3360xf32, #tpu.memory_space<vmem>> -> memref<128xf32, #tpu.memory_space<vmem>>
        %dma_start3A_800 = arith.constant 0 : i32
        %dma_start3A_801 = tpu.memref_slice %arg6[%add3A_662, %dma_start3A_800] : memref<104x128xi32, #tpu.memory_space<vmem>> -> memref<1x128xi32, #tpu.memory_space<vmem>>
        %dma_start3A_802 = tpu.memref_squeeze %dma_start3A_801 : memref<1x128xi32, #tpu.memory_space<vmem>> -> memref<128xi32, #tpu.memory_space<vmem>>
        %dma_start3A_803 = arith.constant 0 : i32
        %dma_start3A_804 = tpu.memref_slice %arg3[%dma_start3A_803] : memref<1000000xf32, #tpu.memory_space<hbm>> -> memref<1000000xf32, #tpu.memory_space<hbm>>
        tpu.enqueue_indirect_dma source(%dma_start3A_804 : memref<1000000xf32, #tpu.memory_space<hbm>>) target(%dma_start3A_799 : memref<128xf32, #tpu.memory_space<vmem>>) offsets(%dma_start3A_802 : memref<128xi32, #tpu.memory_space<vmem>>) semaphore(%arg12 : memref<!tpu.dma_semaphore, #tpu.memory_space<semaphore_mem>>)
        %dma_start3A_805 = arith.constant 0 : i32
        %dma_start3A_806 = tpu.memref_slice %arg7[%add3A_676, %dma_start3A_805] : memref<3328x16xf32, #tpu.memory_space<vmem>> -> memref<128x16xf32, #tpu.memory_space<vmem>>
        %dma_start3A_807 = arith.constant 0 : i32
        %dma_start3A_808 = tpu.memref_slice %arg6[%add3A_672, %dma_start3A_807] : memref<104x128xi32, #tpu.memory_space<vmem>> -> memref<1x128xi32, #tpu.memory_space<vmem>>
        %dma_start3A_809 = tpu.memref_squeeze %dma_start3A_808 : memref<1x128xi32, #tpu.memory_space<vmem>> -> memref<128xi32, #tpu.memory_space<vmem>>
        %dma_start3A_810 = arith.constant 0 : i32
        %dma_start3A_811 = arith.constant 0 : i32
        %dma_start3A_812 = tpu.memref_slice %arg4[%dma_start3A_810, %dma_start3A_811] : memref<1000000x16xf32, #tpu.memory_space<hbm>> -> memref<1000000x16xf32, #tpu.memory_space<hbm>>
        tpu.enqueue_indirect_dma source(%dma_start3A_812 : memref<1000000x16xf32, #tpu.memory_space<hbm>>) target(%dma_start3A_806 : memref<128x16xf32, #tpu.memory_space<vmem>>) offsets(%dma_start3A_809 : memref<128xi32, #tpu.memory_space<vmem>>) semaphore(%arg11 : memref<!tpu.dma_semaphore, #tpu.memory_space<semaphore_mem>>)
        %dma_start3A_813 = tpu.memref_slice %arg8[%add3A_680] : memref<3360xf32, #tpu.memory_space<vmem>> -> memref<128xf32, #tpu.memory_space<vmem>>
        %dma_start3A_814 = arith.constant 0 : i32
        %dma_start3A_815 = tpu.memref_slice %arg6[%add3A_672, %dma_start3A_814] : memref<104x128xi32, #tpu.memory_space<vmem>> -> memref<1x128xi32, #tpu.memory_space<vmem>>
        %dma_start3A_816 = tpu.memref_squeeze %dma_start3A_815 : memref<1x128xi32, #tpu.memory_space<vmem>> -> memref<128xi32, #tpu.memory_space<vmem>>
        %dma_start3A_817 = arith.constant 0 : i32
        %dma_start3A_818 = tpu.memref_slice %arg3[%dma_start3A_817] : memref<1000000xf32, #tpu.memory_space<hbm>> -> memref<1000000xf32, #tpu.memory_space<hbm>>
        tpu.enqueue_indirect_dma source(%dma_start3A_818 : memref<1000000xf32, #tpu.memory_space<hbm>>) target(%dma_start3A_813 : memref<128xf32, #tpu.memory_space<vmem>>) offsets(%dma_start3A_816 : memref<128xi32, #tpu.memory_space<vmem>>) semaphore(%arg12 : memref<!tpu.dma_semaphore, #tpu.memory_space<semaphore_mem>>)
        %dma_start3A_819 = arith.constant 0 : i32
        %dma_start3A_820 = tpu.memref_slice %arg7[%add3A_686, %dma_start3A_819] : memref<3328x16xf32, #tpu.memory_space<vmem>> -> memref<128x16xf32, #tpu.memory_space<vmem>>
        %dma_start3A_821 = arith.constant 0 : i32
        %dma_start3A_822 = tpu.memref_slice %arg6[%add3A_682, %dma_start3A_821] : memref<104x128xi32, #tpu.memory_space<vmem>> -> memref<1x128xi32, #tpu.memory_space<vmem>>
        %dma_start3A_823 = tpu.memref_squeeze %dma_start3A_822 : memref<1x128xi32, #tpu.memory_space<vmem>> -> memref<128xi32, #tpu.memory_space<vmem>>
        %dma_start3A_824 = arith.constant 0 : i32
        %dma_start3A_825 = arith.constant 0 : i32
        %dma_start3A_826 = tpu.memref_slice %arg4[%dma_start3A_824, %dma_start3A_825] : memref<1000000x16xf32, #tpu.memory_space<hbm>> -> memref<1000000x16xf32, #tpu.memory_space<hbm>>
        tpu.enqueue_indirect_dma source(%dma_start3A_826 : memref<1000000x16xf32, #tpu.memory_space<hbm>>) target(%dma_start3A_820 : memref<128x16xf32, #tpu.memory_space<vmem>>) offsets(%dma_start3A_823 : memref<128xi32, #tpu.memory_space<vmem>>) semaphore(%arg11 : memref<!tpu.dma_semaphore, #tpu.memory_space<semaphore_mem>>)
        %dma_start3A_827 = tpu.memref_slice %arg8[%add3A_690] : memref<3360xf32, #tpu.memory_space<vmem>> -> memref<128xf32, #tpu.memory_space<vmem>>
        %dma_start3A_828 = arith.constant 0 : i32
        %dma_start3A_829 = tpu.memref_slice %arg6[%add3A_682, %dma_start3A_828] : memref<104x128xi32, #tpu.memory_space<vmem>> -> memref<1x128xi32, #tpu.memory_space<vmem>>
        %dma_start3A_830 = tpu.memref_squeeze %dma_start3A_829 : memref<1x128xi32, #tpu.memory_space<vmem>> -> memref<128xi32, #tpu.memory_space<vmem>>
        %dma_start3A_831 = arith.constant 0 : i32
        %dma_start3A_832 = tpu.memref_slice %arg3[%dma_start3A_831] : memref<1000000xf32, #tpu.memory_space<hbm>> -> memref<1000000xf32, #tpu.memory_space<hbm>>
        tpu.enqueue_indirect_dma source(%dma_start3A_832 : memref<1000000xf32, #tpu.memory_space<hbm>>) target(%dma_start3A_827 : memref<128xf32, #tpu.memory_space<vmem>>) offsets(%dma_start3A_830 : memref<128xi32, #tpu.memory_space<vmem>>) semaphore(%arg12 : memref<!tpu.dma_semaphore, #tpu.memory_space<semaphore_mem>>)
        %dma_start3A_833 = arith.constant 0 : i32
        %dma_start3A_834 = tpu.memref_slice %arg7[%add3A_696, %dma_start3A_833] : memref<3328x16xf32, #tpu.memory_space<vmem>> -> memref<128x16xf32, #tpu.memory_space<vmem>>
        %dma_start3A_835 = arith.constant 0 : i32
        %dma_start3A_836 = tpu.memref_slice %arg6[%add3A_692, %dma_start3A_835] : memref<104x128xi32, #tpu.memory_space<vmem>> -> memref<1x128xi32, #tpu.memory_space<vmem>>
        %dma_start3A_837 = tpu.memref_squeeze %dma_start3A_836 : memref<1x128xi32, #tpu.memory_space<vmem>> -> memref<128xi32, #tpu.memory_space<vmem>>
        %dma_start3A_838 = arith.constant 0 : i32
        %dma_start3A_839 = arith.constant 0 : i32
        %dma_start3A_840 = tpu.memref_slice %arg4[%dma_start3A_838, %dma_start3A_839] : memref<1000000x16xf32, #tpu.memory_space<hbm>> -> memref<1000000x16xf32, #tpu.memory_space<hbm>>
        tpu.enqueue_indirect_dma source(%dma_start3A_840 : memref<1000000x16xf32, #tpu.memory_space<hbm>>) target(%dma_start3A_834 : memref<128x16xf32, #tpu.memory_space<vmem>>) offsets(%dma_start3A_837 : memref<128xi32, #tpu.memory_space<vmem>>) semaphore(%arg11 : memref<!tpu.dma_semaphore, #tpu.memory_space<semaphore_mem>>)
        %dma_start3A_841 = tpu.memref_slice %arg8[%add3A_700] : memref<3360xf32, #tpu.memory_space<vmem>> -> memref<128xf32, #tpu.memory_space<vmem>>
        %dma_start3A_842 = arith.constant 0 : i32
        %dma_start3A_843 = tpu.memref_slice %arg6[%add3A_692, %dma_start3A_842] : memref<104x128xi32, #tpu.memory_space<vmem>> -> memref<1x128xi32, #tpu.memory_space<vmem>>
        %dma_start3A_844 = tpu.memref_squeeze %dma_start3A_843 : memref<1x128xi32, #tpu.memory_space<vmem>> -> memref<128xi32, #tpu.memory_space<vmem>>
        %dma_start3A_845 = arith.constant 0 : i32
        %dma_start3A_846 = tpu.memref_slice %arg3[%dma_start3A_845] : memref<1000000xf32, #tpu.memory_space<hbm>> -> memref<1000000xf32, #tpu.memory_space<hbm>>
        tpu.enqueue_indirect_dma source(%dma_start3A_846 : memref<1000000xf32, #tpu.memory_space<hbm>>) target(%dma_start3A_841 : memref<128xf32, #tpu.memory_space<vmem>>) offsets(%dma_start3A_844 : memref<128xi32, #tpu.memory_space<vmem>>) semaphore(%arg12 : memref<!tpu.dma_semaphore, #tpu.memory_space<semaphore_mem>>)
        %dma_start3A_847 = arith.constant 0 : i32
        %dma_start3A_848 = tpu.memref_slice %arg7[%add3A_706, %dma_start3A_847] : memref<3328x16xf32, #tpu.memory_space<vmem>> -> memref<128x16xf32, #tpu.memory_space<vmem>>
        %dma_start3A_849 = arith.constant 0 : i32
        %dma_start3A_850 = tpu.memref_slice %arg6[%add3A_702, %dma_start3A_849] : memref<104x128xi32, #tpu.memory_space<vmem>> -> memref<1x128xi32, #tpu.memory_space<vmem>>
        %dma_start3A_851 = tpu.memref_squeeze %dma_start3A_850 : memref<1x128xi32, #tpu.memory_space<vmem>> -> memref<128xi32, #tpu.memory_space<vmem>>
        %dma_start3A_852 = arith.constant 0 : i32
        %dma_start3A_853 = arith.constant 0 : i32
        %dma_start3A_854 = tpu.memref_slice %arg4[%dma_start3A_852, %dma_start3A_853] : memref<1000000x16xf32, #tpu.memory_space<hbm>> -> memref<1000000x16xf32, #tpu.memory_space<hbm>>
        tpu.enqueue_indirect_dma source(%dma_start3A_854 : memref<1000000x16xf32, #tpu.memory_space<hbm>>) target(%dma_start3A_848 : memref<128x16xf32, #tpu.memory_space<vmem>>) offsets(%dma_start3A_851 : memref<128xi32, #tpu.memory_space<vmem>>) semaphore(%arg11 : memref<!tpu.dma_semaphore, #tpu.memory_space<semaphore_mem>>)
        %dma_start3A_855 = tpu.memref_slice %arg8[%add3A_710] : memref<3360xf32, #tpu.memory_space<vmem>> -> memref<128xf32, #tpu.memory_space<vmem>>
        %dma_start3A_856 = arith.constant 0 : i32
        %dma_start3A_857 = tpu.memref_slice %arg6[%add3A_702, %dma_start3A_856] : memref<104x128xi32, #tpu.memory_space<vmem>> -> memref<1x128xi32, #tpu.memory_space<vmem>>
        %dma_start3A_858 = tpu.memref_squeeze %dma_start3A_857 : memref<1x128xi32, #tpu.memory_space<vmem>> -> memref<128xi32, #tpu.memory_space<vmem>>
        %dma_start3A_859 = arith.constant 0 : i32
        %dma_start3A_860 = tpu.memref_slice %arg3[%dma_start3A_859] : memref<1000000xf32, #tpu.memory_space<hbm>> -> memref<1000000xf32, #tpu.memory_space<hbm>>
        tpu.enqueue_indirect_dma source(%dma_start3A_860 : memref<1000000xf32, #tpu.memory_space<hbm>>) target(%dma_start3A_855 : memref<128xf32, #tpu.memory_space<vmem>>) offsets(%dma_start3A_858 : memref<128xi32, #tpu.memory_space<vmem>>) semaphore(%arg12 : memref<!tpu.dma_semaphore, #tpu.memory_space<semaphore_mem>>)
        %dma_start3A_861 = arith.constant 0 : i32
        %dma_start3A_862 = tpu.memref_slice %arg7[%add3A_716, %dma_start3A_861] : memref<3328x16xf32, #tpu.memory_space<vmem>> -> memref<128x16xf32, #tpu.memory_space<vmem>>
        %dma_start3A_863 = arith.constant 0 : i32
        %dma_start3A_864 = tpu.memref_slice %arg6[%add3A_712, %dma_start3A_863] : memref<104x128xi32, #tpu.memory_space<vmem>> -> memref<1x128xi32, #tpu.memory_space<vmem>>
        %dma_start3A_865 = tpu.memref_squeeze %dma_start3A_864 : memref<1x128xi32, #tpu.memory_space<vmem>> -> memref<128xi32, #tpu.memory_space<vmem>>
        %dma_start3A_866 = arith.constant 0 : i32
        %dma_start3A_867 = arith.constant 0 : i32
        %dma_start3A_868 = tpu.memref_slice %arg4[%dma_start3A_866, %dma_start3A_867] : memref<1000000x16xf32, #tpu.memory_space<hbm>> -> memref<1000000x16xf32, #tpu.memory_space<hbm>>
        tpu.enqueue_indirect_dma source(%dma_start3A_868 : memref<1000000x16xf32, #tpu.memory_space<hbm>>) target(%dma_start3A_862 : memref<128x16xf32, #tpu.memory_space<vmem>>) offsets(%dma_start3A_865 : memref<128xi32, #tpu.memory_space<vmem>>) semaphore(%arg11 : memref<!tpu.dma_semaphore, #tpu.memory_space<semaphore_mem>>)
        %dma_start3A_869 = tpu.memref_slice %arg8[%add3A_720] : memref<3360xf32, #tpu.memory_space<vmem>> -> memref<128xf32, #tpu.memory_space<vmem>>
        %dma_start3A_870 = arith.constant 0 : i32
        %dma_start3A_871 = tpu.memref_slice %arg6[%add3A_712, %dma_start3A_870] : memref<104x128xi32, #tpu.memory_space<vmem>> -> memref<1x128xi32, #tpu.memory_space<vmem>>
        %dma_start3A_872 = tpu.memref_squeeze %dma_start3A_871 : memref<1x128xi32, #tpu.memory_space<vmem>> -> memref<128xi32, #tpu.memory_space<vmem>>
        %dma_start3A_873 = arith.constant 0 : i32
        %dma_start3A_874 = tpu.memref_slice %arg3[%dma_start3A_873] : memref<1000000xf32, #tpu.memory_space<hbm>> -> memref<1000000xf32, #tpu.memory_space<hbm>>
        tpu.enqueue_indirect_dma source(%dma_start3A_874 : memref<1000000xf32, #tpu.memory_space<hbm>>) target(%dma_start3A_869 : memref<128xf32, #tpu.memory_space<vmem>>) offsets(%dma_start3A_872 : memref<128xi32, #tpu.memory_space<vmem>>) semaphore(%arg12 : memref<!tpu.dma_semaphore, #tpu.memory_space<semaphore_mem>>)
        %dma_start3A_875 = arith.constant 0 : i32
        %dma_start3A_876 = tpu.memref_slice %arg7[%add3A_726, %dma_start3A_875] : memref<3328x16xf32, #tpu.memory_space<vmem>> -> memref<128x16xf32, #tpu.memory_space<vmem>>
        %dma_start3A_877 = arith.constant 0 : i32
        %dma_start3A_878 = tpu.memref_slice %arg6[%add3A_722, %dma_start3A_877] : memref<104x128xi32, #tpu.memory_space<vmem>> -> memref<1x128xi32, #tpu.memory_space<vmem>>
        %dma_start3A_879 = tpu.memref_squeeze %dma_start3A_878 : memref<1x128xi32, #tpu.memory_space<vmem>> -> memref<128xi32, #tpu.memory_space<vmem>>
        %dma_start3A_880 = arith.constant 0 : i32
        %dma_start3A_881 = arith.constant 0 : i32
        %dma_start3A_882 = tpu.memref_slice %arg4[%dma_start3A_880, %dma_start3A_881] : memref<1000000x16xf32, #tpu.memory_space<hbm>> -> memref<1000000x16xf32, #tpu.memory_space<hbm>>
        tpu.enqueue_indirect_dma source(%dma_start3A_882 : memref<1000000x16xf32, #tpu.memory_space<hbm>>) target(%dma_start3A_876 : memref<128x16xf32, #tpu.memory_space<vmem>>) offsets(%dma_start3A_879 : memref<128xi32, #tpu.memory_space<vmem>>) semaphore(%arg11 : memref<!tpu.dma_semaphore, #tpu.memory_space<semaphore_mem>>)
        %dma_start3A_883 = tpu.memref_slice %arg8[%add3A_730] : memref<3360xf32, #tpu.memory_space<vmem>> -> memref<128xf32, #tpu.memory_space<vmem>>
        %dma_start3A_884 = arith.constant 0 : i32
        %dma_start3A_885 = tpu.memref_slice %arg6[%add3A_722, %dma_start3A_884] : memref<104x128xi32, #tpu.memory_space<vmem>> -> memref<1x128xi32, #tpu.memory_space<vmem>>
        %dma_start3A_886 = tpu.memref_squeeze %dma_start3A_885 : memref<1x128xi32, #tpu.memory_space<vmem>> -> memref<128xi32, #tpu.memory_space<vmem>>
        %dma_start3A_887 = arith.constant 0 : i32
        %dma_start3A_888 = tpu.memref_slice %arg3[%dma_start3A_887] : memref<1000000xf32, #tpu.memory_space<hbm>> -> memref<1000000xf32, #tpu.memory_space<hbm>>
        tpu.enqueue_indirect_dma source(%dma_start3A_888 : memref<1000000xf32, #tpu.memory_space<hbm>>) target(%dma_start3A_883 : memref<128xf32, #tpu.memory_space<vmem>>) offsets(%dma_start3A_886 : memref<128xi32, #tpu.memory_space<vmem>>) semaphore(%arg12 : memref<!tpu.dma_semaphore, #tpu.memory_space<semaphore_mem>>)
        %dma_start3A_889 = arith.constant 0 : i32
        %dma_start3A_890 = tpu.memref_slice %arg7[%add3A_736, %dma_start3A_889] : memref<3328x16xf32, #tpu.memory_space<vmem>> -> memref<128x16xf32, #tpu.memory_space<vmem>>
        %dma_start3A_891 = arith.constant 0 : i32
        %dma_start3A_892 = tpu.memref_slice %arg6[%add3A_732, %dma_start3A_891] : memref<104x128xi32, #tpu.memory_space<vmem>> -> memref<1x128xi32, #tpu.memory_space<vmem>>
        %dma_start3A_893 = tpu.memref_squeeze %dma_start3A_892 : memref<1x128xi32, #tpu.memory_space<vmem>> -> memref<128xi32, #tpu.memory_space<vmem>>
        %dma_start3A_894 = arith.constant 0 : i32
        %dma_start3A_895 = arith.constant 0 : i32
        %dma_start3A_896 = tpu.memref_slice %arg4[%dma_start3A_894, %dma_start3A_895] : memref<1000000x16xf32, #tpu.memory_space<hbm>> -> memref<1000000x16xf32, #tpu.memory_space<hbm>>
        tpu.enqueue_indirect_dma source(%dma_start3A_896 : memref<1000000x16xf32, #tpu.memory_space<hbm>>) target(%dma_start3A_890 : memref<128x16xf32, #tpu.memory_space<vmem>>) offsets(%dma_start3A_893 : memref<128xi32, #tpu.memory_space<vmem>>) semaphore(%arg11 : memref<!tpu.dma_semaphore, #tpu.memory_space<semaphore_mem>>)
        %dma_start3A_897 = tpu.memref_slice %arg8[%add3A_740] : memref<3360xf32, #tpu.memory_space<vmem>> -> memref<128xf32, #tpu.memory_space<vmem>>
        %dma_start3A_898 = arith.constant 0 : i32
        %dma_start3A_899 = tpu.memref_slice %arg6[%add3A_732, %dma_start3A_898] : memref<104x128xi32, #tpu.memory_space<vmem>> -> memref<1x128xi32, #tpu.memory_space<vmem>>
        %dma_start3A_900 = tpu.memref_squeeze %dma_start3A_899 : memref<1x128xi32, #tpu.memory_space<vmem>> -> memref<128xi32, #tpu.memory_space<vmem>>
        %dma_start3A_901 = arith.constant 0 : i32
        %dma_start3A_902 = tpu.memref_slice %arg3[%dma_start3A_901] : memref<1000000xf32, #tpu.memory_space<hbm>> -> memref<1000000xf32, #tpu.memory_space<hbm>>
        tpu.enqueue_indirect_dma source(%dma_start3A_902 : memref<1000000xf32, #tpu.memory_space<hbm>>) target(%dma_start3A_897 : memref<128xf32, #tpu.memory_space<vmem>>) offsets(%dma_start3A_900 : memref<128xi32, #tpu.memory_space<vmem>>) semaphore(%arg12 : memref<!tpu.dma_semaphore, #tpu.memory_space<semaphore_mem>>)
        %dma_start3A_903 = arith.constant 0 : i32
        %dma_start3A_904 = tpu.memref_slice %arg7[%add3A_746, %dma_start3A_903] : memref<3328x16xf32, #tpu.memory_space<vmem>> -> memref<128x16xf32, #tpu.memory_space<vmem>>
        %dma_start3A_905 = arith.constant 0 : i32
        %dma_start3A_906 = tpu.memref_slice %arg6[%add3A_742, %dma_start3A_905] : memref<104x128xi32, #tpu.memory_space<vmem>> -> memref<1x128xi32, #tpu.memory_space<vmem>>
        %dma_start3A_907 = tpu.memref_squeeze %dma_start3A_906 : memref<1x128xi32, #tpu.memory_space<vmem>> -> memref<128xi32, #tpu.memory_space<vmem>>
        %dma_start3A_908 = arith.constant 0 : i32
        %dma_start3A_909 = arith.constant 0 : i32
        %dma_start3A_910 = tpu.memref_slice %arg4[%dma_start3A_908, %dma_start3A_909] : memref<1000000x16xf32, #tpu.memory_space<hbm>> -> memref<1000000x16xf32, #tpu.memory_space<hbm>>
        tpu.enqueue_indirect_dma source(%dma_start3A_910 : memref<1000000x16xf32, #tpu.memory_space<hbm>>) target(%dma_start3A_904 : memref<128x16xf32, #tpu.memory_space<vmem>>) offsets(%dma_start3A_907 : memref<128xi32, #tpu.memory_space<vmem>>) semaphore(%arg11 : memref<!tpu.dma_semaphore, #tpu.memory_space<semaphore_mem>>)
        %dma_start3A_911 = tpu.memref_slice %arg8[%add3A_750] : memref<3360xf32, #tpu.memory_space<vmem>> -> memref<128xf32, #tpu.memory_space<vmem>>
        %dma_start3A_912 = arith.constant 0 : i32
        %dma_start3A_913 = tpu.memref_slice %arg6[%add3A_742, %dma_start3A_912] : memref<104x128xi32, #tpu.memory_space<vmem>> -> memref<1x128xi32, #tpu.memory_space<vmem>>
        %dma_start3A_914 = tpu.memref_squeeze %dma_start3A_913 : memref<1x128xi32, #tpu.memory_space<vmem>> -> memref<128xi32, #tpu.memory_space<vmem>>
        %dma_start3A_915 = arith.constant 0 : i32
        %dma_start3A_916 = tpu.memref_slice %arg3[%dma_start3A_915] : memref<1000000xf32, #tpu.memory_space<hbm>> -> memref<1000000xf32, #tpu.memory_space<hbm>>
        tpu.enqueue_indirect_dma source(%dma_start3A_916 : memref<1000000xf32, #tpu.memory_space<hbm>>) target(%dma_start3A_911 : memref<128xf32, #tpu.memory_space<vmem>>) offsets(%dma_start3A_914 : memref<128xi32, #tpu.memory_space<vmem>>) semaphore(%arg12 : memref<!tpu.dma_semaphore, #tpu.memory_space<semaphore_mem>>)
        %dma_start3A_917 = arith.constant 0 : i32
        %dma_start3A_918 = tpu.memref_slice %arg7[%add3A_756, %dma_start3A_917] : memref<3328x16xf32, #tpu.memory_space<vmem>> -> memref<128x16xf32, #tpu.memory_space<vmem>>
        %dma_start3A_919 = arith.constant 0 : i32
        %dma_start3A_920 = tpu.memref_slice %arg6[%add3A_752, %dma_start3A_919] : memref<104x128xi32, #tpu.memory_space<vmem>> -> memref<1x128xi32, #tpu.memory_space<vmem>>
        %dma_start3A_921 = tpu.memref_squeeze %dma_start3A_920 : memref<1x128xi32, #tpu.memory_space<vmem>> -> memref<128xi32, #tpu.memory_space<vmem>>
        %dma_start3A_922 = arith.constant 0 : i32
        %dma_start3A_923 = arith.constant 0 : i32
        %dma_start3A_924 = tpu.memref_slice %arg4[%dma_start3A_922, %dma_start3A_923] : memref<1000000x16xf32, #tpu.memory_space<hbm>> -> memref<1000000x16xf32, #tpu.memory_space<hbm>>
        tpu.enqueue_indirect_dma source(%dma_start3A_924 : memref<1000000x16xf32, #tpu.memory_space<hbm>>) target(%dma_start3A_918 : memref<128x16xf32, #tpu.memory_space<vmem>>) offsets(%dma_start3A_921 : memref<128xi32, #tpu.memory_space<vmem>>) semaphore(%arg11 : memref<!tpu.dma_semaphore, #tpu.memory_space<semaphore_mem>>)
        %dma_start3A_925 = tpu.memref_slice %arg8[%add3A_760] : memref<3360xf32, #tpu.memory_space<vmem>> -> memref<128xf32, #tpu.memory_space<vmem>>
        %dma_start3A_926 = arith.constant 0 : i32
        %dma_start3A_927 = tpu.memref_slice %arg6[%add3A_752, %dma_start3A_926] : memref<104x128xi32, #tpu.memory_space<vmem>> -> memref<1x128xi32, #tpu.memory_space<vmem>>
        %dma_start3A_928 = tpu.memref_squeeze %dma_start3A_927 : memref<1x128xi32, #tpu.memory_space<vmem>> -> memref<128xi32, #tpu.memory_space<vmem>>
        %dma_start3A_929 = arith.constant 0 : i32
        %dma_start3A_930 = tpu.memref_slice %arg3[%dma_start3A_929] : memref<1000000xf32, #tpu.memory_space<hbm>> -> memref<1000000xf32, #tpu.memory_space<hbm>>
        tpu.enqueue_indirect_dma source(%dma_start3A_930 : memref<1000000xf32, #tpu.memory_space<hbm>>) target(%dma_start3A_925 : memref<128xf32, #tpu.memory_space<vmem>>) offsets(%dma_start3A_928 : memref<128xi32, #tpu.memory_space<vmem>>) semaphore(%arg12 : memref<!tpu.dma_semaphore, #tpu.memory_space<semaphore_mem>>)
        %dma_start3A_931 = arith.constant 0 : i32
        %dma_start3A_932 = tpu.memref_slice %arg7[%add3A_766, %dma_start3A_931] : memref<3328x16xf32, #tpu.memory_space<vmem>> -> memref<128x16xf32, #tpu.memory_space<vmem>>
        %dma_start3A_933 = arith.constant 0 : i32
        %dma_start3A_934 = tpu.memref_slice %arg6[%add3A_762, %dma_start3A_933] : memref<104x128xi32, #tpu.memory_space<vmem>> -> memref<1x128xi32, #tpu.memory_space<vmem>>
        %dma_start3A_935 = tpu.memref_squeeze %dma_start3A_934 : memref<1x128xi32, #tpu.memory_space<vmem>> -> memref<128xi32, #tpu.memory_space<vmem>>
        %dma_start3A_936 = arith.constant 0 : i32
        %dma_start3A_937 = arith.constant 0 : i32
        %dma_start3A_938 = tpu.memref_slice %arg4[%dma_start3A_936, %dma_start3A_937] : memref<1000000x16xf32, #tpu.memory_space<hbm>> -> memref<1000000x16xf32, #tpu.memory_space<hbm>>
        tpu.enqueue_indirect_dma source(%dma_start3A_938 : memref<1000000x16xf32, #tpu.memory_space<hbm>>) target(%dma_start3A_932 : memref<128x16xf32, #tpu.memory_space<vmem>>) offsets(%dma_start3A_935 : memref<128xi32, #tpu.memory_space<vmem>>) semaphore(%arg11 : memref<!tpu.dma_semaphore, #tpu.memory_space<semaphore_mem>>)
        %dma_start3A_939 = tpu.memref_slice %arg8[%add3A_770] : memref<3360xf32, #tpu.memory_space<vmem>> -> memref<128xf32, #tpu.memory_space<vmem>>
        %dma_start3A_940 = arith.constant 0 : i32
        %dma_start3A_941 = tpu.memref_slice %arg6[%add3A_762, %dma_start3A_940] : memref<104x128xi32, #tpu.memory_space<vmem>> -> memref<1x128xi32, #tpu.memory_space<vmem>>
        %dma_start3A_942 = tpu.memref_squeeze %dma_start3A_941 : memref<1x128xi32, #tpu.memory_space<vmem>> -> memref<128xi32, #tpu.memory_space<vmem>>
        %dma_start3A_943 = arith.constant 0 : i32
        %dma_start3A_944 = tpu.memref_slice %arg3[%dma_start3A_943] : memref<1000000xf32, #tpu.memory_space<hbm>> -> memref<1000000xf32, #tpu.memory_space<hbm>>
        tpu.enqueue_indirect_dma source(%dma_start3A_944 : memref<1000000xf32, #tpu.memory_space<hbm>>) target(%dma_start3A_939 : memref<128xf32, #tpu.memory_space<vmem>>) offsets(%dma_start3A_942 : memref<128xi32, #tpu.memory_space<vmem>>) semaphore(%arg12 : memref<!tpu.dma_semaphore, #tpu.memory_space<semaphore_mem>>)
        %dma_start3A_945 = arith.constant 0 : i32
        %dma_start3A_946 = tpu.memref_slice %arg7[%add3A_776, %dma_start3A_945] : memref<3328x16xf32, #tpu.memory_space<vmem>> -> memref<128x16xf32, #tpu.memory_space<vmem>>
        %dma_start3A_947 = arith.constant 0 : i32
        %dma_start3A_948 = tpu.memref_slice %arg6[%add3A_772, %dma_start3A_947] : memref<104x128xi32, #tpu.memory_space<vmem>> -> memref<1x128xi32, #tpu.memory_space<vmem>>
        %dma_start3A_949 = tpu.memref_squeeze %dma_start3A_948 : memref<1x128xi32, #tpu.memory_space<vmem>> -> memref<128xi32, #tpu.memory_space<vmem>>
        %dma_start3A_950 = arith.constant 0 : i32
        %dma_start3A_951 = arith.constant 0 : i32
        %dma_start3A_952 = tpu.memref_slice %arg4[%dma_start3A_950, %dma_start3A_951] : memref<1000000x16xf32, #tpu.memory_space<hbm>> -> memref<1000000x16xf32, #tpu.memory_space<hbm>>
        tpu.enqueue_indirect_dma source(%dma_start3A_952 : memref<1000000x16xf32, #tpu.memory_space<hbm>>) target(%dma_start3A_946 : memref<128x16xf32, #tpu.memory_space<vmem>>) offsets(%dma_start3A_949 : memref<128xi32, #tpu.memory_space<vmem>>) semaphore(%arg11 : memref<!tpu.dma_semaphore, #tpu.memory_space<semaphore_mem>>)
        %dma_start3A_953 = tpu.memref_slice %arg8[%add3A_780] : memref<3360xf32, #tpu.memory_space<vmem>> -> memref<128xf32, #tpu.memory_space<vmem>>
        %dma_start3A_954 = arith.constant 0 : i32
        %dma_start3A_955 = tpu.memref_slice %arg6[%add3A_772, %dma_start3A_954] : memref<104x128xi32, #tpu.memory_space<vmem>> -> memref<1x128xi32, #tpu.memory_space<vmem>>
        %dma_start3A_956 = tpu.memref_squeeze %dma_start3A_955 : memref<1x128xi32, #tpu.memory_space<vmem>> -> memref<128xi32, #tpu.memory_space<vmem>>
        %dma_start3A_957 = arith.constant 0 : i32
        %dma_start3A_958 = tpu.memref_slice %arg3[%dma_start3A_957] : memref<1000000xf32, #tpu.memory_space<hbm>> -> memref<1000000xf32, #tpu.memory_space<hbm>>
        tpu.enqueue_indirect_dma source(%dma_start3A_958 : memref<1000000xf32, #tpu.memory_space<hbm>>) target(%dma_start3A_953 : memref<128xf32, #tpu.memory_space<vmem>>) offsets(%dma_start3A_956 : memref<128xi32, #tpu.memory_space<vmem>>) semaphore(%arg12 : memref<!tpu.dma_semaphore, #tpu.memory_space<semaphore_mem>>)
        %dma_start3A_959 = arith.constant 0 : i32
        %dma_start3A_960 = tpu.memref_slice %arg7[%add3A_786, %dma_start3A_959] : memref<3328x16xf32, #tpu.memory_space<vmem>> -> memref<128x16xf32, #tpu.memory_space<vmem>>
        %dma_start3A_961 = arith.constant 0 : i32
        %dma_start3A_962 = tpu.memref_slice %arg6[%add3A_782, %dma_start3A_961] : memref<104x128xi32, #tpu.memory_space<vmem>> -> memref<1x128xi32, #tpu.memory_space<vmem>>
        %dma_start3A_963 = tpu.memref_squeeze %dma_start3A_962 : memref<1x128xi32, #tpu.memory_space<vmem>> -> memref<128xi32, #tpu.memory_space<vmem>>
        %dma_start3A_964 = arith.constant 0 : i32
        %dma_start3A_965 = arith.constant 0 : i32
        %dma_start3A_966 = tpu.memref_slice %arg4[%dma_start3A_964, %dma_start3A_965] : memref<1000000x16xf32, #tpu.memory_space<hbm>> -> memref<1000000x16xf32, #tpu.memory_space<hbm>>
        tpu.enqueue_indirect_dma source(%dma_start3A_966 : memref<1000000x16xf32, #tpu.memory_space<hbm>>) target(%dma_start3A_960 : memref<128x16xf32, #tpu.memory_space<vmem>>) offsets(%dma_start3A_963 : memref<128xi32, #tpu.memory_space<vmem>>) semaphore(%arg11 : memref<!tpu.dma_semaphore, #tpu.memory_space<semaphore_mem>>)
        %dma_start3A_967 = tpu.memref_slice %arg8[%add3A_790] : memref<3360xf32, #tpu.memory_space<vmem>> -> memref<128xf32, #tpu.memory_space<vmem>>
        %dma_start3A_968 = arith.constant 0 : i32
        %dma_start3A_969 = tpu.memref_slice %arg6[%add3A_782, %dma_start3A_968] : memref<104x128xi32, #tpu.memory_space<vmem>> -> memref<1x128xi32, #tpu.memory_space<vmem>>
        %dma_start3A_970 = tpu.memref_squeeze %dma_start3A_969 : memref<1x128xi32, #tpu.memory_space<vmem>> -> memref<128xi32, #tpu.memory_space<vmem>>
        %dma_start3A_971 = arith.constant 0 : i32
        %dma_start3A_972 = tpu.memref_slice %arg3[%dma_start3A_971] : memref<1000000xf32, #tpu.memory_space<hbm>> -> memref<1000000xf32, #tpu.memory_space<hbm>>
        tpu.enqueue_indirect_dma source(%dma_start3A_972 : memref<1000000xf32, #tpu.memory_space<hbm>>) target(%dma_start3A_967 : memref<128xf32, #tpu.memory_space<vmem>>) offsets(%dma_start3A_970 : memref<128xi32, #tpu.memory_space<vmem>>) semaphore(%arg12 : memref<!tpu.dma_semaphore, #tpu.memory_space<semaphore_mem>>)
      } else {
      }
      %scan3A_647 = arith.constant 0 : i32
      %scan3A_648 = arith.constant 0 : i32
      %scan3A_649 = arith.constant 4 : i32
      %scan3A_650 = arith.addi %scan3A_648, %scan3A_649 : i32
      %scan3A_651 = arith.constant 1 : i32
      %scan3A_652 = scf.for %scan3A_655 = %scan3A_648 to %scan3A_650 step %scan3A_651 iter_args(%scan3A_656 = %scan3A_647) -> (i32)  : i32 {
        %mul3A_657 = arith.constant 16 : i32
        %mul3A_658 = arith.muli %scan3A_655, %mul3A_657 : i32
        %scan3A_659 = arith.constant 0 : i32
        %scan3A_660 = arith.constant 0 : i32
        %scan3A_661 = arith.constant 16 : i32
        %scan3A_662 = arith.addi %scan3A_660, %scan3A_661 : i32
        %scan3A_663 = arith.constant 1 : i32
        %scan3A_664 = scf.for %scan3A_863 = %scan3A_660 to %scan3A_662 step %scan3A_663 iter_args(%scan3A_864 = %scan3A_659) -> (i32)  : i32 {
          %mul3A_865 = arith.constant 1664 : i32
          %mul3A_866 = arith.muli %rem3A_327, %mul3A_865 : i32
          %add3A_867 = arith.addi %mul3A_658, %scan3A_863 : i32
          %mul3A_868 = arith.constant 26 : i32
          %mul3A_869 = arith.muli %add3A_867, %mul3A_868 : i32
          %add3A_870 = arith.addi %mul3A_866, %mul3A_869 : i32
          %mul3A_871 = arith.constant 1680 : i32
          %mul3A_872 = arith.muli %rem3A_327, %mul3A_871 : i32
          %add3A_873 = arith.addi %mul3A_658, %scan3A_863 : i32
          %mul3A_874 = arith.constant 26 : i32
          %mul3A_875 = arith.muli %add3A_873, %mul3A_874 : i32
          %add3A_876 = arith.addi %mul3A_872, %mul3A_875 : i32
          %broadcast_in_dim3A_877 = arith.constant 0.000000e+00 : f32
          %broadcast_in_dim3A_878 = vector.broadcast %broadcast_in_dim3A_877 : f32 to vector<16xf32>
          %broadcast_in_dim3A_879 = arith.constant 0.000000e+00 : f32
          %broadcast_in_dim3A_880 = vector.broadcast %broadcast_in_dim3A_879 : f32 to vector<16xf32>
          %add3A_881 = arith.constant 0 : i32
          %add3A_882 = arith.addi %add3A_870, %add3A_881 : i32
          %get3A = arith.index_cast %add3A_882 : i32 to index
          %get3A_883 = arith.constant 0 : index
          %get3A_884 = tpu.vector_load %arg7[%get3A, %get3A_883] {strides = array<i32>} : memref<3328x16xf32, #tpu.memory_space<vmem>>, vector<16xf32>,
          %add3A_885 = arith.addf %broadcast_in_dim3A_878, %get3A_884 : vector<16xf32>
          %mul3A_886 = arith.mulf %get3A_884, %get3A_884 : vector<16xf32>
          %add3A_887 = arith.addf %broadcast_in_dim3A_880, %mul3A_886 : vector<16xf32>
          %add3A_888 = arith.constant 1 : i32
          %add3A_889 = arith.addi %add3A_870, %add3A_888 : i32
          %get3A_890 = arith.index_cast %add3A_889 : i32 to index
          %get3A_891 = arith.constant 0 : index
          %get3A_892 = tpu.vector_load %arg7[%get3A_890, %get3A_891] {strides = array<i32>} : memref<3328x16xf32, #tpu.memory_space<vmem>>, vector<16xf32>,
          %add3A_893 = arith.addf %add3A_885, %get3A_892 : vector<16xf32>
          %mul3A_894 = arith.mulf %get3A_892, %get3A_892 : vector<16xf32>
          %add3A_895 = arith.addf %add3A_887, %mul3A_894 : vector<16xf32>
          %add3A_896 = arith.constant 2 : i32
          %add3A_897 = arith.addi %add3A_870, %add3A_896 : i32
          %get3A_898 = arith.index_cast %add3A_897 : i32 to index
          %get3A_899 = arith.constant 0 : index
          %get3A_900 = tpu.vector_load %arg7[%get3A_898, %get3A_899] {strides = array<i32>} : memref<3328x16xf32, #tpu.memory_space<vmem>>, vector<16xf32>,
          %add3A_901 = arith.addf %add3A_893, %get3A_900 : vector<16xf32>
          %mul3A_902 = arith.mulf %get3A_900, %get3A_900 : vector<16xf32>
          %add3A_903 = arith.addf %add3A_895, %mul3A_902 : vector<16xf32>
          %add3A_904 = arith.constant 3 : i32
          %add3A_905 = arith.addi %add3A_870, %add3A_904 : i32
          %get3A_906 = arith.index_cast %add3A_905 : i32 to index
          %get3A_907 = arith.constant 0 : index
          %get3A_908 = tpu.vector_load %arg7[%get3A_906, %get3A_907] {strides = array<i32>} : memref<3328x16xf32, #tpu.memory_space<vmem>>, vector<16xf32>,
          %add3A_909 = arith.addf %add3A_901, %get3A_908 : vector<16xf32>
          %mul3A_910 = arith.mulf %get3A_908, %get3A_908 : vector<16xf32>
          %add3A_911 = arith.addf %add3A_903, %mul3A_910 : vector<16xf32>
          %add3A_912 = arith.constant 4 : i32
          %add3A_913 = arith.addi %add3A_870, %add3A_912 : i32
          %get3A_914 = arith.index_cast %add3A_913 : i32 to index
          %get3A_915 = arith.constant 0 : index
          %get3A_916 = tpu.vector_load %arg7[%get3A_914, %get3A_915] {strides = array<i32>} : memref<3328x16xf32, #tpu.memory_space<vmem>>, vector<16xf32>,
          %add3A_917 = arith.addf %add3A_909, %get3A_916 : vector<16xf32>
          %mul3A_918 = arith.mulf %get3A_916, %get3A_916 : vector<16xf32>
          %add3A_919 = arith.addf %add3A_911, %mul3A_918 : vector<16xf32>
          %add3A_920 = arith.constant 5 : i32
          %add3A_921 = arith.addi %add3A_870, %add3A_920 : i32
          %get3A_922 = arith.index_cast %add3A_921 : i32 to index
          %get3A_923 = arith.constant 0 : index
          %get3A_924 = tpu.vector_load %arg7[%get3A_922, %get3A_923] {strides = array<i32>} : memref<3328x16xf32, #tpu.memory_space<vmem>>, vector<16xf32>,
          %add3A_925 = arith.addf %add3A_917, %get3A_924 : vector<16xf32>
          %mul3A_926 = arith.mulf %get3A_924, %get3A_924 : vector<16xf32>
          %add3A_927 = arith.addf %add3A_919, %mul3A_926 : vector<16xf32>
          %add3A_928 = arith.constant 6 : i32
          %add3A_929 = arith.addi %add3A_870, %add3A_928 : i32
          %get3A_930 = arith.index_cast %add3A_929 : i32 to index
          %get3A_931 = arith.constant 0 : index
          %get3A_932 = tpu.vector_load %arg7[%get3A_930, %get3A_931] {strides = array<i32>} : memref<3328x16xf32, #tpu.memory_space<vmem>>, vector<16xf32>,
          %add3A_933 = arith.addf %add3A_925, %get3A_932 : vector<16xf32>
          %mul3A_934 = arith.mulf %get3A_932, %get3A_932 : vector<16xf32>
          %add3A_935 = arith.addf %add3A_927, %mul3A_934 : vector<16xf32>
          %add3A_936 = arith.constant 7 : i32
          %add3A_937 = arith.addi %add3A_870, %add3A_936 : i32
          %get3A_938 = arith.index_cast %add3A_937 : i32 to index
          %get3A_939 = arith.constant 0 : index
          %get3A_940 = tpu.vector_load %arg7[%get3A_938, %get3A_939] {strides = array<i32>} : memref<3328x16xf32, #tpu.memory_space<vmem>>, vector<16xf32>,
          %add3A_941 = arith.addf %add3A_933, %get3A_940 : vector<16xf32>
          %mul3A_942 = arith.mulf %get3A_940, %get3A_940 : vector<16xf32>
          %add3A_943 = arith.addf %add3A_935, %mul3A_942 : vector<16xf32>
          %add3A_944 = arith.constant 8 : i32
          %add3A_945 = arith.addi %add3A_870, %add3A_944 : i32
          %get3A_946 = arith.index_cast %add3A_945 : i32 to index
          %get3A_947 = arith.constant 0 : index
          %get3A_948 = tpu.vector_load %arg7[%get3A_946, %get3A_947] {strides = array<i32>} : memref<3328x16xf32, #tpu.memory_space<vmem>>, vector<16xf32>,
          %add3A_949 = arith.addf %add3A_941, %get3A_948 : vector<16xf32>
          %mul3A_950 = arith.mulf %get3A_948, %get3A_948 : vector<16xf32>
          %add3A_951 = arith.addf %add3A_943, %mul3A_950 : vector<16xf32>
          %add3A_952 = arith.constant 9 : i32
          %add3A_953 = arith.addi %add3A_870, %add3A_952 : i32
          %get3A_954 = arith.index_cast %add3A_953 : i32 to index
          %get3A_955 = arith.constant 0 : index
          %get3A_956 = tpu.vector_load %arg7[%get3A_954, %get3A_955] {strides = array<i32>} : memref<3328x16xf32, #tpu.memory_space<vmem>>, vector<16xf32>,
          %add3A_957 = arith.addf %add3A_949, %get3A_956 : vector<16xf32>
          %mul3A_958 = arith.mulf %get3A_956, %get3A_956 : vector<16xf32>
          %add3A_959 = arith.addf %add3A_951, %mul3A_958 : vector<16xf32>
          %add3A_960 = arith.constant 10 : i32
          %add3A_961 = arith.addi %add3A_870, %add3A_960 : i32
          %get3A_962 = arith.index_cast %add3A_961 : i32 to index
          %get3A_963 = arith.constant 0 : index
          %get3A_964 = tpu.vector_load %arg7[%get3A_962, %get3A_963] {strides = array<i32>} : memref<3328x16xf32, #tpu.memory_space<vmem>>, vector<16xf32>,
          %add3A_965 = arith.addf %add3A_957, %get3A_964 : vector<16xf32>
          %mul3A_966 = arith.mulf %get3A_964, %get3A_964 : vector<16xf32>
          %add3A_967 = arith.addf %add3A_959, %mul3A_966 : vector<16xf32>
          %add3A_968 = arith.constant 11 : i32
          %add3A_969 = arith.addi %add3A_870, %add3A_968 : i32
          %get3A_970 = arith.index_cast %add3A_969 : i32 to index
          %get3A_971 = arith.constant 0 : index
          %get3A_972 = tpu.vector_load %arg7[%get3A_970, %get3A_971] {strides = array<i32>} : memref<3328x16xf32, #tpu.memory_space<vmem>>, vector<16xf32>,
          %add3A_973 = arith.addf %add3A_965, %get3A_972 : vector<16xf32>
          %mul3A_974 = arith.mulf %get3A_972, %get3A_972 : vector<16xf32>
          %add3A_975 = arith.addf %add3A_967, %mul3A_974 : vector<16xf32>
          %add3A_976 = arith.constant 12 : i32
          %add3A_977 = arith.addi %add3A_870, %add3A_976 : i32
          %get3A_978 = arith.index_cast %add3A_977 : i32 to index
          %get3A_979 = arith.constant 0 : index
          %get3A_980 = tpu.vector_load %arg7[%get3A_978, %get3A_979] {strides = array<i32>} : memref<3328x16xf32, #tpu.memory_space<vmem>>, vector<16xf32>,
          %add3A_981 = arith.addf %add3A_973, %get3A_980 : vector<16xf32>
          %mul3A_982 = arith.mulf %get3A_980, %get3A_980 : vector<16xf32>
          %add3A_983 = arith.addf %add3A_975, %mul3A_982 : vector<16xf32>
          %add3A_984 = arith.constant 13 : i32
          %add3A_985 = arith.addi %add3A_870, %add3A_984 : i32
          %get3A_986 = arith.index_cast %add3A_985 : i32 to index
          %get3A_987 = arith.constant 0 : index
          %get3A_988 = tpu.vector_load %arg7[%get3A_986, %get3A_987] {strides = array<i32>} : memref<3328x16xf32, #tpu.memory_space<vmem>>, vector<16xf32>,
          %add3A_989 = arith.addf %add3A_981, %get3A_988 : vector<16xf32>
          %mul3A_990 = arith.mulf %get3A_988, %get3A_988 : vector<16xf32>
          %add3A_991 = arith.addf %add3A_983, %mul3A_990 : vector<16xf32>
          %add3A_992 = arith.constant 14 : i32
          %add3A_993 = arith.addi %add3A_870, %add3A_992 : i32
          %get3A_994 = arith.index_cast %add3A_993 : i32 to index
          %get3A_995 = arith.constant 0 : index
          %get3A_996 = tpu.vector_load %arg7[%get3A_994, %get3A_995] {strides = array<i32>} : memref<3328x16xf32, #tpu.memory_space<vmem>>, vector<16xf32>,
          %add3A_997 = arith.addf %add3A_989, %get3A_996 : vector<16xf32>
          %mul3A_998 = arith.mulf %get3A_996, %get3A_996 : vector<16xf32>
          %add3A_999 = arith.addf %add3A_991, %mul3A_998 : vector<16xf32>
          %add3A_1000 = arith.constant 15 : i32
          %add3A_1001 = arith.addi %add3A_870, %add3A_1000 : i32
          %get3A_1002 = arith.index_cast %add3A_1001 : i32 to index
          %get3A_1003 = arith.constant 0 : index
          %get3A_1004 = tpu.vector_load %arg7[%get3A_1002, %get3A_1003] {strides = array<i32>} : memref<3328x16xf32, #tpu.memory_space<vmem>>, vector<16xf32>,
          %add3A_1005 = arith.addf %add3A_997, %get3A_1004 : vector<16xf32>
          %mul3A_1006 = arith.mulf %get3A_1004, %get3A_1004 : vector<16xf32>
          %add3A_1007 = arith.addf %add3A_999, %mul3A_1006 : vector<16xf32>
          %add3A_1008 = arith.constant 16 : i32
          %add3A_1009 = arith.addi %add3A_870, %add3A_1008 : i32
          %get3A_1010 = arith.index_cast %add3A_1009 : i32 to index
          %get3A_1011 = arith.constant 0 : index
          %get3A_1012 = tpu.vector_load %arg7[%get3A_1010, %get3A_1011] {strides = array<i32>} : memref<3328x16xf32, #tpu.memory_space<vmem>>, vector<16xf32>,
          %add3A_1013 = arith.addf %add3A_1005, %get3A_1012 : vector<16xf32>
          %mul3A_1014 = arith.mulf %get3A_1012, %get3A_1012 : vector<16xf32>
          %add3A_1015 = arith.addf %add3A_1007, %mul3A_1014 : vector<16xf32>
          %add3A_1016 = arith.constant 17 : i32
          %add3A_1017 = arith.addi %add3A_870, %add3A_1016 : i32
          %get3A_1018 = arith.index_cast %add3A_1017 : i32 to index
          %get3A_1019 = arith.constant 0 : index
          %get3A_1020 = tpu.vector_load %arg7[%get3A_1018, %get3A_1019] {strides = array<i32>} : memref<3328x16xf32, #tpu.memory_space<vmem>>, vector<16xf32>,
          %add3A_1021 = arith.addf %add3A_1013, %get3A_1020 : vector<16xf32>
          %mul3A_1022 = arith.mulf %get3A_1020, %get3A_1020 : vector<16xf32>
          %add3A_1023 = arith.addf %add3A_1015, %mul3A_1022 : vector<16xf32>
          %add3A_1024 = arith.constant 18 : i32
          %add3A_1025 = arith.addi %add3A_870, %add3A_1024 : i32
          %get3A_1026 = arith.index_cast %add3A_1025 : i32 to index
          %get3A_1027 = arith.constant 0 : index
          %get3A_1028 = tpu.vector_load %arg7[%get3A_1026, %get3A_1027] {strides = array<i32>} : memref<3328x16xf32, #tpu.memory_space<vmem>>, vector<16xf32>,
          %add3A_1029 = arith.addf %add3A_1021, %get3A_1028 : vector<16xf32>
          %mul3A_1030 = arith.mulf %get3A_1028, %get3A_1028 : vector<16xf32>
          %add3A_1031 = arith.addf %add3A_1023, %mul3A_1030 : vector<16xf32>
          %add3A_1032 = arith.constant 19 : i32
          %add3A_1033 = arith.addi %add3A_870, %add3A_1032 : i32
          %get3A_1034 = arith.index_cast %add3A_1033 : i32 to index
          %get3A_1035 = arith.constant 0 : index
          %get3A_1036 = tpu.vector_load %arg7[%get3A_1034, %get3A_1035] {strides = array<i32>} : memref<3328x16xf32, #tpu.memory_space<vmem>>, vector<16xf32>,
          %add3A_1037 = arith.addf %add3A_1029, %get3A_1036 : vector<16xf32>
          %mul3A_1038 = arith.mulf %get3A_1036, %get3A_1036 : vector<16xf32>
          %add3A_1039 = arith.addf %add3A_1031, %mul3A_1038 : vector<16xf32>
          %add3A_1040 = arith.constant 20 : i32
          %add3A_1041 = arith.addi %add3A_870, %add3A_1040 : i32
          %get3A_1042 = arith.index_cast %add3A_1041 : i32 to index
          %get3A_1043 = arith.constant 0 : index
          %get3A_1044 = tpu.vector_load %arg7[%get3A_1042, %get3A_1043] {strides = array<i32>} : memref<3328x16xf32, #tpu.memory_space<vmem>>, vector<16xf32>,
          %add3A_1045 = arith.addf %add3A_1037, %get3A_1044 : vector<16xf32>
          %mul3A_1046 = arith.mulf %get3A_1044, %get3A_1044 : vector<16xf32>
          %add3A_1047 = arith.addf %add3A_1039, %mul3A_1046 : vector<16xf32>
          %add3A_1048 = arith.constant 21 : i32
          %add3A_1049 = arith.addi %add3A_870, %add3A_1048 : i32
          %get3A_1050 = arith.index_cast %add3A_1049 : i32 to index
          %get3A_1051 = arith.constant 0 : index
          %get3A_1052 = tpu.vector_load %arg7[%get3A_1050, %get3A_1051] {strides = array<i32>} : memref<3328x16xf32, #tpu.memory_space<vmem>>, vector<16xf32>,
          %add3A_1053 = arith.addf %add3A_1045, %get3A_1052 : vector<16xf32>
          %mul3A_1054 = arith.mulf %get3A_1052, %get3A_1052 : vector<16xf32>
          %add3A_1055 = arith.addf %add3A_1047, %mul3A_1054 : vector<16xf32>
          %add3A_1056 = arith.constant 22 : i32
          %add3A_1057 = arith.addi %add3A_870, %add3A_1056 : i32
          %get3A_1058 = arith.index_cast %add3A_1057 : i32 to index
          %get3A_1059 = arith.constant 0 : index
          %get3A_1060 = tpu.vector_load %arg7[%get3A_1058, %get3A_1059] {strides = array<i32>} : memref<3328x16xf32, #tpu.memory_space<vmem>>, vector<16xf32>,
          %add3A_1061 = arith.addf %add3A_1053, %get3A_1060 : vector<16xf32>
          %mul3A_1062 = arith.mulf %get3A_1060, %get3A_1060 : vector<16xf32>
          %add3A_1063 = arith.addf %add3A_1055, %mul3A_1062 : vector<16xf32>
          %add3A_1064 = arith.constant 23 : i32
          %add3A_1065 = arith.addi %add3A_870, %add3A_1064 : i32
          %get3A_1066 = arith.index_cast %add3A_1065 : i32 to index
          %get3A_1067 = arith.constant 0 : index
          %get3A_1068 = tpu.vector_load %arg7[%get3A_1066, %get3A_1067] {strides = array<i32>} : memref<3328x16xf32, #tpu.memory_space<vmem>>, vector<16xf32>,
          %add3A_1069 = arith.addf %add3A_1061, %get3A_1068 : vector<16xf32>
          %mul3A_1070 = arith.mulf %get3A_1068, %get3A_1068 : vector<16xf32>
          %add3A_1071 = arith.addf %add3A_1063, %mul3A_1070 : vector<16xf32>
          %add3A_1072 = arith.constant 24 : i32
          %add3A_1073 = arith.addi %add3A_870, %add3A_1072 : i32
          %get3A_1074 = arith.index_cast %add3A_1073 : i32 to index
          %get3A_1075 = arith.constant 0 : index
          %get3A_1076 = tpu.vector_load %arg7[%get3A_1074, %get3A_1075] {strides = array<i32>} : memref<3328x16xf32, #tpu.memory_space<vmem>>, vector<16xf32>,
          %add3A_1077 = arith.addf %add3A_1069, %get3A_1076 : vector<16xf32>
          %mul3A_1078 = arith.mulf %get3A_1076, %get3A_1076 : vector<16xf32>
          %add3A_1079 = arith.addf %add3A_1071, %mul3A_1078 : vector<16xf32>
          %add3A_1080 = arith.constant 25 : i32
          %add3A_1081 = arith.addi %add3A_870, %add3A_1080 : i32
          %get3A_1082 = arith.index_cast %add3A_1081 : i32 to index
          %get3A_1083 = arith.constant 0 : index
          %get3A_1084 = tpu.vector_load %arg7[%get3A_1082, %get3A_1083] {strides = array<i32>} : memref<3328x16xf32, #tpu.memory_space<vmem>>, vector<16xf32>,
          %add3A_1085 = arith.addf %add3A_1077, %get3A_1084 : vector<16xf32>
          %mul3A_1086 = arith.mulf %get3A_1084, %get3A_1084 : vector<16xf32>
          %add3A_1087 = arith.addf %add3A_1079, %mul3A_1086 : vector<16xf32>
          %get3A_1088 = arith.index_cast %add3A_876 : i32 to index
          %get3A_1089 = tpu.vector_load %arg8[%get3A_1088] {strides = array<i32>} : memref<3360xf32, #tpu.memory_space<vmem>>, vector<16xf32>,
          %add3A_1090 = arith.constant 16 : i32
          %add3A_1091 = arith.addi %add3A_876, %add3A_1090 : i32
          %get3A_1092 = arith.index_cast %add3A_1091 : i32 to index
          %get3A_1093 = tpu.vector_load %arg8[%get3A_1092] {strides = array<i32>} : memref<3360xf32, #tpu.memory_space<vmem>>, vector<16xf32>,
          %lt3A_1094 = arith.constant 10 : i32
          %lt3A_1095 = vector.broadcast %lt3A_1094 : i32 to vector<16xi32>
          %lt3A_1096 = arith.cmpi slt, %iota3A, %lt3A_1095 : vector<16xi32>
          %broadcast_in_dim3A_1097 = arith.constant 0.000000e+00 : f32
          %broadcast_in_dim3A_1098 = vector.broadcast %broadcast_in_dim3A_1097 : f32 to vector<16xf32>
          %select_n3A = arith.select %lt3A_1096, %get3A_1093, %broadcast_in_dim3A_1098 : vector<16xi1>, vector<16xf32>
          %mul3A_1099 = arith.mulf %add3A_1085, %add3A_1085 : vector<16xf32>
          %sub3A = arith.subf %mul3A_1099, %add3A_1087 : vector<16xf32>
          %mul3A_1100 = arith.constant 5.000000e-01 : f32
          %mul3A_1101 = vector.broadcast %mul3A_1100 : f32 to vector<16xf32>
          %mul3A_1102 = arith.mulf %mul3A_1101, %sub3A : vector<16xf32>
          %add3A_1103 = arith.addf %mul3A_1102, %get3A_1089 : vector<16xf32>
          %add3A_1104 = arith.addf %add3A_1103, %select_n3A : vector<16xf32>
          %mul3A_1105 = arith.constant 16 : i32
          %mul3A_1106 = arith.muli %scan3A_863, %mul3A_1105 : i32
          %swap3A_1107 = arith.index_cast %mul3A_1106 : i32 to index
          %swap3A_1108 = tpu.vector_load %arg10[%swap3A_1107] {strides = array<i32>} : memref<256xf32, #tpu.memory_space<vmem>>, vector<16xf32>,
          tpu.vector_store %arg10[%swap3A_1107], %add3A_1104 {strides = array<i32>} : memref<256xf32, #tpu.memory_space<vmem>>, vector<16xf32>,
          %scan3A_1109 = arith.constant 0 : i32
          scf.yield %scan3A_1109 : i32
        }
        %scan3A_665 = arith.constant 16 : i32
        %broadcast_in_dim3A = arith.constant 0.000000e+00 : f32
        %broadcast_in_dim3A_666 = vector.broadcast %broadcast_in_dim3A : f32 to vector<16xf32>
        %mul3A_667 = arith.constant 16 : i32
        %mul3A_668 = vector.broadcast %mul3A_667 : i32 to vector<16xi32>
        %mul3A_669 = arith.muli %iota3A, %mul3A_668 : vector<16xi32>
        %add3A_670 = arith.constant 0 : i32
        %add3A_671 = vector.broadcast %add3A_670 : i32 to vector<16xi32>
        %add3A_672 = arith.addi %iota3A, %add3A_671 : vector<16xi32>
        %rem3A_673 = arith.constant 16 : i32
        %rem3A_674 = vector.broadcast %rem3A_673 : i32 to vector<16xi32>
        %rem3A_675 = arith.remsi %add3A_672, %rem3A_674 : vector<16xi32>
        %add3A_676 = arith.addi %mul3A_669, %rem3A_675 : vector<16xi32>
        %gather3A = tpu.vector_load_idx %arg10[%add3A_676] : memref<256xf32, #tpu.memory_space<vmem>>[vector<16xi32>], vector<16xf32>,
        %add3A_677 = arith.addf %broadcast_in_dim3A_666, %gather3A : vector<16xf32>
        %mul3A_678 = arith.constant 16 : i32
        %mul3A_679 = vector.broadcast %mul3A_678 : i32 to vector<16xi32>
        %mul3A_680 = arith.muli %iota3A, %mul3A_679 : vector<16xi32>
        %add3A_681 = arith.constant 1 : i32
        %add3A_682 = vector.broadcast %add3A_681 : i32 to vector<16xi32>
        %add3A_683 = arith.addi %iota3A, %add3A_682 : vector<16xi32>
        %rem3A_684 = arith.constant 16 : i32
        %rem3A_685 = vector.broadcast %rem3A_684 : i32 to vector<16xi32>
        %rem3A_686 = arith.remsi %add3A_683, %rem3A_685 : vector<16xi32>
        %add3A_687 = arith.addi %mul3A_680, %rem3A_686 : vector<16xi32>
        %gather3A_688 = tpu.vector_load_idx %arg10[%add3A_687] : memref<256xf32, #tpu.memory_space<vmem>>[vector<16xi32>], vector<16xf32>,
        %add3A_689 = arith.addf %add3A_677, %gather3A_688 : vector<16xf32>
        %mul3A_690 = arith.constant 16 : i32
        %mul3A_691 = vector.broadcast %mul3A_690 : i32 to vector<16xi32>
        %mul3A_692 = arith.muli %iota3A, %mul3A_691 : vector<16xi32>
        %add3A_693 = arith.constant 2 : i32
        %add3A_694 = vector.broadcast %add3A_693 : i32 to vector<16xi32>
        %add3A_695 = arith.addi %iota3A, %add3A_694 : vector<16xi32>
        %rem3A_696 = arith.constant 16 : i32
        %rem3A_697 = vector.broadcast %rem3A_696 : i32 to vector<16xi32>
        %rem3A_698 = arith.remsi %add3A_695, %rem3A_697 : vector<16xi32>
        %add3A_699 = arith.addi %mul3A_692, %rem3A_698 : vector<16xi32>
        %gather3A_700 = tpu.vector_load_idx %arg10[%add3A_699] : memref<256xf32, #tpu.memory_space<vmem>>[vector<16xi32>], vector<16xf32>,
        %add3A_701 = arith.addf %add3A_689, %gather3A_700 : vector<16xf32>
        %mul3A_702 = arith.constant 16 : i32
        %mul3A_703 = vector.broadcast %mul3A_702 : i32 to vector<16xi32>
        %mul3A_704 = arith.muli %iota3A, %mul3A_703 : vector<16xi32>
        %add3A_705 = arith.constant 3 : i32
        %add3A_706 = vector.broadcast %add3A_705 : i32 to vector<16xi32>
        %add3A_707 = arith.addi %iota3A, %add3A_706 : vector<16xi32>
        %rem3A_708 = arith.constant 16 : i32
        %rem3A_709 = vector.broadcast %rem3A_708 : i32 to vector<16xi32>
        %rem3A_710 = arith.remsi %add3A_707, %rem3A_709 : vector<16xi32>
        %add3A_711 = arith.addi %mul3A_704, %rem3A_710 : vector<16xi32>
        %gather3A_712 = tpu.vector_load_idx %arg10[%add3A_711] : memref<256xf32, #tpu.memory_space<vmem>>[vector<16xi32>], vector<16xf32>,
        %add3A_713 = arith.addf %add3A_701, %gather3A_712 : vector<16xf32>
        %mul3A_714 = arith.constant 16 : i32
        %mul3A_715 = vector.broadcast %mul3A_714 : i32 to vector<16xi32>
        %mul3A_716 = arith.muli %iota3A, %mul3A_715 : vector<16xi32>
        %add3A_717 = arith.constant 4 : i32
        %add3A_718 = vector.broadcast %add3A_717 : i32 to vector<16xi32>
        %add3A_719 = arith.addi %iota3A, %add3A_718 : vector<16xi32>
        %rem3A_720 = arith.constant 16 : i32
        %rem3A_721 = vector.broadcast %rem3A_720 : i32 to vector<16xi32>
        %rem3A_722 = arith.remsi %add3A_719, %rem3A_721 : vector<16xi32>
        %add3A_723 = arith.addi %mul3A_716, %rem3A_722 : vector<16xi32>
        %gather3A_724 = tpu.vector_load_idx %arg10[%add3A_723] : memref<256xf32, #tpu.memory_space<vmem>>[vector<16xi32>], vector<16xf32>,
        %add3A_725 = arith.addf %add3A_713, %gather3A_724 : vector<16xf32>
        %mul3A_726 = arith.constant 16 : i32
        %mul3A_727 = vector.broadcast %mul3A_726 : i32 to vector<16xi32>
        %mul3A_728 = arith.muli %iota3A, %mul3A_727 : vector<16xi32>
        %add3A_729 = arith.constant 5 : i32
        %add3A_730 = vector.broadcast %add3A_729 : i32 to vector<16xi32>
        %add3A_731 = arith.addi %iota3A, %add3A_730 : vector<16xi32>
        %rem3A_732 = arith.constant 16 : i32
        %rem3A_733 = vector.broadcast %rem3A_732 : i32 to vector<16xi32>
        %rem3A_734 = arith.remsi %add3A_731, %rem3A_733 : vector<16xi32>
        %add3A_735 = arith.addi %mul3A_728, %rem3A_734 : vector<16xi32>
        %gather3A_736 = tpu.vector_load_idx %arg10[%add3A_735] : memref<256xf32, #tpu.memory_space<vmem>>[vector<16xi32>], vector<16xf32>,
        %add3A_737 = arith.addf %add3A_725, %gather3A_736 : vector<16xf32>
        %mul3A_738 = arith.constant 16 : i32
        %mul3A_739 = vector.broadcast %mul3A_738 : i32 to vector<16xi32>
        %mul3A_740 = arith.muli %iota3A, %mul3A_739 : vector<16xi32>
        %add3A_741 = arith.constant 6 : i32
        %add3A_742 = vector.broadcast %add3A_741 : i32 to vector<16xi32>
        %add3A_743 = arith.addi %iota3A, %add3A_742 : vector<16xi32>
        %rem3A_744 = arith.constant 16 : i32
        %rem3A_745 = vector.broadcast %rem3A_744 : i32 to vector<16xi32>
        %rem3A_746 = arith.remsi %add3A_743, %rem3A_745 : vector<16xi32>
        %add3A_747 = arith.addi %mul3A_740, %rem3A_746 : vector<16xi32>
        %gather3A_748 = tpu.vector_load_idx %arg10[%add3A_747] : memref<256xf32, #tpu.memory_space<vmem>>[vector<16xi32>], vector<16xf32>,
        %add3A_749 = arith.addf %add3A_737, %gather3A_748 : vector<16xf32>
        %mul3A_750 = arith.constant 16 : i32
        %mul3A_751 = vector.broadcast %mul3A_750 : i32 to vector<16xi32>
        %mul3A_752 = arith.muli %iota3A, %mul3A_751 : vector<16xi32>
        %add3A_753 = arith.constant 7 : i32
        %add3A_754 = vector.broadcast %add3A_753 : i32 to vector<16xi32>
        %add3A_755 = arith.addi %iota3A, %add3A_754 : vector<16xi32>
        %rem3A_756 = arith.constant 16 : i32
        %rem3A_757 = vector.broadcast %rem3A_756 : i32 to vector<16xi32>
        %rem3A_758 = arith.remsi %add3A_755, %rem3A_757 : vector<16xi32>
        %add3A_759 = arith.addi %mul3A_752, %rem3A_758 : vector<16xi32>
        %gather3A_760 = tpu.vector_load_idx %arg10[%add3A_759] : memref<256xf32, #tpu.memory_space<vmem>>[vector<16xi32>], vector<16xf32>,
        %add3A_761 = arith.addf %add3A_749, %gather3A_760 : vector<16xf32>
        %mul3A_762 = arith.constant 16 : i32
        %mul3A_763 = vector.broadcast %mul3A_762 : i32 to vector<16xi32>
        %mul3A_764 = arith.muli %iota3A, %mul3A_763 : vector<16xi32>
        %add3A_765 = arith.constant 8 : i32
        %add3A_766 = vector.broadcast %add3A_765 : i32 to vector<16xi32>
        %add3A_767 = arith.addi %iota3A, %add3A_766 : vector<16xi32>
        %rem3A_768 = arith.constant 16 : i32
        %rem3A_769 = vector.broadcast %rem3A_768 : i32 to vector<16xi32>
        %rem3A_770 = arith.remsi %add3A_767, %rem3A_769 : vector<16xi32>
        %add3A_771 = arith.addi %mul3A_764, %rem3A_770 : vector<16xi32>
        %gather3A_772 = tpu.vector_load_idx %arg10[%add3A_771] : memref<256xf32, #tpu.memory_space<vmem>>[vector<16xi32>], vector<16xf32>,
        %add3A_773 = arith.addf %add3A_761, %gather3A_772 : vector<16xf32>
        %mul3A_774 = arith.constant 16 : i32
        %mul3A_775 = vector.broadcast %mul3A_774 : i32 to vector<16xi32>
        %mul3A_776 = arith.muli %iota3A, %mul3A_775 : vector<16xi32>
        %add3A_777 = arith.constant 9 : i32
        %add3A_778 = vector.broadcast %add3A_777 : i32 to vector<16xi32>
        %add3A_779 = arith.addi %iota3A, %add3A_778 : vector<16xi32>
        %rem3A_780 = arith.constant 16 : i32
        %rem3A_781 = vector.broadcast %rem3A_780 : i32 to vector<16xi32>
        %rem3A_782 = arith.remsi %add3A_779, %rem3A_781 : vector<16xi32>
        %add3A_783 = arith.addi %mul3A_776, %rem3A_782 : vector<16xi32>
        %gather3A_784 = tpu.vector_load_idx %arg10[%add3A_783] : memref<256xf32, #tpu.memory_space<vmem>>[vector<16xi32>], vector<16xf32>,
        %add3A_785 = arith.addf %add3A_773, %gather3A_784 : vector<16xf32>
        %mul3A_786 = arith.constant 16 : i32
        %mul3A_787 = vector.broadcast %mul3A_786 : i32 to vector<16xi32>
        %mul3A_788 = arith.muli %iota3A, %mul3A_787 : vector<16xi32>
        %add3A_789 = arith.constant 10 : i32
        %add3A_790 = vector.broadcast %add3A_789 : i32 to vector<16xi32>
        %add3A_791 = arith.addi %iota3A, %add3A_790 : vector<16xi32>
        %rem3A_792 = arith.constant 16 : i32
        %rem3A_793 = vector.broadcast %rem3A_792 : i32 to vector<16xi32>
        %rem3A_794 = arith.remsi %add3A_791, %rem3A_793 : vector<16xi32>
        %add3A_795 = arith.addi %mul3A_788, %rem3A_794 : vector<16xi32>
        %gather3A_796 = tpu.vector_load_idx %arg10[%add3A_795] : memref<256xf32, #tpu.memory_space<vmem>>[vector<16xi32>], vector<16xf32>,
        %add3A_797 = arith.addf %add3A_785, %gather3A_796 : vector<16xf32>
        %mul3A_798 = arith.constant 16 : i32
        %mul3A_799 = vector.broadcast %mul3A_798 : i32 to vector<16xi32>
        %mul3A_800 = arith.muli %iota3A, %mul3A_799 : vector<16xi32>
        %add3A_801 = arith.constant 11 : i32
        %add3A_802 = vector.broadcast %add3A_801 : i32 to vector<16xi32>
        %add3A_803 = arith.addi %iota3A, %add3A_802 : vector<16xi32>
        %rem3A_804 = arith.constant 16 : i32
        %rem3A_805 = vector.broadcast %rem3A_804 : i32 to vector<16xi32>
        %rem3A_806 = arith.remsi %add3A_803, %rem3A_805 : vector<16xi32>
        %add3A_807 = arith.addi %mul3A_800, %rem3A_806 : vector<16xi32>
        %gather3A_808 = tpu.vector_load_idx %arg10[%add3A_807] : memref<256xf32, #tpu.memory_space<vmem>>[vector<16xi32>], vector<16xf32>,
        %add3A_809 = arith.addf %add3A_797, %gather3A_808 : vector<16xf32>
        %mul3A_810 = arith.constant 16 : i32
        %mul3A_811 = vector.broadcast %mul3A_810 : i32 to vector<16xi32>
        %mul3A_812 = arith.muli %iota3A, %mul3A_811 : vector<16xi32>
        %add3A_813 = arith.constant 12 : i32
        %add3A_814 = vector.broadcast %add3A_813 : i32 to vector<16xi32>
        %add3A_815 = arith.addi %iota3A, %add3A_814 : vector<16xi32>
        %rem3A_816 = arith.constant 16 : i32
        %rem3A_817 = vector.broadcast %rem3A_816 : i32 to vector<16xi32>
        %rem3A_818 = arith.remsi %add3A_815, %rem3A_817 : vector<16xi32>
        %add3A_819 = arith.addi %mul3A_812, %rem3A_818 : vector<16xi32>
        %gather3A_820 = tpu.vector_load_idx %arg10[%add3A_819] : memref<256xf32, #tpu.memory_space<vmem>>[vector<16xi32>], vector<16xf32>,
        %add3A_821 = arith.addf %add3A_809, %gather3A_820 : vector<16xf32>
        %mul3A_822 = arith.constant 16 : i32
        %mul3A_823 = vector.broadcast %mul3A_822 : i32 to vector<16xi32>
        %mul3A_824 = arith.muli %iota3A, %mul3A_823 : vector<16xi32>
        %add3A_825 = arith.constant 13 : i32
        %add3A_826 = vector.broadcast %add3A_825 : i32 to vector<16xi32>
        %add3A_827 = arith.addi %iota3A, %add3A_826 : vector<16xi32>
        %rem3A_828 = arith.constant 16 : i32
        %rem3A_829 = vector.broadcast %rem3A_828 : i32 to vector<16xi32>
        %rem3A_830 = arith.remsi %add3A_827, %rem3A_829 : vector<16xi32>
        %add3A_831 = arith.addi %mul3A_824, %rem3A_830 : vector<16xi32>
        %gather3A_832 = tpu.vector_load_idx %arg10[%add3A_831] : memref<256xf32, #tpu.memory_space<vmem>>[vector<16xi32>], vector<16xf32>,
        %add3A_833 = arith.addf %add3A_821, %gather3A_832 : vector<16xf32>
        %mul3A_834 = arith.constant 16 : i32
        %mul3A_835 = vector.broadcast %mul3A_834 : i32 to vector<16xi32>
        %mul3A_836 = arith.muli %iota3A, %mul3A_835 : vector<16xi32>
        %add3A_837 = arith.constant 14 : i32
        %add3A_838 = vector.broadcast %add3A_837 : i32 to vector<16xi32>
        %add3A_839 = arith.addi %iota3A, %add3A_838 : vector<16xi32>
        %rem3A_840 = arith.constant 16 : i32
        %rem3A_841 = vector.broadcast %rem3A_840 : i32 to vector<16xi32>
        %rem3A_842 = arith.remsi %add3A_839, %rem3A_841 : vector<16xi32>
        %add3A_843 = arith.addi %mul3A_836, %rem3A_842 : vector<16xi32>
        %gather3A_844 = tpu.vector_load_idx %arg10[%add3A_843] : memref<256xf32, #tpu.memory_space<vmem>>[vector<16xi32>], vector<16xf32>,
        %add3A_845 = arith.addf %add3A_833, %gather3A_844 : vector<16xf32>
        %mul3A_846 = arith.constant 16 : i32
        %mul3A_847 = vector.broadcast %mul3A_846 : i32 to vector<16xi32>
        %mul3A_848 = arith.muli %iota3A, %mul3A_847 : vector<16xi32>
        %add3A_849 = arith.constant 15 : i32
        %add3A_850 = vector.broadcast %add3A_849 : i32 to vector<16xi32>
        %add3A_851 = arith.addi %iota3A, %add3A_850 : vector<16xi32>
        %rem3A_852 = arith.constant 16 : i32
        %rem3A_853 = vector.broadcast %rem3A_852 : i32 to vector<16xi32>
        %rem3A_854 = arith.remsi %add3A_851, %rem3A_853 : vector<16xi32>
        %add3A_855 = arith.addi %mul3A_848, %rem3A_854 : vector<16xi32>
        %gather3A_856 = tpu.vector_load_idx %arg10[%add3A_855] : memref<256xf32, #tpu.memory_space<vmem>>[vector<16xi32>], vector<16xf32>,
        %add3A_857 = arith.addf %add3A_845, %gather3A_856 : vector<16xf32>
        %mul3A_858 = arith.constant 64 : i32
        %mul3A_859 = arith.muli %scan3A_324, %mul3A_858 : i32
        %add3A_860 = arith.addi %mul3A_859, %mul3A_658 : i32
        %swap3A = arith.index_cast %add3A_860 : i32 to index
        %swap3A_861 = tpu.vector_load %arg9[%swap3A] {strides = array<i32>} : memref<512xf32, #tpu.memory_space<vmem>>, vector<16xf32>,
        tpu.vector_store %arg9[%swap3A], %add3A_857 {strides = array<i32>} : memref<512xf32, #tpu.memory_space<vmem>>, vector<16xf32>,
        %scan3A_862 = arith.constant 0 : i32
        scf.yield %scan3A_862 : i32
      }
      %scan3A_653 = arith.constant 4 : i32
      %scan3A_654 = arith.constant 0 : i32
      scf.yield %scan3A_654 : i32
    }
    %scan3A_321 = arith.constant 8 : i32
    %mul3A_322 = arith.constant 512 : i32
    %mul3A_323 = arith.muli %add3A, %mul3A_322 : i32
    "tpu.region"() ({
      %run_scoped3A = tpu.sem_alloc : memref<!tpu.dma_semaphore, #tpu.memory_space<semaphore_mem>>
      %dma_start3A_324 = tpu.memref_slice %arg5[%mul3A_323] : memref<16384xf32, #tpu.memory_space<hbm>> -> memref<512xf32, #tpu.memory_space<hbm>>
      %dma_start3A_325 = tpu.memref_slice %arg5[%mul3A_323] : memref<16384xf32, #tpu.memory_space<hbm>> -> memref<512xf32, #tpu.memory_space<hbm>>
      tpu.enqueue_dma source(%arg9 : memref<512xf32, #tpu.memory_space<vmem>>) target(%dma_start3A_325 : memref<512xf32, #tpu.memory_space<hbm>>) target_semaphore(%run_scoped3A : memref<!tpu.dma_semaphore, #tpu.memory_space<semaphore_mem>>)
      %dma_wait3A = tpu.memref_slice %arg5[%mul3A_323] : memref<16384xf32, #tpu.memory_space<hbm>> -> memref<512xf32, #tpu.memory_space<hbm>>
      %dma_wait3A_326 = tpu.memref_slice %arg5[%mul3A_323] : memref<16384xf32, #tpu.memory_space<hbm>> -> memref<512xf32, #tpu.memory_space<hbm>>
      tpu.wait_dma2 semaphore(%run_scoped3A : memref<!tpu.dma_semaphore, #tpu.memory_space<semaphore_mem>>) src(%arg9 : memref<512xf32, #tpu.memory_space<vmem>>) dst(%dma_wait3A_326 : memref<512xf32, #tpu.memory_space<hbm>>)
      tpu.yield
    }) : () -> ()
    return
  }
}

#map = affine_map<(d0, d1) -> (0, 0)>
#map1 = affine_map<(d0, d1) -> (0)>
module attributes {stable_mosaic.version = 14 : i64} {
  func.func @_tr_body(%arg0: i32, %arg1: i32, %arg2: memref<16x1000000xf32, #tpu.memory_space<hbm>>, %arg3: memref<1024xf32, #tpu.memory_space<hbm>>, %arg4: memref<16000000xf32, #tpu.memory_space<hbm>>, %arg5: memref<3x16x1024xf32, #tpu.memory_space<vmem>>, %arg6: memref<49152xf32, #tpu.memory_space<vmem>>, %arg7: memref<!tpu.dma_semaphore, #tpu.memory_space<semaphore_mem>>, %arg8: memref<!tpu.dma_semaphore, #tpu.memory_space<semaphore_mem>>) attributes {dimension_semantics = [#tpu.dimension_semantics<core_parallel>, #tpu.dimension_semantics<subcore_parallel>], iteration_bounds = array<i64: 2, 16>, scalar_prefetch = 0 : i64, scratch_operands = 4 : i64, tpu.core_type = #tpu.core_type<sc_vector_subcore>, window_params = [{transform_indices = #map}, {transform_indices = #map1}, {transform_indices = #map1}]} {
    %mul3A = arith.constant 2 : i32
    %mul3A_0 = arith.muli %arg1, %mul3A : i32
    %add3A = arith.addi %mul3A_0, %arg0 : i32
    %lt3A = arith.constant 16 : i32
    %lt3A_1 = arith.cmpi slt, %add3A, %lt3A : i32
    %jit3A = arith.constant 1 : i32
    %jit3A_2 = arith.constant 0 : i32
    %select_n3A = arith.select %lt3A_1, %jit3A, %jit3A_2 : i32
    %add3A_3 = arith.constant 30 : i32
    %add3A_4 = arith.addi %add3A_3, %select_n3A : i32
    %mul3A_5 = arith.constant 30 : i32
    %mul3A_6 = arith.muli %add3A, %mul3A_5 : i32
    %min3A = arith.constant 16 : i32
    %min3A_7 = arith.minsi %add3A, %min3A : i32
    %add3A_8 = arith.addi %mul3A_6, %min3A_7 : i32
    %iota3A = tpu.iota {dimensions = array<i32: 0>} : vector<16xi32>
    %add3A_9 = arith.constant 0 : i32
    %add3A_10 = vector.broadcast %add3A_9 : i32 to vector<16xi32>
    %add3A_11 = arith.addi %iota3A, %add3A_10 : vector<16xi32>
    %rem3A = arith.constant 16 : i32
    %rem3A_12 = vector.broadcast %rem3A : i32 to vector<16xi32>
    %rem3A_13 = arith.remsi %add3A_11, %rem3A_12 : vector<16xi32>
    %add3A_14 = arith.constant 1 : i32
    %add3A_15 = vector.broadcast %add3A_14 : i32 to vector<16xi32>
    %add3A_16 = arith.addi %iota3A, %add3A_15 : vector<16xi32>
    %rem3A_17 = arith.constant 16 : i32
    %rem3A_18 = vector.broadcast %rem3A_17 : i32 to vector<16xi32>
    %rem3A_19 = arith.remsi %add3A_16, %rem3A_18 : vector<16xi32>
    %add3A_20 = arith.constant 2 : i32
    %add3A_21 = vector.broadcast %add3A_20 : i32 to vector<16xi32>
    %add3A_22 = arith.addi %iota3A, %add3A_21 : vector<16xi32>
    %rem3A_23 = arith.constant 16 : i32
    %rem3A_24 = vector.broadcast %rem3A_23 : i32 to vector<16xi32>
    %rem3A_25 = arith.remsi %add3A_22, %rem3A_24 : vector<16xi32>
    %add3A_26 = arith.constant 3 : i32
    %add3A_27 = vector.broadcast %add3A_26 : i32 to vector<16xi32>
    %add3A_28 = arith.addi %iota3A, %add3A_27 : vector<16xi32>
    %rem3A_29 = arith.constant 16 : i32
    %rem3A_30 = vector.broadcast %rem3A_29 : i32 to vector<16xi32>
    %rem3A_31 = arith.remsi %add3A_28, %rem3A_30 : vector<16xi32>
    %add3A_32 = arith.constant 4 : i32
    %add3A_33 = vector.broadcast %add3A_32 : i32 to vector<16xi32>
    %add3A_34 = arith.addi %iota3A, %add3A_33 : vector<16xi32>
    %rem3A_35 = arith.constant 16 : i32
    %rem3A_36 = vector.broadcast %rem3A_35 : i32 to vector<16xi32>
    %rem3A_37 = arith.remsi %add3A_34, %rem3A_36 : vector<16xi32>
    %add3A_38 = arith.constant 5 : i32
    %add3A_39 = vector.broadcast %add3A_38 : i32 to vector<16xi32>
    %add3A_40 = arith.addi %iota3A, %add3A_39 : vector<16xi32>
    %rem3A_41 = arith.constant 16 : i32
    %rem3A_42 = vector.broadcast %rem3A_41 : i32 to vector<16xi32>
    %rem3A_43 = arith.remsi %add3A_40, %rem3A_42 : vector<16xi32>
    %add3A_44 = arith.constant 6 : i32
    %add3A_45 = vector.broadcast %add3A_44 : i32 to vector<16xi32>
    %add3A_46 = arith.addi %iota3A, %add3A_45 : vector<16xi32>
    %rem3A_47 = arith.constant 16 : i32
    %rem3A_48 = vector.broadcast %rem3A_47 : i32 to vector<16xi32>
    %rem3A_49 = arith.remsi %add3A_46, %rem3A_48 : vector<16xi32>
    %add3A_50 = arith.constant 7 : i32
    %add3A_51 = vector.broadcast %add3A_50 : i32 to vector<16xi32>
    %add3A_52 = arith.addi %iota3A, %add3A_51 : vector<16xi32>
    %rem3A_53 = arith.constant 16 : i32
    %rem3A_54 = vector.broadcast %rem3A_53 : i32 to vector<16xi32>
    %rem3A_55 = arith.remsi %add3A_52, %rem3A_54 : vector<16xi32>
    %add3A_56 = arith.constant 8 : i32
    %add3A_57 = vector.broadcast %add3A_56 : i32 to vector<16xi32>
    %add3A_58 = arith.addi %iota3A, %add3A_57 : vector<16xi32>
    %rem3A_59 = arith.constant 16 : i32
    %rem3A_60 = vector.broadcast %rem3A_59 : i32 to vector<16xi32>
    %rem3A_61 = arith.remsi %add3A_58, %rem3A_60 : vector<16xi32>
    %add3A_62 = arith.constant 9 : i32
    %add3A_63 = vector.broadcast %add3A_62 : i32 to vector<16xi32>
    %add3A_64 = arith.addi %iota3A, %add3A_63 : vector<16xi32>
    %rem3A_65 = arith.constant 16 : i32
    %rem3A_66 = vector.broadcast %rem3A_65 : i32 to vector<16xi32>
    %rem3A_67 = arith.remsi %add3A_64, %rem3A_66 : vector<16xi32>
    %add3A_68 = arith.constant 10 : i32
    %add3A_69 = vector.broadcast %add3A_68 : i32 to vector<16xi32>
    %add3A_70 = arith.addi %iota3A, %add3A_69 : vector<16xi32>
    %rem3A_71 = arith.constant 16 : i32
    %rem3A_72 = vector.broadcast %rem3A_71 : i32 to vector<16xi32>
    %rem3A_73 = arith.remsi %add3A_70, %rem3A_72 : vector<16xi32>
    %add3A_74 = arith.constant 11 : i32
    %add3A_75 = vector.broadcast %add3A_74 : i32 to vector<16xi32>
    %add3A_76 = arith.addi %iota3A, %add3A_75 : vector<16xi32>
    %rem3A_77 = arith.constant 16 : i32
    %rem3A_78 = vector.broadcast %rem3A_77 : i32 to vector<16xi32>
    %rem3A_79 = arith.remsi %add3A_76, %rem3A_78 : vector<16xi32>
    %add3A_80 = arith.constant 12 : i32
    %add3A_81 = vector.broadcast %add3A_80 : i32 to vector<16xi32>
    %add3A_82 = arith.addi %iota3A, %add3A_81 : vector<16xi32>
    %rem3A_83 = arith.constant 16 : i32
    %rem3A_84 = vector.broadcast %rem3A_83 : i32 to vector<16xi32>
    %rem3A_85 = arith.remsi %add3A_82, %rem3A_84 : vector<16xi32>
    %add3A_86 = arith.constant 13 : i32
    %add3A_87 = vector.broadcast %add3A_86 : i32 to vector<16xi32>
    %add3A_88 = arith.addi %iota3A, %add3A_87 : vector<16xi32>
    %rem3A_89 = arith.constant 16 : i32
    %rem3A_90 = vector.broadcast %rem3A_89 : i32 to vector<16xi32>
    %rem3A_91 = arith.remsi %add3A_88, %rem3A_90 : vector<16xi32>
    %add3A_92 = arith.constant 14 : i32
    %add3A_93 = vector.broadcast %add3A_92 : i32 to vector<16xi32>
    %add3A_94 = arith.addi %iota3A, %add3A_93 : vector<16xi32>
    %rem3A_95 = arith.constant 16 : i32
    %rem3A_96 = vector.broadcast %rem3A_95 : i32 to vector<16xi32>
    %rem3A_97 = arith.remsi %add3A_94, %rem3A_96 : vector<16xi32>
    %add3A_98 = arith.constant 15 : i32
    %add3A_99 = vector.broadcast %add3A_98 : i32 to vector<16xi32>
    %add3A_100 = arith.addi %iota3A, %add3A_99 : vector<16xi32>
    %rem3A_101 = arith.constant 16 : i32
    %rem3A_102 = vector.broadcast %rem3A_101 : i32 to vector<16xi32>
    %rem3A_103 = arith.remsi %add3A_100, %rem3A_102 : vector<16xi32>
    %add3A_104 = arith.constant 0 : i32
    %add3A_105 = arith.addi %add3A_8, %add3A_104 : i32
    %mul3A_106 = arith.constant 1024 : i32
    %mul3A_107 = arith.muli %add3A_105, %mul3A_106 : i32
    %mul3A_108 = arith.constant 1024 : i32
    %mul3A_109 = arith.muli %add3A_105, %mul3A_108 : i32
    %dma_start3A = arith.constant 0 : i32
    %dma_start3A_110 = arith.constant 0 : i32
    %dma_start3A_111 = arith.constant 0 : i32
    %dma_start3A_112 = tpu.memref_slice %arg5[%dma_start3A, %dma_start3A_110, %dma_start3A_111] : memref<3x16x1024xf32, #tpu.memory_space<vmem>> -> memref<1x8x1024xf32, #tpu.memory_space<vmem>>
    %dma_start3A_113 = tpu.memref_squeeze %dma_start3A_112 : memref<1x8x1024xf32, #tpu.memory_space<vmem>> -> memref<8x1024xf32, #tpu.memory_space<vmem>>
    %dma_start3A_114 = arith.constant 0 : i32
    %dma_start3A_115 = tpu.memref_slice %arg2[%dma_start3A_114, %mul3A_107] : memref<16x1000000xf32, #tpu.memory_space<hbm>> -> memref<8x1024xf32, #tpu.memory_space<hbm>>
    %dma_start3A_116 = arith.constant 0 : i32
    %dma_start3A_117 = arith.constant 0 : i32
    %dma_start3A_118 = tpu.memref_slice %arg5[%dma_start3A, %dma_start3A_116, %dma_start3A_117] : memref<3x16x1024xf32, #tpu.memory_space<vmem>> -> memref<1x8x1024xf32, #tpu.memory_space<vmem>>
    %dma_start3A_119 = tpu.memref_squeeze %dma_start3A_118 : memref<1x8x1024xf32, #tpu.memory_space<vmem>> -> memref<8x1024xf32, #tpu.memory_space<vmem>>
    %dma_start3A_120 = arith.constant 0 : i32
    %dma_start3A_121 = tpu.memref_slice %arg2[%dma_start3A_120, %mul3A_107] : memref<16x1000000xf32, #tpu.memory_space<hbm>> -> memref<8x1024xf32, #tpu.memory_space<hbm>>
    tpu.enqueue_dma source(%dma_start3A_121 : memref<8x1024xf32, #tpu.memory_space<hbm>>) target(%dma_start3A_119 : memref<8x1024xf32, #tpu.memory_space<vmem>>) target_semaphore(%arg7 : memref<!tpu.dma_semaphore, #tpu.memory_space<semaphore_mem>>)
    %dma_start3A_122 = arith.constant 0 : i32
    %dma_start3A_123 = arith.constant 8 : i32
    %dma_start3A_124 = arith.constant 0 : i32
    %dma_start3A_125 = tpu.memref_slice %arg5[%dma_start3A_122, %dma_start3A_123, %dma_start3A_124] : memref<3x16x1024xf32, #tpu.memory_space<vmem>> -> memref<1x8x1024xf32, #tpu.memory_space<vmem>>
    %dma_start3A_126 = tpu.memref_squeeze %dma_start3A_125 : memref<1x8x1024xf32, #tpu.memory_space<vmem>> -> memref<8x1024xf32, #tpu.memory_space<vmem>>
    %dma_start3A_127 = arith.constant 8 : i32
    %dma_start3A_128 = tpu.memref_slice %arg2[%dma_start3A_127, %mul3A_109] : memref<16x1000000xf32, #tpu.memory_space<hbm>> -> memref<8x1024xf32, #tpu.memory_space<hbm>>
    %dma_start3A_129 = arith.constant 8 : i32
    %dma_start3A_130 = arith.constant 0 : i32
    %dma_start3A_131 = tpu.memref_slice %arg5[%dma_start3A_122, %dma_start3A_129, %dma_start3A_130] : memref<3x16x1024xf32, #tpu.memory_space<vmem>> -> memref<1x8x1024xf32, #tpu.memory_space<vmem>>
    %dma_start3A_132 = tpu.memref_squeeze %dma_start3A_131 : memref<1x8x1024xf32, #tpu.memory_space<vmem>> -> memref<8x1024xf32, #tpu.memory_space<vmem>>
    %dma_start3A_133 = arith.constant 8 : i32
    %dma_start3A_134 = tpu.memref_slice %arg2[%dma_start3A_133, %mul3A_109] : memref<16x1000000xf32, #tpu.memory_space<hbm>> -> memref<8x1024xf32, #tpu.memory_space<hbm>>
    tpu.enqueue_dma source(%dma_start3A_134 : memref<8x1024xf32, #tpu.memory_space<hbm>>) target(%dma_start3A_132 : memref<8x1024xf32, #tpu.memory_space<vmem>>) target_semaphore(%arg7 : memref<!tpu.dma_semaphore, #tpu.memory_space<semaphore_mem>>)
    %add3A_135 = arith.constant 1 : i32
    %add3A_136 = arith.addi %add3A_8, %add3A_135 : i32
    %mul3A_137 = arith.constant 1024 : i32
    %mul3A_138 = arith.muli %add3A_136, %mul3A_137 : i32
    %mul3A_139 = arith.constant 1024 : i32
    %mul3A_140 = arith.muli %add3A_136, %mul3A_139 : i32
    %dma_start3A_141 = arith.constant 1 : i32
    %dma_start3A_142 = arith.constant 0 : i32
    %dma_start3A_143 = arith.constant 0 : i32
    %dma_start3A_144 = tpu.memref_slice %arg5[%dma_start3A_141, %dma_start3A_142, %dma_start3A_143] : memref<3x16x1024xf32, #tpu.memory_space<vmem>> -> memref<1x8x1024xf32, #tpu.memory_space<vmem>>
    %dma_start3A_145 = tpu.memref_squeeze %dma_start3A_144 : memref<1x8x1024xf32, #tpu.memory_space<vmem>> -> memref<8x1024xf32, #tpu.memory_space<vmem>>
    %dma_start3A_146 = arith.constant 0 : i32
    %dma_start3A_147 = tpu.memref_slice %arg2[%dma_start3A_146, %mul3A_138] : memref<16x1000000xf32, #tpu.memory_space<hbm>> -> memref<8x1024xf32, #tpu.memory_space<hbm>>
    %dma_start3A_148 = arith.constant 0 : i32
    %dma_start3A_149 = arith.constant 0 : i32
    %dma_start3A_150 = tpu.memref_slice %arg5[%dma_start3A_141, %dma_start3A_148, %dma_start3A_149] : memref<3x16x1024xf32, #tpu.memory_space<vmem>> -> memref<1x8x1024xf32, #tpu.memory_space<vmem>>
    %dma_start3A_151 = tpu.memref_squeeze %dma_start3A_150 : memref<1x8x1024xf32, #tpu.memory_space<vmem>> -> memref<8x1024xf32, #tpu.memory_space<vmem>>
    %dma_start3A_152 = arith.constant 0 : i32
    %dma_start3A_153 = tpu.memref_slice %arg2[%dma_start3A_152, %mul3A_138] : memref<16x1000000xf32, #tpu.memory_space<hbm>> -> memref<8x1024xf32, #tpu.memory_space<hbm>>
    tpu.enqueue_dma source(%dma_start3A_153 : memref<8x1024xf32, #tpu.memory_space<hbm>>) target(%dma_start3A_151 : memref<8x1024xf32, #tpu.memory_space<vmem>>) target_semaphore(%arg7 : memref<!tpu.dma_semaphore, #tpu.memory_space<semaphore_mem>>)
    %dma_start3A_154 = arith.constant 1 : i32
    %dma_start3A_155 = arith.constant 8 : i32
    %dma_start3A_156 = arith.constant 0 : i32
    %dma_start3A_157 = tpu.memref_slice %arg5[%dma_start3A_154, %dma_start3A_155, %dma_start3A_156] : memref<3x16x1024xf32, #tpu.memory_space<vmem>> -> memref<1x8x1024xf32, #tpu.memory_space<vmem>>
    %dma_start3A_158 = tpu.memref_squeeze %dma_start3A_157 : memref<1x8x1024xf32, #tpu.memory_space<vmem>> -> memref<8x1024xf32, #tpu.memory_space<vmem>>
    %dma_start3A_159 = arith.constant 8 : i32
    %dma_start3A_160 = tpu.memref_slice %arg2[%dma_start3A_159, %mul3A_140] : memref<16x1000000xf32, #tpu.memory_space<hbm>> -> memref<8x1024xf32, #tpu.memory_space<hbm>>
    %dma_start3A_161 = arith.constant 8 : i32
    %dma_start3A_162 = arith.constant 0 : i32
    %dma_start3A_163 = tpu.memref_slice %arg5[%dma_start3A_154, %dma_start3A_161, %dma_start3A_162] : memref<3x16x1024xf32, #tpu.memory_space<vmem>> -> memref<1x8x1024xf32, #tpu.memory_space<vmem>>
    %dma_start3A_164 = tpu.memref_squeeze %dma_start3A_163 : memref<1x8x1024xf32, #tpu.memory_space<vmem>> -> memref<8x1024xf32, #tpu.memory_space<vmem>>
    %dma_start3A_165 = arith.constant 8 : i32
    %dma_start3A_166 = tpu.memref_slice %arg2[%dma_start3A_165, %mul3A_140] : memref<16x1000000xf32, #tpu.memory_space<hbm>> -> memref<8x1024xf32, #tpu.memory_space<hbm>>
    tpu.enqueue_dma source(%dma_start3A_166 : memref<8x1024xf32, #tpu.memory_space<hbm>>) target(%dma_start3A_164 : memref<8x1024xf32, #tpu.memory_space<vmem>>) target_semaphore(%arg7 : memref<!tpu.dma_semaphore, #tpu.memory_space<semaphore_mem>>)
    %while3A = arith.constant 0 : i32
    %while3A_167 = arith.constant 0 : i32
    %while3A_168 = arith.subi %add3A_4, %while3A : i32
    %while3A_169 = arith.addi %while3A, %while3A_168 : i32
    %while3A_170 = arith.constant 1 : i32
    %while3A_171 = arith.divsi %while3A_168, %while3A_170 : i32
    %while3A_172 = arith.muli %while3A_171, %while3A_170 : i32
    %while3A_173 = arith.addi %while3A, %while3A_172 : i32
    %while3A_174 = arith.constant 1 : i32
    %while3A_175 = scf.for %while3A_209 = %while3A to %while3A_173 step %while3A_174 iter_args(%while3A_210 = %while3A_167) -> (i32)  : i32 {
      %rem3A_211 = arith.constant 3 : i32
      %rem3A_212 = arith.remsi %while3A_209, %rem3A_211 : i32
      %add3A_213 = arith.addi %add3A_8, %while3A_209 : i32
      %mul3A_214 = arith.constant 1024 : i32
      %mul3A_215 = arith.muli %add3A_213, %mul3A_214 : i32
      %mul3A_216 = arith.constant 1024 : i32
      %mul3A_217 = arith.muli %add3A_213, %mul3A_216 : i32
      %dma_wait3A_218 = arith.constant 0 : i32
      %dma_wait3A_219 = arith.constant 0 : i32
      %dma_wait3A_220 = tpu.memref_slice %arg5[%rem3A_212, %dma_wait3A_218, %dma_wait3A_219] : memref<3x16x1024xf32, #tpu.memory_space<vmem>> -> memref<1x8x1024xf32, #tpu.memory_space<vmem>>
      %dma_wait3A_221 = tpu.memref_squeeze %dma_wait3A_220 : memref<1x8x1024xf32, #tpu.memory_space<vmem>> -> memref<8x1024xf32, #tpu.memory_space<vmem>>
      %dma_wait3A_222 = arith.constant 0 : i32
      %dma_wait3A_223 = tpu.memref_slice %arg2[%dma_wait3A_222, %mul3A_215] : memref<16x1000000xf32, #tpu.memory_space<hbm>> -> memref<8x1024xf32, #tpu.memory_space<hbm>>
      %dma_wait3A_224 = arith.constant 0 : i32
      %dma_wait3A_225 = arith.constant 0 : i32
      %dma_wait3A_226 = tpu.memref_slice %arg5[%rem3A_212, %dma_wait3A_224, %dma_wait3A_225] : memref<3x16x1024xf32, #tpu.memory_space<vmem>> -> memref<1x8x1024xf32, #tpu.memory_space<vmem>>
      %dma_wait3A_227 = tpu.memref_squeeze %dma_wait3A_226 : memref<1x8x1024xf32, #tpu.memory_space<vmem>> -> memref<8x1024xf32, #tpu.memory_space<vmem>>
      %dma_wait3A_228 = arith.constant 0 : i32
      %dma_wait3A_229 = tpu.memref_slice %arg2[%dma_wait3A_228, %mul3A_215] : memref<16x1000000xf32, #tpu.memory_space<hbm>> -> memref<8x1024xf32, #tpu.memory_space<hbm>>
      tpu.wait_dma2 semaphore(%arg7 : memref<!tpu.dma_semaphore, #tpu.memory_space<semaphore_mem>>) src(%dma_wait3A_229 : memref<8x1024xf32, #tpu.memory_space<hbm>>) dst(%dma_wait3A_227 : memref<8x1024xf32, #tpu.memory_space<vmem>>)
      %dma_wait3A_230 = arith.constant 8 : i32
      %dma_wait3A_231 = arith.constant 0 : i32
      %dma_wait3A_232 = tpu.memref_slice %arg5[%rem3A_212, %dma_wait3A_230, %dma_wait3A_231] : memref<3x16x1024xf32, #tpu.memory_space<vmem>> -> memref<1x8x1024xf32, #tpu.memory_space<vmem>>
      %dma_wait3A_233 = tpu.memref_squeeze %dma_wait3A_232 : memref<1x8x1024xf32, #tpu.memory_space<vmem>> -> memref<8x1024xf32, #tpu.memory_space<vmem>>
      %dma_wait3A_234 = arith.constant 8 : i32
      %dma_wait3A_235 = tpu.memref_slice %arg2[%dma_wait3A_234, %mul3A_217] : memref<16x1000000xf32, #tpu.memory_space<hbm>> -> memref<8x1024xf32, #tpu.memory_space<hbm>>
      %dma_wait3A_236 = arith.constant 8 : i32
      %dma_wait3A_237 = arith.constant 0 : i32
      %dma_wait3A_238 = tpu.memref_slice %arg5[%rem3A_212, %dma_wait3A_236, %dma_wait3A_237] : memref<3x16x1024xf32, #tpu.memory_space<vmem>> -> memref<1x8x1024xf32, #tpu.memory_space<vmem>>
      %dma_wait3A_239 = tpu.memref_squeeze %dma_wait3A_238 : memref<1x8x1024xf32, #tpu.memory_space<vmem>> -> memref<8x1024xf32, #tpu.memory_space<vmem>>
      %dma_wait3A_240 = arith.constant 8 : i32
      %dma_wait3A_241 = tpu.memref_slice %arg2[%dma_wait3A_240, %mul3A_217] : memref<16x1000000xf32, #tpu.memory_space<hbm>> -> memref<8x1024xf32, #tpu.memory_space<hbm>>
      tpu.wait_dma2 semaphore(%arg7 : memref<!tpu.dma_semaphore, #tpu.memory_space<semaphore_mem>>) src(%dma_wait3A_241 : memref<8x1024xf32, #tpu.memory_space<hbm>>) dst(%dma_wait3A_239 : memref<8x1024xf32, #tpu.memory_space<vmem>>)
      %add3A_242 = arith.constant 2 : i32
      %add3A_243 = arith.addi %while3A_209, %add3A_242 : i32
      %lt3A_244 = arith.cmpi slt, %add3A_243, %add3A_4 : i32
      %convert_element_type3A_245 = arith.extui %lt3A_244 : i1 to i32
      %cond3A_246 = arith.constant 0 : i32
      %cond3A_247 = arith.cmpi ne, %convert_element_type3A_245, %cond3A_246 : i32
      scf.if %cond3A_247 {
        %add3A_271 = arith.constant 2 : i32
        %add3A_272 = arith.addi %while3A_209, %add3A_271 : i32
        %rem3A_273 = arith.constant 3 : i32
        %rem3A_274 = arith.remsi %add3A_272, %rem3A_273 : i32
        %add3A_275 = arith.constant 2 : i32
        %add3A_276 = arith.addi %add3A_213, %add3A_275 : i32
        %mul3A_277 = arith.constant 1024 : i32
        %mul3A_278 = arith.muli %add3A_276, %mul3A_277 : i32
        %mul3A_279 = arith.constant 1024 : i32
        %mul3A_280 = arith.muli %add3A_276, %mul3A_279 : i32
        %dma_start3A_281 = arith.constant 0 : i32
        %dma_start3A_282 = arith.constant 0 : i32
        %dma_start3A_283 = tpu.memref_slice %arg5[%rem3A_274, %dma_start3A_281, %dma_start3A_282] : memref<3x16x1024xf32, #tpu.memory_space<vmem>> -> memref<1x8x1024xf32, #tpu.memory_space<vmem>>
        %dma_start3A_284 = tpu.memref_squeeze %dma_start3A_283 : memref<1x8x1024xf32, #tpu.memory_space<vmem>> -> memref<8x1024xf32, #tpu.memory_space<vmem>>
        %dma_start3A_285 = arith.constant 0 : i32
        %dma_start3A_286 = tpu.memref_slice %arg2[%dma_start3A_285, %mul3A_278] : memref<16x1000000xf32, #tpu.memory_space<hbm>> -> memref<8x1024xf32, #tpu.memory_space<hbm>>
        %dma_start3A_287 = arith.constant 0 : i32
        %dma_start3A_288 = arith.constant 0 : i32
        %dma_start3A_289 = tpu.memref_slice %arg5[%rem3A_274, %dma_start3A_287, %dma_start3A_288] : memref<3x16x1024xf32, #tpu.memory_space<vmem>> -> memref<1x8x1024xf32, #tpu.memory_space<vmem>>
        %dma_start3A_290 = tpu.memref_squeeze %dma_start3A_289 : memref<1x8x1024xf32, #tpu.memory_space<vmem>> -> memref<8x1024xf32, #tpu.memory_space<vmem>>
        %dma_start3A_291 = arith.constant 0 : i32
        %dma_start3A_292 = tpu.memref_slice %arg2[%dma_start3A_291, %mul3A_278] : memref<16x1000000xf32, #tpu.memory_space<hbm>> -> memref<8x1024xf32, #tpu.memory_space<hbm>>
        tpu.enqueue_dma source(%dma_start3A_292 : memref<8x1024xf32, #tpu.memory_space<hbm>>) target(%dma_start3A_290 : memref<8x1024xf32, #tpu.memory_space<vmem>>) target_semaphore(%arg7 : memref<!tpu.dma_semaphore, #tpu.memory_space<semaphore_mem>>)
        %dma_start3A_293 = arith.constant 8 : i32
        %dma_start3A_294 = arith.constant 0 : i32
        %dma_start3A_295 = tpu.memref_slice %arg5[%rem3A_274, %dma_start3A_293, %dma_start3A_294] : memref<3x16x1024xf32, #tpu.memory_space<vmem>> -> memref<1x8x1024xf32, #tpu.memory_space<vmem>>
        %dma_start3A_296 = tpu.memref_squeeze %dma_start3A_295 : memref<1x8x1024xf32, #tpu.memory_space<vmem>> -> memref<8x1024xf32, #tpu.memory_space<vmem>>
        %dma_start3A_297 = arith.constant 8 : i32
        %dma_start3A_298 = tpu.memref_slice %arg2[%dma_start3A_297, %mul3A_280] : memref<16x1000000xf32, #tpu.memory_space<hbm>> -> memref<8x1024xf32, #tpu.memory_space<hbm>>
        %dma_start3A_299 = arith.constant 8 : i32
        %dma_start3A_300 = arith.constant 0 : i32
        %dma_start3A_301 = tpu.memref_slice %arg5[%rem3A_274, %dma_start3A_299, %dma_start3A_300] : memref<3x16x1024xf32, #tpu.memory_space<vmem>> -> memref<1x8x1024xf32, #tpu.memory_space<vmem>>
        %dma_start3A_302 = tpu.memref_squeeze %dma_start3A_301 : memref<1x8x1024xf32, #tpu.memory_space<vmem>> -> memref<8x1024xf32, #tpu.memory_space<vmem>>
        %dma_start3A_303 = arith.constant 8 : i32
        %dma_start3A_304 = tpu.memref_slice %arg2[%dma_start3A_303, %mul3A_280] : memref<16x1000000xf32, #tpu.memory_space<hbm>> -> memref<8x1024xf32, #tpu.memory_space<hbm>>
        tpu.enqueue_dma source(%dma_start3A_304 : memref<8x1024xf32, #tpu.memory_space<hbm>>) target(%dma_start3A_302 : memref<8x1024xf32, #tpu.memory_space<vmem>>) target_semaphore(%arg7 : memref<!tpu.dma_semaphore, #tpu.memory_space<semaphore_mem>>)
      } else {
      }
      %ge3A = arith.constant 3 : i32
      %ge3A_248 = arith.cmpi sge, %while3A_209, %ge3A : i32
      %convert_element_type3A_249 = arith.extui %ge3A_248 : i1 to i32
      %cond3A_250 = arith.constant 0 : i32
      %cond3A_251 = arith.cmpi ne, %convert_element_type3A_249, %cond3A_250 : i32
      scf.if %cond3A_251 {
        %sub3A = arith.constant 3 : i32
        %sub3A_271 = arith.subi %add3A_213, %sub3A : i32
        %mul3A_272 = arith.constant 16384 : i32
        %mul3A_273 = arith.muli %rem3A_212, %mul3A_272 : i32
        %mul3A_274 = arith.constant 128 : i32
        %mul3A_275 = arith.muli %sub3A_271, %mul3A_274 : i32
        %mul3A_276 = arith.constant 128 : i32
        %mul3A_277 = arith.muli %mul3A_275, %mul3A_276 : i32
        %dma_wait3A_278 = tpu.memref_slice %arg6[%mul3A_273] : memref<49152xf32, #tpu.memory_space<vmem>> -> memref<16384xf32, #tpu.memory_space<vmem>>
        %dma_wait3A_279 = tpu.memref_slice %arg4[%mul3A_277] : memref<16000000xf32, #tpu.memory_space<hbm>> -> memref<16384xf32, #tpu.memory_space<hbm>>
        %dma_wait3A_280 = tpu.memref_slice %arg4[%mul3A_277] : memref<16000000xf32, #tpu.memory_space<hbm>> -> memref<16384xf32, #tpu.memory_space<hbm>>
        %dma_wait3A_281 = tpu.memref_slice %arg6[%mul3A_273] : memref<49152xf32, #tpu.memory_space<vmem>> -> memref<16384xf32, #tpu.memory_space<vmem>>
        tpu.wait_dma2 semaphore(%arg8 : memref<!tpu.dma_semaphore, #tpu.memory_space<semaphore_mem>>) src(%dma_wait3A_281 : memref<16384xf32, #tpu.memory_space<vmem>>) dst(%dma_wait3A_280 : memref<16384xf32, #tpu.memory_space<hbm>>)
      } else {
      }
      %mul3A_252 = arith.constant 16384 : i32
      %mul3A_253 = arith.muli %rem3A_212, %mul3A_252 : i32
      %scan3A = arith.constant 0 : i32
      %scan3A_254 = arith.constant 0 : i32
      %scan3A_255 = arith.constant 64 : i32
      %scan3A_256 = arith.addi %scan3A_254, %scan3A_255 : i32
      %scan3A_257 = arith.constant 1 : i32
      %scan3A_258 = scf.for %scan3A_271 = %scan3A_254 to %scan3A_256 step %scan3A_257 iter_args(%scan3A_272 = %scan3A) -> (i32)  : i32 {
        %mul3A_273 = arith.constant 16 : i32
        %mul3A_274 = arith.muli %scan3A_271, %mul3A_273 : i32
        %add3A_275 = vector.broadcast %mul3A_274 : i32 to vector<16xi32>
        %add3A_276 = arith.addi %rem3A_13, %add3A_275 : vector<16xi32>
        %gather3A = arith.constant 0 : i32
        %gather3A_277 = arith.constant 0 : i32
        %gather3A_278 = tpu.memref_slice %arg5[%rem3A_212, %gather3A, %gather3A_277] : memref<3x16x1024xf32, #tpu.memory_space<vmem>> -> memref<1x16x1024xf32, #tpu.memory_space<vmem>>
        %gather3A_279 = tpu.memref_squeeze %gather3A_278 : memref<1x16x1024xf32, #tpu.memory_space<vmem>> -> memref<16x1024xf32, #tpu.memory_space<vmem>>
        %gather3A_280 = tpu.vector_load_idx %gather3A_279[%iota3A, %add3A_276] : memref<16x1024xf32, #tpu.memory_space<vmem>>[vector<16xi32>, vector<16xi32>], vector<16xf32>,
        %add3A_281 = vector.broadcast %mul3A_274 : i32 to vector<16xi32>
        %add3A_282 = arith.addi %rem3A_13, %add3A_281 : vector<16xi32>
        %mul3A_283 = arith.constant 16 : i32
        %mul3A_284 = vector.broadcast %mul3A_283 : i32 to vector<16xi32>
        %mul3A_285 = arith.muli %add3A_282, %mul3A_284 : vector<16xi32>
        %add3A_286 = vector.broadcast %mul3A_253 : i32 to vector<16xi32>
        %add3A_287 = arith.addi %add3A_286, %mul3A_285 : vector<16xi32>
        %add3A_288 = arith.addi %add3A_287, %iota3A : vector<16xi32>
        tpu.vector_store_idx %arg6[%add3A_288], %gather3A_280 : memref<49152xf32, #tpu.memory_space<vmem>>[vector<16xi32>], vector<16xf32>,
        %add3A_289 = vector.broadcast %mul3A_274 : i32 to vector<16xi32>
        %add3A_290 = arith.addi %rem3A_19, %add3A_289 : vector<16xi32>
        %gather3A_291 = arith.constant 0 : i32
        %gather3A_292 = arith.constant 0 : i32
        %gather3A_293 = tpu.memref_slice %arg5[%rem3A_212, %gather3A_291, %gather3A_292] : memref<3x16x1024xf32, #tpu.memory_space<vmem>> -> memref<1x16x1024xf32, #tpu.memory_space<vmem>>
        %gather3A_294 = tpu.memref_squeeze %gather3A_293 : memref<1x16x1024xf32, #tpu.memory_space<vmem>> -> memref<16x1024xf32, #tpu.memory_space<vmem>>
        %gather3A_295 = tpu.vector_load_idx %gather3A_294[%iota3A, %add3A_290] : memref<16x1024xf32, #tpu.memory_space<vmem>>[vector<16xi32>, vector<16xi32>], vector<16xf32>,
        %add3A_296 = vector.broadcast %mul3A_274 : i32 to vector<16xi32>
        %add3A_297 = arith.addi %rem3A_19, %add3A_296 : vector<16xi32>
        %mul3A_298 = arith.constant 16 : i32
        %mul3A_299 = vector.broadcast %mul3A_298 : i32 to vector<16xi32>
        %mul3A_300 = arith.muli %add3A_297, %mul3A_299 : vector<16xi32>
        %add3A_301 = vector.broadcast %mul3A_253 : i32 to vector<16xi32>
        %add3A_302 = arith.addi %add3A_301, %mul3A_300 : vector<16xi32>
        %add3A_303 = arith.addi %add3A_302, %iota3A : vector<16xi32>
        tpu.vector_store_idx %arg6[%add3A_303], %gather3A_295 : memref<49152xf32, #tpu.memory_space<vmem>>[vector<16xi32>], vector<16xf32>,
        %add3A_304 = vector.broadcast %mul3A_274 : i32 to vector<16xi32>
        %add3A_305 = arith.addi %rem3A_25, %add3A_304 : vector<16xi32>
        %gather3A_306 = arith.constant 0 : i32
        %gather3A_307 = arith.constant 0 : i32
        %gather3A_308 = tpu.memref_slice %arg5[%rem3A_212, %gather3A_306, %gather3A_307] : memref<3x16x1024xf32, #tpu.memory_space<vmem>> -> memref<1x16x1024xf32, #tpu.memory_space<vmem>>
        %gather3A_309 = tpu.memref_squeeze %gather3A_308 : memref<1x16x1024xf32, #tpu.memory_space<vmem>> -> memref<16x1024xf32, #tpu.memory_space<vmem>>
        %gather3A_310 = tpu.vector_load_idx %gather3A_309[%iota3A, %add3A_305] : memref<16x1024xf32, #tpu.memory_space<vmem>>[vector<16xi32>, vector<16xi32>], vector<16xf32>,
        %add3A_311 = vector.broadcast %mul3A_274 : i32 to vector<16xi32>
        %add3A_312 = arith.addi %rem3A_25, %add3A_311 : vector<16xi32>
        %mul3A_313 = arith.constant 16 : i32
        %mul3A_314 = vector.broadcast %mul3A_313 : i32 to vector<16xi32>
        %mul3A_315 = arith.muli %add3A_312, %mul3A_314 : vector<16xi32>
        %add3A_316 = vector.broadcast %mul3A_253 : i32 to vector<16xi32>
        %add3A_317 = arith.addi %add3A_316, %mul3A_315 : vector<16xi32>
        %add3A_318 = arith.addi %add3A_317, %iota3A : vector<16xi32>
        tpu.vector_store_idx %arg6[%add3A_318], %gather3A_310 : memref<49152xf32, #tpu.memory_space<vmem>>[vector<16xi32>], vector<16xf32>,
        %add3A_319 = vector.broadcast %mul3A_274 : i32 to vector<16xi32>
        %add3A_320 = arith.addi %rem3A_31, %add3A_319 : vector<16xi32>
        %gather3A_321 = arith.constant 0 : i32
        %gather3A_322 = arith.constant 0 : i32
        %gather3A_323 = tpu.memref_slice %arg5[%rem3A_212, %gather3A_321, %gather3A_322] : memref<3x16x1024xf32, #tpu.memory_space<vmem>> -> memref<1x16x1024xf32, #tpu.memory_space<vmem>>
        %gather3A_324 = tpu.memref_squeeze %gather3A_323 : memref<1x16x1024xf32, #tpu.memory_space<vmem>> -> memref<16x1024xf32, #tpu.memory_space<vmem>>
        %gather3A_325 = tpu.vector_load_idx %gather3A_324[%iota3A, %add3A_320] : memref<16x1024xf32, #tpu.memory_space<vmem>>[vector<16xi32>, vector<16xi32>], vector<16xf32>,
        %add3A_326 = vector.broadcast %mul3A_274 : i32 to vector<16xi32>
        %add3A_327 = arith.addi %rem3A_31, %add3A_326 : vector<16xi32>
        %mul3A_328 = arith.constant 16 : i32
        %mul3A_329 = vector.broadcast %mul3A_328 : i32 to vector<16xi32>
        %mul3A_330 = arith.muli %add3A_327, %mul3A_329 : vector<16xi32>
        %add3A_331 = vector.broadcast %mul3A_253 : i32 to vector<16xi32>
        %add3A_332 = arith.addi %add3A_331, %mul3A_330 : vector<16xi32>
        %add3A_333 = arith.addi %add3A_332, %iota3A : vector<16xi32>
        tpu.vector_store_idx %arg6[%add3A_333], %gather3A_325 : memref<49152xf32, #tpu.memory_space<vmem>>[vector<16xi32>], vector<16xf32>,
        %add3A_334 = vector.broadcast %mul3A_274 : i32 to vector<16xi32>
        %add3A_335 = arith.addi %rem3A_37, %add3A_334 : vector<16xi32>
        %gather3A_336 = arith.constant 0 : i32
        %gather3A_337 = arith.constant 0 : i32
        %gather3A_338 = tpu.memref_slice %arg5[%rem3A_212, %gather3A_336, %gather3A_337] : memref<3x16x1024xf32, #tpu.memory_space<vmem>> -> memref<1x16x1024xf32, #tpu.memory_space<vmem>>
        %gather3A_339 = tpu.memref_squeeze %gather3A_338 : memref<1x16x1024xf32, #tpu.memory_space<vmem>> -> memref<16x1024xf32, #tpu.memory_space<vmem>>
        %gather3A_340 = tpu.vector_load_idx %gather3A_339[%iota3A, %add3A_335] : memref<16x1024xf32, #tpu.memory_space<vmem>>[vector<16xi32>, vector<16xi32>], vector<16xf32>,
        %add3A_341 = vector.broadcast %mul3A_274 : i32 to vector<16xi32>
        %add3A_342 = arith.addi %rem3A_37, %add3A_341 : vector<16xi32>
        %mul3A_343 = arith.constant 16 : i32
        %mul3A_344 = vector.broadcast %mul3A_343 : i32 to vector<16xi32>
        %mul3A_345 = arith.muli %add3A_342, %mul3A_344 : vector<16xi32>
        %add3A_346 = vector.broadcast %mul3A_253 : i32 to vector<16xi32>
        %add3A_347 = arith.addi %add3A_346, %mul3A_345 : vector<16xi32>
        %add3A_348 = arith.addi %add3A_347, %iota3A : vector<16xi32>
        tpu.vector_store_idx %arg6[%add3A_348], %gather3A_340 : memref<49152xf32, #tpu.memory_space<vmem>>[vector<16xi32>], vector<16xf32>,
        %add3A_349 = vector.broadcast %mul3A_274 : i32 to vector<16xi32>
        %add3A_350 = arith.addi %rem3A_43, %add3A_349 : vector<16xi32>
        %gather3A_351 = arith.constant 0 : i32
        %gather3A_352 = arith.constant 0 : i32
        %gather3A_353 = tpu.memref_slice %arg5[%rem3A_212, %gather3A_351, %gather3A_352] : memref<3x16x1024xf32, #tpu.memory_space<vmem>> -> memref<1x16x1024xf32, #tpu.memory_space<vmem>>
        %gather3A_354 = tpu.memref_squeeze %gather3A_353 : memref<1x16x1024xf32, #tpu.memory_space<vmem>> -> memref<16x1024xf32, #tpu.memory_space<vmem>>
        %gather3A_355 = tpu.vector_load_idx %gather3A_354[%iota3A, %add3A_350] : memref<16x1024xf32, #tpu.memory_space<vmem>>[vector<16xi32>, vector<16xi32>], vector<16xf32>,
        %add3A_356 = vector.broadcast %mul3A_274 : i32 to vector<16xi32>
        %add3A_357 = arith.addi %rem3A_43, %add3A_356 : vector<16xi32>
        %mul3A_358 = arith.constant 16 : i32
        %mul3A_359 = vector.broadcast %mul3A_358 : i32 to vector<16xi32>
        %mul3A_360 = arith.muli %add3A_357, %mul3A_359 : vector<16xi32>
        %add3A_361 = vector.broadcast %mul3A_253 : i32 to vector<16xi32>
        %add3A_362 = arith.addi %add3A_361, %mul3A_360 : vector<16xi32>
        %add3A_363 = arith.addi %add3A_362, %iota3A : vector<16xi32>
        tpu.vector_store_idx %arg6[%add3A_363], %gather3A_355 : memref<49152xf32, #tpu.memory_space<vmem>>[vector<16xi32>], vector<16xf32>,
        %add3A_364 = vector.broadcast %mul3A_274 : i32 to vector<16xi32>
        %add3A_365 = arith.addi %rem3A_49, %add3A_364 : vector<16xi32>
        %gather3A_366 = arith.constant 0 : i32
        %gather3A_367 = arith.constant 0 : i32
        %gather3A_368 = tpu.memref_slice %arg5[%rem3A_212, %gather3A_366, %gather3A_367] : memref<3x16x1024xf32, #tpu.memory_space<vmem>> -> memref<1x16x1024xf32, #tpu.memory_space<vmem>>
        %gather3A_369 = tpu.memref_squeeze %gather3A_368 : memref<1x16x1024xf32, #tpu.memory_space<vmem>> -> memref<16x1024xf32, #tpu.memory_space<vmem>>
        %gather3A_370 = tpu.vector_load_idx %gather3A_369[%iota3A, %add3A_365] : memref<16x1024xf32, #tpu.memory_space<vmem>>[vector<16xi32>, vector<16xi32>], vector<16xf32>,
        %add3A_371 = vector.broadcast %mul3A_274 : i32 to vector<16xi32>
        %add3A_372 = arith.addi %rem3A_49, %add3A_371 : vector<16xi32>
        %mul3A_373 = arith.constant 16 : i32
        %mul3A_374 = vector.broadcast %mul3A_373 : i32 to vector<16xi32>
        %mul3A_375 = arith.muli %add3A_372, %mul3A_374 : vector<16xi32>
        %add3A_376 = vector.broadcast %mul3A_253 : i32 to vector<16xi32>
        %add3A_377 = arith.addi %add3A_376, %mul3A_375 : vector<16xi32>
        %add3A_378 = arith.addi %add3A_377, %iota3A : vector<16xi32>
        tpu.vector_store_idx %arg6[%add3A_378], %gather3A_370 : memref<49152xf32, #tpu.memory_space<vmem>>[vector<16xi32>], vector<16xf32>,
        %add3A_379 = vector.broadcast %mul3A_274 : i32 to vector<16xi32>
        %add3A_380 = arith.addi %rem3A_55, %add3A_379 : vector<16xi32>
        %gather3A_381 = arith.constant 0 : i32
        %gather3A_382 = arith.constant 0 : i32
        %gather3A_383 = tpu.memref_slice %arg5[%rem3A_212, %gather3A_381, %gather3A_382] : memref<3x16x1024xf32, #tpu.memory_space<vmem>> -> memref<1x16x1024xf32, #tpu.memory_space<vmem>>
        %gather3A_384 = tpu.memref_squeeze %gather3A_383 : memref<1x16x1024xf32, #tpu.memory_space<vmem>> -> memref<16x1024xf32, #tpu.memory_space<vmem>>
        %gather3A_385 = tpu.vector_load_idx %gather3A_384[%iota3A, %add3A_380] : memref<16x1024xf32, #tpu.memory_space<vmem>>[vector<16xi32>, vector<16xi32>], vector<16xf32>,
        %add3A_386 = vector.broadcast %mul3A_274 : i32 to vector<16xi32>
        %add3A_387 = arith.addi %rem3A_55, %add3A_386 : vector<16xi32>
        %mul3A_388 = arith.constant 16 : i32
        %mul3A_389 = vector.broadcast %mul3A_388 : i32 to vector<16xi32>
        %mul3A_390 = arith.muli %add3A_387, %mul3A_389 : vector<16xi32>
        %add3A_391 = vector.broadcast %mul3A_253 : i32 to vector<16xi32>
        %add3A_392 = arith.addi %add3A_391, %mul3A_390 : vector<16xi32>
        %add3A_393 = arith.addi %add3A_392, %iota3A : vector<16xi32>
        tpu.vector_store_idx %arg6[%add3A_393], %gather3A_385 : memref<49152xf32, #tpu.memory_space<vmem>>[vector<16xi32>], vector<16xf32>,
        %add3A_394 = vector.broadcast %mul3A_274 : i32 to vector<16xi32>
        %add3A_395 = arith.addi %rem3A_61, %add3A_394 : vector<16xi32>
        %gather3A_396 = arith.constant 0 : i32
        %gather3A_397 = arith.constant 0 : i32
        %gather3A_398 = tpu.memref_slice %arg5[%rem3A_212, %gather3A_396, %gather3A_397] : memref<3x16x1024xf32, #tpu.memory_space<vmem>> -> memref<1x16x1024xf32, #tpu.memory_space<vmem>>
        %gather3A_399 = tpu.memref_squeeze %gather3A_398 : memref<1x16x1024xf32, #tpu.memory_space<vmem>> -> memref<16x1024xf32, #tpu.memory_space<vmem>>
        %gather3A_400 = tpu.vector_load_idx %gather3A_399[%iota3A, %add3A_395] : memref<16x1024xf32, #tpu.memory_space<vmem>>[vector<16xi32>, vector<16xi32>], vector<16xf32>,
        %add3A_401 = vector.broadcast %mul3A_274 : i32 to vector<16xi32>
        %add3A_402 = arith.addi %rem3A_61, %add3A_401 : vector<16xi32>
        %mul3A_403 = arith.constant 16 : i32
        %mul3A_404 = vector.broadcast %mul3A_403 : i32 to vector<16xi32>
        %mul3A_405 = arith.muli %add3A_402, %mul3A_404 : vector<16xi32>
        %add3A_406 = vector.broadcast %mul3A_253 : i32 to vector<16xi32>
        %add3A_407 = arith.addi %add3A_406, %mul3A_405 : vector<16xi32>
        %add3A_408 = arith.addi %add3A_407, %iota3A : vector<16xi32>
        tpu.vector_store_idx %arg6[%add3A_408], %gather3A_400 : memref<49152xf32, #tpu.memory_space<vmem>>[vector<16xi32>], vector<16xf32>,
        %add3A_409 = vector.broadcast %mul3A_274 : i32 to vector<16xi32>
        %add3A_410 = arith.addi %rem3A_67, %add3A_409 : vector<16xi32>
        %gather3A_411 = arith.constant 0 : i32
        %gather3A_412 = arith.constant 0 : i32
        %gather3A_413 = tpu.memref_slice %arg5[%rem3A_212, %gather3A_411, %gather3A_412] : memref<3x16x1024xf32, #tpu.memory_space<vmem>> -> memref<1x16x1024xf32, #tpu.memory_space<vmem>>
        %gather3A_414 = tpu.memref_squeeze %gather3A_413 : memref<1x16x1024xf32, #tpu.memory_space<vmem>> -> memref<16x1024xf32, #tpu.memory_space<vmem>>
        %gather3A_415 = tpu.vector_load_idx %gather3A_414[%iota3A, %add3A_410] : memref<16x1024xf32, #tpu.memory_space<vmem>>[vector<16xi32>, vector<16xi32>], vector<16xf32>,
        %add3A_416 = vector.broadcast %mul3A_274 : i32 to vector<16xi32>
        %add3A_417 = arith.addi %rem3A_67, %add3A_416 : vector<16xi32>
        %mul3A_418 = arith.constant 16 : i32
        %mul3A_419 = vector.broadcast %mul3A_418 : i32 to vector<16xi32>
        %mul3A_420 = arith.muli %add3A_417, %mul3A_419 : vector<16xi32>
        %add3A_421 = vector.broadcast %mul3A_253 : i32 to vector<16xi32>
        %add3A_422 = arith.addi %add3A_421, %mul3A_420 : vector<16xi32>
        %add3A_423 = arith.addi %add3A_422, %iota3A : vector<16xi32>
        tpu.vector_store_idx %arg6[%add3A_423], %gather3A_415 : memref<49152xf32, #tpu.memory_space<vmem>>[vector<16xi32>], vector<16xf32>,
        %add3A_424 = vector.broadcast %mul3A_274 : i32 to vector<16xi32>
        %add3A_425 = arith.addi %rem3A_73, %add3A_424 : vector<16xi32>
        %gather3A_426 = arith.constant 0 : i32
        %gather3A_427 = arith.constant 0 : i32
        %gather3A_428 = tpu.memref_slice %arg5[%rem3A_212, %gather3A_426, %gather3A_427] : memref<3x16x1024xf32, #tpu.memory_space<vmem>> -> memref<1x16x1024xf32, #tpu.memory_space<vmem>>
        %gather3A_429 = tpu.memref_squeeze %gather3A_428 : memref<1x16x1024xf32, #tpu.memory_space<vmem>> -> memref<16x1024xf32, #tpu.memory_space<vmem>>
        %gather3A_430 = tpu.vector_load_idx %gather3A_429[%iota3A, %add3A_425] : memref<16x1024xf32, #tpu.memory_space<vmem>>[vector<16xi32>, vector<16xi32>], vector<16xf32>,
        %add3A_431 = vector.broadcast %mul3A_274 : i32 to vector<16xi32>
        %add3A_432 = arith.addi %rem3A_73, %add3A_431 : vector<16xi32>
        %mul3A_433 = arith.constant 16 : i32
        %mul3A_434 = vector.broadcast %mul3A_433 : i32 to vector<16xi32>
        %mul3A_435 = arith.muli %add3A_432, %mul3A_434 : vector<16xi32>
        %add3A_436 = vector.broadcast %mul3A_253 : i32 to vector<16xi32>
        %add3A_437 = arith.addi %add3A_436, %mul3A_435 : vector<16xi32>
        %add3A_438 = arith.addi %add3A_437, %iota3A : vector<16xi32>
        tpu.vector_store_idx %arg6[%add3A_438], %gather3A_430 : memref<49152xf32, #tpu.memory_space<vmem>>[vector<16xi32>], vector<16xf32>,
        %add3A_439 = vector.broadcast %mul3A_274 : i32 to vector<16xi32>
        %add3A_440 = arith.addi %rem3A_79, %add3A_439 : vector<16xi32>
        %gather3A_441 = arith.constant 0 : i32
        %gather3A_442 = arith.constant 0 : i32
        %gather3A_443 = tpu.memref_slice %arg5[%rem3A_212, %gather3A_441, %gather3A_442] : memref<3x16x1024xf32, #tpu.memory_space<vmem>> -> memref<1x16x1024xf32, #tpu.memory_space<vmem>>
        %gather3A_444 = tpu.memref_squeeze %gather3A_443 : memref<1x16x1024xf32, #tpu.memory_space<vmem>> -> memref<16x1024xf32, #tpu.memory_space<vmem>>
        %gather3A_445 = tpu.vector_load_idx %gather3A_444[%iota3A, %add3A_440] : memref<16x1024xf32, #tpu.memory_space<vmem>>[vector<16xi32>, vector<16xi32>], vector<16xf32>,
        %add3A_446 = vector.broadcast %mul3A_274 : i32 to vector<16xi32>
        %add3A_447 = arith.addi %rem3A_79, %add3A_446 : vector<16xi32>
        %mul3A_448 = arith.constant 16 : i32
        %mul3A_449 = vector.broadcast %mul3A_448 : i32 to vector<16xi32>
        %mul3A_450 = arith.muli %add3A_447, %mul3A_449 : vector<16xi32>
        %add3A_451 = vector.broadcast %mul3A_253 : i32 to vector<16xi32>
        %add3A_452 = arith.addi %add3A_451, %mul3A_450 : vector<16xi32>
        %add3A_453 = arith.addi %add3A_452, %iota3A : vector<16xi32>
        tpu.vector_store_idx %arg6[%add3A_453], %gather3A_445 : memref<49152xf32, #tpu.memory_space<vmem>>[vector<16xi32>], vector<16xf32>,
        %add3A_454 = vector.broadcast %mul3A_274 : i32 to vector<16xi32>
        %add3A_455 = arith.addi %rem3A_85, %add3A_454 : vector<16xi32>
        %gather3A_456 = arith.constant 0 : i32
        %gather3A_457 = arith.constant 0 : i32
        %gather3A_458 = tpu.memref_slice %arg5[%rem3A_212, %gather3A_456, %gather3A_457] : memref<3x16x1024xf32, #tpu.memory_space<vmem>> -> memref<1x16x1024xf32, #tpu.memory_space<vmem>>
        %gather3A_459 = tpu.memref_squeeze %gather3A_458 : memref<1x16x1024xf32, #tpu.memory_space<vmem>> -> memref<16x1024xf32, #tpu.memory_space<vmem>>
        %gather3A_460 = tpu.vector_load_idx %gather3A_459[%iota3A, %add3A_455] : memref<16x1024xf32, #tpu.memory_space<vmem>>[vector<16xi32>, vector<16xi32>], vector<16xf32>,
        %add3A_461 = vector.broadcast %mul3A_274 : i32 to vector<16xi32>
        %add3A_462 = arith.addi %rem3A_85, %add3A_461 : vector<16xi32>
        %mul3A_463 = arith.constant 16 : i32
        %mul3A_464 = vector.broadcast %mul3A_463 : i32 to vector<16xi32>
        %mul3A_465 = arith.muli %add3A_462, %mul3A_464 : vector<16xi32>
        %add3A_466 = vector.broadcast %mul3A_253 : i32 to vector<16xi32>
        %add3A_467 = arith.addi %add3A_466, %mul3A_465 : vector<16xi32>
        %add3A_468 = arith.addi %add3A_467, %iota3A : vector<16xi32>
        tpu.vector_store_idx %arg6[%add3A_468], %gather3A_460 : memref<49152xf32, #tpu.memory_space<vmem>>[vector<16xi32>], vector<16xf32>,
        %add3A_469 = vector.broadcast %mul3A_274 : i32 to vector<16xi32>
        %add3A_470 = arith.addi %rem3A_91, %add3A_469 : vector<16xi32>
        %gather3A_471 = arith.constant 0 : i32
        %gather3A_472 = arith.constant 0 : i32
        %gather3A_473 = tpu.memref_slice %arg5[%rem3A_212, %gather3A_471, %gather3A_472] : memref<3x16x1024xf32, #tpu.memory_space<vmem>> -> memref<1x16x1024xf32, #tpu.memory_space<vmem>>
        %gather3A_474 = tpu.memref_squeeze %gather3A_473 : memref<1x16x1024xf32, #tpu.memory_space<vmem>> -> memref<16x1024xf32, #tpu.memory_space<vmem>>
        %gather3A_475 = tpu.vector_load_idx %gather3A_474[%iota3A, %add3A_470] : memref<16x1024xf32, #tpu.memory_space<vmem>>[vector<16xi32>, vector<16xi32>], vector<16xf32>,
        %add3A_476 = vector.broadcast %mul3A_274 : i32 to vector<16xi32>
        %add3A_477 = arith.addi %rem3A_91, %add3A_476 : vector<16xi32>
        %mul3A_478 = arith.constant 16 : i32
        %mul3A_479 = vector.broadcast %mul3A_478 : i32 to vector<16xi32>
        %mul3A_480 = arith.muli %add3A_477, %mul3A_479 : vector<16xi32>
        %add3A_481 = vector.broadcast %mul3A_253 : i32 to vector<16xi32>
        %add3A_482 = arith.addi %add3A_481, %mul3A_480 : vector<16xi32>
        %add3A_483 = arith.addi %add3A_482, %iota3A : vector<16xi32>
        tpu.vector_store_idx %arg6[%add3A_483], %gather3A_475 : memref<49152xf32, #tpu.memory_space<vmem>>[vector<16xi32>], vector<16xf32>,
        %add3A_484 = vector.broadcast %mul3A_274 : i32 to vector<16xi32>
        %add3A_485 = arith.addi %rem3A_97, %add3A_484 : vector<16xi32>
        %gather3A_486 = arith.constant 0 : i32
        %gather3A_487 = arith.constant 0 : i32
        %gather3A_488 = tpu.memref_slice %arg5[%rem3A_212, %gather3A_486, %gather3A_487] : memref<3x16x1024xf32, #tpu.memory_space<vmem>> -> memref<1x16x1024xf32, #tpu.memory_space<vmem>>
        %gather3A_489 = tpu.memref_squeeze %gather3A_488 : memref<1x16x1024xf32, #tpu.memory_space<vmem>> -> memref<16x1024xf32, #tpu.memory_space<vmem>>
        %gather3A_490 = tpu.vector_load_idx %gather3A_489[%iota3A, %add3A_485] : memref<16x1024xf32, #tpu.memory_space<vmem>>[vector<16xi32>, vector<16xi32>], vector<16xf32>,
        %add3A_491 = vector.broadcast %mul3A_274 : i32 to vector<16xi32>
        %add3A_492 = arith.addi %rem3A_97, %add3A_491 : vector<16xi32>
        %mul3A_493 = arith.constant 16 : i32
        %mul3A_494 = vector.broadcast %mul3A_493 : i32 to vector<16xi32>
        %mul3A_495 = arith.muli %add3A_492, %mul3A_494 : vector<16xi32>
        %add3A_496 = vector.broadcast %mul3A_253 : i32 to vector<16xi32>
        %add3A_497 = arith.addi %add3A_496, %mul3A_495 : vector<16xi32>
        %add3A_498 = arith.addi %add3A_497, %iota3A : vector<16xi32>
        tpu.vector_store_idx %arg6[%add3A_498], %gather3A_490 : memref<49152xf32, #tpu.memory_space<vmem>>[vector<16xi32>], vector<16xf32>,
        %add3A_499 = vector.broadcast %mul3A_274 : i32 to vector<16xi32>
        %add3A_500 = arith.addi %rem3A_103, %add3A_499 : vector<16xi32>
        %gather3A_501 = arith.constant 0 : i32
        %gather3A_502 = arith.constant 0 : i32
        %gather3A_503 = tpu.memref_slice %arg5[%rem3A_212, %gather3A_501, %gather3A_502] : memref<3x16x1024xf32, #tpu.memory_space<vmem>> -> memref<1x16x1024xf32, #tpu.memory_space<vmem>>
        %gather3A_504 = tpu.memref_squeeze %gather3A_503 : memref<1x16x1024xf32, #tpu.memory_space<vmem>> -> memref<16x1024xf32, #tpu.memory_space<vmem>>
        %gather3A_505 = tpu.vector_load_idx %gather3A_504[%iota3A, %add3A_500] : memref<16x1024xf32, #tpu.memory_space<vmem>>[vector<16xi32>, vector<16xi32>], vector<16xf32>,
        %add3A_506 = vector.broadcast %mul3A_274 : i32 to vector<16xi32>
        %add3A_507 = arith.addi %rem3A_103, %add3A_506 : vector<16xi32>
        %mul3A_508 = arith.constant 16 : i32
        %mul3A_509 = vector.broadcast %mul3A_508 : i32 to vector<16xi32>
        %mul3A_510 = arith.muli %add3A_507, %mul3A_509 : vector<16xi32>
        %add3A_511 = vector.broadcast %mul3A_253 : i32 to vector<16xi32>
        %add3A_512 = arith.addi %add3A_511, %mul3A_510 : vector<16xi32>
        %add3A_513 = arith.addi %add3A_512, %iota3A : vector<16xi32>
        tpu.vector_store_idx %arg6[%add3A_513], %gather3A_505 : memref<49152xf32, #tpu.memory_space<vmem>>[vector<16xi32>], vector<16xf32>,
        %scan3A_514 = arith.constant 0 : i32
        scf.yield %scan3A_514 : i32
      }
      %scan3A_259 = arith.constant 64 : i32
      %mul3A_260 = arith.constant 16384 : i32
      %mul3A_261 = arith.muli %rem3A_212, %mul3A_260 : i32
      %mul3A_262 = arith.constant 128 : i32
      %mul3A_263 = arith.muli %add3A_213, %mul3A_262 : i32
      %mul3A_264 = arith.constant 128 : i32
      %mul3A_265 = arith.muli %mul3A_263, %mul3A_264 : i32
      %dma_start3A_266 = tpu.memref_slice %arg6[%mul3A_261] : memref<49152xf32, #tpu.memory_space<vmem>> -> memref<16384xf32, #tpu.memory_space<vmem>>
      %dma_start3A_267 = tpu.memref_slice %arg4[%mul3A_265] : memref<16000000xf32, #tpu.memory_space<hbm>> -> memref<16384xf32, #tpu.memory_space<hbm>>
      %dma_start3A_268 = tpu.memref_slice %arg4[%mul3A_265] : memref<16000000xf32, #tpu.memory_space<hbm>> -> memref<16384xf32, #tpu.memory_space<hbm>>
      %dma_start3A_269 = tpu.memref_slice %arg6[%mul3A_261] : memref<49152xf32, #tpu.memory_space<vmem>> -> memref<16384xf32, #tpu.memory_space<vmem>>
      tpu.enqueue_dma source(%dma_start3A_269 : memref<16384xf32, #tpu.memory_space<vmem>>) target(%dma_start3A_268 : memref<16384xf32, #tpu.memory_space<hbm>>) target_semaphore(%arg8 : memref<!tpu.dma_semaphore, #tpu.memory_space<semaphore_mem>>)
      %while3A_270 = arith.constant 0 : i32
      scf.yield %while3A_270 : i32
    }
    %while3A_176 = arith.constant 1 : i32
    %while3A_177 = scf.for %while3A_209 = %while3A_173 to %while3A_169 step %while3A_176 iter_args(%while3A_210 = %while3A_175) -> (i32)  : i32 {
      %rem3A_211 = arith.constant 3 : i32
      %rem3A_212 = arith.remsi %while3A_209, %rem3A_211 : i32
      %add3A_213 = arith.addi %add3A_8, %while3A_209 : i32
      %mul3A_214 = arith.constant 1024 : i32
      %mul3A_215 = arith.muli %add3A_213, %mul3A_214 : i32
      %mul3A_216 = arith.constant 1024 : i32
      %mul3A_217 = arith.muli %add3A_213, %mul3A_216 : i32
      %dma_wait3A_218 = arith.constant 0 : i32
      %dma_wait3A_219 = arith.constant 0 : i32
      %dma_wait3A_220 = tpu.memref_slice %arg5[%rem3A_212, %dma_wait3A_218, %dma_wait3A_219] : memref<3x16x1024xf32, #tpu.memory_space<vmem>> -> memref<1x8x1024xf32, #tpu.memory_space<vmem>>
      %dma_wait3A_221 = tpu.memref_squeeze %dma_wait3A_220 : memref<1x8x1024xf32, #tpu.memory_space<vmem>> -> memref<8x1024xf32, #tpu.memory_space<vmem>>
      %dma_wait3A_222 = arith.constant 0 : i32
      %dma_wait3A_223 = tpu.memref_slice %arg2[%dma_wait3A_222, %mul3A_215] : memref<16x1000000xf32, #tpu.memory_space<hbm>> -> memref<8x1024xf32, #tpu.memory_space<hbm>>
      %dma_wait3A_224 = arith.constant 0 : i32
      %dma_wait3A_225 = arith.constant 0 : i32
      %dma_wait3A_226 = tpu.memref_slice %arg5[%rem3A_212, %dma_wait3A_224, %dma_wait3A_225] : memref<3x16x1024xf32, #tpu.memory_space<vmem>> -> memref<1x8x1024xf32, #tpu.memory_space<vmem>>
      %dma_wait3A_227 = tpu.memref_squeeze %dma_wait3A_226 : memref<1x8x1024xf32, #tpu.memory_space<vmem>> -> memref<8x1024xf32, #tpu.memory_space<vmem>>
      %dma_wait3A_228 = arith.constant 0 : i32
      %dma_wait3A_229 = tpu.memref_slice %arg2[%dma_wait3A_228, %mul3A_215] : memref<16x1000000xf32, #tpu.memory_space<hbm>> -> memref<8x1024xf32, #tpu.memory_space<hbm>>
      tpu.wait_dma2 semaphore(%arg7 : memref<!tpu.dma_semaphore, #tpu.memory_space<semaphore_mem>>) src(%dma_wait3A_229 : memref<8x1024xf32, #tpu.memory_space<hbm>>) dst(%dma_wait3A_227 : memref<8x1024xf32, #tpu.memory_space<vmem>>)
      %dma_wait3A_230 = arith.constant 8 : i32
      %dma_wait3A_231 = arith.constant 0 : i32
      %dma_wait3A_232 = tpu.memref_slice %arg5[%rem3A_212, %dma_wait3A_230, %dma_wait3A_231] : memref<3x16x1024xf32, #tpu.memory_space<vmem>> -> memref<1x8x1024xf32, #tpu.memory_space<vmem>>
      %dma_wait3A_233 = tpu.memref_squeeze %dma_wait3A_232 : memref<1x8x1024xf32, #tpu.memory_space<vmem>> -> memref<8x1024xf32, #tpu.memory_space<vmem>>
      %dma_wait3A_234 = arith.constant 8 : i32
      %dma_wait3A_235 = tpu.memref_slice %arg2[%dma_wait3A_234, %mul3A_217] : memref<16x1000000xf32, #tpu.memory_space<hbm>> -> memref<8x1024xf32, #tpu.memory_space<hbm>>
      %dma_wait3A_236 = arith.constant 8 : i32
      %dma_wait3A_237 = arith.constant 0 : i32
      %dma_wait3A_238 = tpu.memref_slice %arg5[%rem3A_212, %dma_wait3A_236, %dma_wait3A_237] : memref<3x16x1024xf32, #tpu.memory_space<vmem>> -> memref<1x8x1024xf32, #tpu.memory_space<vmem>>
      %dma_wait3A_239 = tpu.memref_squeeze %dma_wait3A_238 : memref<1x8x1024xf32, #tpu.memory_space<vmem>> -> memref<8x1024xf32, #tpu.memory_space<vmem>>
      %dma_wait3A_240 = arith.constant 8 : i32
      %dma_wait3A_241 = tpu.memref_slice %arg2[%dma_wait3A_240, %mul3A_217] : memref<16x1000000xf32, #tpu.memory_space<hbm>> -> memref<8x1024xf32, #tpu.memory_space<hbm>>
      tpu.wait_dma2 semaphore(%arg7 : memref<!tpu.dma_semaphore, #tpu.memory_space<semaphore_mem>>) src(%dma_wait3A_241 : memref<8x1024xf32, #tpu.memory_space<hbm>>) dst(%dma_wait3A_239 : memref<8x1024xf32, #tpu.memory_space<vmem>>)
      %add3A_242 = arith.constant 2 : i32
      %add3A_243 = arith.addi %while3A_209, %add3A_242 : i32
      %lt3A_244 = arith.cmpi slt, %add3A_243, %add3A_4 : i32
      %convert_element_type3A_245 = arith.extui %lt3A_244 : i1 to i32
      %cond3A_246 = arith.constant 0 : i32
      %cond3A_247 = arith.cmpi ne, %convert_element_type3A_245, %cond3A_246 : i32
      scf.if %cond3A_247 {
        %add3A_271 = arith.constant 2 : i32
        %add3A_272 = arith.addi %while3A_209, %add3A_271 : i32
        %rem3A_273 = arith.constant 3 : i32
        %rem3A_274 = arith.remsi %add3A_272, %rem3A_273 : i32
        %add3A_275 = arith.constant 2 : i32
        %add3A_276 = arith.addi %add3A_213, %add3A_275 : i32
        %mul3A_277 = arith.constant 1024 : i32
        %mul3A_278 = arith.muli %add3A_276, %mul3A_277 : i32
        %mul3A_279 = arith.constant 1024 : i32
        %mul3A_280 = arith.muli %add3A_276, %mul3A_279 : i32
        %dma_start3A_281 = arith.constant 0 : i32
        %dma_start3A_282 = arith.constant 0 : i32
        %dma_start3A_283 = tpu.memref_slice %arg5[%rem3A_274, %dma_start3A_281, %dma_start3A_282] : memref<3x16x1024xf32, #tpu.memory_space<vmem>> -> memref<1x8x1024xf32, #tpu.memory_space<vmem>>
        %dma_start3A_284 = tpu.memref_squeeze %dma_start3A_283 : memref<1x8x1024xf32, #tpu.memory_space<vmem>> -> memref<8x1024xf32, #tpu.memory_space<vmem>>
        %dma_start3A_285 = arith.constant 0 : i32
        %dma_start3A_286 = tpu.memref_slice %arg2[%dma_start3A_285, %mul3A_278] : memref<16x1000000xf32, #tpu.memory_space<hbm>> -> memref<8x1024xf32, #tpu.memory_space<hbm>>
        %dma_start3A_287 = arith.constant 0 : i32
        %dma_start3A_288 = arith.constant 0 : i32
        %dma_start3A_289 = tpu.memref_slice %arg5[%rem3A_274, %dma_start3A_287, %dma_start3A_288] : memref<3x16x1024xf32, #tpu.memory_space<vmem>> -> memref<1x8x1024xf32, #tpu.memory_space<vmem>>
        %dma_start3A_290 = tpu.memref_squeeze %dma_start3A_289 : memref<1x8x1024xf32, #tpu.memory_space<vmem>> -> memref<8x1024xf32, #tpu.memory_space<vmem>>
        %dma_start3A_291 = arith.constant 0 : i32
        %dma_start3A_292 = tpu.memref_slice %arg2[%dma_start3A_291, %mul3A_278] : memref<16x1000000xf32, #tpu.memory_space<hbm>> -> memref<8x1024xf32, #tpu.memory_space<hbm>>
        tpu.enqueue_dma source(%dma_start3A_292 : memref<8x1024xf32, #tpu.memory_space<hbm>>) target(%dma_start3A_290 : memref<8x1024xf32, #tpu.memory_space<vmem>>) target_semaphore(%arg7 : memref<!tpu.dma_semaphore, #tpu.memory_space<semaphore_mem>>)
        %dma_start3A_293 = arith.constant 8 : i32
        %dma_start3A_294 = arith.constant 0 : i32
        %dma_start3A_295 = tpu.memref_slice %arg5[%rem3A_274, %dma_start3A_293, %dma_start3A_294] : memref<3x16x1024xf32, #tpu.memory_space<vmem>> -> memref<1x8x1024xf32, #tpu.memory_space<vmem>>
        %dma_start3A_296 = tpu.memref_squeeze %dma_start3A_295 : memref<1x8x1024xf32, #tpu.memory_space<vmem>> -> memref<8x1024xf32, #tpu.memory_space<vmem>>
        %dma_start3A_297 = arith.constant 8 : i32
        %dma_start3A_298 = tpu.memref_slice %arg2[%dma_start3A_297, %mul3A_280] : memref<16x1000000xf32, #tpu.memory_space<hbm>> -> memref<8x1024xf32, #tpu.memory_space<hbm>>
        %dma_start3A_299 = arith.constant 8 : i32
        %dma_start3A_300 = arith.constant 0 : i32
        %dma_start3A_301 = tpu.memref_slice %arg5[%rem3A_274, %dma_start3A_299, %dma_start3A_300] : memref<3x16x1024xf32, #tpu.memory_space<vmem>> -> memref<1x8x1024xf32, #tpu.memory_space<vmem>>
        %dma_start3A_302 = tpu.memref_squeeze %dma_start3A_301 : memref<1x8x1024xf32, #tpu.memory_space<vmem>> -> memref<8x1024xf32, #tpu.memory_space<vmem>>
        %dma_start3A_303 = arith.constant 8 : i32
        %dma_start3A_304 = tpu.memref_slice %arg2[%dma_start3A_303, %mul3A_280] : memref<16x1000000xf32, #tpu.memory_space<hbm>> -> memref<8x1024xf32, #tpu.memory_space<hbm>>
        tpu.enqueue_dma source(%dma_start3A_304 : memref<8x1024xf32, #tpu.memory_space<hbm>>) target(%dma_start3A_302 : memref<8x1024xf32, #tpu.memory_space<vmem>>) target_semaphore(%arg7 : memref<!tpu.dma_semaphore, #tpu.memory_space<semaphore_mem>>)
      } else {
      }
      %ge3A = arith.constant 3 : i32
      %ge3A_248 = arith.cmpi sge, %while3A_209, %ge3A : i32
      %convert_element_type3A_249 = arith.extui %ge3A_248 : i1 to i32
      %cond3A_250 = arith.constant 0 : i32
      %cond3A_251 = arith.cmpi ne, %convert_element_type3A_249, %cond3A_250 : i32
      scf.if %cond3A_251 {
        %sub3A = arith.constant 3 : i32
        %sub3A_271 = arith.subi %add3A_213, %sub3A : i32
        %mul3A_272 = arith.constant 16384 : i32
        %mul3A_273 = arith.muli %rem3A_212, %mul3A_272 : i32
        %mul3A_274 = arith.constant 128 : i32
        %mul3A_275 = arith.muli %sub3A_271, %mul3A_274 : i32
        %mul3A_276 = arith.constant 128 : i32
        %mul3A_277 = arith.muli %mul3A_275, %mul3A_276 : i32
        %dma_wait3A_278 = tpu.memref_slice %arg6[%mul3A_273] : memref<49152xf32, #tpu.memory_space<vmem>> -> memref<16384xf32, #tpu.memory_space<vmem>>
        %dma_wait3A_279 = tpu.memref_slice %arg4[%mul3A_277] : memref<16000000xf32, #tpu.memory_space<hbm>> -> memref<16384xf32, #tpu.memory_space<hbm>>
        %dma_wait3A_280 = tpu.memref_slice %arg4[%mul3A_277] : memref<16000000xf32, #tpu.memory_space<hbm>> -> memref<16384xf32, #tpu.memory_space<hbm>>
        %dma_wait3A_281 = tpu.memref_slice %arg6[%mul3A_273] : memref<49152xf32, #tpu.memory_space<vmem>> -> memref<16384xf32, #tpu.memory_space<vmem>>
        tpu.wait_dma2 semaphore(%arg8 : memref<!tpu.dma_semaphore, #tpu.memory_space<semaphore_mem>>) src(%dma_wait3A_281 : memref<16384xf32, #tpu.memory_space<vmem>>) dst(%dma_wait3A_280 : memref<16384xf32, #tpu.memory_space<hbm>>)
      } else {
      }
      %mul3A_252 = arith.constant 16384 : i32
      %mul3A_253 = arith.muli %rem3A_212, %mul3A_252 : i32
      %scan3A = arith.constant 0 : i32
      %scan3A_254 = arith.constant 0 : i32
      %scan3A_255 = arith.constant 64 : i32
      %scan3A_256 = arith.addi %scan3A_254, %scan3A_255 : i32
      %scan3A_257 = arith.constant 1 : i32
      %scan3A_258 = scf.for %scan3A_271 = %scan3A_254 to %scan3A_256 step %scan3A_257 iter_args(%scan3A_272 = %scan3A) -> (i32)  : i32 {
        %mul3A_273 = arith.constant 16 : i32
        %mul3A_274 = arith.muli %scan3A_271, %mul3A_273 : i32
        %add3A_275 = vector.broadcast %mul3A_274 : i32 to vector<16xi32>
        %add3A_276 = arith.addi %rem3A_13, %add3A_275 : vector<16xi32>
        %gather3A = arith.constant 0 : i32
        %gather3A_277 = arith.constant 0 : i32
        %gather3A_278 = tpu.memref_slice %arg5[%rem3A_212, %gather3A, %gather3A_277] : memref<3x16x1024xf32, #tpu.memory_space<vmem>> -> memref<1x16x1024xf32, #tpu.memory_space<vmem>>
        %gather3A_279 = tpu.memref_squeeze %gather3A_278 : memref<1x16x1024xf32, #tpu.memory_space<vmem>> -> memref<16x1024xf32, #tpu.memory_space<vmem>>
        %gather3A_280 = tpu.vector_load_idx %gather3A_279[%iota3A, %add3A_276] : memref<16x1024xf32, #tpu.memory_space<vmem>>[vector<16xi32>, vector<16xi32>], vector<16xf32>,
        %add3A_281 = vector.broadcast %mul3A_274 : i32 to vector<16xi32>
        %add3A_282 = arith.addi %rem3A_13, %add3A_281 : vector<16xi32>
        %mul3A_283 = arith.constant 16 : i32
        %mul3A_284 = vector.broadcast %mul3A_283 : i32 to vector<16xi32>
        %mul3A_285 = arith.muli %add3A_282, %mul3A_284 : vector<16xi32>
        %add3A_286 = vector.broadcast %mul3A_253 : i32 to vector<16xi32>
        %add3A_287 = arith.addi %add3A_286, %mul3A_285 : vector<16xi32>
        %add3A_288 = arith.addi %add3A_287, %iota3A : vector<16xi32>
        tpu.vector_store_idx %arg6[%add3A_288], %gather3A_280 : memref<49152xf32, #tpu.memory_space<vmem>>[vector<16xi32>], vector<16xf32>,
        %add3A_289 = vector.broadcast %mul3A_274 : i32 to vector<16xi32>
        %add3A_290 = arith.addi %rem3A_19, %add3A_289 : vector<16xi32>
        %gather3A_291 = arith.constant 0 : i32
        %gather3A_292 = arith.constant 0 : i32
        %gather3A_293 = tpu.memref_slice %arg5[%rem3A_212, %gather3A_291, %gather3A_292] : memref<3x16x1024xf32, #tpu.memory_space<vmem>> -> memref<1x16x1024xf32, #tpu.memory_space<vmem>>
        %gather3A_294 = tpu.memref_squeeze %gather3A_293 : memref<1x16x1024xf32, #tpu.memory_space<vmem>> -> memref<16x1024xf32, #tpu.memory_space<vmem>>
        %gather3A_295 = tpu.vector_load_idx %gather3A_294[%iota3A, %add3A_290] : memref<16x1024xf32, #tpu.memory_space<vmem>>[vector<16xi32>, vector<16xi32>], vector<16xf32>,
        %add3A_296 = vector.broadcast %mul3A_274 : i32 to vector<16xi32>
        %add3A_297 = arith.addi %rem3A_19, %add3A_296 : vector<16xi32>
        %mul3A_298 = arith.constant 16 : i32
        %mul3A_299 = vector.broadcast %mul3A_298 : i32 to vector<16xi32>
        %mul3A_300 = arith.muli %add3A_297, %mul3A_299 : vector<16xi32>
        %add3A_301 = vector.broadcast %mul3A_253 : i32 to vector<16xi32>
        %add3A_302 = arith.addi %add3A_301, %mul3A_300 : vector<16xi32>
        %add3A_303 = arith.addi %add3A_302, %iota3A : vector<16xi32>
        tpu.vector_store_idx %arg6[%add3A_303], %gather3A_295 : memref<49152xf32, #tpu.memory_space<vmem>>[vector<16xi32>], vector<16xf32>,
        %add3A_304 = vector.broadcast %mul3A_274 : i32 to vector<16xi32>
        %add3A_305 = arith.addi %rem3A_25, %add3A_304 : vector<16xi32>
        %gather3A_306 = arith.constant 0 : i32
        %gather3A_307 = arith.constant 0 : i32
        %gather3A_308 = tpu.memref_slice %arg5[%rem3A_212, %gather3A_306, %gather3A_307] : memref<3x16x1024xf32, #tpu.memory_space<vmem>> -> memref<1x16x1024xf32, #tpu.memory_space<vmem>>
        %gather3A_309 = tpu.memref_squeeze %gather3A_308 : memref<1x16x1024xf32, #tpu.memory_space<vmem>> -> memref<16x1024xf32, #tpu.memory_space<vmem>>
        %gather3A_310 = tpu.vector_load_idx %gather3A_309[%iota3A, %add3A_305] : memref<16x1024xf32, #tpu.memory_space<vmem>>[vector<16xi32>, vector<16xi32>], vector<16xf32>,
        %add3A_311 = vector.broadcast %mul3A_274 : i32 to vector<16xi32>
        %add3A_312 = arith.addi %rem3A_25, %add3A_311 : vector<16xi32>
        %mul3A_313 = arith.constant 16 : i32
        %mul3A_314 = vector.broadcast %mul3A_313 : i32 to vector<16xi32>
        %mul3A_315 = arith.muli %add3A_312, %mul3A_314 : vector<16xi32>
        %add3A_316 = vector.broadcast %mul3A_253 : i32 to vector<16xi32>
        %add3A_317 = arith.addi %add3A_316, %mul3A_315 : vector<16xi32>
        %add3A_318 = arith.addi %add3A_317, %iota3A : vector<16xi32>
        tpu.vector_store_idx %arg6[%add3A_318], %gather3A_310 : memref<49152xf32, #tpu.memory_space<vmem>>[vector<16xi32>], vector<16xf32>,
        %add3A_319 = vector.broadcast %mul3A_274 : i32 to vector<16xi32>
        %add3A_320 = arith.addi %rem3A_31, %add3A_319 : vector<16xi32>
        %gather3A_321 = arith.constant 0 : i32
        %gather3A_322 = arith.constant 0 : i32
        %gather3A_323 = tpu.memref_slice %arg5[%rem3A_212, %gather3A_321, %gather3A_322] : memref<3x16x1024xf32, #tpu.memory_space<vmem>> -> memref<1x16x1024xf32, #tpu.memory_space<vmem>>
        %gather3A_324 = tpu.memref_squeeze %gather3A_323 : memref<1x16x1024xf32, #tpu.memory_space<vmem>> -> memref<16x1024xf32, #tpu.memory_space<vmem>>
        %gather3A_325 = tpu.vector_load_idx %gather3A_324[%iota3A, %add3A_320] : memref<16x1024xf32, #tpu.memory_space<vmem>>[vector<16xi32>, vector<16xi32>], vector<16xf32>,
        %add3A_326 = vector.broadcast %mul3A_274 : i32 to vector<16xi32>
        %add3A_327 = arith.addi %rem3A_31, %add3A_326 : vector<16xi32>
        %mul3A_328 = arith.constant 16 : i32
        %mul3A_329 = vector.broadcast %mul3A_328 : i32 to vector<16xi32>
        %mul3A_330 = arith.muli %add3A_327, %mul3A_329 : vector<16xi32>
        %add3A_331 = vector.broadcast %mul3A_253 : i32 to vector<16xi32>
        %add3A_332 = arith.addi %add3A_331, %mul3A_330 : vector<16xi32>
        %add3A_333 = arith.addi %add3A_332, %iota3A : vector<16xi32>
        tpu.vector_store_idx %arg6[%add3A_333], %gather3A_325 : memref<49152xf32, #tpu.memory_space<vmem>>[vector<16xi32>], vector<16xf32>,
        %add3A_334 = vector.broadcast %mul3A_274 : i32 to vector<16xi32>
        %add3A_335 = arith.addi %rem3A_37, %add3A_334 : vector<16xi32>
        %gather3A_336 = arith.constant 0 : i32
        %gather3A_337 = arith.constant 0 : i32
        %gather3A_338 = tpu.memref_slice %arg5[%rem3A_212, %gather3A_336, %gather3A_337] : memref<3x16x1024xf32, #tpu.memory_space<vmem>> -> memref<1x16x1024xf32, #tpu.memory_space<vmem>>
        %gather3A_339 = tpu.memref_squeeze %gather3A_338 : memref<1x16x1024xf32, #tpu.memory_space<vmem>> -> memref<16x1024xf32, #tpu.memory_space<vmem>>
        %gather3A_340 = tpu.vector_load_idx %gather3A_339[%iota3A, %add3A_335] : memref<16x1024xf32, #tpu.memory_space<vmem>>[vector<16xi32>, vector<16xi32>], vector<16xf32>,
        %add3A_341 = vector.broadcast %mul3A_274 : i32 to vector<16xi32>
        %add3A_342 = arith.addi %rem3A_37, %add3A_341 : vector<16xi32>
        %mul3A_343 = arith.constant 16 : i32
        %mul3A_344 = vector.broadcast %mul3A_343 : i32 to vector<16xi32>
        %mul3A_345 = arith.muli %add3A_342, %mul3A_344 : vector<16xi32>
        %add3A_346 = vector.broadcast %mul3A_253 : i32 to vector<16xi32>
        %add3A_347 = arith.addi %add3A_346, %mul3A_345 : vector<16xi32>
        %add3A_348 = arith.addi %add3A_347, %iota3A : vector<16xi32>
        tpu.vector_store_idx %arg6[%add3A_348], %gather3A_340 : memref<49152xf32, #tpu.memory_space<vmem>>[vector<16xi32>], vector<16xf32>,
        %add3A_349 = vector.broadcast %mul3A_274 : i32 to vector<16xi32>
        %add3A_350 = arith.addi %rem3A_43, %add3A_349 : vector<16xi32>
        %gather3A_351 = arith.constant 0 : i32
        %gather3A_352 = arith.constant 0 : i32
        %gather3A_353 = tpu.memref_slice %arg5[%rem3A_212, %gather3A_351, %gather3A_352] : memref<3x16x1024xf32, #tpu.memory_space<vmem>> -> memref<1x16x1024xf32, #tpu.memory_space<vmem>>
        %gather3A_354 = tpu.memref_squeeze %gather3A_353 : memref<1x16x1024xf32, #tpu.memory_space<vmem>> -> memref<16x1024xf32, #tpu.memory_space<vmem>>
        %gather3A_355 = tpu.vector_load_idx %gather3A_354[%iota3A, %add3A_350] : memref<16x1024xf32, #tpu.memory_space<vmem>>[vector<16xi32>, vector<16xi32>], vector<16xf32>,
        %add3A_356 = vector.broadcast %mul3A_274 : i32 to vector<16xi32>
        %add3A_357 = arith.addi %rem3A_43, %add3A_356 : vector<16xi32>
        %mul3A_358 = arith.constant 16 : i32
        %mul3A_359 = vector.broadcast %mul3A_358 : i32 to vector<16xi32>
        %mul3A_360 = arith.muli %add3A_357, %mul3A_359 : vector<16xi32>
        %add3A_361 = vector.broadcast %mul3A_253 : i32 to vector<16xi32>
        %add3A_362 = arith.addi %add3A_361, %mul3A_360 : vector<16xi32>
        %add3A_363 = arith.addi %add3A_362, %iota3A : vector<16xi32>
        tpu.vector_store_idx %arg6[%add3A_363], %gather3A_355 : memref<49152xf32, #tpu.memory_space<vmem>>[vector<16xi32>], vector<16xf32>,
        %add3A_364 = vector.broadcast %mul3A_274 : i32 to vector<16xi32>
        %add3A_365 = arith.addi %rem3A_49, %add3A_364 : vector<16xi32>
        %gather3A_366 = arith.constant 0 : i32
        %gather3A_367 = arith.constant 0 : i32
        %gather3A_368 = tpu.memref_slice %arg5[%rem3A_212, %gather3A_366, %gather3A_367] : memref<3x16x1024xf32, #tpu.memory_space<vmem>> -> memref<1x16x1024xf32, #tpu.memory_space<vmem>>
        %gather3A_369 = tpu.memref_squeeze %gather3A_368 : memref<1x16x1024xf32, #tpu.memory_space<vmem>> -> memref<16x1024xf32, #tpu.memory_space<vmem>>
        %gather3A_370 = tpu.vector_load_idx %gather3A_369[%iota3A, %add3A_365] : memref<16x1024xf32, #tpu.memory_space<vmem>>[vector<16xi32>, vector<16xi32>], vector<16xf32>,
        %add3A_371 = vector.broadcast %mul3A_274 : i32 to vector<16xi32>
        %add3A_372 = arith.addi %rem3A_49, %add3A_371 : vector<16xi32>
        %mul3A_373 = arith.constant 16 : i32
        %mul3A_374 = vector.broadcast %mul3A_373 : i32 to vector<16xi32>
        %mul3A_375 = arith.muli %add3A_372, %mul3A_374 : vector<16xi32>
        %add3A_376 = vector.broadcast %mul3A_253 : i32 to vector<16xi32>
        %add3A_377 = arith.addi %add3A_376, %mul3A_375 : vector<16xi32>
        %add3A_378 = arith.addi %add3A_377, %iota3A : vector<16xi32>
        tpu.vector_store_idx %arg6[%add3A_378], %gather3A_370 : memref<49152xf32, #tpu.memory_space<vmem>>[vector<16xi32>], vector<16xf32>,
        %add3A_379 = vector.broadcast %mul3A_274 : i32 to vector<16xi32>
        %add3A_380 = arith.addi %rem3A_55, %add3A_379 : vector<16xi32>
        %gather3A_381 = arith.constant 0 : i32
        %gather3A_382 = arith.constant 0 : i32
        %gather3A_383 = tpu.memref_slice %arg5[%rem3A_212, %gather3A_381, %gather3A_382] : memref<3x16x1024xf32, #tpu.memory_space<vmem>> -> memref<1x16x1024xf32, #tpu.memory_space<vmem>>
        %gather3A_384 = tpu.memref_squeeze %gather3A_383 : memref<1x16x1024xf32, #tpu.memory_space<vmem>> -> memref<16x1024xf32, #tpu.memory_space<vmem>>
        %gather3A_385 = tpu.vector_load_idx %gather3A_384[%iota3A, %add3A_380] : memref<16x1024xf32, #tpu.memory_space<vmem>>[vector<16xi32>, vector<16xi32>], vector<16xf32>,
        %add3A_386 = vector.broadcast %mul3A_274 : i32 to vector<16xi32>
        %add3A_387 = arith.addi %rem3A_55, %add3A_386 : vector<16xi32>
        %mul3A_388 = arith.constant 16 : i32
        %mul3A_389 = vector.broadcast %mul3A_388 : i32 to vector<16xi32>
        %mul3A_390 = arith.muli %add3A_387, %mul3A_389 : vector<16xi32>
        %add3A_391 = vector.broadcast %mul3A_253 : i32 to vector<16xi32>
        %add3A_392 = arith.addi %add3A_391, %mul3A_390 : vector<16xi32>
        %add3A_393 = arith.addi %add3A_392, %iota3A : vector<16xi32>
        tpu.vector_store_idx %arg6[%add3A_393], %gather3A_385 : memref<49152xf32, #tpu.memory_space<vmem>>[vector<16xi32>], vector<16xf32>,
        %add3A_394 = vector.broadcast %mul3A_274 : i32 to vector<16xi32>
        %add3A_395 = arith.addi %rem3A_61, %add3A_394 : vector<16xi32>
        %gather3A_396 = arith.constant 0 : i32
        %gather3A_397 = arith.constant 0 : i32
        %gather3A_398 = tpu.memref_slice %arg5[%rem3A_212, %gather3A_396, %gather3A_397] : memref<3x16x1024xf32, #tpu.memory_space<vmem>> -> memref<1x16x1024xf32, #tpu.memory_space<vmem>>
        %gather3A_399 = tpu.memref_squeeze %gather3A_398 : memref<1x16x1024xf32, #tpu.memory_space<vmem>> -> memref<16x1024xf32, #tpu.memory_space<vmem>>
        %gather3A_400 = tpu.vector_load_idx %gather3A_399[%iota3A, %add3A_395] : memref<16x1024xf32, #tpu.memory_space<vmem>>[vector<16xi32>, vector<16xi32>], vector<16xf32>,
        %add3A_401 = vector.broadcast %mul3A_274 : i32 to vector<16xi32>
        %add3A_402 = arith.addi %rem3A_61, %add3A_401 : vector<16xi32>
        %mul3A_403 = arith.constant 16 : i32
        %mul3A_404 = vector.broadcast %mul3A_403 : i32 to vector<16xi32>
        %mul3A_405 = arith.muli %add3A_402, %mul3A_404 : vector<16xi32>
        %add3A_406 = vector.broadcast %mul3A_253 : i32 to vector<16xi32>
        %add3A_407 = arith.addi %add3A_406, %mul3A_405 : vector<16xi32>
        %add3A_408 = arith.addi %add3A_407, %iota3A : vector<16xi32>
        tpu.vector_store_idx %arg6[%add3A_408], %gather3A_400 : memref<49152xf32, #tpu.memory_space<vmem>>[vector<16xi32>], vector<16xf32>,
        %add3A_409 = vector.broadcast %mul3A_274 : i32 to vector<16xi32>
        %add3A_410 = arith.addi %rem3A_67, %add3A_409 : vector<16xi32>
        %gather3A_411 = arith.constant 0 : i32
        %gather3A_412 = arith.constant 0 : i32
        %gather3A_413 = tpu.memref_slice %arg5[%rem3A_212, %gather3A_411, %gather3A_412] : memref<3x16x1024xf32, #tpu.memory_space<vmem>> -> memref<1x16x1024xf32, #tpu.memory_space<vmem>>
        %gather3A_414 = tpu.memref_squeeze %gather3A_413 : memref<1x16x1024xf32, #tpu.memory_space<vmem>> -> memref<16x1024xf32, #tpu.memory_space<vmem>>
        %gather3A_415 = tpu.vector_load_idx %gather3A_414[%iota3A, %add3A_410] : memref<16x1024xf32, #tpu.memory_space<vmem>>[vector<16xi32>, vector<16xi32>], vector<16xf32>,
        %add3A_416 = vector.broadcast %mul3A_274 : i32 to vector<16xi32>
        %add3A_417 = arith.addi %rem3A_67, %add3A_416 : vector<16xi32>
        %mul3A_418 = arith.constant 16 : i32
        %mul3A_419 = vector.broadcast %mul3A_418 : i32 to vector<16xi32>
        %mul3A_420 = arith.muli %add3A_417, %mul3A_419 : vector<16xi32>
        %add3A_421 = vector.broadcast %mul3A_253 : i32 to vector<16xi32>
        %add3A_422 = arith.addi %add3A_421, %mul3A_420 : vector<16xi32>
        %add3A_423 = arith.addi %add3A_422, %iota3A : vector<16xi32>
        tpu.vector_store_idx %arg6[%add3A_423], %gather3A_415 : memref<49152xf32, #tpu.memory_space<vmem>>[vector<16xi32>], vector<16xf32>,
        %add3A_424 = vector.broadcast %mul3A_274 : i32 to vector<16xi32>
        %add3A_425 = arith.addi %rem3A_73, %add3A_424 : vector<16xi32>
        %gather3A_426 = arith.constant 0 : i32
        %gather3A_427 = arith.constant 0 : i32
        %gather3A_428 = tpu.memref_slice %arg5[%rem3A_212, %gather3A_426, %gather3A_427] : memref<3x16x1024xf32, #tpu.memory_space<vmem>> -> memref<1x16x1024xf32, #tpu.memory_space<vmem>>
        %gather3A_429 = tpu.memref_squeeze %gather3A_428 : memref<1x16x1024xf32, #tpu.memory_space<vmem>> -> memref<16x1024xf32, #tpu.memory_space<vmem>>
        %gather3A_430 = tpu.vector_load_idx %gather3A_429[%iota3A, %add3A_425] : memref<16x1024xf32, #tpu.memory_space<vmem>>[vector<16xi32>, vector<16xi32>], vector<16xf32>,
        %add3A_431 = vector.broadcast %mul3A_274 : i32 to vector<16xi32>
        %add3A_432 = arith.addi %rem3A_73, %add3A_431 : vector<16xi32>
        %mul3A_433 = arith.constant 16 : i32
        %mul3A_434 = vector.broadcast %mul3A_433 : i32 to vector<16xi32>
        %mul3A_435 = arith.muli %add3A_432, %mul3A_434 : vector<16xi32>
        %add3A_436 = vector.broadcast %mul3A_253 : i32 to vector<16xi32>
        %add3A_437 = arith.addi %add3A_436, %mul3A_435 : vector<16xi32>
        %add3A_438 = arith.addi %add3A_437, %iota3A : vector<16xi32>
        tpu.vector_store_idx %arg6[%add3A_438], %gather3A_430 : memref<49152xf32, #tpu.memory_space<vmem>>[vector<16xi32>], vector<16xf32>,
        %add3A_439 = vector.broadcast %mul3A_274 : i32 to vector<16xi32>
        %add3A_440 = arith.addi %rem3A_79, %add3A_439 : vector<16xi32>
        %gather3A_441 = arith.constant 0 : i32
        %gather3A_442 = arith.constant 0 : i32
        %gather3A_443 = tpu.memref_slice %arg5[%rem3A_212, %gather3A_441, %gather3A_442] : memref<3x16x1024xf32, #tpu.memory_space<vmem>> -> memref<1x16x1024xf32, #tpu.memory_space<vmem>>
        %gather3A_444 = tpu.memref_squeeze %gather3A_443 : memref<1x16x1024xf32, #tpu.memory_space<vmem>> -> memref<16x1024xf32, #tpu.memory_space<vmem>>
        %gather3A_445 = tpu.vector_load_idx %gather3A_444[%iota3A, %add3A_440] : memref<16x1024xf32, #tpu.memory_space<vmem>>[vector<16xi32>, vector<16xi32>], vector<16xf32>,
        %add3A_446 = vector.broadcast %mul3A_274 : i32 to vector<16xi32>
        %add3A_447 = arith.addi %rem3A_79, %add3A_446 : vector<16xi32>
        %mul3A_448 = arith.constant 16 : i32
        %mul3A_449 = vector.broadcast %mul3A_448 : i32 to vector<16xi32>
        %mul3A_450 = arith.muli %add3A_447, %mul3A_449 : vector<16xi32>
        %add3A_451 = vector.broadcast %mul3A_253 : i32 to vector<16xi32>
        %add3A_452 = arith.addi %add3A_451, %mul3A_450 : vector<16xi32>
        %add3A_453 = arith.addi %add3A_452, %iota3A : vector<16xi32>
        tpu.vector_store_idx %arg6[%add3A_453], %gather3A_445 : memref<49152xf32, #tpu.memory_space<vmem>>[vector<16xi32>], vector<16xf32>,
        %add3A_454 = vector.broadcast %mul3A_274 : i32 to vector<16xi32>
        %add3A_455 = arith.addi %rem3A_85, %add3A_454 : vector<16xi32>
        %gather3A_456 = arith.constant 0 : i32
        %gather3A_457 = arith.constant 0 : i32
        %gather3A_458 = tpu.memref_slice %arg5[%rem3A_212, %gather3A_456, %gather3A_457] : memref<3x16x1024xf32, #tpu.memory_space<vmem>> -> memref<1x16x1024xf32, #tpu.memory_space<vmem>>
        %gather3A_459 = tpu.memref_squeeze %gather3A_458 : memref<1x16x1024xf32, #tpu.memory_space<vmem>> -> memref<16x1024xf32, #tpu.memory_space<vmem>>
        %gather3A_460 = tpu.vector_load_idx %gather3A_459[%iota3A, %add3A_455] : memref<16x1024xf32, #tpu.memory_space<vmem>>[vector<16xi32>, vector<16xi32>], vector<16xf32>,
        %add3A_461 = vector.broadcast %mul3A_274 : i32 to vector<16xi32>
        %add3A_462 = arith.addi %rem3A_85, %add3A_461 : vector<16xi32>
        %mul3A_463 = arith.constant 16 : i32
        %mul3A_464 = vector.broadcast %mul3A_463 : i32 to vector<16xi32>
        %mul3A_465 = arith.muli %add3A_462, %mul3A_464 : vector<16xi32>
        %add3A_466 = vector.broadcast %mul3A_253 : i32 to vector<16xi32>
        %add3A_467 = arith.addi %add3A_466, %mul3A_465 : vector<16xi32>
        %add3A_468 = arith.addi %add3A_467, %iota3A : vector<16xi32>
        tpu.vector_store_idx %arg6[%add3A_468], %gather3A_460 : memref<49152xf32, #tpu.memory_space<vmem>>[vector<16xi32>], vector<16xf32>,
        %add3A_469 = vector.broadcast %mul3A_274 : i32 to vector<16xi32>
        %add3A_470 = arith.addi %rem3A_91, %add3A_469 : vector<16xi32>
        %gather3A_471 = arith.constant 0 : i32
        %gather3A_472 = arith.constant 0 : i32
        %gather3A_473 = tpu.memref_slice %arg5[%rem3A_212, %gather3A_471, %gather3A_472] : memref<3x16x1024xf32, #tpu.memory_space<vmem>> -> memref<1x16x1024xf32, #tpu.memory_space<vmem>>
        %gather3A_474 = tpu.memref_squeeze %gather3A_473 : memref<1x16x1024xf32, #tpu.memory_space<vmem>> -> memref<16x1024xf32, #tpu.memory_space<vmem>>
        %gather3A_475 = tpu.vector_load_idx %gather3A_474[%iota3A, %add3A_470] : memref<16x1024xf32, #tpu.memory_space<vmem>>[vector<16xi32>, vector<16xi32>], vector<16xf32>,
        %add3A_476 = vector.broadcast %mul3A_274 : i32 to vector<16xi32>
        %add3A_477 = arith.addi %rem3A_91, %add3A_476 : vector<16xi32>
        %mul3A_478 = arith.constant 16 : i32
        %mul3A_479 = vector.broadcast %mul3A_478 : i32 to vector<16xi32>
        %mul3A_480 = arith.muli %add3A_477, %mul3A_479 : vector<16xi32>
        %add3A_481 = vector.broadcast %mul3A_253 : i32 to vector<16xi32>
        %add3A_482 = arith.addi %add3A_481, %mul3A_480 : vector<16xi32>
        %add3A_483 = arith.addi %add3A_482, %iota3A : vector<16xi32>
        tpu.vector_store_idx %arg6[%add3A_483], %gather3A_475 : memref<49152xf32, #tpu.memory_space<vmem>>[vector<16xi32>], vector<16xf32>,
        %add3A_484 = vector.broadcast %mul3A_274 : i32 to vector<16xi32>
        %add3A_485 = arith.addi %rem3A_97, %add3A_484 : vector<16xi32>
        %gather3A_486 = arith.constant 0 : i32
        %gather3A_487 = arith.constant 0 : i32
        %gather3A_488 = tpu.memref_slice %arg5[%rem3A_212, %gather3A_486, %gather3A_487] : memref<3x16x1024xf32, #tpu.memory_space<vmem>> -> memref<1x16x1024xf32, #tpu.memory_space<vmem>>
        %gather3A_489 = tpu.memref_squeeze %gather3A_488 : memref<1x16x1024xf32, #tpu.memory_space<vmem>> -> memref<16x1024xf32, #tpu.memory_space<vmem>>
        %gather3A_490 = tpu.vector_load_idx %gather3A_489[%iota3A, %add3A_485] : memref<16x1024xf32, #tpu.memory_space<vmem>>[vector<16xi32>, vector<16xi32>], vector<16xf32>,
        %add3A_491 = vector.broadcast %mul3A_274 : i32 to vector<16xi32>
        %add3A_492 = arith.addi %rem3A_97, %add3A_491 : vector<16xi32>
        %mul3A_493 = arith.constant 16 : i32
        %mul3A_494 = vector.broadcast %mul3A_493 : i32 to vector<16xi32>
        %mul3A_495 = arith.muli %add3A_492, %mul3A_494 : vector<16xi32>
        %add3A_496 = vector.broadcast %mul3A_253 : i32 to vector<16xi32>
        %add3A_497 = arith.addi %add3A_496, %mul3A_495 : vector<16xi32>
        %add3A_498 = arith.addi %add3A_497, %iota3A : vector<16xi32>
        tpu.vector_store_idx %arg6[%add3A_498], %gather3A_490 : memref<49152xf32, #tpu.memory_space<vmem>>[vector<16xi32>], vector<16xf32>,
        %add3A_499 = vector.broadcast %mul3A_274 : i32 to vector<16xi32>
        %add3A_500 = arith.addi %rem3A_103, %add3A_499 : vector<16xi32>
        %gather3A_501 = arith.constant 0 : i32
        %gather3A_502 = arith.constant 0 : i32
        %gather3A_503 = tpu.memref_slice %arg5[%rem3A_212, %gather3A_501, %gather3A_502] : memref<3x16x1024xf32, #tpu.memory_space<vmem>> -> memref<1x16x1024xf32, #tpu.memory_space<vmem>>
        %gather3A_504 = tpu.memref_squeeze %gather3A_503 : memref<1x16x1024xf32, #tpu.memory_space<vmem>> -> memref<16x1024xf32, #tpu.memory_space<vmem>>
        %gather3A_505 = tpu.vector_load_idx %gather3A_504[%iota3A, %add3A_500] : memref<16x1024xf32, #tpu.memory_space<vmem>>[vector<16xi32>, vector<16xi32>], vector<16xf32>,
        %add3A_506 = vector.broadcast %mul3A_274 : i32 to vector<16xi32>
        %add3A_507 = arith.addi %rem3A_103, %add3A_506 : vector<16xi32>
        %mul3A_508 = arith.constant 16 : i32
        %mul3A_509 = vector.broadcast %mul3A_508 : i32 to vector<16xi32>
        %mul3A_510 = arith.muli %add3A_507, %mul3A_509 : vector<16xi32>
        %add3A_511 = vector.broadcast %mul3A_253 : i32 to vector<16xi32>
        %add3A_512 = arith.addi %add3A_511, %mul3A_510 : vector<16xi32>
        %add3A_513 = arith.addi %add3A_512, %iota3A : vector<16xi32>
        tpu.vector_store_idx %arg6[%add3A_513], %gather3A_505 : memref<49152xf32, #tpu.memory_space<vmem>>[vector<16xi32>], vector<16xf32>,
        %scan3A_514 = arith.constant 0 : i32
        scf.yield %scan3A_514 : i32
      }
      %scan3A_259 = arith.constant 64 : i32
      %mul3A_260 = arith.constant 16384 : i32
      %mul3A_261 = arith.muli %rem3A_212, %mul3A_260 : i32
      %mul3A_262 = arith.constant 128 : i32
      %mul3A_263 = arith.muli %add3A_213, %mul3A_262 : i32
      %mul3A_264 = arith.constant 128 : i32
      %mul3A_265 = arith.muli %mul3A_263, %mul3A_264 : i32
      %dma_start3A_266 = tpu.memref_slice %arg6[%mul3A_261] : memref<49152xf32, #tpu.memory_space<vmem>> -> memref<16384xf32, #tpu.memory_space<vmem>>
      %dma_start3A_267 = tpu.memref_slice %arg4[%mul3A_265] : memref<16000000xf32, #tpu.memory_space<hbm>> -> memref<16384xf32, #tpu.memory_space<hbm>>
      %dma_start3A_268 = tpu.memref_slice %arg4[%mul3A_265] : memref<16000000xf32, #tpu.memory_space<hbm>> -> memref<16384xf32, #tpu.memory_space<hbm>>
      %dma_start3A_269 = tpu.memref_slice %arg6[%mul3A_261] : memref<49152xf32, #tpu.memory_space<vmem>> -> memref<16384xf32, #tpu.memory_space<vmem>>
      tpu.enqueue_dma source(%dma_start3A_269 : memref<16384xf32, #tpu.memory_space<vmem>>) target(%dma_start3A_268 : memref<16384xf32, #tpu.memory_space<hbm>>) target_semaphore(%arg8 : memref<!tpu.dma_semaphore, #tpu.memory_space<semaphore_mem>>)
      %while3A_270 = arith.constant 0 : i32
      scf.yield %while3A_270 : i32
    }
    %mul3A_178 = arith.constant 128 : i32
    %mul3A_179 = arith.muli %add3A_8, %mul3A_178 : i32
    %mul3A_180 = arith.constant 128 : i32
    %mul3A_181 = arith.muli %mul3A_179, %mul3A_180 : i32
    %dma_wait3A = arith.constant 0 : i32
    %dma_wait3A_182 = tpu.memref_slice %arg6[%dma_wait3A] : memref<49152xf32, #tpu.memory_space<vmem>> -> memref<16384xf32, #tpu.memory_space<vmem>>
    %dma_wait3A_183 = tpu.memref_slice %arg4[%mul3A_181] : memref<16000000xf32, #tpu.memory_space<hbm>> -> memref<16384xf32, #tpu.memory_space<hbm>>
    %dma_wait3A_184 = tpu.memref_slice %arg4[%mul3A_181] : memref<16000000xf32, #tpu.memory_space<hbm>> -> memref<16384xf32, #tpu.memory_space<hbm>>
    %dma_wait3A_185 = arith.constant 0 : i32
    %dma_wait3A_186 = tpu.memref_slice %arg6[%dma_wait3A_185] : memref<49152xf32, #tpu.memory_space<vmem>> -> memref<16384xf32, #tpu.memory_space<vmem>>
    tpu.wait_dma2 semaphore(%arg8 : memref<!tpu.dma_semaphore, #tpu.memory_space<semaphore_mem>>) src(%dma_wait3A_186 : memref<16384xf32, #tpu.memory_space<vmem>>) dst(%dma_wait3A_184 : memref<16384xf32, #tpu.memory_space<hbm>>)
    %mul3A_187 = arith.constant 128 : i32
    %mul3A_188 = arith.muli %add3A_8, %mul3A_187 : i32
    %mul3A_189 = arith.constant 128 : i32
    %mul3A_190 = arith.muli %mul3A_188, %mul3A_189 : i32
    %dma_wait3A_191 = arith.constant 16384 : i32
    %dma_wait3A_192 = tpu.memref_slice %arg6[%dma_wait3A_191] : memref<49152xf32, #tpu.memory_space<vmem>> -> memref<16384xf32, #tpu.memory_space<vmem>>
    %dma_wait3A_193 = tpu.memref_slice %arg4[%mul3A_190] : memref<16000000xf32, #tpu.memory_space<hbm>> -> memref<16384xf32, #tpu.memory_space<hbm>>
    %dma_wait3A_194 = tpu.memref_slice %arg4[%mul3A_190] : memref<16000000xf32, #tpu.memory_space<hbm>> -> memref<16384xf32, #tpu.memory_space<hbm>>
    %dma_wait3A_195 = arith.constant 16384 : i32
    %dma_wait3A_196 = tpu.memref_slice %arg6[%dma_wait3A_195] : memref<49152xf32, #tpu.memory_space<vmem>> -> memref<16384xf32, #tpu.memory_space<vmem>>
    tpu.wait_dma2 semaphore(%arg8 : memref<!tpu.dma_semaphore, #tpu.memory_space<semaphore_mem>>) src(%dma_wait3A_196 : memref<16384xf32, #tpu.memory_space<vmem>>) dst(%dma_wait3A_194 : memref<16384xf32, #tpu.memory_space<hbm>>)
    %mul3A_197 = arith.constant 128 : i32
    %mul3A_198 = arith.muli %add3A_8, %mul3A_197 : i32
    %mul3A_199 = arith.constant 128 : i32
    %mul3A_200 = arith.muli %mul3A_198, %mul3A_199 : i32
    %dma_wait3A_201 = arith.constant 32768 : i32
    %dma_wait3A_202 = tpu.memref_slice %arg6[%dma_wait3A_201] : memref<49152xf32, #tpu.memory_space<vmem>> -> memref<16384xf32, #tpu.memory_space<vmem>>
    %dma_wait3A_203 = tpu.memref_slice %arg4[%mul3A_200] : memref<16000000xf32, #tpu.memory_space<hbm>> -> memref<16384xf32, #tpu.memory_space<hbm>>
    %dma_wait3A_204 = tpu.memref_slice %arg4[%mul3A_200] : memref<16000000xf32, #tpu.memory_space<hbm>> -> memref<16384xf32, #tpu.memory_space<hbm>>
    %dma_wait3A_205 = arith.constant 32768 : i32
    %dma_wait3A_206 = tpu.memref_slice %arg6[%dma_wait3A_205] : memref<49152xf32, #tpu.memory_space<vmem>> -> memref<16384xf32, #tpu.memory_space<vmem>>
    tpu.wait_dma2 semaphore(%arg8 : memref<!tpu.dma_semaphore, #tpu.memory_space<semaphore_mem>>) src(%dma_wait3A_206 : memref<16384xf32, #tpu.memory_space<vmem>>) dst(%dma_wait3A_204 : memref<16384xf32, #tpu.memory_space<hbm>>)
    %eq3A = arith.constant 0 : i32
    %eq3A_207 = arith.cmpi eq, %add3A, %eq3A : i32
    %convert_element_type3A = arith.extui %eq3A_207 : i1 to i32
    %cond3A = arith.constant 0 : i32
    %cond3A_208 = arith.cmpi ne, %convert_element_type3A, %cond3A : i32
    scf.if %cond3A_208 {
      %dma_start3A_209 = arith.constant 0 : i32
      %dma_start3A_210 = arith.constant 0 : i32
      %dma_start3A_211 = arith.constant 0 : i32
      %dma_start3A_212 = tpu.memref_slice %arg5[%dma_start3A_209, %dma_start3A_210, %dma_start3A_211] : memref<3x16x1024xf32, #tpu.memory_space<vmem>> -> memref<1x8x512xf32, #tpu.memory_space<vmem>>
      %dma_start3A_213 = tpu.memref_squeeze %dma_start3A_212 : memref<1x8x512xf32, #tpu.memory_space<vmem>> -> memref<8x512xf32, #tpu.memory_space<vmem>>
      %dma_start3A_214 = arith.constant 0 : i32
      %dma_start3A_215 = arith.constant 999424 : i32
      %dma_start3A_216 = tpu.memref_slice %arg2[%dma_start3A_214, %dma_start3A_215] : memref<16x1000000xf32, #tpu.memory_space<hbm>> -> memref<8x512xf32, #tpu.memory_space<hbm>>
      %dma_start3A_217 = arith.constant 0 : i32
      %dma_start3A_218 = arith.constant 0 : i32
      %dma_start3A_219 = tpu.memref_slice %arg5[%dma_start3A_209, %dma_start3A_217, %dma_start3A_218] : memref<3x16x1024xf32, #tpu.memory_space<vmem>> -> memref<1x8x512xf32, #tpu.memory_space<vmem>>
      %dma_start3A_220 = tpu.memref_squeeze %dma_start3A_219 : memref<1x8x512xf32, #tpu.memory_space<vmem>> -> memref<8x512xf32, #tpu.memory_space<vmem>>
      %dma_start3A_221 = arith.constant 0 : i32
      %dma_start3A_222 = arith.constant 999424 : i32
      %dma_start3A_223 = tpu.memref_slice %arg2[%dma_start3A_221, %dma_start3A_222] : memref<16x1000000xf32, #tpu.memory_space<hbm>> -> memref<8x512xf32, #tpu.memory_space<hbm>>
      tpu.enqueue_dma source(%dma_start3A_223 : memref<8x512xf32, #tpu.memory_space<hbm>>) target(%dma_start3A_220 : memref<8x512xf32, #tpu.memory_space<vmem>>) target_semaphore(%arg7 : memref<!tpu.dma_semaphore, #tpu.memory_space<semaphore_mem>>)
      %dma_start3A_224 = arith.constant 0 : i32
      %dma_start3A_225 = arith.constant 8 : i32
      %dma_start3A_226 = arith.constant 0 : i32
      %dma_start3A_227 = tpu.memref_slice %arg5[%dma_start3A_224, %dma_start3A_225, %dma_start3A_226] : memref<3x16x1024xf32, #tpu.memory_space<vmem>> -> memref<1x8x512xf32, #tpu.memory_space<vmem>>
      %dma_start3A_228 = tpu.memref_squeeze %dma_start3A_227 : memref<1x8x512xf32, #tpu.memory_space<vmem>> -> memref<8x512xf32, #tpu.memory_space<vmem>>
      %dma_start3A_229 = arith.constant 8 : i32
      %dma_start3A_230 = arith.constant 999424 : i32
      %dma_start3A_231 = tpu.memref_slice %arg2[%dma_start3A_229, %dma_start3A_230] : memref<16x1000000xf32, #tpu.memory_space<hbm>> -> memref<8x512xf32, #tpu.memory_space<hbm>>
      %dma_start3A_232 = arith.constant 8 : i32
      %dma_start3A_233 = arith.constant 0 : i32
      %dma_start3A_234 = tpu.memref_slice %arg5[%dma_start3A_224, %dma_start3A_232, %dma_start3A_233] : memref<3x16x1024xf32, #tpu.memory_space<vmem>> -> memref<1x8x512xf32, #tpu.memory_space<vmem>>
      %dma_start3A_235 = tpu.memref_squeeze %dma_start3A_234 : memref<1x8x512xf32, #tpu.memory_space<vmem>> -> memref<8x512xf32, #tpu.memory_space<vmem>>
      %dma_start3A_236 = arith.constant 8 : i32
      %dma_start3A_237 = arith.constant 999424 : i32
      %dma_start3A_238 = tpu.memref_slice %arg2[%dma_start3A_236, %dma_start3A_237] : memref<16x1000000xf32, #tpu.memory_space<hbm>> -> memref<8x512xf32, #tpu.memory_space<hbm>>
      tpu.enqueue_dma source(%dma_start3A_238 : memref<8x512xf32, #tpu.memory_space<hbm>>) target(%dma_start3A_235 : memref<8x512xf32, #tpu.memory_space<vmem>>) target_semaphore(%arg7 : memref<!tpu.dma_semaphore, #tpu.memory_space<semaphore_mem>>)
      %dma_wait3A_239 = arith.constant 0 : i32
      %dma_wait3A_240 = arith.constant 0 : i32
      %dma_wait3A_241 = arith.constant 0 : i32
      %dma_wait3A_242 = tpu.memref_slice %arg5[%dma_wait3A_239, %dma_wait3A_240, %dma_wait3A_241] : memref<3x16x1024xf32, #tpu.memory_space<vmem>> -> memref<1x8x512xf32, #tpu.memory_space<vmem>>
      %dma_wait3A_243 = tpu.memref_squeeze %dma_wait3A_242 : memref<1x8x512xf32, #tpu.memory_space<vmem>> -> memref<8x512xf32, #tpu.memory_space<vmem>>
      %dma_wait3A_244 = arith.constant 0 : i32
      %dma_wait3A_245 = arith.constant 999424 : i32
      %dma_wait3A_246 = tpu.memref_slice %arg2[%dma_wait3A_244, %dma_wait3A_245] : memref<16x1000000xf32, #tpu.memory_space<hbm>> -> memref<8x512xf32, #tpu.memory_space<hbm>>
      %dma_wait3A_247 = arith.constant 0 : i32
      %dma_wait3A_248 = arith.constant 0 : i32
      %dma_wait3A_249 = tpu.memref_slice %arg5[%dma_wait3A_239, %dma_wait3A_247, %dma_wait3A_248] : memref<3x16x1024xf32, #tpu.memory_space<vmem>> -> memref<1x8x512xf32, #tpu.memory_space<vmem>>
      %dma_wait3A_250 = tpu.memref_squeeze %dma_wait3A_249 : memref<1x8x512xf32, #tpu.memory_space<vmem>> -> memref<8x512xf32, #tpu.memory_space<vmem>>
      %dma_wait3A_251 = arith.constant 0 : i32
      %dma_wait3A_252 = arith.constant 999424 : i32
      %dma_wait3A_253 = tpu.memref_slice %arg2[%dma_wait3A_251, %dma_wait3A_252] : memref<16x1000000xf32, #tpu.memory_space<hbm>> -> memref<8x512xf32, #tpu.memory_space<hbm>>
      tpu.wait_dma2 semaphore(%arg7 : memref<!tpu.dma_semaphore, #tpu.memory_space<semaphore_mem>>) src(%dma_wait3A_253 : memref<8x512xf32, #tpu.memory_space<hbm>>) dst(%dma_wait3A_250 : memref<8x512xf32, #tpu.memory_space<vmem>>)
      %dma_wait3A_254 = arith.constant 0 : i32
      %dma_wait3A_255 = arith.constant 8 : i32
      %dma_wait3A_256 = arith.constant 0 : i32
      %dma_wait3A_257 = tpu.memref_slice %arg5[%dma_wait3A_254, %dma_wait3A_255, %dma_wait3A_256] : memref<3x16x1024xf32, #tpu.memory_space<vmem>> -> memref<1x8x512xf32, #tpu.memory_space<vmem>>
      %dma_wait3A_258 = tpu.memref_squeeze %dma_wait3A_257 : memref<1x8x512xf32, #tpu.memory_space<vmem>> -> memref<8x512xf32, #tpu.memory_space<vmem>>
      %dma_wait3A_259 = arith.constant 8 : i32
      %dma_wait3A_260 = arith.constant 999424 : i32
      %dma_wait3A_261 = tpu.memref_slice %arg2[%dma_wait3A_259, %dma_wait3A_260] : memref<16x1000000xf32, #tpu.memory_space<hbm>> -> memref<8x512xf32, #tpu.memory_space<hbm>>
      %dma_wait3A_262 = arith.constant 8 : i32
      %dma_wait3A_263 = arith.constant 0 : i32
      %dma_wait3A_264 = tpu.memref_slice %arg5[%dma_wait3A_254, %dma_wait3A_262, %dma_wait3A_263] : memref<3x16x1024xf32, #tpu.memory_space<vmem>> -> memref<1x8x512xf32, #tpu.memory_space<vmem>>
      %dma_wait3A_265 = tpu.memref_squeeze %dma_wait3A_264 : memref<1x8x512xf32, #tpu.memory_space<vmem>> -> memref<8x512xf32, #tpu.memory_space<vmem>>
      %dma_wait3A_266 = arith.constant 8 : i32
      %dma_wait3A_267 = arith.constant 999424 : i32
      %dma_wait3A_268 = tpu.memref_slice %arg2[%dma_wait3A_266, %dma_wait3A_267] : memref<16x1000000xf32, #tpu.memory_space<hbm>> -> memref<8x512xf32, #tpu.memory_space<hbm>>
      tpu.wait_dma2 semaphore(%arg7 : memref<!tpu.dma_semaphore, #tpu.memory_space<semaphore_mem>>) src(%dma_wait3A_268 : memref<8x512xf32, #tpu.memory_space<hbm>>) dst(%dma_wait3A_265 : memref<8x512xf32, #tpu.memory_space<vmem>>)
      %scan3A = arith.constant 0 : i32
      %scan3A_269 = arith.constant 0 : i32
      %scan3A_270 = arith.constant 0 : i32
      %scan3A_271 = arith.constant 32 : i32
      %scan3A_272 = arith.addi %scan3A_270, %scan3A_271 : i32
      %scan3A_273 = arith.constant 1 : i32
      %scan3A_274 = scf.for %scan3A_276 = %scan3A_270 to %scan3A_272 step %scan3A_273 iter_args(%scan3A_277 = %scan3A_269) -> (i32)  : i32 {
        %mul3A_278 = arith.constant 16 : i32
        %mul3A_279 = arith.muli %scan3A_276, %mul3A_278 : i32
        %add3A_280 = vector.broadcast %mul3A_279 : i32 to vector<16xi32>
        %add3A_281 = arith.addi %rem3A_13, %add3A_280 : vector<16xi32>
        %gather3A = arith.constant 0 : i32
        %gather3A_282 = arith.constant 0 : i32
        %gather3A_283 = tpu.memref_slice %arg5[%scan3A, %gather3A, %gather3A_282] : memref<3x16x1024xf32, #tpu.memory_space<vmem>> -> memref<1x16x1024xf32, #tpu.memory_space<vmem>>
        %gather3A_284 = tpu.memref_squeeze %gather3A_283 : memref<1x16x1024xf32, #tpu.memory_space<vmem>> -> memref<16x1024xf32, #tpu.memory_space<vmem>>
        %gather3A_285 = tpu.vector_load_idx %gather3A_284[%iota3A, %add3A_281] : memref<16x1024xf32, #tpu.memory_space<vmem>>[vector<16xi32>, vector<16xi32>], vector<16xf32>,
        %add3A_286 = vector.broadcast %mul3A_279 : i32 to vector<16xi32>
        %add3A_287 = arith.addi %rem3A_13, %add3A_286 : vector<16xi32>
        %mul3A_288 = arith.constant 16 : i32
        %mul3A_289 = vector.broadcast %mul3A_288 : i32 to vector<16xi32>
        %mul3A_290 = arith.muli %add3A_287, %mul3A_289 : vector<16xi32>
        %add3A_291 = arith.constant 0 : i32
        %add3A_292 = vector.broadcast %add3A_291 : i32 to vector<16xi32>
        %add3A_293 = arith.addi %add3A_292, %mul3A_290 : vector<16xi32>
        %add3A_294 = arith.addi %add3A_293, %iota3A : vector<16xi32>
        tpu.vector_store_idx %arg6[%add3A_294], %gather3A_285 : memref<49152xf32, #tpu.memory_space<vmem>>[vector<16xi32>], vector<16xf32>,
        %add3A_295 = vector.broadcast %mul3A_279 : i32 to vector<16xi32>
        %add3A_296 = arith.addi %rem3A_19, %add3A_295 : vector<16xi32>
        %gather3A_297 = arith.constant 0 : i32
        %gather3A_298 = arith.constant 0 : i32
        %gather3A_299 = tpu.memref_slice %arg5[%scan3A, %gather3A_297, %gather3A_298] : memref<3x16x1024xf32, #tpu.memory_space<vmem>> -> memref<1x16x1024xf32, #tpu.memory_space<vmem>>
        %gather3A_300 = tpu.memref_squeeze %gather3A_299 : memref<1x16x1024xf32, #tpu.memory_space<vmem>> -> memref<16x1024xf32, #tpu.memory_space<vmem>>
        %gather3A_301 = tpu.vector_load_idx %gather3A_300[%iota3A, %add3A_296] : memref<16x1024xf32, #tpu.memory_space<vmem>>[vector<16xi32>, vector<16xi32>], vector<16xf32>,
        %add3A_302 = vector.broadcast %mul3A_279 : i32 to vector<16xi32>
        %add3A_303 = arith.addi %rem3A_19, %add3A_302 : vector<16xi32>
        %mul3A_304 = arith.constant 16 : i32
        %mul3A_305 = vector.broadcast %mul3A_304 : i32 to vector<16xi32>
        %mul3A_306 = arith.muli %add3A_303, %mul3A_305 : vector<16xi32>
        %add3A_307 = arith.constant 0 : i32
        %add3A_308 = vector.broadcast %add3A_307 : i32 to vector<16xi32>
        %add3A_309 = arith.addi %add3A_308, %mul3A_306 : vector<16xi32>
        %add3A_310 = arith.addi %add3A_309, %iota3A : vector<16xi32>
        tpu.vector_store_idx %arg6[%add3A_310], %gather3A_301 : memref<49152xf32, #tpu.memory_space<vmem>>[vector<16xi32>], vector<16xf32>,
        %add3A_311 = vector.broadcast %mul3A_279 : i32 to vector<16xi32>
        %add3A_312 = arith.addi %rem3A_25, %add3A_311 : vector<16xi32>
        %gather3A_313 = arith.constant 0 : i32
        %gather3A_314 = arith.constant 0 : i32
        %gather3A_315 = tpu.memref_slice %arg5[%scan3A, %gather3A_313, %gather3A_314] : memref<3x16x1024xf32, #tpu.memory_space<vmem>> -> memref<1x16x1024xf32, #tpu.memory_space<vmem>>
        %gather3A_316 = tpu.memref_squeeze %gather3A_315 : memref<1x16x1024xf32, #tpu.memory_space<vmem>> -> memref<16x1024xf32, #tpu.memory_space<vmem>>
        %gather3A_317 = tpu.vector_load_idx %gather3A_316[%iota3A, %add3A_312] : memref<16x1024xf32, #tpu.memory_space<vmem>>[vector<16xi32>, vector<16xi32>], vector<16xf32>,
        %add3A_318 = vector.broadcast %mul3A_279 : i32 to vector<16xi32>
        %add3A_319 = arith.addi %rem3A_25, %add3A_318 : vector<16xi32>
        %mul3A_320 = arith.constant 16 : i32
        %mul3A_321 = vector.broadcast %mul3A_320 : i32 to vector<16xi32>
        %mul3A_322 = arith.muli %add3A_319, %mul3A_321 : vector<16xi32>
        %add3A_323 = arith.constant 0 : i32
        %add3A_324 = vector.broadcast %add3A_323 : i32 to vector<16xi32>
        %add3A_325 = arith.addi %add3A_324, %mul3A_322 : vector<16xi32>
        %add3A_326 = arith.addi %add3A_325, %iota3A : vector<16xi32>
        tpu.vector_store_idx %arg6[%add3A_326], %gather3A_317 : memref<49152xf32, #tpu.memory_space<vmem>>[vector<16xi32>], vector<16xf32>,
        %add3A_327 = vector.broadcast %mul3A_279 : i32 to vector<16xi32>
        %add3A_328 = arith.addi %rem3A_31, %add3A_327 : vector<16xi32>
        %gather3A_329 = arith.constant 0 : i32
        %gather3A_330 = arith.constant 0 : i32
        %gather3A_331 = tpu.memref_slice %arg5[%scan3A, %gather3A_329, %gather3A_330] : memref<3x16x1024xf32, #tpu.memory_space<vmem>> -> memref<1x16x1024xf32, #tpu.memory_space<vmem>>
        %gather3A_332 = tpu.memref_squeeze %gather3A_331 : memref<1x16x1024xf32, #tpu.memory_space<vmem>> -> memref<16x1024xf32, #tpu.memory_space<vmem>>
        %gather3A_333 = tpu.vector_load_idx %gather3A_332[%iota3A, %add3A_328] : memref<16x1024xf32, #tpu.memory_space<vmem>>[vector<16xi32>, vector<16xi32>], vector<16xf32>,
        %add3A_334 = vector.broadcast %mul3A_279 : i32 to vector<16xi32>
        %add3A_335 = arith.addi %rem3A_31, %add3A_334 : vector<16xi32>
        %mul3A_336 = arith.constant 16 : i32
        %mul3A_337 = vector.broadcast %mul3A_336 : i32 to vector<16xi32>
        %mul3A_338 = arith.muli %add3A_335, %mul3A_337 : vector<16xi32>
        %add3A_339 = arith.constant 0 : i32
        %add3A_340 = vector.broadcast %add3A_339 : i32 to vector<16xi32>
        %add3A_341 = arith.addi %add3A_340, %mul3A_338 : vector<16xi32>
        %add3A_342 = arith.addi %add3A_341, %iota3A : vector<16xi32>
        tpu.vector_store_idx %arg6[%add3A_342], %gather3A_333 : memref<49152xf32, #tpu.memory_space<vmem>>[vector<16xi32>], vector<16xf32>,
        %add3A_343 = vector.broadcast %mul3A_279 : i32 to vector<16xi32>
        %add3A_344 = arith.addi %rem3A_37, %add3A_343 : vector<16xi32>
        %gather3A_345 = arith.constant 0 : i32
        %gather3A_346 = arith.constant 0 : i32
        %gather3A_347 = tpu.memref_slice %arg5[%scan3A, %gather3A_345, %gather3A_346] : memref<3x16x1024xf32, #tpu.memory_space<vmem>> -> memref<1x16x1024xf32, #tpu.memory_space<vmem>>
        %gather3A_348 = tpu.memref_squeeze %gather3A_347 : memref<1x16x1024xf32, #tpu.memory_space<vmem>> -> memref<16x1024xf32, #tpu.memory_space<vmem>>
        %gather3A_349 = tpu.vector_load_idx %gather3A_348[%iota3A, %add3A_344] : memref<16x1024xf32, #tpu.memory_space<vmem>>[vector<16xi32>, vector<16xi32>], vector<16xf32>,
        %add3A_350 = vector.broadcast %mul3A_279 : i32 to vector<16xi32>
        %add3A_351 = arith.addi %rem3A_37, %add3A_350 : vector<16xi32>
        %mul3A_352 = arith.constant 16 : i32
        %mul3A_353 = vector.broadcast %mul3A_352 : i32 to vector<16xi32>
        %mul3A_354 = arith.muli %add3A_351, %mul3A_353 : vector<16xi32>
        %add3A_355 = arith.constant 0 : i32
        %add3A_356 = vector.broadcast %add3A_355 : i32 to vector<16xi32>
        %add3A_357 = arith.addi %add3A_356, %mul3A_354 : vector<16xi32>
        %add3A_358 = arith.addi %add3A_357, %iota3A : vector<16xi32>
        tpu.vector_store_idx %arg6[%add3A_358], %gather3A_349 : memref<49152xf32, #tpu.memory_space<vmem>>[vector<16xi32>], vector<16xf32>,
        %add3A_359 = vector.broadcast %mul3A_279 : i32 to vector<16xi32>
        %add3A_360 = arith.addi %rem3A_43, %add3A_359 : vector<16xi32>
        %gather3A_361 = arith.constant 0 : i32
        %gather3A_362 = arith.constant 0 : i32
        %gather3A_363 = tpu.memref_slice %arg5[%scan3A, %gather3A_361, %gather3A_362] : memref<3x16x1024xf32, #tpu.memory_space<vmem>> -> memref<1x16x1024xf32, #tpu.memory_space<vmem>>
        %gather3A_364 = tpu.memref_squeeze %gather3A_363 : memref<1x16x1024xf32, #tpu.memory_space<vmem>> -> memref<16x1024xf32, #tpu.memory_space<vmem>>
        %gather3A_365 = tpu.vector_load_idx %gather3A_364[%iota3A, %add3A_360] : memref<16x1024xf32, #tpu.memory_space<vmem>>[vector<16xi32>, vector<16xi32>], vector<16xf32>,
        %add3A_366 = vector.broadcast %mul3A_279 : i32 to vector<16xi32>
        %add3A_367 = arith.addi %rem3A_43, %add3A_366 : vector<16xi32>
        %mul3A_368 = arith.constant 16 : i32
        %mul3A_369 = vector.broadcast %mul3A_368 : i32 to vector<16xi32>
        %mul3A_370 = arith.muli %add3A_367, %mul3A_369 : vector<16xi32>
        %add3A_371 = arith.constant 0 : i32
        %add3A_372 = vector.broadcast %add3A_371 : i32 to vector<16xi32>
        %add3A_373 = arith.addi %add3A_372, %mul3A_370 : vector<16xi32>
        %add3A_374 = arith.addi %add3A_373, %iota3A : vector<16xi32>
        tpu.vector_store_idx %arg6[%add3A_374], %gather3A_365 : memref<49152xf32, #tpu.memory_space<vmem>>[vector<16xi32>], vector<16xf32>,
        %add3A_375 = vector.broadcast %mul3A_279 : i32 to vector<16xi32>
        %add3A_376 = arith.addi %rem3A_49, %add3A_375 : vector<16xi32>
        %gather3A_377 = arith.constant 0 : i32
        %gather3A_378 = arith.constant 0 : i32
        %gather3A_379 = tpu.memref_slice %arg5[%scan3A, %gather3A_377, %gather3A_378] : memref<3x16x1024xf32, #tpu.memory_space<vmem>> -> memref<1x16x1024xf32, #tpu.memory_space<vmem>>
        %gather3A_380 = tpu.memref_squeeze %gather3A_379 : memref<1x16x1024xf32, #tpu.memory_space<vmem>> -> memref<16x1024xf32, #tpu.memory_space<vmem>>
        %gather3A_381 = tpu.vector_load_idx %gather3A_380[%iota3A, %add3A_376] : memref<16x1024xf32, #tpu.memory_space<vmem>>[vector<16xi32>, vector<16xi32>], vector<16xf32>,
        %add3A_382 = vector.broadcast %mul3A_279 : i32 to vector<16xi32>
        %add3A_383 = arith.addi %rem3A_49, %add3A_382 : vector<16xi32>
        %mul3A_384 = arith.constant 16 : i32
        %mul3A_385 = vector.broadcast %mul3A_384 : i32 to vector<16xi32>
        %mul3A_386 = arith.muli %add3A_383, %mul3A_385 : vector<16xi32>
        %add3A_387 = arith.constant 0 : i32
        %add3A_388 = vector.broadcast %add3A_387 : i32 to vector<16xi32>
        %add3A_389 = arith.addi %add3A_388, %mul3A_386 : vector<16xi32>
        %add3A_390 = arith.addi %add3A_389, %iota3A : vector<16xi32>
        tpu.vector_store_idx %arg6[%add3A_390], %gather3A_381 : memref<49152xf32, #tpu.memory_space<vmem>>[vector<16xi32>], vector<16xf32>,
        %add3A_391 = vector.broadcast %mul3A_279 : i32 to vector<16xi32>
        %add3A_392 = arith.addi %rem3A_55, %add3A_391 : vector<16xi32>
        %gather3A_393 = arith.constant 0 : i32
        %gather3A_394 = arith.constant 0 : i32
        %gather3A_395 = tpu.memref_slice %arg5[%scan3A, %gather3A_393, %gather3A_394] : memref<3x16x1024xf32, #tpu.memory_space<vmem>> -> memref<1x16x1024xf32, #tpu.memory_space<vmem>>
        %gather3A_396 = tpu.memref_squeeze %gather3A_395 : memref<1x16x1024xf32, #tpu.memory_space<vmem>> -> memref<16x1024xf32, #tpu.memory_space<vmem>>
        %gather3A_397 = tpu.vector_load_idx %gather3A_396[%iota3A, %add3A_392] : memref<16x1024xf32, #tpu.memory_space<vmem>>[vector<16xi32>, vector<16xi32>], vector<16xf32>,
        %add3A_398 = vector.broadcast %mul3A_279 : i32 to vector<16xi32>
        %add3A_399 = arith.addi %rem3A_55, %add3A_398 : vector<16xi32>
        %mul3A_400 = arith.constant 16 : i32
        %mul3A_401 = vector.broadcast %mul3A_400 : i32 to vector<16xi32>
        %mul3A_402 = arith.muli %add3A_399, %mul3A_401 : vector<16xi32>
        %add3A_403 = arith.constant 0 : i32
        %add3A_404 = vector.broadcast %add3A_403 : i32 to vector<16xi32>
        %add3A_405 = arith.addi %add3A_404, %mul3A_402 : vector<16xi32>
        %add3A_406 = arith.addi %add3A_405, %iota3A : vector<16xi32>
        tpu.vector_store_idx %arg6[%add3A_406], %gather3A_397 : memref<49152xf32, #tpu.memory_space<vmem>>[vector<16xi32>], vector<16xf32>,
        %add3A_407 = vector.broadcast %mul3A_279 : i32 to vector<16xi32>
        %add3A_408 = arith.addi %rem3A_61, %add3A_407 : vector<16xi32>
        %gather3A_409 = arith.constant 0 : i32
        %gather3A_410 = arith.constant 0 : i32
        %gather3A_411 = tpu.memref_slice %arg5[%scan3A, %gather3A_409, %gather3A_410] : memref<3x16x1024xf32, #tpu.memory_space<vmem>> -> memref<1x16x1024xf32, #tpu.memory_space<vmem>>
        %gather3A_412 = tpu.memref_squeeze %gather3A_411 : memref<1x16x1024xf32, #tpu.memory_space<vmem>> -> memref<16x1024xf32, #tpu.memory_space<vmem>>
        %gather3A_413 = tpu.vector_load_idx %gather3A_412[%iota3A, %add3A_408] : memref<16x1024xf32, #tpu.memory_space<vmem>>[vector<16xi32>, vector<16xi32>], vector<16xf32>,
        %add3A_414 = vector.broadcast %mul3A_279 : i32 to vector<16xi32>
        %add3A_415 = arith.addi %rem3A_61, %add3A_414 : vector<16xi32>
        %mul3A_416 = arith.constant 16 : i32
        %mul3A_417 = vector.broadcast %mul3A_416 : i32 to vector<16xi32>
        %mul3A_418 = arith.muli %add3A_415, %mul3A_417 : vector<16xi32>
        %add3A_419 = arith.constant 0 : i32
        %add3A_420 = vector.broadcast %add3A_419 : i32 to vector<16xi32>
        %add3A_421 = arith.addi %add3A_420, %mul3A_418 : vector<16xi32>
        %add3A_422 = arith.addi %add3A_421, %iota3A : vector<16xi32>
        tpu.vector_store_idx %arg6[%add3A_422], %gather3A_413 : memref<49152xf32, #tpu.memory_space<vmem>>[vector<16xi32>], vector<16xf32>,
        %add3A_423 = vector.broadcast %mul3A_279 : i32 to vector<16xi32>
        %add3A_424 = arith.addi %rem3A_67, %add3A_423 : vector<16xi32>
        %gather3A_425 = arith.constant 0 : i32
        %gather3A_426 = arith.constant 0 : i32
        %gather3A_427 = tpu.memref_slice %arg5[%scan3A, %gather3A_425, %gather3A_426] : memref<3x16x1024xf32, #tpu.memory_space<vmem>> -> memref<1x16x1024xf32, #tpu.memory_space<vmem>>
        %gather3A_428 = tpu.memref_squeeze %gather3A_427 : memref<1x16x1024xf32, #tpu.memory_space<vmem>> -> memref<16x1024xf32, #tpu.memory_space<vmem>>
        %gather3A_429 = tpu.vector_load_idx %gather3A_428[%iota3A, %add3A_424] : memref<16x1024xf32, #tpu.memory_space<vmem>>[vector<16xi32>, vector<16xi32>], vector<16xf32>,
        %add3A_430 = vector.broadcast %mul3A_279 : i32 to vector<16xi32>
        %add3A_431 = arith.addi %rem3A_67, %add3A_430 : vector<16xi32>
        %mul3A_432 = arith.constant 16 : i32
        %mul3A_433 = vector.broadcast %mul3A_432 : i32 to vector<16xi32>
        %mul3A_434 = arith.muli %add3A_431, %mul3A_433 : vector<16xi32>
        %add3A_435 = arith.constant 0 : i32
        %add3A_436 = vector.broadcast %add3A_435 : i32 to vector<16xi32>
        %add3A_437 = arith.addi %add3A_436, %mul3A_434 : vector<16xi32>
        %add3A_438 = arith.addi %add3A_437, %iota3A : vector<16xi32>
        tpu.vector_store_idx %arg6[%add3A_438], %gather3A_429 : memref<49152xf32, #tpu.memory_space<vmem>>[vector<16xi32>], vector<16xf32>,
        %add3A_439 = vector.broadcast %mul3A_279 : i32 to vector<16xi32>
        %add3A_440 = arith.addi %rem3A_73, %add3A_439 : vector<16xi32>
        %gather3A_441 = arith.constant 0 : i32
        %gather3A_442 = arith.constant 0 : i32
        %gather3A_443 = tpu.memref_slice %arg5[%scan3A, %gather3A_441, %gather3A_442] : memref<3x16x1024xf32, #tpu.memory_space<vmem>> -> memref<1x16x1024xf32, #tpu.memory_space<vmem>>
        %gather3A_444 = tpu.memref_squeeze %gather3A_443 : memref<1x16x1024xf32, #tpu.memory_space<vmem>> -> memref<16x1024xf32, #tpu.memory_space<vmem>>
        %gather3A_445 = tpu.vector_load_idx %gather3A_444[%iota3A, %add3A_440] : memref<16x1024xf32, #tpu.memory_space<vmem>>[vector<16xi32>, vector<16xi32>], vector<16xf32>,
        %add3A_446 = vector.broadcast %mul3A_279 : i32 to vector<16xi32>
        %add3A_447 = arith.addi %rem3A_73, %add3A_446 : vector<16xi32>
        %mul3A_448 = arith.constant 16 : i32
        %mul3A_449 = vector.broadcast %mul3A_448 : i32 to vector<16xi32>
        %mul3A_450 = arith.muli %add3A_447, %mul3A_449 : vector<16xi32>
        %add3A_451 = arith.constant 0 : i32
        %add3A_452 = vector.broadcast %add3A_451 : i32 to vector<16xi32>
        %add3A_453 = arith.addi %add3A_452, %mul3A_450 : vector<16xi32>
        %add3A_454 = arith.addi %add3A_453, %iota3A : vector<16xi32>
        tpu.vector_store_idx %arg6[%add3A_454], %gather3A_445 : memref<49152xf32, #tpu.memory_space<vmem>>[vector<16xi32>], vector<16xf32>,
        %add3A_455 = vector.broadcast %mul3A_279 : i32 to vector<16xi32>
        %add3A_456 = arith.addi %rem3A_79, %add3A_455 : vector<16xi32>
        %gather3A_457 = arith.constant 0 : i32
        %gather3A_458 = arith.constant 0 : i32
        %gather3A_459 = tpu.memref_slice %arg5[%scan3A, %gather3A_457, %gather3A_458] : memref<3x16x1024xf32, #tpu.memory_space<vmem>> -> memref<1x16x1024xf32, #tpu.memory_space<vmem>>
        %gather3A_460 = tpu.memref_squeeze %gather3A_459 : memref<1x16x1024xf32, #tpu.memory_space<vmem>> -> memref<16x1024xf32, #tpu.memory_space<vmem>>
        %gather3A_461 = tpu.vector_load_idx %gather3A_460[%iota3A, %add3A_456] : memref<16x1024xf32, #tpu.memory_space<vmem>>[vector<16xi32>, vector<16xi32>], vector<16xf32>,
        %add3A_462 = vector.broadcast %mul3A_279 : i32 to vector<16xi32>
        %add3A_463 = arith.addi %rem3A_79, %add3A_462 : vector<16xi32>
        %mul3A_464 = arith.constant 16 : i32
        %mul3A_465 = vector.broadcast %mul3A_464 : i32 to vector<16xi32>
        %mul3A_466 = arith.muli %add3A_463, %mul3A_465 : vector<16xi32>
        %add3A_467 = arith.constant 0 : i32
        %add3A_468 = vector.broadcast %add3A_467 : i32 to vector<16xi32>
        %add3A_469 = arith.addi %add3A_468, %mul3A_466 : vector<16xi32>
        %add3A_470 = arith.addi %add3A_469, %iota3A : vector<16xi32>
        tpu.vector_store_idx %arg6[%add3A_470], %gather3A_461 : memref<49152xf32, #tpu.memory_space<vmem>>[vector<16xi32>], vector<16xf32>,
        %add3A_471 = vector.broadcast %mul3A_279 : i32 to vector<16xi32>
        %add3A_472 = arith.addi %rem3A_85, %add3A_471 : vector<16xi32>
        %gather3A_473 = arith.constant 0 : i32
        %gather3A_474 = arith.constant 0 : i32
        %gather3A_475 = tpu.memref_slice %arg5[%scan3A, %gather3A_473, %gather3A_474] : memref<3x16x1024xf32, #tpu.memory_space<vmem>> -> memref<1x16x1024xf32, #tpu.memory_space<vmem>>
        %gather3A_476 = tpu.memref_squeeze %gather3A_475 : memref<1x16x1024xf32, #tpu.memory_space<vmem>> -> memref<16x1024xf32, #tpu.memory_space<vmem>>
        %gather3A_477 = tpu.vector_load_idx %gather3A_476[%iota3A, %add3A_472] : memref<16x1024xf32, #tpu.memory_space<vmem>>[vector<16xi32>, vector<16xi32>], vector<16xf32>,
        %add3A_478 = vector.broadcast %mul3A_279 : i32 to vector<16xi32>
        %add3A_479 = arith.addi %rem3A_85, %add3A_478 : vector<16xi32>
        %mul3A_480 = arith.constant 16 : i32
        %mul3A_481 = vector.broadcast %mul3A_480 : i32 to vector<16xi32>
        %mul3A_482 = arith.muli %add3A_479, %mul3A_481 : vector<16xi32>
        %add3A_483 = arith.constant 0 : i32
        %add3A_484 = vector.broadcast %add3A_483 : i32 to vector<16xi32>
        %add3A_485 = arith.addi %add3A_484, %mul3A_482 : vector<16xi32>
        %add3A_486 = arith.addi %add3A_485, %iota3A : vector<16xi32>
        tpu.vector_store_idx %arg6[%add3A_486], %gather3A_477 : memref<49152xf32, #tpu.memory_space<vmem>>[vector<16xi32>], vector<16xf32>,
        %add3A_487 = vector.broadcast %mul3A_279 : i32 to vector<16xi32>
        %add3A_488 = arith.addi %rem3A_91, %add3A_487 : vector<16xi32>
        %gather3A_489 = arith.constant 0 : i32
        %gather3A_490 = arith.constant 0 : i32
        %gather3A_491 = tpu.memref_slice %arg5[%scan3A, %gather3A_489, %gather3A_490] : memref<3x16x1024xf32, #tpu.memory_space<vmem>> -> memref<1x16x1024xf32, #tpu.memory_space<vmem>>
        %gather3A_492 = tpu.memref_squeeze %gather3A_491 : memref<1x16x1024xf32, #tpu.memory_space<vmem>> -> memref<16x1024xf32, #tpu.memory_space<vmem>>
        %gather3A_493 = tpu.vector_load_idx %gather3A_492[%iota3A, %add3A_488] : memref<16x1024xf32, #tpu.memory_space<vmem>>[vector<16xi32>, vector<16xi32>], vector<16xf32>,
        %add3A_494 = vector.broadcast %mul3A_279 : i32 to vector<16xi32>
        %add3A_495 = arith.addi %rem3A_91, %add3A_494 : vector<16xi32>
        %mul3A_496 = arith.constant 16 : i32
        %mul3A_497 = vector.broadcast %mul3A_496 : i32 to vector<16xi32>
        %mul3A_498 = arith.muli %add3A_495, %mul3A_497 : vector<16xi32>
        %add3A_499 = arith.constant 0 : i32
        %add3A_500 = vector.broadcast %add3A_499 : i32 to vector<16xi32>
        %add3A_501 = arith.addi %add3A_500, %mul3A_498 : vector<16xi32>
        %add3A_502 = arith.addi %add3A_501, %iota3A : vector<16xi32>
        tpu.vector_store_idx %arg6[%add3A_502], %gather3A_493 : memref<49152xf32, #tpu.memory_space<vmem>>[vector<16xi32>], vector<16xf32>,
        %add3A_503 = vector.broadcast %mul3A_279 : i32 to vector<16xi32>
        %add3A_504 = arith.addi %rem3A_97, %add3A_503 : vector<16xi32>
        %gather3A_505 = arith.constant 0 : i32
        %gather3A_506 = arith.constant 0 : i32
        %gather3A_507 = tpu.memref_slice %arg5[%scan3A, %gather3A_505, %gather3A_506] : memref<3x16x1024xf32, #tpu.memory_space<vmem>> -> memref<1x16x1024xf32, #tpu.memory_space<vmem>>
        %gather3A_508 = tpu.memref_squeeze %gather3A_507 : memref<1x16x1024xf32, #tpu.memory_space<vmem>> -> memref<16x1024xf32, #tpu.memory_space<vmem>>
        %gather3A_509 = tpu.vector_load_idx %gather3A_508[%iota3A, %add3A_504] : memref<16x1024xf32, #tpu.memory_space<vmem>>[vector<16xi32>, vector<16xi32>], vector<16xf32>,
        %add3A_510 = vector.broadcast %mul3A_279 : i32 to vector<16xi32>
        %add3A_511 = arith.addi %rem3A_97, %add3A_510 : vector<16xi32>
        %mul3A_512 = arith.constant 16 : i32
        %mul3A_513 = vector.broadcast %mul3A_512 : i32 to vector<16xi32>
        %mul3A_514 = arith.muli %add3A_511, %mul3A_513 : vector<16xi32>
        %add3A_515 = arith.constant 0 : i32
        %add3A_516 = vector.broadcast %add3A_515 : i32 to vector<16xi32>
        %add3A_517 = arith.addi %add3A_516, %mul3A_514 : vector<16xi32>
        %add3A_518 = arith.addi %add3A_517, %iota3A : vector<16xi32>
        tpu.vector_store_idx %arg6[%add3A_518], %gather3A_509 : memref<49152xf32, #tpu.memory_space<vmem>>[vector<16xi32>], vector<16xf32>,
        %add3A_519 = vector.broadcast %mul3A_279 : i32 to vector<16xi32>
        %add3A_520 = arith.addi %rem3A_103, %add3A_519 : vector<16xi32>
        %gather3A_521 = arith.constant 0 : i32
        %gather3A_522 = arith.constant 0 : i32
        %gather3A_523 = tpu.memref_slice %arg5[%scan3A, %gather3A_521, %gather3A_522] : memref<3x16x1024xf32, #tpu.memory_space<vmem>> -> memref<1x16x1024xf32, #tpu.memory_space<vmem>>
        %gather3A_524 = tpu.memref_squeeze %gather3A_523 : memref<1x16x1024xf32, #tpu.memory_space<vmem>> -> memref<16x1024xf32, #tpu.memory_space<vmem>>
        %gather3A_525 = tpu.vector_load_idx %gather3A_524[%iota3A, %add3A_520] : memref<16x1024xf32, #tpu.memory_space<vmem>>[vector<16xi32>, vector<16xi32>], vector<16xf32>,
        %add3A_526 = vector.broadcast %mul3A_279 : i32 to vector<16xi32>
        %add3A_527 = arith.addi %rem3A_103, %add3A_526 : vector<16xi32>
        %mul3A_528 = arith.constant 16 : i32
        %mul3A_529 = vector.broadcast %mul3A_528 : i32 to vector<16xi32>
        %mul3A_530 = arith.muli %add3A_527, %mul3A_529 : vector<16xi32>
        %add3A_531 = arith.constant 0 : i32
        %add3A_532 = vector.broadcast %add3A_531 : i32 to vector<16xi32>
        %add3A_533 = arith.addi %add3A_532, %mul3A_530 : vector<16xi32>
        %add3A_534 = arith.addi %add3A_533, %iota3A : vector<16xi32>
        tpu.vector_store_idx %arg6[%add3A_534], %gather3A_525 : memref<49152xf32, #tpu.memory_space<vmem>>[vector<16xi32>], vector<16xf32>,
        %scan3A_535 = arith.constant 0 : i32
        scf.yield %scan3A_535 : i32
      }
      %scan3A_275 = arith.constant 32 : i32
      "tpu.region"() ({
        %run_scoped3A = tpu.sem_alloc : memref<!tpu.dma_semaphore, #tpu.memory_space<semaphore_mem>>
        %dma_start3A_276 = arith.constant 0 : i32
        %dma_start3A_277 = tpu.memref_slice %arg6[%dma_start3A_276] : memref<49152xf32, #tpu.memory_space<vmem>> -> memref<8192xf32, #tpu.memory_space<vmem>>
        %dma_start3A_278 = arith.constant 15990784 : i32
        %dma_start3A_279 = tpu.memref_slice %arg4[%dma_start3A_278] : memref<16000000xf32, #tpu.memory_space<hbm>> -> memref<8192xf32, #tpu.memory_space<hbm>>
        %dma_start3A_280 = arith.constant 15990784 : i32
        %dma_start3A_281 = tpu.memref_slice %arg4[%dma_start3A_280] : memref<16000000xf32, #tpu.memory_space<hbm>> -> memref<8192xf32, #tpu.memory_space<hbm>>
        %dma_start3A_282 = arith.constant 0 : i32
        %dma_start3A_283 = tpu.memref_slice %arg6[%dma_start3A_282] : memref<49152xf32, #tpu.memory_space<vmem>> -> memref<8192xf32, #tpu.memory_space<vmem>>
        tpu.enqueue_dma source(%dma_start3A_283 : memref<8192xf32, #tpu.memory_space<vmem>>) target(%dma_start3A_281 : memref<8192xf32, #tpu.memory_space<hbm>>) target_semaphore(%run_scoped3A : memref<!tpu.dma_semaphore, #tpu.memory_space<semaphore_mem>>)
        %dma_wait3A_284 = arith.constant 0 : i32
        %dma_wait3A_285 = tpu.memref_slice %arg6[%dma_wait3A_284] : memref<49152xf32, #tpu.memory_space<vmem>> -> memref<8192xf32, #tpu.memory_space<vmem>>
        %dma_wait3A_286 = arith.constant 15990784 : i32
        %dma_wait3A_287 = tpu.memref_slice %arg4[%dma_wait3A_286] : memref<16000000xf32, #tpu.memory_space<hbm>> -> memref<8192xf32, #tpu.memory_space<hbm>>
        %dma_wait3A_288 = arith.constant 15990784 : i32
        %dma_wait3A_289 = tpu.memref_slice %arg4[%dma_wait3A_288] : memref<16000000xf32, #tpu.memory_space<hbm>> -> memref<8192xf32, #tpu.memory_space<hbm>>
        %dma_wait3A_290 = arith.constant 0 : i32
        %dma_wait3A_291 = tpu.memref_slice %arg6[%dma_wait3A_290] : memref<49152xf32, #tpu.memory_space<vmem>> -> memref<8192xf32, #tpu.memory_space<vmem>>
        tpu.wait_dma2 semaphore(%run_scoped3A : memref<!tpu.dma_semaphore, #tpu.memory_space<semaphore_mem>>) src(%dma_wait3A_291 : memref<8192xf32, #tpu.memory_space<vmem>>) dst(%dma_wait3A_289 : memref<8192xf32, #tpu.memory_space<hbm>>)
        tpu.yield
      }) : () -> ()
      "tpu.region"() ({
        %run_scoped3A = tpu.sem_alloc : memref<!tpu.dma_semaphore, #tpu.memory_space<semaphore_mem>>
        %dma_start3A_276 = arith.constant 0 : i32
        %dma_start3A_277 = tpu.memref_slice %arg6[%dma_start3A_276] : memref<49152xf32, #tpu.memory_space<vmem>> -> memref<1024xf32, #tpu.memory_space<vmem>>
        %dma_start3A_278 = arith.constant 0 : i32
        %dma_start3A_279 = tpu.memref_slice %arg6[%dma_start3A_278] : memref<49152xf32, #tpu.memory_space<vmem>> -> memref<1024xf32, #tpu.memory_space<vmem>>
        tpu.enqueue_dma source(%arg3 : memref<1024xf32, #tpu.memory_space<hbm>>) target(%dma_start3A_279 : memref<1024xf32, #tpu.memory_space<vmem>>) target_semaphore(%run_scoped3A : memref<!tpu.dma_semaphore, #tpu.memory_space<semaphore_mem>>)
        %dma_wait3A_280 = arith.constant 0 : i32
        %dma_wait3A_281 = tpu.memref_slice %arg6[%dma_wait3A_280] : memref<49152xf32, #tpu.memory_space<vmem>> -> memref<1024xf32, #tpu.memory_space<vmem>>
        %dma_wait3A_282 = arith.constant 0 : i32
        %dma_wait3A_283 = tpu.memref_slice %arg6[%dma_wait3A_282] : memref<49152xf32, #tpu.memory_space<vmem>> -> memref<1024xf32, #tpu.memory_space<vmem>>
        tpu.wait_dma2 semaphore(%run_scoped3A : memref<!tpu.dma_semaphore, #tpu.memory_space<semaphore_mem>>) src(%arg3 : memref<1024xf32, #tpu.memory_space<hbm>>) dst(%dma_wait3A_283 : memref<1024xf32, #tpu.memory_space<vmem>>)
        tpu.yield
      }) : () -> ()
      "tpu.region"() ({
        %run_scoped3A = tpu.sem_alloc : memref<!tpu.dma_semaphore, #tpu.memory_space<semaphore_mem>>
        %dma_start3A_276 = arith.constant 0 : i32
        %dma_start3A_277 = tpu.memref_slice %arg6[%dma_start3A_276] : memref<49152xf32, #tpu.memory_space<vmem>> -> memref<1024xf32, #tpu.memory_space<vmem>>
        %dma_start3A_278 = arith.constant 15998976 : i32
        %dma_start3A_279 = tpu.memref_slice %arg4[%dma_start3A_278] : memref<16000000xf32, #tpu.memory_space<hbm>> -> memref<1024xf32, #tpu.memory_space<hbm>>
        %dma_start3A_280 = arith.constant 15998976 : i32
        %dma_start3A_281 = tpu.memref_slice %arg4[%dma_start3A_280] : memref<16000000xf32, #tpu.memory_space<hbm>> -> memref<1024xf32, #tpu.memory_space<hbm>>
        %dma_start3A_282 = arith.constant 0 : i32
        %dma_start3A_283 = tpu.memref_slice %arg6[%dma_start3A_282] : memref<49152xf32, #tpu.memory_space<vmem>> -> memref<1024xf32, #tpu.memory_space<vmem>>
        tpu.enqueue_dma source(%dma_start3A_283 : memref<1024xf32, #tpu.memory_space<vmem>>) target(%dma_start3A_281 : memref<1024xf32, #tpu.memory_space<hbm>>) target_semaphore(%run_scoped3A : memref<!tpu.dma_semaphore, #tpu.memory_space<semaphore_mem>>)
        %dma_wait3A_284 = arith.constant 0 : i32
        %dma_wait3A_285 = tpu.memref_slice %arg6[%dma_wait3A_284] : memref<49152xf32, #tpu.memory_space<vmem>> -> memref<1024xf32, #tpu.memory_space<vmem>>
        %dma_wait3A_286 = arith.constant 15998976 : i32
        %dma_wait3A_287 = tpu.memref_slice %arg4[%dma_wait3A_286] : memref<16000000xf32, #tpu.memory_space<hbm>> -> memref<1024xf32, #tpu.memory_space<hbm>>
        %dma_wait3A_288 = arith.constant 15998976 : i32
        %dma_wait3A_289 = tpu.memref_slice %arg4[%dma_wait3A_288] : memref<16000000xf32, #tpu.memory_space<hbm>> -> memref<1024xf32, #tpu.memory_space<hbm>>
        %dma_wait3A_290 = arith.constant 0 : i32
        %dma_wait3A_291 = tpu.memref_slice %arg6[%dma_wait3A_290] : memref<49152xf32, #tpu.memory_space<vmem>> -> memref<1024xf32, #tpu.memory_space<vmem>>
        tpu.wait_dma2 semaphore(%run_scoped3A : memref<!tpu.dma_semaphore, #tpu.memory_space<semaphore_mem>>) src(%dma_wait3A_291 : memref<1024xf32, #tpu.memory_space<vmem>>) dst(%dma_wait3A_289 : memref<1024xf32, #tpu.memory_space<hbm>>)
        tpu.yield
      }) : () -> ()
    } else {
    }
    return
  }
}

</mosaic_0001>

<sc_bundles>
// kernel: kernel.4.cloned.1.call-start
scs
__scs_entry_jumppad:
0x0: {  	(pc) =	sbr.rel $0x88, $3  }
0x1: {  	(tag) =	ssettag $0x0;
	lr =	simm.s32 $0x1  }
0x2: {  	[smem:$0x3F9D] =	sst lr;
	_ =	strace $0xD0000000  }
0x3: {  	_ = 	snop  }
0x4: {  	_ = 	snop  }
0x5: {  	_ = 	snop  }
0x6: {  	_ = 	snop  }
0x7: {  	_ = 	snop  }
__scs_overlays_trampoline_lowered:
0x8: {  	[smem:$0x3FAC] =	sst s0  }
0x9: {  	[smem:$0x3FAD] =	sst s1  }
0xa: {  	[smem:$0x3FAE] =	sst s2  }
0xb: {  	[smem:$0x3FAF] =	sst s3  }
0xc: {  	[smem:$0x3FB0] =	sst s4  }
0xd: {  	[smem:$0x3FB1] =	sst s5  }
0xe: {  	[smem:$0x3FB2] =	sst s6  }
0xf: {  	[smem:$0x3FB3] =	sst s7  }
0x10: {  	[smem:$0x3FB4] =	sst s8  }
0x11: {  	[smem:$0x3FB5] =	sst s9;
	s0 =	simm.s32 @!p0 $0x0  }
0x12: {  	s1 =	sld [smem:$0x3F9B];
	s0 =	simm.s32 @p0 $0x1  }
0x13: {  	[smem:$0x3FB6] =	sst s0;
	s0 =	simm.s32 @!p1 $0x0  }
0x14: {  	s2 =	sld [smem:$0x3F9A];
	s0 =	simm.s32 @p1 $0x1  }
0x15: {  	[smem:$0x3FB7] =	sst s0;
	s0 =	simm.s32 @!p2 $0x0  }
0x16: {  	s3 =	sld [smem:$0x3FDB];
	s0 =	simm.s32 @p2 $0x1  }
0x17: {  	s4 =	simm.s32 $0x1BF5;
	[smem:$0x3FB9] =	sst s0  }
0x18: {  	s0 =	sld [smem:$0x3F9C];
	_ =	swait.ge [sflag:s4], $0x0  }
0x19: {  	s7 =	sld [smem:$0x3F9D]  }
0x1a: {  	s8 =	sadd.s32 $0xFFFFE003, lr  }
0x1b: {  	s9 =	sadd.s32 $0xFFFFFEF7, lr;
	s5 =	simm.s32 $0xFFFFFFFF;
	p2 =	slt.u32 s8, $0xFFFFF086  }
0x1c: {  	p1 =	slt.u32 s9, $0xF7A;
	s5 =	simm.s32 @!p2 $0x0  }
0x1d: {  	s5 =	simm.s32 @p1 $0x1;
	p0 =	seq.s32 s7, s2  }
0x1e: {  	s7 =	smul.u32 @!p0 $0xF7A, s2;
	p2 =	seq.s32 @!p0 s5, $0x0  }
0x1f: {  	s9 =	smul.u32 $0xF7A, s1;
	s8 =	simm.s32 @!p0 $0x1BF5;
	p2 =	por !p2, p0  }
0x20: {  	[sflag:s8] =	ssyncset.s32 @!p0 $0xFFFFF086;
	s6 =	sadd.s32 @!p0 s3, s7;
	s7 =	simm.s32 @!p0 $0x108  }
0x21: {  	s3 =	sadd.s32 s3, s9;
	s6 =	sadd.s32 @!p0 $0x88, s6;
	s7 =	simm.s32 @p2 $0x1082  }
0x22: {  	[simem:s7], [sflag:s8] =	dma.local @!p0 [hbm:s6], $0xF7A  }
0x23: {  	s9 =	sor.u32 $0xD0000000, s2;
	s6 =	simm.s32 $0x108;
	_ =	swait.ge @!p0 [sflag:s8], $0x0  }
0x24: {  	s3 =	sadd.s32 $0x88, s3;
	s6 =	simm.s32 @!p1 $0x1082;
	[sflag:s4] =	ssyncset.s32 $0xFFFFF086  }
0x25: {  	[simem:s6], [sflag:s4] =	dma.local [hbm:s3], $0xF7A  }
0x26: {  	[smem:$0x3F9D] =	sst s1;
	(tag) =	ssettag s2;
	_ =	strace s9  }
0x27: {  	s1 =	sld [smem:$0x3FAD]  }
0x28: {  	s2 =	sld [smem:$0x3FAE]  }
0x29: {  	s4 =	sld [smem:$0x3FB0]  }
0x2a: {  	p0 =	seq.s32 s5, $0x0;
	s5 =	sld [smem:$0x3FB1]  }
0x2b: {  	s6 =	sld [smem:$0x3FB2]  }
0x2c: {  	s7 =	sld [smem:$0x3FB3]  }
0x2d: {  	s3 =	simm.s32 $0x108;
	s8 =	sld [smem:$0x3FB4]  }
0x2e: {  	s3 =	simm.s32 @!p0 $0x1082;
	s9 =	sld [smem:$0x3FB5]  }
0x2f: {  	lr =	sadd.s32 s0, s3;
	s0 =	sld [smem:$0x3FAC]  }
0x30: {  	s3 =	sld [smem:$0x3FAF]  }
0x31: {  	[smem:$0x3FB8] =	sst s10  }
0x32: {  	s10 =	sld [smem:$0x3FB6];
	_ =	sdelay $0x3  }
0x33: {  	p0 =	seq.s32 s10, $0x1;
	s10 =	sld [smem:$0x3FB8];
	_ =	sdelay $0x3  }
0x34: {  	[smem:$0x3FB8] =	sst s10  }
0x35: {  	s10 =	sld [smem:$0x3FB7];
	_ =	sdelay $0x3  }
0x36: {  	p1 =	seq.s32 s10, $0x1;
	s10 =	sld [smem:$0x3FB8];
	_ =	sdelay $0x3  }
0x37: {  	[smem:$0x3FB8] =	sst s10  }
0x38: {  	s10 =	sld [smem:$0x3FB9]  }
0x39: {  	_ = 	snop;
	(pc) =	sbr.ind lr, $3  }
0x3a: {  	_ = 	snop  }
0x3b: {  	_ = 	snop  }
0x3c: {  	p2 =	seq.s32 s10, $0x1;
	s10 =	sld [smem:$0x3FB8]  }
0x3d: {  	_ =	shalt  }
0x3e: {  	_ =	shalt  }
0x3f: {  	_ =	shalt  }
0x40: {  	_ =	shalt  }
0x41: {  	_ =	shalt  }
0x42: {  	_ =	shalt  }
0x43: {  	_ =	shalt  }
0x44: {  	_ =	shalt  }
0x45: {  	_ =	shalt  }
0x46: {  	_ =	shalt  }
0x47: {  	_ =	shalt  }
0x48: {  	_ =	shalt  }
0x49: {  	_ =	shalt  }
0x4a: {  	_ =	shalt  }
0x4b: {  	_ =	shalt  }
0x4c: {  	_ =	shalt  }
0x4d: {  	_ =	shalt  }
0x4e: {  	_ =	shalt  }
0x4f: {  	_ =	shalt  }
0x50: {  	_ =	shalt  }
0x51: {  	_ =	shalt  }
0x52: {  	_ =	shalt  }
0x53: {  	_ =	shalt  }
0x54: {  	_ =	shalt  }
0x55: {  	_ =	shalt  }
0x56: {  	_ =	shalt  }
0x57: {  	_ =	shalt  }
0x58: {  	_ =	shalt  }
0x59: {  	_ =	shalt  }
0x5a: {  	_ =	shalt  }
0x5b: {  	_ =	shalt  }
0x5c: {  	_ =	shalt  }
0x5d: {  	_ =	shalt  }
0x5e: {  	_ =	shalt  }
0x5f: {  	_ =	shalt  }
0x60: {  	_ =	shalt  }
0x61: {  	_ =	shalt  }
0x62: {  	_ =	shalt  }
0x63: {  	_ =	shalt  }
0x64: {  	_ =	shalt  }
0x65: {  	_ =	shalt  }
0x66: {  	_ =	shalt  }
0x67: {  	_ =	shalt  }
0x68: {  	_ =	shalt  }
0x69: {  	_ =	shalt  }
0x6a: {  	_ =	shalt  }
0x6b: {  	_ =	shalt  }
0x6c: {  	_ =	shalt  }
0x6d: {  	_ =	shalt  }
0x6e: {  	_ =	shalt  }
0x6f: {  	_ =	shalt  }
0x70: {  	_ =	shalt  }
0x71: {  	_ =	shalt  }
0x72: {  	_ =	shalt  }
0x73: {  	_ =	shalt  }
0x74: {  	_ =	shalt  }
0x75: {  	_ =	shalt  }
0x76: {  	_ =	shalt  }
0x77: {  	_ =	shalt  }
0x78: {  	_ =	shalt  }
0x79: {  	_ =	shalt  }
0x7a: {  	_ =	shalt  }
0x7b: {  	_ =	shalt  }
0x7c: {  	_ =	shalt  }
0x7d: {  	_ =	shalt  }
0x7e: {  	_ =	shalt  }
0x7f: {  	_ =	shalt  }
0x80: {  	_ =	shalt  }
0x81: {  	_ =	shalt  }
0x82: {  	_ =	shalt  }
0x83: {  	_ =	shalt  }
0x84: {  	_ =	shalt  }
0x85: {  	_ =	shalt  }
0x86: {  	_ =	shalt  }
0x87: {  	_ =	shalt  }
.Lfunc_end0:
.L_simem_size_0:
called_computation_lowered:
.L_overlay_start_0:
0x88: {  	s2 =	sld [smem:$0x3FD9]  }
0x89: {  	s3 =	sld [smem:$0x3FFE];
	_ =	sdelay $0x1  }
0x8a: {  	s1 =	srdreg.scid  }
0x8b: {  	s0 =	sand.u32 $0x1, s1  }
0x8c: {  	s17 =	sshll.u32 s0, $0xA;
	s2 =	sadd.s32 s3, s2  }
0x8d: {  	s2 =	sadd.s32 s2, s17  }
0x8e: {  	[smem:$0x3FC4] =	sst s2  }
0x8f: {  	_ = 	snop  }
0x90: {  	s2 =	sld [smem:$0x3FC7]  }
0x91: {  	s18 =	sld [smem:$0x3FD0];
	(tm) =	ssettm $0x1  }
0x92: {  	s4 =	sld [smem:$0x3FFB];
	_ =	sdelay $0x3  }
0x93: {  	_ =	strace s4  }
0x94: {  	s4 =	sld [smem:$0x3FFC];
	_ =	sdelay $0x3  }
0x95: {  	_ =	strace s4  }
0x96: {  	s4 =	sld [smem:$0x3FFD];
	_ =	sdelay $0x3  }
0x97: {  	_ =	strace s4  }
0x98: {  	_ =	strace $0x8FFFFFFF  }
0x99: {  	s19 =	sld [smem:$0x3FDB];
	_ =	sdelay $0x1  }
0x9a: {  	s5 =	simm.s32 $_scs_section_size  }
0x9b: {  	s6 =	simm.s32 $_size__tile_overlayer_lowered;
	s7 =	simm.s32 $_tile_overlayer_lowered  }
0x9c: {  	s22 =	simm.s32 $0x1BFF;
	s21 =	sshll.u32 s7, $0x1;
	s4 =	sadd.s32 s5, s19  }
0x9d: {  	s8 =	simm.s32 $0x0;
	s20 =	sshll.u32 s6, $0x1;
	s6 =	sadd.s32 s21, s4  }
0x9e: {  	[timem:s8], [sflag:s22] =	dma.local [hbm:s6], s20  }
0x9f: {  	_ =	swait.ge [sflag:s22], s20  }
0xa0: {  	s5 =	ssub.s32 $0x0, s20;
	[sflag:s22] =	ssyncset.done $0x0  }
0xa1: {  	[sflag:s22] =	ssyncadd.s32 s5;
	_ =	sdelay $0x1  }
0xa2: {  	s23 =	simm.s32 $0x1B8B  }
0xa3: {  	_ =	swait.ge [sflag:s23], $0x1  }
0xa4: {  	[sflag:s23] =	ssyncset.done $0x0  }
0xa5: {  	s25 =	simm.s32 $0x1B8E;
	s24 =	sld [smem:$0x3FFE];
	[sflag:s23] =	ssyncadd.s32 $0xFFFFFFFF  }
0xa6: {  	s26 =	simm.s32 $execute0_lowered;
	[smem:$0x3FD2] =	sst s25  }
0xa7: {  	s6 =	sshll.u32 s26, $0x1;
	_ =	strace $0x80000046;
	[dreg:$0x1] =	wrdreg $0xFFFFFFFF  }
0xa8: {  	s28 =	simm.s32 $_size_execute0_lowered;
	s4 =	sadd.s32 s4, s6;
	[dreg:$0x0] =	wrdreg $0x0  }
0xa9: {  	s6 =	sshll.u32 s28, $0x1;
	[dreg:$0x2] =	wrdreg s4  }
0xaa: {  	[dreg:$0x3] =	wrdreg s6  }
0xab: {  	[dreg:$0x4] =	wrdreg $0xC0  }
0xac: {  	_ =	task [dreg:s8], $0x5FFFF  }
0xad: {  	[dreg:$0x1] =	wrdreg $0xFFFFFFFF  }
0xae: {  	[dreg:$0x0] =	wrdreg $0x60  }
0xaf: {  	[dreg:$0x2] =	wrdreg s2  }
0xb0: {  	[dreg:$0x3] =	wrdreg s18  }
0xb1: {  	[dreg:$0x4] =	wrdreg s24  }
0xb2: {  	[dreg:$0x5] =	wrdreg $0x9  }
0xb3: {  	_ =	task.clear_ibuf [dreg:s8], $0x6FFFF;
	_ =	strace $0x90000046  }
0xb4: {  	s29 =	simm.s32 $0x9;
	_ =	strace $0x80000048  }
0xb5: {  	_ =	swait.ge [sflag:s29], $0x1  }
0xb6: {  	[sflag:s29] =	ssyncadd.s32 $0xFFFFFFFF  }
0xb7: {  	_ =	strace $0x90000048  }
0xb8: {  	_ =	sfence  }
0xb9: {  	s30 =	sld [smem:$0x0];
	_ =	sdelay $0x2  }
0xba: {  	s31 =	sshll.u32 s1, $0xD;
	s1 =	sshrl.u32 s1, $0x2  }
0xbb: {  	s3 =	sand.u32 $0x4000, s31;
	s1 =	sadd.s32 s1, s30  }
0xbc: {  	s0 =	sor.u32 s3, s0;
	s1 =	sshll.u32 s1, $0x11  }
0xbd: {  	s0 =	sor.u32 s1, s0  }
0xbe: {  	s0 =	sadd.s32 $0x8F2B, s0  }
0xbf: {  	[sflag:s0] =	ssyncadd.remote.s32 $0x1  }
0xc0: {  	_ =	sfence.sel $0xFFFF  }
0xc1: {  	[dreg:$0x0] =	wrdreg $0xFFFFFFFF;
	(pc) =	sbr.abs _section_cstart, $3  }
0xc2: {  	[dreg:$0x1] =	wrdreg $0xFFFFFFFF  }
0xc3: {  	_ =	task.clear_ibuf [dreg:s8], $0x2FFFF;
	_ =	strace $0x9FFFFFFF  }
0xc4: {  	(tm) =	ssettm $0x7FFFFFFF  }
0xc5: {  	_ =	shalt  }
tec
execute0_lowered:
.L_overlay_start_1:
0x0: {  	(tag) =	ssettag $0x1  }
0x1: {  	v0 =	vimm.s32 $0x2380;
	vm0 =	vcmask $0x300  }
0x2: {  	vm14 =	vcmask $0x704;
	vm15 =	vcmask $0xB08;
	vm4 =	vcmask $0xF0C  }
0x3: {  	vm5 =	vcmask $0x1310;
	vm6 =	vcmask $0x1714;
	vm7 =	vcmask $0x1B18  }
0x4: {  	vm8 =	vcmask $0x1F1C;
	vm9 =	vcmask $0x2320;
	v0 =	vsel vm0, $0x0, v0  }
0x5: {  	vm10 =	vcmask $0x2724;
	vm11 =	vcmask $0x2B28;
	v0 =	vsel vm14, $0x80, v0  }
0x6: {  	vm12 =	vcmask $0x2F2C;
	vm13 =	vcmask $0x3330;
	v0 =	vsel vm15, $0x100, v0  }
0x7: {  	v1 =	vimm.s32 $0xFEDCBA9;
	v4 =	vimm.s32 $0x98765432;
	v0 =	vsel vm4, $0x180, v0  }
0x8: {  	v5 =	vimm.s32 $0x210FEDCB;
	v6 =	vimm.s32 $0xA9876543;
	v0 =	vsel vm5, $0x200, v0  }
0x9: {  	v16 =	vimm.s32 $0xCBA98765;
	v18 =	vimm.s32 $0x6543210F;
	v0 =	vsel vm6, $0x280, v0  }
0xa: {  	v19 =	vimm.s32 $0xEDCBA987;
	v20 =	vimm.s32 $0xFEDCBA98;
	v0 =	vsel vm7, $0x300, v0  }
0xb: {  	v21 =	vimm.s32 $0x76543210;
	v3 =	vunpack.c.l.s4.s8 v1;
	v0 =	vsel vm8, $0x380, v0  }
0xc: {  	v4 =	vunpack.c.l.s4.s8 v4;
	v5 =	vunpack.c.l.s4.s8 v5;
	v0 =	vsel vm9, $0x2000, v0  }
0xd: {  	v18 =	vunpack.c.l.s4.s8 v18;
	v19 =	vunpack.c.l.s4.s8 v19;
	v0 =	vsel vm10, $0x2080, v0  }
0xe: {  	v20 =	vunpack.c.l.s4.s8 v20;
	vm14 =	vcmask $0x3734;
	v0 =	vsel vm11, $0x2100, v0  }
0xf: {  	v8 =	vunpack.c.0.s8.s32 v3;
	v3 =	vimm.s32 $0x10FEDCBA;
	v0 =	vsel vm12, $0x2180, v0  }
0x10: {  	vm15 =	vcmask $0x3B38;
	v3 =	vunpack.c.l.s4.s8 v3;
	v0 =	vsel vm13, $0x2200, v0  }
0x11: {  	v11 =	vunpack.c.0.s8.s32 v4;
	v12 =	vunpack.c.0.s8.s32 v5;
	v2 =	vsel vm14, $0x2280, v0  }
0x12: {  	v10 =	vunpack.c.0.s8.s32 v3;
	v1 =	vsel vm15, $0x2300, v2;
	v2 =	vimm.s32 $0x87654321  }
0x13: {  	v18 =	vunpack.c.0.s8.s32 v18;
	v19 =	vunpack.c.0.s8.s32 v19;
	v2 =	vunpack.c.l.s4.s8 v2  }
0x14: {  	v20 =	vunpack.c.0.s8.s32 v20;
	v5 =	vcombine.low v11, v10;
	v11 =	vcombine.low v10, v11  }
0x15: {  	v24 =	vcombine.low v19, v18;
	v9 =	vunpack.c.0.s8.s32 v2;
	v2 =	vunpack.c.l.s4.s8 v6  }
0x16: {  	v20 =	vand.u32 $0xF, v20;
	v3 =	vimm.s32 $0x3210FEDC;
	v11 =	vand.u32 $0xF, v11  }
0x17: {  	s0 =	rddreg [dreg:$0x0];
	v13 =	vunpack.c.0.s8.s32 v2;
	v2 =	vunpack.c.l.s4.s8 v3;
	v3 =	vimm.s32 $0xBA987654  }
0x18: {  	s3 =	srdreg.scid;
	s2 =	rddreg [dreg:$0x1];
	v0 =	vlaneseq.u32;
	v4 =	vcombine.low v9, v8;
	v3 =	vunpack.c.l.s4.s8 v3  }
0x19: {  	s1 =	stileid.u32;
	s15 =	rddreg [dreg:$0x2];
	v63 =	vcombine.low v8, v9;
	v9 =	vand.u32 $0xF, v24;
	v6 =	vcombine.low v13, v12  }
0x1a: {  	s4 =	simm.s32 $0x0;
	s17 =	simm.s32 $0x2000;
	s18 =	simm.s32 $0x4000;
	v14 =	vunpack.c.0.s8.s32 v2;
	v2 =	vimm.s32 $0x43210FED;
	v15 =	vunpack.c.0.s8.s32 v3  }
0x1b: {  	s19 =	simm.s32 $0x6000;
	s20 =	simm.s32 $0x1;
	s21 =	simm.s32 $0xC000;
	v7 =	vunpack.c.l.s4.s8 v2;
	v3 =	vand.u32 $0xF, v5;
	v5 =	vunpack.c.l.s4.s8 v16  }
0x1c: {  	s23 =	simm.s32 $0x3;
	s24 =	simm.s32 $0x0;
	s5 =	sand.u32 $0x1, s3;
	v12 =	vcombine.low v12, v13;
	v10 =	vand.u32 $0xF, v63;
	v2 =	vand.u32 $0xF, v4  }
0x1d: {  	[smem:$0x7FF] =	sst s4;
	s12 =	sadd.s32 $0xF4000, s0;
	s13 =	sadd.s32 $0x1E8280, s0;
	v4 =	vand.u32 $0xF, v6;
	v16 =	vunpack.c.0.s8.s32 v7;
	v17 =	vunpack.c.0.s8.s32 v5  }
0x1e: {  	s29 =	sshll.u32 s1, $0x1;
	p0 =	slt.u32 s1, $0x8;
	s14 =	sadd.s32 $0x1E8800, s15;
	v5 =	vimm.s32 $0x543210FE;
	v7 =	vimm.s32 $0xDCBA9876;
	v13 =	vcombine.low v14, v15  }
0x1f: {  	s22 =	sor.u32 s5, s29;
	s7 =	ssub.s32 $0x2, s5;
	_ =	strace $0x80000047;
	v12 =	vand.u32 $0xF, v12;
	v5 =	vunpack.c.l.s4.s8 v5;
	v7 =	vunpack.c.l.s4.s8 v7  }
0x20: {  	s6 =	smul.u32 $0x1E, s22;
	s30 =	smin.u32 s22, $0x10;
	s8 =	sshrl.u32 s7, $0x1;
	v6 =	vcombine.low v15, v14;
	v14 =	vcombine.low v16, v17;
	v13 =	vand.u32 $0xF, v13  }
.Ltmp0:
0x21: {  	s16 =	ssub.s32 s7, s8;
	s7 =	simm.s32 $0x1F;
	v22 =	vunpack.c.0.s8.s32 v5;
	v23 =	vunpack.c.0.s8.s32 v7;
	v7 =	vunpack.c.l.s4.s8 v21;
	(pc) =	sbr.rel .LBB2_1-.Ltmp0, $4  }
0x22: {  	s5 =	sadd.s32 s30, s6;
	s6 =	sadd.s32 $0x800, s15;
	s7 =	simm.s32 @!p0 $0x1E;
	v5 =	vand.u32 $0xF, v6;
	v6 =	vcombine.low v17, v16;
	v16 =	vcombine.low v18, v19  }
0x23: {  	s15 =	sadd.s32 $0x1E8C00, s15;
	s16 =	smax.u32 s16, $0x1;
	s31 =	sshll.u32 s5, $0xA;
	v7 =	vunpack.c.0.s8.s32 v7;
	v62 =	vcombine.low v23, v22;
	v15 =	vcombine.low v22, v23  }
0x24: {  	p0 =	sne.s32 s22, $0x0;
	s22 =	simm.s32 $0x2;
	s8 =	sadd.s32 s0, s31;
	v14 =	vand.u32 $0xF, v14;
	v6 =	vand.u32 $0xF, v6;
	v16 =	vand.u32 $0xF, v16  }
0x25: {  	s9 =	sadd.s32 $0xF4280, s8;
	s10 =	sadd.s32 $0x400, s8;
	s11 =	sadd.s32 $0xF4680, s8;
	v7 =	vcombine.low v20, v7;
	v8 =	vand.u32 $0xF, v62;
	v15 =	vand.u32 $0xF, v15  }
.LBB2_9:
0x26: {  	s24 =	sadd.s32 $0x1, s24  }
0x27: {  	p1 =	sne.s32 s24, s16  }
.Ltmp1:
0x28: {  	_ = 	snop;
	(pc) =	sbr.rel @!p1 .LBB2_10-.Ltmp1, $1  }
0x29: {  	_ =	sdelay $0x3  }
.LBB2_1:
0x2a: {  	[tilespmem:s4], [sflag:$0x1] =	stream.linear.gather [hbm4b:s8+s4], $0x2000, $0x38;
	[tilespmem:$0x18000] =	vst v63  }
0x2b: {  	_ = 	snop  }
0x2c: {  	[tilespmem:s17], [sflag:$0x1] =	stream.linear.gather [hbm4b:s9+s4], $0x2000, $0x38;
	[tilespmem:$0x18000] =	vst v63  }
0x2d: {  	_ = 	snop  }
0x2e: {  	[tilespmem:s18], [sflag:$0x1] =	stream.linear.gather [hbm4b:s10+s4], $0x2000, $0x38;
	[tilespmem:$0x18000] =	vst v63  }
0x2f: {  	s25 =	simm.s32 $0x0  }
0x30: {  	[tilespmem:s19], [sflag:$0x1] =	stream.linear.gather [hbm4b:s11+s4], $0x2000, $0x38;
	[tilespmem:$0x18000] =	vst v63  }
.LBB2_2:
0x31: {  	s28 =	sadd.s32 $0x2, s25  }
0x32: {  	p1 =	sge.u32 s28, s7  }
0x33: {  	_ =	swait.ge [sflag:s20], $0x2000;
	s29 =	smulhi.u32 @!p1 $0xAAAAAAAB, s28  }
0x34: {  	s30 =	smulhi.u32 $0xAAAAAAAB, s25;
	[sflag:s20] =	ssyncset.done $0x0  }
0x35: {  	s26 =	sadd.s32 s5, s25;
	[sflag:s20] =	ssyncadd.s32 $0xFFFFE000;
	s29 =	sshrl.u32 @!p1 s29, $0x1  }
0x36: {  	s31 =	sshll.u32 @!p1 s26, $0xA;
	_ =	swait.ge [sflag:s20], $0x2000;
	s29 =	smul.u32 @!p1 $0x3, s29  }
0x37: {  	s1 =	simm.s32 @!p1 $0x0;
	s31 =	sand.u32 @!p1 $0x1FFFFC00, s31;
	[sflag:s20] =	ssyncset.done $0x0  }
0x38: {  	s31 =	sadd.s32 @!p1 s0, s31;
	s28 =	ssub.s32 @!p1 s28, s29;
	s29 =	simm.s32 $0x0  }
0x39: {  	[sflag:s20] =	ssyncadd.s32 $0xFFFFE000;
	s3 =	sadd.s32 @!p1 $0x800, s31;
	s28 =	sshll.u32 @!p1 s28, $0xE;
	v17 =	vmov s29  }
0x3a: {  	[tilespmem:s28], [sflag:$0x1] =	stream.linear.gather @!p1 [hbm4b:s3+s1], $0x2000, $0x38;
	v17 =	vshll.u32 v17, $0x3;
	[tilespmem:$0x18000] =	vst v63  }
0x3b: {  	v18 =	vor.u32 s29, v0;
	s3 =	sshrl.u32 s30, $0x1;
	s28 =	sor.u32 @!p1 $0x2000, s28;
	s30 =	sadd.s32 @!p1 $0xF4A80, s31;
	v17 =	vand.u32 $0x1C00, v17  }
0x3c: {  	v19 =	vand.u32 $0x7F, v18;
	[tilespmem:s28], [sflag:$0x1] =	stream.linear.gather @!p1 [hbm4b:s30+s1], $0x2000, $0x38;
	v22 =	vor.u32 v1, v17;
	[tilespmem:$0x18000] =	vst v63  }
0x3d: {  	s31 =	smul.u32 $0x3, s3;
	p1 =	slt.u32 s25, $0x3;
	v19 =	vor.u32 v19, v22  }
0x3e: {  	s3 =	simm.s32 @!p1 $0x2  }
0x3f: {  	s1 =	ssub.s32 s25, s31;
	_ =	swait.ge @!p1 [sflag:s3], $0x4000  }
0x40: {  	s28 =	sshll.u32 s1, $0xE;
	[sflag:s3] =	ssyncset.done @!p1 $0x0  }
0x41: {  	v20 =	vor.u32 s29, v2;
	v18 =	vshll.u32 v18, $0x4;
	v17 =	vor.u32 s28, v0;
	[sflag:s3] =	ssyncadd.s32 @!p1 $0xFFFFC000  }
0x42: {  	v21 =	vand.u32 $0x7F, v20;
	v18 =	vor.u32 v17, v18;
	v19 =	vld.idx.msk [tilespmem:v19+s28+$0x0], $0xffff  }
0x43: {  	v21 =	vor.u32 v21, v22;
	_ =	sdelay $0x3  }
0x44: {  	[tilespmem:v18+s21+$0x0] =	vst.idx.msk $0xffff, v19;
	v18 =	vshll.u32 v20, $0x4;
	v19 =	vor.u32 s29, v3  }
0x45: {  	v20 =	vld.idx.msk [tilespmem:v21+s28+$0x0], $0xffff;
	v18 =	vor.u32 v17, v18;
	v21 =	vand.u32 $0x7F, v19  }
0x46: {  	v21 =	vor.u32 v21, v22;
	_ =	sdelay $0x3  }
0x47: {  	[tilespmem:v18+s21+$0x0] =	vst.idx.msk $0xffff, v20;
	v18 =	vshll.u32 v19, $0x4;
	v19 =	vor.u32 s29, v4  }
0x48: {  	v20 =	vld.idx.msk [tilespmem:v21+s28+$0x0], $0xffff;
	v18 =	vor.u32 v17, v18;
	v21 =	vand.u32 $0x7F, v19  }
0x49: {  	v21 =	vor.u32 v21, v22;
	_ =	sdelay $0x3  }
0x4a: {  	[tilespmem:v18+s21+$0x0] =	vst.idx.msk $0xffff, v20;
	v18 =	vshll.u32 v19, $0x4;
	v19 =	vor.u32 s29, v5  }
0x4b: {  	v20 =	vld.idx.msk [tilespmem:v21+s28+$0x0], $0xffff;
	v18 =	vor.u32 v17, v18;
	v21 =	vand.u32 $0x7F, v19  }
0x4c: {  	v21 =	vor.u32 v21, v22;
	_ =	sdelay $0x3  }
0x4d: {  	[tilespmem:v18+s21+$0x0] =	vst.idx.msk $0xffff, v20;
	v18 =	vshll.u32 v19, $0x4;
	v19 =	vor.u32 s29, v6  }
0x4e: {  	v20 =	vld.idx.msk [tilespmem:v21+s28+$0x0], $0xffff;
	v18 =	vor.u32 v17, v18;
	v21 =	vand.u32 $0x7F, v19  }
0x4f: {  	v21 =	vor.u32 v21, v22;
	_ =	sdelay $0x3  }
0x50: {  	[tilespmem:v18+s21+$0x0] =	vst.idx.msk $0xffff, v20;
	v18 =	vshll.u32 v19, $0x4;
	v19 =	vor.u32 s29, v8  }
0x51: {  	v20 =	vld.idx.msk [tilespmem:v21+s28+$0x0], $0xffff;
	v18 =	vor.u32 v17, v18;
	v21 =	vand.u32 $0x7F, v19  }
0x52: {  	v21 =	vor.u32 v21, v22;
	_ =	sdelay $0x3  }
0x53: {  	[tilespmem:v18+s21+$0x0] =	vst.idx.msk $0xffff, v20;
	v18 =	vshll.u32 v19, $0x4;
	v19 =	vor.u32 s29, v9  }
0x54: {  	v20 =	vld.idx.msk [tilespmem:v21+s28+$0x0], $0xffff;
	v18 =	vor.u32 v17, v18;
	v21 =	vand.u32 $0x7F, v19  }
0x55: {  	v21 =	vor.u32 v21, v22;
	_ =	sdelay $0x3  }
0x56: {  	[tilespmem:v18+s21+$0x0] =	vst.idx.msk $0xffff, v20;
	v18 =	vshll.u32 v19, $0x4;
	v19 =	vor.u32 s29, v7  }
0x57: {  	v20 =	vld.idx.msk [tilespmem:v21+s28+$0x0], $0xffff;
	v18 =	vor.u32 v17, v18;
	v21 =	vand.u32 $0x7F, v19  }
0x58: {  	v21 =	vor.u32 v21, v22;
	_ =	sdelay $0x3  }
0x59: {  	[tilespmem:v18+s21+$0x0] =	vst.idx.msk $0xffff, v20;
	v18 =	vshll.u32 v19, $0x4;
	v19 =	vor.u32 s29, v10  }
0x5a: {  	v20 =	vld.idx.msk [tilespmem:v21+s28+$0x0], $0xffff;
	v18 =	vor.u32 v17, v18;
	v21 =	vand.u32 $0x7F, v19  }
0x5b: {  	v21 =	vor.u32 v21, v22;
	_ =	sdelay $0x3  }
0x5c: {  	[tilespmem:v18+s21+$0x0] =	vst.idx.msk $0xffff, v20;
	v18 =	vshll.u32 v19, $0x4;
	v19 =	vor.u32 s29, v11  }
0x5d: {  	v20 =	vld.idx.msk [tilespmem:v21+s28+$0x0], $0xffff;
	v18 =	vor.u32 v17, v18;
	v21 =	vand.u32 $0x7F, v19  }
0x5e: {  	v21 =	vor.u32 v21, v22;
	_ =	sdelay $0x3  }
0x5f: {  	[tilespmem:v18+s21+$0x0] =	vst.idx.msk $0xffff, v20;
	v18 =	vshll.u32 v19, $0x4;
	v19 =	vor.u32 s29, v12  }
0x60: {  	v20 =	vld.idx.msk [tilespmem:v21+s28+$0x0], $0xffff;
	v18 =	vor.u32 v17, v18;
	v21 =	vand.u32 $0x7F, v19  }
0x61: {  	v21 =	vor.u32 v21, v22;
	_ =	sdelay $0x3  }
0x62: {  	[tilespmem:v18+s21+$0x0] =	vst.idx.msk $0xffff, v20;
	v18 =	vshll.u32 v19, $0x4;
	v19 =	vor.u32 s29, v13  }
0x63: {  	v20 =	vld.idx.msk [tilespmem:v21+s28+$0x0], $0xffff;
	v18 =	vor.u32 v17, v18;
	v21 =	vand.u32 $0x7F, v19  }
0x64: {  	v21 =	vor.u32 v21, v22;
	_ =	sdelay $0x3  }
0x65: {  	[tilespmem:v18+s21+$0x0] =	vst.idx.msk $0xffff, v20;
	v18 =	vshll.u32 v19, $0x4;
	v19 =	vor.u32 s29, v14  }
0x66: {  	v20 =	vld.idx.msk [tilespmem:v21+s28+$0x0], $0xffff;
	v18 =	vor.u32 v17, v18;
	v21 =	vand.u32 $0x7F, v19  }
0x67: {  	v21 =	vor.u32 v21, v22;
	_ =	sdelay $0x3  }
0x68: {  	[tilespmem:v18+s21+$0x0] =	vst.idx.msk $0xffff, v20;
	v18 =	vshll.u32 v19, $0x4;
	v20 =	vor.u32 s29, v15  }
0x69: {  	v21 =	vld.idx.msk [tilespmem:v21+s28+$0x0], $0xffff;
	v18 =	vor.u32 v17, v18;
	v19 =	vand.u32 $0x7F, v20  }
0x6a: {  	v23 =	vor.u32 v19, v22;
	_ =	sdelay $0x3  }
0x6b: {  	v19 =	vor.u32 s29, v16;
	[tilespmem:v18+s21+$0x0] =	vst.idx.msk $0xffff, v21;
	v18 =	vshll.u32 v20, $0x4  }
0x6c: {  	v24 =	vand.u32 $0x7F, v19;
	v20 =	vld.idx.msk [tilespmem:v23+s28+$0x0], $0xffff;
	v21 =	vor.u32 v17, v18  }
0x6d: {  	v18 =	vor.u32 v24, v22;
	_ =	sdelay $0x1  }
0x6e: {  	s29 =	simm.s32 $0x10  }
0x6f: {  	s30 =	simm.s32 $0x20;
	v22 =	vmov s29  }
.LBB2_3:
0x70: {  	p1 =	sne.s32 s30, $0x3F0;
	v22 =	vshll.u32 v22, $0x3;
	[tilespmem:v21+s21+$0x0] =	vst.idx.msk $0xffff, v20  }
0x71: {  	v20 =	vor.u32 s29, v0;
	v19 =	vshll.u32 v19, $0x4;
	v21 =	vand.u32 $0x1C00, v22;
	v22 =	vld.idx.msk [tilespmem:v18+s28+$0x0], $0xffff  }
0x72: {  	v23 =	vand.u32 $0x7F, v20;
	v19 =	vor.u32 v17, v19;
	v18 =	vor.u32 v1, v21  }
0x73: {  	v21 =	vor.u32 v23, v18;
	_ =	sdelay $0x3  }
0x74: {  	[tilespmem:v19+s21+$0x0] =	vst.idx.msk $0xffff, v22  }
0x75: {  	v20 =	vshll.u32 v20, $0x4;
	v19 =	vld.idx.msk [tilespmem:v21+s28+$0x0], $0xffff;
	v21 =	vor.u32 s29, v2  }
0x76: {  	v20 =	vor.u32 v17, v20;
	v22 =	vand.u32 $0x7F, v21  }
0x77: {  	v22 =	vor.u32 v22, v18;
	_ =	sdelay $0x3  }
0x78: {  	[tilespmem:v20+s21+$0x0] =	vst.idx.msk $0xffff, v19  }
0x79: {  	v20 =	vshll.u32 v21, $0x4;
	v21 =	vor.u32 s29, v3;
	v19 =	vld.idx.msk [tilespmem:v22+s28+$0x0], $0xffff  }
0x7a: {  	v20 =	vor.u32 v17, v20;
	v22 =	vand.u32 $0x7F, v21  }
0x7b: {  	v22 =	vor.u32 v22, v18;
	_ =	sdelay $0x3  }
0x7c: {  	[tilespmem:v20+s21+$0x0] =	vst.idx.msk $0xffff, v19  }
0x7d: {  	v20 =	vshll.u32 v21, $0x4;
	v21 =	vor.u32 s29, v4;
	v19 =	vld.idx.msk [tilespmem:v22+s28+$0x0], $0xffff  }
0x7e: {  	v20 =	vor.u32 v17, v20;
	v22 =	vand.u32 $0x7F, v21  }
0x7f: {  	v22 =	vor.u32 v22, v18;
	_ =	sdelay $0x3  }
0x80: {  	[tilespmem:v20+s21+$0x0] =	vst.idx.msk $0xffff, v19  }
0x81: {  	v20 =	vshll.u32 v21, $0x4;
	v21 =	vor.u32 s29, v5;
	v19 =	vld.idx.msk [tilespmem:v22+s28+$0x0], $0xffff  }
0x82: {  	v20 =	vor.u32 v17, v20;
	v22 =	vand.u32 $0x7F, v21  }
0x83: {  	v22 =	vor.u32 v22, v18;
	_ =	sdelay $0x3  }
0x84: {  	[tilespmem:v20+s21+$0x0] =	vst.idx.msk $0xffff, v19  }
0x85: {  	v20 =	vshll.u32 v21, $0x4;
	v21 =	vor.u32 s29, v6;
	v19 =	vld.idx.msk [tilespmem:v22+s28+$0x0], $0xffff  }
0x86: {  	v20 =	vor.u32 v17, v20;
	v22 =	vand.u32 $0x7F, v21  }
0x87: {  	v22 =	vor.u32 v22, v18;
	_ =	sdelay $0x3  }
0x88: {  	[tilespmem:v20+s21+$0x0] =	vst.idx.msk $0xffff, v19  }
0x89: {  	v20 =	vshll.u32 v21, $0x4;
	v21 =	vor.u32 s29, v8;
	v19 =	vld.idx.msk [tilespmem:v22+s28+$0x0], $0xffff  }
0x8a: {  	v20 =	vor.u32 v17, v20;
	v22 =	vand.u32 $0x7F, v21  }
0x8b: {  	v22 =	vor.u32 v22, v18;
	_ =	sdelay $0x3  }
0x8c: {  	[tilespmem:v20+s21+$0x0] =	vst.idx.msk $0xffff, v19  }
0x8d: {  	v20 =	vshll.u32 v21, $0x4;
	v21 =	vor.u32 s29, v9;
	v19 =	vld.idx.msk [tilespmem:v22+s28+$0x0], $0xffff  }
0x8e: {  	v20 =	vor.u32 v17, v20;
	v22 =	vand.u32 $0x7F, v21  }
0x8f: {  	v22 =	vor.u32 v22, v18;
	_ =	sdelay $0x3  }
0x90: {  	[tilespmem:v20+s21+$0x0] =	vst.idx.msk $0xffff, v19  }
0x91: {  	v20 =	vshll.u32 v21, $0x4;
	v21 =	vor.u32 s29, v7;
	v19 =	vld.idx.msk [tilespmem:v22+s28+$0x0], $0xffff  }
0x92: {  	v20 =	vor.u32 v17, v20;
	v22 =	vand.u32 $0x7F, v21  }
0x93: {  	v22 =	vor.u32 v22, v18;
	_ =	sdelay $0x3  }
0x94: {  	[tilespmem:v20+s21+$0x0] =	vst.idx.msk $0xffff, v19  }
0x95: {  	v20 =	vshll.u32 v21, $0x4;
	v21 =	vor.u32 s29, v10;
	v19 =	vld.idx.msk [tilespmem:v22+s28+$0x0], $0xffff  }
0x96: {  	v20 =	vor.u32 v17, v20;
	v22 =	vand.u32 $0x7F, v21  }
0x97: {  	v22 =	vor.u32 v22, v18;
	_ =	sdelay $0x3  }
0x98: {  	[tilespmem:v20+s21+$0x0] =	vst.idx.msk $0xffff, v19  }
0x99: {  	v20 =	vshll.u32 v21, $0x4;
	v21 =	vor.u32 s29, v11;
	v19 =	vld.idx.msk [tilespmem:v22+s28+$0x0], $0xffff  }
0x9a: {  	v20 =	vor.u32 v17, v20;
	v22 =	vand.u32 $0x7F, v21  }
0x9b: {  	v22 =	vor.u32 v22, v18;
	_ =	sdelay $0x3  }
0x9c: {  	[tilespmem:v20+s21+$0x0] =	vst.idx.msk $0xffff, v19  }
0x9d: {  	v20 =	vshll.u32 v21, $0x4;
	v21 =	vor.u32 s29, v12;
	v19 =	vld.idx.msk [tilespmem:v22+s28+$0x0], $0xffff  }
0x9e: {  	v20 =	vor.u32 v17, v20;
	v22 =	vand.u32 $0x7F, v21  }
0x9f: {  	v22 =	vor.u32 v22, v18;
	_ =	sdelay $0x3  }
0xa0: {  	[tilespmem:v20+s21+$0x0] =	vst.idx.msk $0xffff, v19  }
0xa1: {  	v20 =	vshll.u32 v21, $0x4;
	v21 =	vor.u32 s29, v13;
	v19 =	vld.idx.msk [tilespmem:v22+s28+$0x0], $0xffff  }
0xa2: {  	v20 =	vor.u32 v17, v20;
	v22 =	vand.u32 $0x7F, v21  }
0xa3: {  	v22 =	vor.u32 v22, v18;
	_ =	sdelay $0x3  }
0xa4: {  	[tilespmem:v20+s21+$0x0] =	vst.idx.msk $0xffff, v19  }
0xa5: {  	v20 =	vshll.u32 v21, $0x4;
	v21 =	vor.u32 s29, v14;
	v19 =	vld.idx.msk [tilespmem:v22+s28+$0x0], $0xffff  }
0xa6: {  	v20 =	vor.u32 v17, v20;
	v22 =	vand.u32 $0x7F, v21  }
0xa7: {  	v22 =	vor.u32 v22, v18;
	_ =	sdelay $0x3  }
0xa8: {  	[tilespmem:v20+s21+$0x0] =	vst.idx.msk $0xffff, v19  }
0xa9: {  	v20 =	vshll.u32 v21, $0x4;
	v21 =	vor.u32 s29, v15;
	v19 =	vld.idx.msk [tilespmem:v22+s28+$0x0], $0xffff  }
0xaa: {  	v20 =	vor.u32 v17, v20;
	v22 =	vand.u32 $0x7F, v21  }
0xab: {  	v22 =	vor.u32 v22, v18;
	_ =	sdelay $0x3  }
0xac: {  	[tilespmem:v20+s21+$0x0] =	vst.idx.msk $0xffff, v19  }
0xad: {  	v21 =	vshll.u32 v21, $0x4;
	v19 =	vor.u32 s29, v16;
	s29 =	smov.u32 s30;
	v20 =	vld.idx.msk [tilespmem:v22+s28+$0x0], $0xffff  }
.Ltmp2:
0xae: {  	v21 =	vor.u32 v17, v21;
	v22 =	vand.u32 $0x7F, v19;
	(pc) =	sbr.rel @p1 .LBB2_3-.Ltmp2, $2  }
0xaf: {  	v18 =	vor.u32 v22, v18;
	_ =	sdelay $0x2  }
0xb0: {  	s30 =	sadd.s32 $0x10, s30;
	v22 =	vmov s29  }
0xb1: {  	_ =	sdelay $0x2  }
0xb2: {  	v22 =	vshll.u32 v22, $0x3  }
0xb3: {  	[tilespmem:v21+s21+$0x0] =	vst.idx.msk $0xffff, v20;
	v45 =	vor.u32 s29, v0;
	v19 =	vshll.u32 v19, $0x4;
	v46 =	vand.u32 $0x1C00, v22  }
0xb4: {  	v18 =	vld.idx.msk [tilespmem:v18+s28+$0x0], $0xffff;
	v47 =	vand.u32 $0x7F, v45;
	v19 =	vor.u32 v17, v19;
	v21 =	vor.u32 v1, v46  }
0xb5: {  	v22 =	vor.u32 v47, v21;
	_ =	sdelay $0x3  }
0xb6: {  	[tilespmem:v19+s21+$0x0] =	vst.idx.msk $0xffff, v18;
	v18 =	vshll.u32 v45, $0x4;
	v19 =	vor.u32 s29, v2  }
0xb7: {  	v18 =	vor.u32 v17, v18;
	v49 =	vand.u32 $0x7F, v19;
	v48 =	vld.idx.msk [tilespmem:v22+s28+$0x0], $0xffff  }
0xb8: {  	v22 =	vor.u32 v49, v21;
	_ =	sdelay $0x3  }
0xb9: {  	[tilespmem:v18+s21+$0x0] =	vst.idx.msk $0xffff, v48;
	v18 =	vshll.u32 v19, $0x4;
	v19 =	vor.u32 s29, v3  }
0xba: {  	v20 =	vld.idx.msk [tilespmem:v22+s28+$0x0], $0xffff;
	v18 =	vor.u32 v17, v18;
	v50 =	vand.u32 $0x7F, v19  }
0xbb: {  	v22 =	vor.u32 v50, v21;
	_ =	sdelay $0x3  }
0xbc: {  	[tilespmem:v18+s21+$0x0] =	vst.idx.msk $0xffff, v20;
	v18 =	vshll.u32 v19, $0x4;
	v19 =	vor.u32 s29, v4  }
0xbd: {  	v20 =	vld.idx.msk [tilespmem:v22+s28+$0x0], $0xffff;
	v18 =	vor.u32 v17, v18;
	v51 =	vand.u32 $0x7F, v19  }
0xbe: {  	v22 =	vor.u32 v51, v21;
	_ =	sdelay $0x3  }
0xbf: {  	[tilespmem:v18+s21+$0x0] =	vst.idx.msk $0xffff, v20;
	v18 =	vshll.u32 v19, $0x4;
	v19 =	vor.u32 s29, v5  }
0xc0: {  	v20 =	vld.idx.msk [tilespmem:v22+s28+$0x0], $0xffff;
	v18 =	vor.u32 v17, v18;
	v52 =	vand.u32 $0x7F, v19  }
0xc1: {  	v22 =	vor.u32 v52, v21;
	_ =	sdelay $0x3  }
0xc2: {  	[tilespmem:v18+s21+$0x0] =	vst.idx.msk $0xffff, v20;
	v18 =	vshll.u32 v19, $0x4;
	v19 =	vor.u32 s29, v6  }
0xc3: {  	v20 =	vld.idx.msk [tilespmem:v22+s28+$0x0], $0xffff;
	v18 =	vor.u32 v17, v18;
	v53 =	vand.u32 $0x7F, v19  }
0xc4: {  	v22 =	vor.u32 v53, v21;
	_ =	sdelay $0x3  }
0xc5: {  	[tilespmem:v18+s21+$0x0] =	vst.idx.msk $0xffff, v20;
	v18 =	vshll.u32 v19, $0x4;
	v19 =	vor.u32 s29, v8  }
0xc6: {  	v20 =	vld.idx.msk [tilespmem:v22+s28+$0x0], $0xffff;
	v18 =	vor.u32 v17, v18;
	v54 =	vand.u32 $0x7F, v19  }
0xc7: {  	v22 =	vor.u32 v54, v21;
	_ =	sdelay $0x3  }
0xc8: {  	[tilespmem:v18+s21+$0x0] =	vst.idx.msk $0xffff, v20;
	v18 =	vshll.u32 v19, $0x4;
	v19 =	vor.u32 s29, v9  }
0xc9: {  	v20 =	vld.idx.msk [tilespmem:v22+s28+$0x0], $0xffff;
	v18 =	vor.u32 v17, v18;
	v55 =	vand.u32 $0x7F, v19  }
0xca: {  	v22 =	vor.u32 v55, v21;
	_ =	sdelay $0x3  }
0xcb: {  	[tilespmem:v18+s21+$0x0] =	vst.idx.msk $0xffff, v20;
	v18 =	vshll.u32 v19, $0x4;
	v19 =	vor.u32 s29, v7  }
0xcc: {  	v20 =	vld.idx.msk [tilespmem:v22+s28+$0x0], $0xffff;
	v18 =	vor.u32 v17, v18;
	v56 =	vand.u32 $0x7F, v19  }
0xcd: {  	v22 =	vor.u32 v56, v21;
	_ =	sdelay $0x3  }
0xce: {  	[tilespmem:v18+s21+$0x0] =	vst.idx.msk $0xffff, v20;
	v18 =	vshll.u32 v19, $0x4;
	v19 =	vor.u32 s29, v10  }
0xcf: {  	v20 =	vld.idx.msk [tilespmem:v22+s28+$0x0], $0xffff;
	v18 =	vor.u32 v17, v18;
	v57 =	vand.u32 $0x7F, v19  }
0xd0: {  	v22 =	vor.u32 v57, v21;
	_ =	sdelay $0x3  }
0xd1: {  	[tilespmem:v18+s21+$0x0] =	vst.idx.msk $0xffff, v20;
	v18 =	vshll.u32 v19, $0x4;
	v19 =	vor.u32 s29, v11  }
0xd2: {  	v20 =	vld.idx.msk [tilespmem:v22+s28+$0x0], $0xffff;
	v18 =	vor.u32 v17, v18;
	v58 =	vand.u32 $0x7F, v19  }
0xd3: {  	v22 =	vor.u32 v58, v21;
	_ =	sdelay $0x3  }
0xd4: {  	[tilespmem:v18+s21+$0x0] =	vst.idx.msk $0xffff, v20;
	v18 =	vshll.u32 v19, $0x4;
	v19 =	vor.u32 s29, v12  }
0xd5: {  	v20 =	vld.idx.msk [tilespmem:v22+s28+$0x0], $0xffff;
	v18 =	vor.u32 v17, v18;
	v59 =	vand.u32 $0x7F, v19  }
0xd6: {  	v22 =	vor.u32 v59, v21;
	_ =	sdelay $0x3  }
0xd7: {  	[tilespmem:v18+s21+$0x0] =	vst.idx.msk $0xffff, v20;
	v18 =	vshll.u32 v19, $0x4;
	v19 =	vor.u32 s29, v13  }
0xd8: {  	v20 =	vld.idx.msk [tilespmem:v22+s28+$0x0], $0xffff;
	v18 =	vor.u32 v17, v18;
	v60 =	vand.u32 $0x7F, v19  }
0xd9: {  	v22 =	vor.u32 v60, v21;
	_ =	sdelay $0x3  }
0xda: {  	[tilespmem:v18+s21+$0x0] =	vst.idx.msk $0xffff, v20;
	v18 =	vshll.u32 v19, $0x4;
	v19 =	vor.u32 s29, v14  }
0xdb: {  	v20 =	vld.idx.msk [tilespmem:v22+s28+$0x0], $0xffff;
	v18 =	vor.u32 v17, v18;
	v61 =	vand.u32 $0x7F, v19  }
0xdc: {  	v22 =	vor.u32 v61, v21;
	_ =	sdelay $0x3  }
0xdd: {  	[tilespmem:v18+s21+$0x0] =	vst.idx.msk $0xffff, v20;
	v18 =	vshll.u32 v19, $0x4;
	v19 =	vor.u32 s29, v15  }
0xde: {  	v20 =	vld.idx.msk [tilespmem:v22+s28+$0x0], $0xffff;
	v18 =	vor.u32 v17, v18;
	v62 =	vand.u32 $0x7F, v19  }
0xdf: {  	v22 =	vor.u32 v62, v21;
	_ =	sdelay $0x3  }
0xe0: {  	[tilespmem:v18+s21+$0x0] =	vst.idx.msk $0xffff, v20;
	v18 =	vshll.u32 v19, $0x4;
	v19 =	vor.u32 s29, v16  }
0xe1: {  	v20 =	vld.idx.msk [tilespmem:v22+s28+$0x0], $0xffff;
	v18 =	vor.u32 v17, v18;
	v63 =	vand.u32 $0x7F, v19  }
0xe2: {  	v21 =	vor.u32 v63, v21;
	_ =	sdelay $0x3  }
0xe3: {  	[tilespmem:v18+s21+$0x0] =	vst.idx.msk $0xffff, v20;
	v18 =	vshll.u32 v19, $0x4  }
0xe4: {  	s25 =	sadd.s32 $0x1, s25;
	v19 =	vld.idx.msk [tilespmem:v21+s28+$0x0], $0xffff;
	v17 =	vor.u32 v17, v18  }
0xe5: {  	p1 =	sne.s32 s25, s7  }
.Ltmp3:
0xe6: {  	_ = 	snop;
	(pc) =	sbr.rel @p1 .LBB2_2-.Ltmp3, $4  }
0xe7: {  	s1 =	sshll.u32 s26, $0xB  }
0xe8: {  	s1 =	sand.u32 $0x1FFFF800, s1  }
0xe9: {  	s3 =	sadd.s32 $0xC000, s28;
	s1 =	sadd.s32 s6, s1;
	[tilespmem:v17+s21+$0x0] =	vst.idx.msk $0xffff, v19  }
0xea: {  	[hbm4b:s1+s4] =	stream.linear.scatter [tilespmem:s3], [sflag:$0x2], $0x4000, $0x38;
	[tilespmem:$0x18000] =	vst v63  }
0xeb: {  	_ =	swait.ge [sflag:s22], $0x4000  }
0xec: {  	[sflag:s22] =	ssyncset.done $0x0  }
0xed: {  	[sflag:s22] =	ssyncadd.s32 $0xFFFFC000  }
0xee: {  	_ =	swait.ge [sflag:s22], $0x4000  }
.Ltmp4:
0xef: {  	[sflag:s22] =	ssyncset.done $0x0;
	(pc) =	sbr.rel @p0 .LBB2_9-.Ltmp4, $4  }
0xf0: {  	[sflag:s22] =	ssyncadd.s32 $0xFFFFC000  }
0xf1: {  	_ =	swait.ge [sflag:s22], $0x4000  }
0xf2: {  	[sflag:s22] =	ssyncset.done $0x0  }
0xf3: {  	[sflag:s22] =	ssyncadd.s32 $0xFFFFC000  }
0xf4: {  	s25 =	simm.s32 $0x0  }
0xf5: {  	[tilespmem:s25], [sflag:$0x1] =	stream.linear.gather [hbm4b:s12+s25], $0x1000, $0x38;
	v17 =	vmov s25;
	[tilespmem:$0x18000] =	vst v63  }
0xf6: {  	v17 =	vshll.u32 v17, $0x3  }
0xf7: {  	v18 =	vor.u32 s25, v0;
	[tilespmem:s17], [sflag:$0x1] =	stream.linear.gather [hbm4b:s13+s25], $0x1000, $0x38;
	v17 =	vand.u32 $0xC00, v17;
	[tilespmem:$0x18000] =	vst v63  }
0xf8: {  	v19 =	vand.u32 $0x7F, v18;
	_ =	swait.ge [sflag:s20], $0x1000;
	v17 =	vor.u32 v1, v17  }
0xf9: {  	[sflag:s20] =	ssyncset.done $0x0;
	v19 =	vor.u32 v19, v17  }
0xfa: {  	[sflag:s20] =	ssyncadd.s32 $0xFFFFF000  }
0xfb: {  	_ =	swait.ge [sflag:s20], $0x1000  }
0xfc: {  	[sflag:s20] =	ssyncset.done $0x0  }
0xfd: {  	v20 =	vor.u32 s25, v2;
	v18 =	vshll.u32 v18, $0x4;
	[sflag:s20] =	ssyncadd.s32 $0xFFFFF000  }
0xfe: {  	v21 =	vand.u32 $0x7F, v20;
	v18 =	vor.u32 v0, v18;
	v19 =	vld.idx.msk [tilespmem:v19+s4+$0x0], $0xffff  }
0xff: {  	v21 =	vor.u32 v21, v17;
	_ =	sdelay $0x3  }
0x100: {  	[tilespmem:v18+s21+$0x0] =	vst.idx.msk $0xffff, v19;
	v18 =	vshll.u32 v20, $0x4;
	v19 =	vor.u32 s25, v3  }
0x101: {  	v20 =	vld.idx.msk [tilespmem:v21+s4+$0x0], $0xffff;
	v18 =	vor.u32 v0, v18;
	v21 =	vand.u32 $0x7F, v19  }
0x102: {  	v21 =	vor.u32 v21, v17;
	_ =	sdelay $0x3  }
0x103: {  	[tilespmem:v18+s21+$0x0] =	vst.idx.msk $0xffff, v20;
	v18 =	vshll.u32 v19, $0x4;
	v19 =	vor.u32 s25, v4  }
0x104: {  	v20 =	vld.idx.msk [tilespmem:v21+s4+$0x0], $0xffff;
	v18 =	vor.u32 v0, v18;
	v21 =	vand.u32 $0x7F, v19  }
0x105: {  	v21 =	vor.u32 v21, v17;
	_ =	sdelay $0x3  }
0x106: {  	[tilespmem:v18+s21+$0x0] =	vst.idx.msk $0xffff, v20;
	v18 =	vshll.u32 v19, $0x4;
	v19 =	vor.u32 s25, v5  }
0x107: {  	v20 =	vld.idx.msk [tilespmem:v21+s4+$0x0], $0xffff;
	v18 =	vor.u32 v0, v18;
	v21 =	vand.u32 $0x7F, v19  }
0x108: {  	v21 =	vor.u32 v21, v17;
	_ =	sdelay $0x3  }
0x109: {  	[tilespmem:v18+s21+$0x0] =	vst.idx.msk $0xffff, v20;
	v18 =	vshll.u32 v19, $0x4;
	v19 =	vor.u32 s25, v6  }
0x10a: {  	v20 =	vld.idx.msk [tilespmem:v21+s4+$0x0], $0xffff;
	v18 =	vor.u32 v0, v18;
	v21 =	vand.u32 $0x7F, v19  }
0x10b: {  	v21 =	vor.u32 v21, v17;
	_ =	sdelay $0x3  }
0x10c: {  	[tilespmem:v18+s21+$0x0] =	vst.idx.msk $0xffff, v20;
	v18 =	vshll.u32 v19, $0x4;
	v19 =	vor.u32 s25, v8  }
0x10d: {  	v20 =	vld.idx.msk [tilespmem:v21+s4+$0x0], $0xffff;
	v18 =	vor.u32 v0, v18;
	v21 =	vand.u32 $0x7F, v19  }
0x10e: {  	v21 =	vor.u32 v21, v17;
	_ =	sdelay $0x3  }
0x10f: {  	[tilespmem:v18+s21+$0x0] =	vst.idx.msk $0xffff, v20;
	v18 =	vshll.u32 v19, $0x4;
	v19 =	vor.u32 s25, v9  }
0x110: {  	v20 =	vld.idx.msk [tilespmem:v21+s4+$0x0], $0xffff;
	v18 =	vor.u32 v0, v18;
	v21 =	vand.u32 $0x7F, v19  }
0x111: {  	v21 =	vor.u32 v21, v17;
	_ =	sdelay $0x3  }
0x112: {  	[tilespmem:v18+s21+$0x0] =	vst.idx.msk $0xffff, v20;
	v18 =	vshll.u32 v19, $0x4;
	v19 =	vor.u32 s25, v7  }
0x113: {  	v20 =	vld.idx.msk [tilespmem:v21+s4+$0x0], $0xffff;
	v18 =	vor.u32 v0, v18;
	v21 =	vand.u32 $0x7F, v19  }
0x114: {  	v21 =	vor.u32 v21, v17;
	_ =	sdelay $0x3  }
0x115: {  	[tilespmem:v18+s21+$0x0] =	vst.idx.msk $0xffff, v20;
	v18 =	vshll.u32 v19, $0x4;
	v19 =	vor.u32 s25, v10  }
0x116: {  	v20 =	vld.idx.msk [tilespmem:v21+s4+$0x0], $0xffff;
	v18 =	vor.u32 v0, v18;
	v21 =	vand.u32 $0x7F, v19  }
0x117: {  	v21 =	vor.u32 v21, v17;
	_ =	sdelay $0x3  }
0x118: {  	[tilespmem:v18+s21+$0x0] =	vst.idx.msk $0xffff, v20;
	v18 =	vshll.u32 v19, $0x4;
	v19 =	vor.u32 s25, v11  }
0x119: {  	v20 =	vld.idx.msk [tilespmem:v21+s4+$0x0], $0xffff;
	v18 =	vor.u32 v0, v18;
	v21 =	vand.u32 $0x7F, v19  }
0x11a: {  	v21 =	vor.u32 v21, v17;
	_ =	sdelay $0x3  }
0x11b: {  	[tilespmem:v18+s21+$0x0] =	vst.idx.msk $0xffff, v20;
	v18 =	vshll.u32 v19, $0x4;
	v19 =	vor.u32 s25, v12  }
0x11c: {  	v20 =	vld.idx.msk [tilespmem:v21+s4+$0x0], $0xffff;
	v18 =	vor.u32 v0, v18;
	v21 =	vand.u32 $0x7F, v19  }
0x11d: {  	v21 =	vor.u32 v21, v17;
	_ =	sdelay $0x3  }
0x11e: {  	[tilespmem:v18+s21+$0x0] =	vst.idx.msk $0xffff, v20;
	v18 =	vshll.u32 v19, $0x4;
	v19 =	vor.u32 s25, v13  }
0x11f: {  	v20 =	vld.idx.msk [tilespmem:v21+s4+$0x0], $0xffff;
	v18 =	vor.u32 v0, v18;
	v21 =	vand.u32 $0x7F, v19  }
0x120: {  	v21 =	vor.u32 v21, v17;
	_ =	sdelay $0x3  }
0x121: {  	[tilespmem:v18+s21+$0x0] =	vst.idx.msk $0xffff, v20;
	v18 =	vshll.u32 v19, $0x4;
	v19 =	vor.u32 s25, v14  }
0x122: {  	v20 =	vld.idx.msk [tilespmem:v21+s4+$0x0], $0xffff;
	v18 =	vor.u32 v0, v18;
	v21 =	vand.u32 $0x7F, v19  }
0x123: {  	v21 =	vor.u32 v21, v17;
	_ =	sdelay $0x3  }
0x124: {  	[tilespmem:v18+s21+$0x0] =	vst.idx.msk $0xffff, v20;
	v18 =	vshll.u32 v19, $0x4;
	v19 =	vor.u32 s25, v15  }
0x125: {  	v20 =	vld.idx.msk [tilespmem:v21+s4+$0x0], $0xffff;
	v21 =	vor.u32 v0, v18;
	v18 =	vand.u32 $0x7F, v19  }
0x126: {  	v22 =	vor.u32 v18, v17;
	_ =	sdelay $0x3  }
0x127: {  	v18 =	vor.u32 s25, v16;
	[tilespmem:v21+s21+$0x0] =	vst.idx.msk $0xffff, v20;
	v20 =	vshll.u32 v19, $0x4  }
0x128: {  	v21 =	vand.u32 $0x7F, v18;
	v19 =	vld.idx.msk [tilespmem:v22+s4+$0x0], $0xffff;
	v20 =	vor.u32 v0, v20  }
0x129: {  	v17 =	vor.u32 v21, v17;
	_ =	sdelay $0x1  }
0x12a: {  	s25 =	simm.s32 $0x10  }
0x12b: {  	s26 =	simm.s32 $0x20;
	v21 =	vmov s25  }
.LBB2_7:
0x12c: {  	p1 =	sne.s32 s26, $0x1F0;
	v21 =	vshll.u32 v21, $0x3;
	[tilespmem:v20+s21+$0x0] =	vst.idx.msk $0xffff, v19  }
0x12d: {  	v19 =	vor.u32 s25, v0;
	v18 =	vshll.u32 v18, $0x4;
	v20 =	vand.u32 $0xC00, v21;
	v21 =	vld.idx.msk [tilespmem:v17+s4+$0x0], $0xffff  }
0x12e: {  	v22 =	vand.u32 $0x7F, v19;
	v18 =	vor.u32 v0, v18;
	v17 =	vor.u32 v1, v20  }
0x12f: {  	v20 =	vor.u32 v22, v17;
	_ =	sdelay $0x3  }
0x130: {  	[tilespmem:v18+s21+$0x0] =	vst.idx.msk $0xffff, v21  }
0x131: {  	v19 =	vshll.u32 v19, $0x4;
	v18 =	vld.idx.msk [tilespmem:v20+s4+$0x0], $0xffff;
	v20 =	vor.u32 s25, v2  }
0x132: {  	v19 =	vor.u32 v0, v19;
	v21 =	vand.u32 $0x7F, v20  }
0x133: {  	v21 =	vor.u32 v21, v17;
	_ =	sdelay $0x3  }
0x134: {  	[tilespmem:v19+s21+$0x0] =	vst.idx.msk $0xffff, v18  }
0x135: {  	v19 =	vshll.u32 v20, $0x4;
	v20 =	vor.u32 s25, v3;
	v18 =	vld.idx.msk [tilespmem:v21+s4+$0x0], $0xffff  }
0x136: {  	v19 =	vor.u32 v0, v19;
	v21 =	vand.u32 $0x7F, v20  }
0x137: {  	v21 =	vor.u32 v21, v17;
	_ =	sdelay $0x3  }
0x138: {  	[tilespmem:v19+s21+$0x0] =	vst.idx.msk $0xffff, v18  }
0x139: {  	v19 =	vshll.u32 v20, $0x4;
	v20 =	vor.u32 s25, v4;
	v18 =	vld.idx.msk [tilespmem:v21+s4+$0x0], $0xffff  }
0x13a: {  	v19 =	vor.u32 v0, v19;
	v21 =	vand.u32 $0x7F, v20  }
0x13b: {  	v21 =	vor.u32 v21, v17;
	_ =	sdelay $0x3  }
0x13c: {  	[tilespmem:v19+s21+$0x0] =	vst.idx.msk $0xffff, v18  }
0x13d: {  	v19 =	vshll.u32 v20, $0x4;
	v20 =	vor.u32 s25, v5;
	v18 =	vld.idx.msk [tilespmem:v21+s4+$0x0], $0xffff  }
0x13e: {  	v19 =	vor.u32 v0, v19;
	v21 =	vand.u32 $0x7F, v20  }
0x13f: {  	v21 =	vor.u32 v21, v17;
	_ =	sdelay $0x3  }
0x140: {  	[tilespmem:v19+s21+$0x0] =	vst.idx.msk $0xffff, v18  }
0x141: {  	v19 =	vshll.u32 v20, $0x4;
	v20 =	vor.u32 s25, v6;
	v18 =	vld.idx.msk [tilespmem:v21+s4+$0x0], $0xffff  }
0x142: {  	v19 =	vor.u32 v0, v19;
	v21 =	vand.u32 $0x7F, v20  }
0x143: {  	v21 =	vor.u32 v21, v17;
	_ =	sdelay $0x3  }
0x144: {  	[tilespmem:v19+s21+$0x0] =	vst.idx.msk $0xffff, v18  }
0x145: {  	v19 =	vshll.u32 v20, $0x4;
	v20 =	vor.u32 s25, v8;
	v18 =	vld.idx.msk [tilespmem:v21+s4+$0x0], $0xffff  }
0x146: {  	v19 =	vor.u32 v0, v19;
	v21 =	vand.u32 $0x7F, v20  }
0x147: {  	v21 =	vor.u32 v21, v17;
	_ =	sdelay $0x3  }
0x148: {  	[tilespmem:v19+s21+$0x0] =	vst.idx.msk $0xffff, v18  }
0x149: {  	v19 =	vshll.u32 v20, $0x4;
	v20 =	vor.u32 s25, v9;
	v18 =	vld.idx.msk [tilespmem:v21+s4+$0x0], $0xffff  }
0x14a: {  	v19 =	vor.u32 v0, v19;
	v21 =	vand.u32 $0x7F, v20  }
0x14b: {  	v21 =	vor.u32 v21, v17;
	_ =	sdelay $0x3  }
0x14c: {  	[tilespmem:v19+s21+$0x0] =	vst.idx.msk $0xffff, v18  }
0x14d: {  	v19 =	vshll.u32 v20, $0x4;
	v20 =	vor.u32 s25, v7;
	v18 =	vld.idx.msk [tilespmem:v21+s4+$0x0], $0xffff  }
0x14e: {  	v19 =	vor.u32 v0, v19;
	v21 =	vand.u32 $0x7F, v20  }
0x14f: {  	v21 =	vor.u32 v21, v17;
	_ =	sdelay $0x3  }
0x150: {  	[tilespmem:v19+s21+$0x0] =	vst.idx.msk $0xffff, v18  }
0x151: {  	v19 =	vshll.u32 v20, $0x4;
	v20 =	vor.u32 s25, v10;
	v18 =	vld.idx.msk [tilespmem:v21+s4+$0x0], $0xffff  }
0x152: {  	v19 =	vor.u32 v0, v19;
	v21 =	vand.u32 $0x7F, v20  }
0x153: {  	v21 =	vor.u32 v21, v17;
	_ =	sdelay $0x3  }
0x154: {  	[tilespmem:v19+s21+$0x0] =	vst.idx.msk $0xffff, v18  }
0x155: {  	v19 =	vshll.u32 v20, $0x4;
	v20 =	vor.u32 s25, v11;
	v18 =	vld.idx.msk [tilespmem:v21+s4+$0x0], $0xffff  }
0x156: {  	v19 =	vor.u32 v0, v19;
	v21 =	vand.u32 $0x7F, v20  }
0x157: {  	v21 =	vor.u32 v21, v17;
	_ =	sdelay $0x3  }
0x158: {  	[tilespmem:v19+s21+$0x0] =	vst.idx.msk $0xffff, v18  }
0x159: {  	v19 =	vshll.u32 v20, $0x4;
	v20 =	vor.u32 s25, v12;
	v18 =	vld.idx.msk [tilespmem:v21+s4+$0x0], $0xffff  }
0x15a: {  	v19 =	vor.u32 v0, v19;
	v21 =	vand.u32 $0x7F, v20  }
0x15b: {  	v21 =	vor.u32 v21, v17;
	_ =	sdelay $0x3  }
0x15c: {  	[tilespmem:v19+s21+$0x0] =	vst.idx.msk $0xffff, v18  }
0x15d: {  	v19 =	vshll.u32 v20, $0x4;
	v20 =	vor.u32 s25, v13;
	v18 =	vld.idx.msk [tilespmem:v21+s4+$0x0], $0xffff  }
0x15e: {  	v19 =	vor.u32 v0, v19;
	v21 =	vand.u32 $0x7F, v20  }
0x15f: {  	v21 =	vor.u32 v21, v17;
	_ =	sdelay $0x3  }
0x160: {  	[tilespmem:v19+s21+$0x0] =	vst.idx.msk $0xffff, v18  }
0x161: {  	v19 =	vshll.u32 v20, $0x4;
	v20 =	vor.u32 s25, v14;
	v18 =	vld.idx.msk [tilespmem:v21+s4+$0x0], $0xffff  }
0x162: {  	v19 =	vor.u32 v0, v19;
	v21 =	vand.u32 $0x7F, v20  }
0x163: {  	v21 =	vor.u32 v21, v17;
	_ =	sdelay $0x3  }
0x164: {  	[tilespmem:v19+s21+$0x0] =	vst.idx.msk $0xffff, v18  }
0x165: {  	v19 =	vshll.u32 v20, $0x4;
	v20 =	vor.u32 s25, v15;
	v18 =	vld.idx.msk [tilespmem:v21+s4+$0x0], $0xffff  }
0x166: {  	v19 =	vor.u32 v0, v19;
	v21 =	vand.u32 $0x7F, v20  }
0x167: {  	v21 =	vor.u32 v21, v17;
	_ =	sdelay $0x3  }
0x168: {  	[tilespmem:v19+s21+$0x0] =	vst.idx.msk $0xffff, v18  }
0x169: {  	v20 =	vshll.u32 v20, $0x4;
	v18 =	vor.u32 s25, v16;
	s25 =	smov.u32 s26;
	v19 =	vld.idx.msk [tilespmem:v21+s4+$0x0], $0xffff  }
.Ltmp5:
0x16a: {  	v20 =	vor.u32 v0, v20;
	v21 =	vand.u32 $0x7F, v18;
	(pc) =	sbr.rel @p1 .LBB2_7-.Ltmp5, $2  }
0x16b: {  	v17 =	vor.u32 v21, v17;
	_ =	sdelay $0x2  }
0x16c: {  	s26 =	sadd.s32 $0x10, s26;
	v21 =	vmov s25  }
0x16d: {  	_ =	sdelay $0x2  }
0x16e: {  	v21 =	vshll.u32 v21, $0x3  }
0x16f: {  	[tilespmem:v20+s21+$0x0] =	vst.idx.msk $0xffff, v19;
	v19 =	vor.u32 s25, v0;
	v18 =	vshll.u32 v18, $0x4;
	v47 =	vand.u32 $0xC00, v21  }
0x170: {  	v17 =	vld.idx.msk [tilespmem:v17+s4+$0x0], $0xffff;
	v48 =	vand.u32 $0x7F, v19;
	v18 =	vor.u32 v0, v18;
	v20 =	vor.u32 v1, v47  }
0x171: {  	v21 =	vor.u32 v48, v20;
	_ =	sdelay $0x3  }
0x172: {  	[tilespmem:v18+s21+$0x0] =	vst.idx.msk $0xffff, v17;
	v17 =	vshll.u32 v19, $0x4;
	v18 =	vor.u32 s25, v2  }
0x173: {  	v17 =	vor.u32 v0, v17;
	v49 =	vand.u32 $0x7F, v18;
	v19 =	vld.idx.msk [tilespmem:v21+s4+$0x0], $0xffff  }
0x174: {  	v21 =	vor.u32 v49, v20;
	_ =	sdelay $0x3  }
0x175: {  	[tilespmem:v17+s21+$0x0] =	vst.idx.msk $0xffff, v19;
	v17 =	vshll.u32 v18, $0x4;
	v18 =	vor.u32 s25, v3  }
0x176: {  	v19 =	vld.idx.msk [tilespmem:v21+s4+$0x0], $0xffff;
	v17 =	vor.u32 v0, v17;
	v50 =	vand.u32 $0x7F, v18  }
0x177: {  	v21 =	vor.u32 v50, v20;
	_ =	sdelay $0x3  }
0x178: {  	[tilespmem:v17+s21+$0x0] =	vst.idx.msk $0xffff, v19;
	v17 =	vshll.u32 v18, $0x4;
	v18 =	vor.u32 s25, v4  }
0x179: {  	v19 =	vld.idx.msk [tilespmem:v21+s4+$0x0], $0xffff;
	v17 =	vor.u32 v0, v17;
	v51 =	vand.u32 $0x7F, v18  }
0x17a: {  	v21 =	vor.u32 v51, v20;
	_ =	sdelay $0x3  }
0x17b: {  	[tilespmem:v17+s21+$0x0] =	vst.idx.msk $0xffff, v19;
	v17 =	vshll.u32 v18, $0x4;
	v18 =	vor.u32 s25, v5  }
0x17c: {  	v19 =	vld.idx.msk [tilespmem:v21+s4+$0x0], $0xffff;
	v17 =	vor.u32 v0, v17;
	v52 =	vand.u32 $0x7F, v18  }
0x17d: {  	v21 =	vor.u32 v52, v20;
	_ =	sdelay $0x3  }
0x17e: {  	[tilespmem:v17+s21+$0x0] =	vst.idx.msk $0xffff, v19;
	v17 =	vshll.u32 v18, $0x4;
	v18 =	vor.u32 s25, v6  }
0x17f: {  	v19 =	vld.idx.msk [tilespmem:v21+s4+$0x0], $0xffff;
	v17 =	vor.u32 v0, v17;
	v53 =	vand.u32 $0x7F, v18  }
0x180: {  	v21 =	vor.u32 v53, v20;
	_ =	sdelay $0x3  }
0x181: {  	[tilespmem:v17+s21+$0x0] =	vst.idx.msk $0xffff, v19;
	v17 =	vshll.u32 v18, $0x4;
	v18 =	vor.u32 s25, v8  }
0x182: {  	v19 =	vld.idx.msk [tilespmem:v21+s4+$0x0], $0xffff;
	v17 =	vor.u32 v0, v17;
	v54 =	vand.u32 $0x7F, v18  }
0x183: {  	v21 =	vor.u32 v54, v20;
	_ =	sdelay $0x3  }
0x184: {  	[tilespmem:v17+s21+$0x0] =	vst.idx.msk $0xffff, v19;
	v17 =	vshll.u32 v18, $0x4;
	v18 =	vor.u32 s25, v9  }
0x185: {  	v19 =	vld.idx.msk [tilespmem:v21+s4+$0x0], $0xffff;
	v17 =	vor.u32 v0, v17;
	v55 =	vand.u32 $0x7F, v18  }
0x186: {  	v21 =	vor.u32 v55, v20;
	_ =	sdelay $0x3  }
0x187: {  	[tilespmem:v17+s21+$0x0] =	vst.idx.msk $0xffff, v19;
	v17 =	vshll.u32 v18, $0x4;
	v18 =	vor.u32 s25, v7  }
0x188: {  	v19 =	vld.idx.msk [tilespmem:v21+s4+$0x0], $0xffff;
	v17 =	vor.u32 v0, v17;
	v56 =	vand.u32 $0x7F, v18  }
0x189: {  	v21 =	vor.u32 v56, v20;
	_ =	sdelay $0x3  }
0x18a: {  	[tilespmem:v17+s21+$0x0] =	vst.idx.msk $0xffff, v19;
	v17 =	vshll.u32 v18, $0x4;
	v18 =	vor.u32 s25, v10  }
0x18b: {  	v19 =	vld.idx.msk [tilespmem:v21+s4+$0x0], $0xffff;
	v17 =	vor.u32 v0, v17;
	v57 =	vand.u32 $0x7F, v18  }
0x18c: {  	v21 =	vor.u32 v57, v20;
	_ =	sdelay $0x3  }
0x18d: {  	[tilespmem:v17+s21+$0x0] =	vst.idx.msk $0xffff, v19;
	v17 =	vshll.u32 v18, $0x4;
	v18 =	vor.u32 s25, v11  }
0x18e: {  	v19 =	vld.idx.msk [tilespmem:v21+s4+$0x0], $0xffff;
	v17 =	vor.u32 v0, v17;
	v58 =	vand.u32 $0x7F, v18  }
0x18f: {  	v21 =	vor.u32 v58, v20;
	_ =	sdelay $0x3  }
0x190: {  	[tilespmem:v17+s21+$0x0] =	vst.idx.msk $0xffff, v19;
	v17 =	vshll.u32 v18, $0x4;
	v18 =	vor.u32 s25, v12  }
0x191: {  	v19 =	vld.idx.msk [tilespmem:v21+s4+$0x0], $0xffff;
	v17 =	vor.u32 v0, v17;
	v59 =	vand.u32 $0x7F, v18  }
0x192: {  	v21 =	vor.u32 v59, v20;
	_ =	sdelay $0x3  }
0x193: {  	[tilespmem:v17+s21+$0x0] =	vst.idx.msk $0xffff, v19;
	v17 =	vshll.u32 v18, $0x4;
	v18 =	vor.u32 s25, v13  }
0x194: {  	v19 =	vld.idx.msk [tilespmem:v21+s4+$0x0], $0xffff;
	v17 =	vor.u32 v0, v17;
	v60 =	vand.u32 $0x7F, v18  }
0x195: {  	v21 =	vor.u32 v60, v20;
	_ =	sdelay $0x3  }
0x196: {  	[tilespmem:v17+s21+$0x0] =	vst.idx.msk $0xffff, v19;
	v17 =	vshll.u32 v18, $0x4;
	v18 =	vor.u32 s25, v14  }
0x197: {  	v19 =	vld.idx.msk [tilespmem:v21+s4+$0x0], $0xffff;
	v17 =	vor.u32 v0, v17;
	v61 =	vand.u32 $0x7F, v18  }
0x198: {  	v21 =	vor.u32 v61, v20;
	_ =	sdelay $0x3  }
0x199: {  	[tilespmem:v17+s21+$0x0] =	vst.idx.msk $0xffff, v19;
	v17 =	vshll.u32 v18, $0x4;
	v18 =	vor.u32 s25, v15  }
0x19a: {  	v19 =	vld.idx.msk [tilespmem:v21+s4+$0x0], $0xffff;
	v17 =	vor.u32 v0, v17;
	v62 =	vand.u32 $0x7F, v18  }
0x19b: {  	v21 =	vor.u32 v62, v20;
	_ =	sdelay $0x3  }
0x19c: {  	[tilespmem:v17+s21+$0x0] =	vst.idx.msk $0xffff, v19;
	v17 =	vshll.u32 v18, $0x4;
	v18 =	vor.u32 s25, v16  }
0x19d: {  	v19 =	vld.idx.msk [tilespmem:v21+s4+$0x0], $0xffff;
	v17 =	vor.u32 v0, v17;
	v63 =	vand.u32 $0x7F, v18  }
0x19e: {  	v20 =	vor.u32 v63, v20;
	_ =	sdelay $0x3  }
0x19f: {  	[tilespmem:v17+s21+$0x0] =	vst.idx.msk $0xffff, v19;
	v17 =	vshll.u32 v18, $0x4  }
0x1a0: {  	v18 =	vld.idx.msk [tilespmem:v20+s4+$0x0], $0xffff;
	v17 =	vor.u32 v0, v17;
	_ =	sdelay $0x4  }
0x1a1: {  	[tilespmem:v17+s21+$0x0] =	vst.idx.msk $0xffff, v18  }
0x1a2: {  	[hbm4b:s14+s4] =	stream.linear.scatter [tilespmem:s21], [sflag:$0x3], $0x2000, $0x38;
	[tilespmem:$0x18000] =	vst v63  }
0x1a3: {  	_ =	swait.ge [sflag:s23], $0x2000  }
0x1a4: {  	[sflag:s23] =	ssyncset.done $0x0  }
0x1a5: {  	[sflag:s23] =	ssyncadd.s32 $0xFFFFE000  }
0x1a6: {  	[tilespmem:s21], [sflag:$0x3] =	stream.linear.gather [hbm4b:s2+s4], $0x400, $0x38;
	[tilespmem:$0x18000] =	vst v63  }
0x1a7: {  	_ =	swait.ge [sflag:s23], $0x400  }
0x1a8: {  	[sflag:s23] =	ssyncset.done $0x0  }
.Ltmp6:
0x1a9: {  	[sflag:s23] =	ssyncadd.s32 $0xFFFFFC00;
	(pc) =	sbr.rel .LBB2_9-.Ltmp6, $4  }
0x1aa: {  	[hbm4b:s15+s4] =	stream.linear.scatter [tilespmem:s21], [sflag:$0x3], $0x400, $0x38;
	[tilespmem:$0x18000] =	vst v63  }
0x1ab: {  	_ =	swait.ge [sflag:s23], $0x400  }
0x1ac: {  	[sflag:s23] =	ssyncset.done $0x0  }
0x1ad: {  	[sflag:s23] =	ssyncadd.s32 $0xFFFFFC00  }
.LBB2_10:
0x1ae: {  	_ =	sfence.sel $0x180000  }
0x1af: {  	[bflag:$0x0] =	sbarrier.arrive $0xFFFF  }
0x1b0: {  	_ =	strace $0x90000047  }
0x1b1: {  	s0 =	stileid.u32;
	[bflag:$0x2] =	sbarrier.arrive $0xFFFF  }
0x1b2: {  	p0 =	sne.s32 s0, $0x0;
	s0 =	rddreg [dreg:$0x3]  }
0x1b3: {  	s0 =	sadd.s32 @!p0 $0x100000, s0  }
0x1b4: {  	[sflag:s0] =	ssyncadd.tile.s32 @!p0 $0x1;
	_ =	shalt  }
.Lfunc_end2:
_tile_overlayer_lowered:
.L_overlay_start_2:
0x1b5: {  	(tag) =	ssettag $0x2  }
0x1b6: {  	s0 =	rddreg [dreg:$0x0];
	s2 =	stileid.u32  }
0x1b7: {  	s1 =	rddreg [dreg:$0x1];
	p0 =	sne.s32 s2, $0x0  }
0x1b8: {  	s3 =	rddreg [dreg:$0x2];
	[bflag:$0x3] =	sbarrier.arrive $0xFFFF;
	s2 =	simm.s32 @!p0 $0x1C03  }
0x1b9: {  	[timem:s3], [sflag:s2] =	dma.local @!p0 [hbm:s0], s1  }
0x1ba: {  	s0 =	simm.s32 @!p0 $0x3  }
0x1bb: {  	_ =	swait.ge @!p0 [sflag:s0], s1  }
0x1bc: {  	s1 =	ssub.s32 @!p0 $0x0, s1;
	[sflag:s0] =	ssyncset.done @!p0 $0x0  }
0x1bd: {  	[sflag:s0] =	ssyncadd.s32 @!p0 s1  }
0x1be: {  	[bflag:$0x3] =	sbarrier.arrive $0xFFFF  }
0x1bf: {  	_ =	shalt  }

// kernel: kernel.7.cloned.1.call-start
scs
__scs_entry_jumppad:
0x0: {  	(pc) =	sbr.rel $0x88, $3  }
0x1: {  	(tag) =	ssettag $0x0;
	lr =	simm.s32 $0x1  }
0x2: {  	[smem:$0x3F9D] =	sst lr;
	_ =	strace $0xD0000000  }
0x3: {  	_ = 	snop  }
0x4: {  	_ = 	snop  }
0x5: {  	_ = 	snop  }
0x6: {  	_ = 	snop  }
0x7: {  	_ = 	snop  }
__scs_overlays_trampoline_lowered:
0x8: {  	[smem:$0x3FAC] =	sst s0  }
0x9: {  	[smem:$0x3FAD] =	sst s1  }
0xa: {  	[smem:$0x3FAE] =	sst s2  }
0xb: {  	[smem:$0x3FAF] =	sst s3  }
0xc: {  	[smem:$0x3FB0] =	sst s4  }
0xd: {  	[smem:$0x3FB1] =	sst s5  }
0xe: {  	[smem:$0x3FB2] =	sst s6  }
0xf: {  	[smem:$0x3FB3] =	sst s7  }
0x10: {  	[smem:$0x3FB4] =	sst s8  }
0x11: {  	[smem:$0x3FB5] =	sst s9;
	s0 =	simm.s32 @!p0 $0x0  }
0x12: {  	s1 =	sld [smem:$0x3F9B];
	s0 =	simm.s32 @p0 $0x1  }
0x13: {  	[smem:$0x3FB6] =	sst s0;
	s0 =	simm.s32 @!p1 $0x0  }
0x14: {  	s2 =	sld [smem:$0x3F9A];
	s0 =	simm.s32 @p1 $0x1  }
0x15: {  	[smem:$0x3FB7] =	sst s0;
	s0 =	simm.s32 @!p2 $0x0  }
0x16: {  	s3 =	sld [smem:$0x3FDB];
	s0 =	simm.s32 @p2 $0x1  }
0x17: {  	s4 =	simm.s32 $0x1BF5;
	[smem:$0x3FB9] =	sst s0  }
0x18: {  	s0 =	sld [smem:$0x3F9C];
	_ =	swait.ge [sflag:s4], $0x0  }
0x19: {  	s7 =	sld [smem:$0x3F9D]  }
0x1a: {  	s8 =	sadd.s32 $0xFFFFE003, lr  }
0x1b: {  	s9 =	sadd.s32 $0xFFFFFEF7, lr;
	s5 =	simm.s32 $0xFFFFFFFF;
	p2 =	slt.u32 s8, $0xFFFFF086  }
0x1c: {  	p1 =	slt.u32 s9, $0xF7A;
	s5 =	simm.s32 @!p2 $0x0  }
0x1d: {  	s5 =	simm.s32 @p1 $0x1;
	p0 =	seq.s32 s7, s2  }
0x1e: {  	s7 =	smul.u32 @!p0 $0xF7A, s2;
	p2 =	seq.s32 @!p0 s5, $0x0  }
0x1f: {  	s9 =	smul.u32 $0xF7A, s1;
	s8 =	simm.s32 @!p0 $0x1BF5;
	p2 =	por !p2, p0  }
0x20: {  	[sflag:s8] =	ssyncset.s32 @!p0 $0xFFFFF086;
	s6 =	sadd.s32 @!p0 s3, s7;
	s7 =	simm.s32 @!p0 $0x108  }
0x21: {  	s3 =	sadd.s32 s3, s9;
	s6 =	sadd.s32 @!p0 $0x88, s6;
	s7 =	simm.s32 @p2 $0x1082  }
0x22: {  	[simem:s7], [sflag:s8] =	dma.local @!p0 [hbm:s6], $0xF7A  }
0x23: {  	s9 =	sor.u32 $0xD0000000, s2;
	s6 =	simm.s32 $0x108;
	_ =	swait.ge @!p0 [sflag:s8], $0x0  }
0x24: {  	s3 =	sadd.s32 $0x88, s3;
	s6 =	simm.s32 @!p1 $0x1082;
	[sflag:s4] =	ssyncset.s32 $0xFFFFF086  }
0x25: {  	[simem:s6], [sflag:s4] =	dma.local [hbm:s3], $0xF7A  }
0x26: {  	[smem:$0x3F9D] =	sst s1;
	(tag) =	ssettag s2;
	_ =	strace s9  }
0x27: {  	s1 =	sld [smem:$0x3FAD]  }
0x28: {  	s2 =	sld [smem:$0x3FAE]  }
0x29: {  	s4 =	sld [smem:$0x3FB0]  }
0x2a: {  	p0 =	seq.s32 s5, $0x0;
	s5 =	sld [smem:$0x3FB1]  }
0x2b: {  	s6 =	sld [smem:$0x3FB2]  }
0x2c: {  	s7 =	sld [smem:$0x3FB3]  }
0x2d: {  	s3 =	simm.s32 $0x108;
	s8 =	sld [smem:$0x3FB4]  }
0x2e: {  	s3 =	simm.s32 @!p0 $0x1082;
	s9 =	sld [smem:$0x3FB5]  }
0x2f: {  	lr =	sadd.s32 s0, s3;
	s0 =	sld [smem:$0x3FAC]  }
0x30: {  	s3 =	sld [smem:$0x3FAF]  }
0x31: {  	[smem:$0x3FB8] =	sst s10  }
0x32: {  	s10 =	sld [smem:$0x3FB6];
	_ =	sdelay $0x3  }
0x33: {  	p0 =	seq.s32 s10, $0x1;
	s10 =	sld [smem:$0x3FB8];
	_ =	sdelay $0x3  }
0x34: {  	[smem:$0x3FB8] =	sst s10  }
0x35: {  	s10 =	sld [smem:$0x3FB7];
	_ =	sdelay $0x3  }
0x36: {  	p1 =	seq.s32 s10, $0x1;
	s10 =	sld [smem:$0x3FB8];
	_ =	sdelay $0x3  }
0x37: {  	[smem:$0x3FB8] =	sst s10  }
0x38: {  	s10 =	sld [smem:$0x3FB9]  }
0x39: {  	_ = 	snop;
	(pc) =	sbr.ind lr, $3  }
0x3a: {  	_ = 	snop  }
0x3b: {  	_ = 	snop  }
0x3c: {  	p2 =	seq.s32 s10, $0x1;
	s10 =	sld [smem:$0x3FB8]  }
0x3d: {  	_ =	shalt  }
0x3e: {  	_ =	shalt  }
0x3f: {  	_ =	shalt  }
0x40: {  	_ =	shalt  }
0x41: {  	_ =	shalt  }
0x42: {  	_ =	shalt  }
0x43: {  	_ =	shalt  }
0x44: {  	_ =	shalt  }
0x45: {  	_ =	shalt  }
0x46: {  	_ =	shalt  }
0x47: {  	_ =	shalt  }
0x48: {  	_ =	shalt  }
0x49: {  	_ =	shalt  }
0x4a: {  	_ =	shalt  }
0x4b: {  	_ =	shalt  }
0x4c: {  	_ =	shalt  }
0x4d: {  	_ =	shalt  }
0x4e: {  	_ =	shalt  }
0x4f: {  	_ =	shalt  }
0x50: {  	_ =	shalt  }
0x51: {  	_ =	shalt  }
0x52: {  	_ =	shalt  }
0x53: {  	_ =	shalt  }
0x54: {  	_ =	shalt  }
0x55: {  	_ =	shalt  }
0x56: {  	_ =	shalt  }
0x57: {  	_ =	shalt  }
0x58: {  	_ =	shalt  }
0x59: {  	_ =	shalt  }
0x5a: {  	_ =	shalt  }
0x5b: {  	_ =	shalt  }
0x5c: {  	_ =	shalt  }
0x5d: {  	_ =	shalt  }
0x5e: {  	_ =	shalt  }
0x5f: {  	_ =	shalt  }
0x60: {  	_ =	shalt  }
0x61: {  	_ =	shalt  }
0x62: {  	_ =	shalt  }
0x63: {  	_ =	shalt  }
0x64: {  	_ =	shalt  }
0x65: {  	_ =	shalt  }
0x66: {  	_ =	shalt  }
0x67: {  	_ =	shalt  }
0x68: {  	_ =	shalt  }
0x69: {  	_ =	shalt  }
0x6a: {  	_ =	shalt  }
0x6b: {  	_ =	shalt  }
0x6c: {  	_ =	shalt  }
0x6d: {  	_ =	shalt  }
0x6e: {  	_ =	shalt  }
0x6f: {  	_ =	shalt  }
0x70: {  	_ =	shalt  }
0x71: {  	_ =	shalt  }
0x72: {  	_ =	shalt  }
0x73: {  	_ =	shalt  }
0x74: {  	_ =	shalt  }
0x75: {  	_ =	shalt  }
0x76: {  	_ =	shalt  }
0x77: {  	_ =	shalt  }
0x78: {  	_ =	shalt  }
0x79: {  	_ =	shalt  }
0x7a: {  	_ =	shalt  }
0x7b: {  	_ =	shalt  }
0x7c: {  	_ =	shalt  }
0x7d: {  	_ =	shalt  }
0x7e: {  	_ =	shalt  }
0x7f: {  	_ =	shalt  }
0x80: {  	_ =	shalt  }
0x81: {  	_ =	shalt  }
0x82: {  	_ =	shalt  }
0x83: {  	_ =	shalt  }
0x84: {  	_ =	shalt  }
0x85: {  	_ =	shalt  }
0x86: {  	_ =	shalt  }
0x87: {  	_ =	shalt  }
.Lfunc_end0:
.L_simem_size_0:
called_computation.1_lowered:
.L_overlay_start_0:
0x88: {  	s2 =	sld [smem:$0x3FD9]  }
0x89: {  	s3 =	sld [smem:$0x3FFE];
	_ =	sdelay $0x1  }
0x8a: {  	s1 =	srdreg.scid  }
0x8b: {  	s0 =	sand.u32 $0x1, s1  }
0x8c: {  	s17 =	sshll.u32 s0, $0xA;
	s2 =	sadd.s32 s3, s2  }
0x8d: {  	s2 =	sadd.s32 s2, s17  }
0x8e: {  	[smem:$0x3FC4] =	sst s2  }
0x8f: {  	_ = 	snop  }
0x90: {  	s2 =	sld [smem:$0x3FD0];
	(tm) =	ssettm $0x1  }
0x91: {  	s18 =	sld [smem:$0x3FFB];
	_ =	sdelay $0x3  }
0x92: {  	_ =	strace s18  }
0x93: {  	s3 =	sld [smem:$0x3FFC];
	_ =	sdelay $0x3  }
0x94: {  	_ =	strace s3  }
0x95: {  	s3 =	sld [smem:$0x3FFD];
	_ =	sdelay $0x3  }
0x96: {  	_ =	strace s3  }
0x97: {  	_ =	strace $0x8FFFFFFF  }
0x98: {  	s19 =	sld [smem:$0x3FDB];
	_ =	sdelay $0x1  }
0x99: {  	s4 =	simm.s32 $_scs_section_size  }
0x9a: {  	s5 =	simm.s32 $_size__tile_overlayer_lowered;
	s6 =	simm.s32 $_tile_overlayer_lowered  }
0x9b: {  	s22 =	simm.s32 $0x1BFF;
	s21 =	sshll.u32 s6, $0x1;
	s3 =	sadd.s32 s4, s19  }
0x9c: {  	s7 =	simm.s32 $0x0;
	s20 =	sshll.u32 s5, $0x1;
	s5 =	sadd.s32 s21, s3  }
0x9d: {  	[timem:s7], [sflag:s22] =	dma.local [hbm:s5], s20  }
0x9e: {  	_ =	swait.ge [sflag:s22], s20  }
0x9f: {  	s4 =	ssub.s32 $0x0, s20;
	[sflag:s22] =	ssyncset.done $0x0  }
0xa0: {  	[sflag:s22] =	ssyncadd.s32 s4;
	_ =	sdelay $0x1  }
0xa1: {  	s23 =	simm.s32 $0x1B8B  }
0xa2: {  	_ =	swait.ge [sflag:s23], $0x1  }
0xa3: {  	[sflag:s23] =	ssyncset.done $0x0  }
0xa4: {  	s25 =	simm.s32 $0x1B8E;
	s24 =	sld [smem:$0x3FFE];
	[sflag:s23] =	ssyncadd.s32 $0xFFFFFFFF  }
0xa5: {  	s26 =	simm.s32 $execute0_lowered;
	[smem:$0x3FD2] =	sst s25  }
0xa6: {  	s5 =	sshll.u32 s26, $0x1;
	_ =	strace $0x80000049;
	[dreg:$0x1] =	wrdreg $0xFFFFFFFF  }
0xa7: {  	s28 =	simm.s32 $_size_execute0_lowered;
	s3 =	sadd.s32 s3, s5;
	[dreg:$0x0] =	wrdreg $0x0  }
0xa8: {  	s5 =	sshll.u32 s28, $0x1;
	[dreg:$0x2] =	wrdreg s3  }
0xa9: {  	[dreg:$0x3] =	wrdreg s5  }
0xaa: {  	[dreg:$0x4] =	wrdreg $0xC0  }
0xab: {  	_ =	task [dreg:s7], $0x5FFFF  }
0xac: {  	[dreg:$0x1] =	wrdreg $0xFFFFFFFF  }
0xad: {  	[dreg:$0x0] =	wrdreg $0x60  }
0xae: {  	[dreg:$0x2] =	wrdreg s24  }
0xaf: {  	[dreg:$0x3] =	wrdreg s2  }
0xb0: {  	[dreg:$0x4] =	wrdreg $0x9  }
0xb1: {  	_ =	task.clear_ibuf [dreg:s7], $0x5FFFF;
	_ =	strace $0x90000049  }
0xb2: {  	s29 =	simm.s32 $0x9;
	_ =	strace $0x8000004B  }
0xb3: {  	_ =	swait.ge [sflag:s29], $0x1  }
0xb4: {  	[sflag:s29] =	ssyncadd.s32 $0xFFFFFFFF  }
0xb5: {  	_ =	strace $0x9000004B  }
0xb6: {  	_ =	sfence  }
0xb7: {  	s30 =	sld [smem:$0x0];
	_ =	sdelay $0x2  }
0xb8: {  	s31 =	sshll.u32 s1, $0xD;
	s1 =	sshrl.u32 s1, $0x2  }
0xb9: {  	s3 =	sand.u32 $0x4000, s31;
	s1 =	sadd.s32 s1, s30  }
0xba: {  	s0 =	sor.u32 s3, s0;
	s1 =	sshll.u32 s1, $0x11  }
0xbb: {  	s0 =	sor.u32 s1, s0  }
0xbc: {  	s0 =	sadd.s32 $0x8F2B, s0  }
0xbd: {  	[sflag:s0] =	ssyncadd.remote.s32 $0x1  }
0xbe: {  	_ =	sfence.sel $0xFFFF  }
0xbf: {  	[dreg:$0x0] =	wrdreg $0xFFFFFFFF;
	(pc) =	sbr.abs _section_cstart, $3  }
0xc0: {  	[dreg:$0x1] =	wrdreg $0xFFFFFFFF  }
0xc1: {  	_ =	task.clear_ibuf [dreg:s7], $0x2FFFF;
	_ =	strace $0x9FFFFFFF  }
0xc2: {  	(tm) =	ssettm $0x7FFFFFFF  }
0xc3: {  	_ =	shalt  }
tec
execute0_lowered:
.L_overlay_start_1:
0x0: {  	(tag) =	ssettag $0x1  }
0x1: {  	v0 =	vimm.s32 $0xBCAB9A89  }
0x2: {  	v1 =	vimm.s32 $0xF0EFDECD;
	vm1 =	vcmask $0x1F10;
	v2 =	vimm.s32 $0x78675645  }
0x3: {  	v3 =	vimm.s32 $0xBDAC9B8A;
	v4 =	vimm.s32 $0xF1E0DFCE;
	v5 =	vimm.s32 $0x35241302  }
0x4: {  	v6 =	vimm.s32 $0x79685746;
	v7 =	vimm.s32 $0xBEAD9C8B;
	v8 =	vimm.s32 $0xF2E1D0CF  }
0x5: {  	v9 =	vimm.s32 $0x39281706;
	v10 =	vimm.s32 $0x7D6C5B4A;
	v11 =	vimm.s32 $0xB2A1908F  }
0x6: {  	v12 =	vimm.s32 $0xF6E5D4C3;
	v13 =	vimm.s32 $0x706F5E4D;
	v14 =	vimm.s32 $0xB5A49382  }
0x7: {  	v15 =	vimm.s32 $0xF9E8D7C6;
	v16 =	vimm.s32 $0x3D2C1B0A;
	v17 =	vimm.s32 $0x71605F4E  }
0x8: {  	v18 =	vimm.s32 $0x74635241;
	v62 =	vimm.s32 $0xBAA99887;
	v19 =	vimm.s32 $0xFEEDDCCB  }
0x9: {  	v20 =	vimm.s32 $0x3221100F;
	v21 =	vimm.s32 $0x76655443;
	vm0 =	vmmov $0x3ff  }
0xa: {  	v0 =	vunpack.c.0.s8.s32 v0;
	v1 =	vunpack.c.0.s8.s32 v1;
	v2 =	vunpack.c.0.s8.s32 v2  }
0xb: {  	v3 =	vunpack.c.0.s8.s32 v3;
	v4 =	vunpack.c.0.s8.s32 v4;
	v5 =	vunpack.c.0.s8.s32 v5  }
0xc: {  	v6 =	vunpack.c.0.s8.s32 v6;
	v7 =	vunpack.c.0.s8.s32 v7;
	v8 =	vunpack.c.0.s8.s32 v8  }
0xd: {  	v9 =	vunpack.c.0.s8.s32 v9;
	v10 =	vunpack.c.0.s8.s32 v10;
	v11 =	vunpack.c.0.s8.s32 v11  }
0xe: {  	v12 =	vunpack.c.0.s8.s32 v12;
	v0 =	vsel vm1, v1, v0;
	v1 =	vimm.s32 $0x34231201  }
0xf: {  	v13 =	vunpack.c.0.s8.s32 v13;
	v14 =	vunpack.c.0.s8.s32 v14;
	v1 =	vunpack.c.0.s8.s32 v1  }
0x10: {  	v15 =	vunpack.c.0.s8.s32 v15;
	v16 =	vunpack.c.0.s8.s32 v16;
	v17 =	vunpack.c.0.s8.s32 v17  }
0x11: {  	v19 =	vunpack.c.0.s8.s32 v19;
	v63 =	vunpack.c.0.s8.s32 v21;
	v1 =	vsel vm1, v2, v1  }
0x12: {  	v2 =	vsel vm1, v6, v5;
	v5 =	vimm.s32 $0xBFAE9D8C;
	v6 =	vimm.s32 $0xF3E2D1C0  }
0x13: {  	v1 =	vcombine.low v1, v0;
	v0 =	vsel vm1, v4, v3;
	v3 =	vimm.s32 $0x36251403  }
0x14: {  	v4 =	vimm.s32 $0x7A695847;
	v5 =	vunpack.c.0.s8.s32 v5;
	v6 =	vunpack.c.0.s8.s32 v6  }
0x15: {  	v2 =	vcombine.low v2, v0;
	v0 =	vsel vm1, v8, v7;
	v3 =	vunpack.c.0.s8.s32 v3  }
0x16: {  	v4 =	vunpack.c.0.s8.s32 v4;
	v7 =	vimm.s32 $0x37261504;
	v8 =	vimm.s32 $0x7B6A5948  }
0x17: {  	v5 =	vsel vm1, v6, v5;
	v6 =	vimm.s32 $0xB0AF9E8D;
	v1 =	vand.u32 $0xFF, v1  }
0x18: {  	v3 =	vsel vm1, v4, v3;
	v4 =	vunpack.c.0.s8.s32 v7;
	v7 =	vunpack.c.0.s8.s32 v8  }
0x19: {  	v8 =	vimm.s32 $0xF4E3D2C1;
	v6 =	vunpack.c.0.s8.s32 v6;
	v2 =	vand.u32 $0xFF, v2  }
0x1a: {  	v3 =	vcombine.low v3, v0;
	v4 =	vsel vm1, v7, v4;
	v7 =	vunpack.c.0.s8.s32 v8  }
0x1b: {  	v8 =	vimm.s32 $0xF5E4D3C2;
	v4 =	vcombine.low v4, v5;
	v5 =	vimm.s32 $0x38271605  }
0x1c: {  	v8 =	vunpack.c.0.s8.s32 v8;
	v0 =	vsel vm1, v7, v6;
	v6 =	vimm.s32 $0x7C6B5A49  }
0x1d: {  	v5 =	vunpack.c.0.s8.s32 v5;
	v7 =	vimm.s32 $0xB1A09F8E;
	v6 =	vunpack.c.0.s8.s32 v6  }
0x1e: {  	v3 =	vand.u32 $0xFF, v3;
	v7 =	vunpack.c.0.s8.s32 v7;
	v4 =	vand.u32 $0xFF, v4  }
0x1f: {  	v5 =	vsel vm1, v6, v5;
	v6 =	vsel vm1, v10, v9;
	v9 =	vimm.s32 $0xB3A29180  }
0x20: {  	v10 =	vimm.s32 $0xF7E6D5C4;
	v5 =	vcombine.low v5, v0;
	v0 =	vsel vm1, v8, v7  }
0x21: {  	v7 =	vimm.s32 $0x3A291807;
	v8 =	vimm.s32 $0x7E6D5C4B;
	v9 =	vunpack.c.0.s8.s32 v9  }
0x22: {  	v10 =	vunpack.c.0.s8.s32 v10;
	v6 =	vcombine.low v6, v0;
	v0 =	vsel vm1, v12, v11  }
0x23: {  	v7 =	vunpack.c.0.s8.s32 v7;
	v8 =	vunpack.c.0.s8.s32 v8;
	v11 =	vimm.s32 $0x3B2A1908  }
0x24: {  	v12 =	vimm.s32 $0x7F6E5D4C;
	v9 =	vsel vm1, v10, v9;
	v10 =	vimm.s32 $0xB4A39281  }
0x25: {  	v7 =	vsel vm1, v8, v7;
	v8 =	vunpack.c.0.s8.s32 v11;
	v11 =	vunpack.c.0.s8.s32 v12  }
0x26: {  	v12 =	vimm.s32 $0xF8E7D6C5;
	v10 =	vunpack.c.0.s8.s32 v10;
	v7 =	vcombine.low v7, v0  }
0x27: {  	v8 =	vsel vm1, v11, v8;
	v11 =	vunpack.c.0.s8.s32 v12;
	v12 =	vimm.s32 $0x3C2B1A09  }
0x28: {  	v5 =	vand.u32 $0xFF, v5;
	v6 =	vand.u32 $0xFF, v6;
	v12 =	vunpack.c.0.s8.s32 v12  }
0x29: {  	v8 =	vcombine.low v8, v9;
	v7 =	vand.u32 $0xFF, v7;
	v0 =	vsel vm1, v11, v10  }
0x2a: {  	v10 =	vsel vm1, v15, v14;
	v11 =	vsel vm1, v17, v16;
	v14 =	vimm.s32 $0x3E2D1C0B  }
0x2b: {  	v15 =	vimm.s32 $0x7261504F;
	v16 =	vimm.s32 $0xB7A69584;
	v17 =	vimm.s32 $0xFBEAD9C8  }
0x2c: {  	v9 =	vsel vm1, v13, v12;
	v12 =	vimm.s32 $0xB6A59483;
	v13 =	vimm.s32 $0xFAE9D8C7  }
0x2d: {  	v14 =	vunpack.c.0.s8.s32 v14;
	v15 =	vunpack.c.0.s8.s32 v15;
	v16 =	vunpack.c.0.s8.s32 v16  }
0x2e: {  	v17 =	vunpack.c.0.s8.s32 v17;
	v10 =	vcombine.low v11, v10;
	v8 =	vand.u32 $0xFF, v8  }
0x2f: {  	v12 =	vunpack.c.0.s8.s32 v12;
	v13 =	vunpack.c.0.s8.s32 v13;
	v9 =	vcombine.low v9, v0  }
0x30: {  	v11 =	vsel vm1, v15, v14;
	v14 =	vimm.s32 $0x73625140;
	v15 =	vimm.s32 $0xB8A79685  }
0x31: {  	s0 =	rddreg [dreg:$0x0];
	s1 =	srdreg.scid;
	v0 =	vsel vm1, v13, v12;
	v12 =	vsel vm1, v17, v16;
	v13 =	vimm.s32 $0x3F2E1D0C  }
0x32: {  	s2 =	stileid.u32;
	s5 =	rddreg [dreg:$0x1];
	v14 =	vunpack.c.0.s8.s32 v14;
	v16 =	vimm.s32 $0xFCEBDAC9;
	v13 =	vunpack.c.0.s8.s32 v13  }
0x33: {  	s10 =	simm.s32 $0x3;
	s16 =	simm.s32 $0x80;
	s19 =	simm.s32 $0x200;
	v15 =	vunpack.c.0.s8.s32 v15;
	v17 =	vimm.s32 $0x302F1E0D;
	v16 =	vunpack.c.0.s8.s32 v16  }
0x34: {  	s22 =	simm.s32 $0x100;
	s23 =	simm.s32 $0x280;
	s30 =	simm.s32 $0x380;
	v11 =	vcombine.low v11, v0;
	v13 =	vsel vm1, v14, v13;
	v14 =	vunpack.c.0.s8.s32 v17  }
0x35: {  	s11 =	simm.s32 $0x480;
	s14 =	simm.s32 $0x500;
	s20 =	simm.s32 $0x580;
	v17 =	vunpack.c.0.s8.s32 v18;
	v0 =	vsel vm1, v16, v15;
	v15 =	vimm.s32 $0xFDECDBCA  }
0x36: {  	s25 =	simm.s32 $0x600;
	s31 =	simm.s32 $0x1;
	s8 =	simm.s32 $0x11320;
	v16 =	vimm.s32 $0x31201F0E;
	v18 =	vunpack.c.0.s8.s32 v62;
	v12 =	vcombine.low v13, v12  }
0x37: {  	s12 =	simm.s32 $0x0;
	s1 =	sand.u32 $0x1, s1;
	s3 =	sshll.u32 s2, $0x1;
	v15 =	vunpack.c.0.s8.s32 v15;
	v13 =	vsel vm1, v17, v14;
	v14 =	vimm.s32 $0xB9A89786  }
0x38: {  	s2 =	simm.s32 $0x0;
	s4 =	sadd.s32 $0x800, s0;
	s6 =	sor.u32 s1, s3;
	v16 =	vunpack.c.0.s8.s32 v16;
	v17 =	vimm.s32 $0x75645342;
	v14 =	vunpack.c.0.s8.s32 v14  }
0x39: {  	[smem:$0x7FF] =	sst s2;
	s1 =	ssub.s32 $0x2, s1;
	s3 =	smul.u32 $0x680, s6;
	v17 =	vunpack.c.0.s8.s32 v17;
	v13 =	vcombine.low v13, v0;
	v0 =	vunpack.c.0.s8.s32 v20  }
0x3a: {  	_ =	strace $0x8000004A;
	s26 =	sshrl.u32 s1, $0x1;
	s6 =	sshll.u32 s6, $0x6;
	v10 =	vand.u32 $0xFF, v10;
	v9 =	vand.u32 $0xFF, v9;
	v14 =	vsel vm1, v15, v14  }
0x3b: {  	s29 =	sadd.s32 s5, s6;
	s7 =	sadd.s32 s3, s0;
	s3 =	sadd.s32 $0x1F5E00, s0;
	v15 =	vsel vm1, v17, v16;
	v16 =	vsel vm1, v19, v18;
	v17 =	vsel vm1, v63, v0  }
0x3c: {  	s0 =	ssub.s32 s1, s26;
	[dreg:$0x4] =	wrdreg s29;
	s28 =	sadd.s32 $0x1E8E00, s7;
	v11 =	vand.u32 $0xFF, v11;
	v14 =	vcombine.low v15, v14;
	v15 =	vcombine.low v17, v16  }
0x3d: {  	s26 =	simm.s32 $0x300;
	s0 =	smax.u32 s0, $0x1;
	[dreg:$0x3] =	wrdreg s28;
	v12 =	vand.u32 $0xFF, v12;
	v0 =	vlaneseq.u32;
	v13 =	vand.u32 $0xFF, v13  }
0x3e: {  	s1 =	simm.s32 $0x2;
	[dreg:$0x5] =	wrdreg s0;
	s0 =	simm.s32 $0x400;
	v0 =	vmul.u32 $0x11, v0;
	v14 =	vand.u32 $0xFF, v14;
	v15 =	vand.u32 $0xFF, v15  }
.LBB2_1:
0x3f: {  	s5 =	rddreg [dreg:$0x3]  }
0x40: {  	[tilespmem:s2], [sflag:$0x3] =	stream.linear.gather [hbm4b:s5+s2], $0x3400, $0x38;
	[tilespmem:$0x11420] =	vst v63  }
0x41: {  	_ =	swait.ge [sflag:s10], $0x3400  }
0x42: {  	[sflag:s10] =	ssyncset.done $0x0  }
0x43: {  	s21 =	simm.s32 $0x3400;
	[sflag:s10] =	ssyncadd.s32 $0xFFFFCC00  }
0x44: {  	[tilespmem:s21], [sflag:$0x1] =	stream.indirect.gather [hbm4b:s4+s16], $0x10, s2, s16, $0xb8;
	[tilespmem:$0x11420] =	vst v63  }
0x45: {  	s24 =	simm.s32 $0x10400  }
0x46: {  	[tilespmem:s24], [sflag:$0x2] =	stream.indirect.gather [hbm4b:s3+s16], $0x1, s2, s16, $0xb8;
	[tilespmem:$0x11420] =	vst v63  }
0x47: {  	s28 =	simm.s32 $0x3C00  }
0x48: {  	[tilespmem:s28], [sflag:$0x1] =	stream.indirect.gather [hbm4b:s4+s16], $0x10, s16, s16, $0xb8;
	[tilespmem:$0x11420] =	vst v63  }
0x49: {  	s29 =	simm.s32 $0x10480  }
0x4a: {  	[tilespmem:s29], [sflag:$0x2] =	stream.indirect.gather [hbm4b:s3+s16], $0x1, s16, s16, $0xb8;
	[tilespmem:$0x11420] =	vst v63  }
0x4b: {  	s6 =	simm.s32 $0x4400  }
0x4c: {  	[tilespmem:s6], [sflag:$0x1] =	stream.indirect.gather [hbm4b:s4+s16], $0x10, s22, s16, $0xb8;
	[tilespmem:$0x11420] =	vst v63  }
0x4d: {  	s7 =	simm.s32 $0x10500  }
0x4e: {  	[tilespmem:s7], [sflag:$0x2] =	stream.indirect.gather [hbm4b:s3+s16], $0x1, s22, s16, $0xb8;
	[tilespmem:$0x11420] =	vst v63  }
0x4f: {  	s9 =	simm.s32 $0x180;
	s6 =	simm.s32 $0x4C00  }
0x50: {  	[tilespmem:s6], [sflag:$0x1] =	stream.indirect.gather [hbm4b:s4+s16], $0x10, s9, s16, $0xb8;
	[tilespmem:$0x11420] =	vst v63  }
0x51: {  	s13 =	simm.s32 $0x10580  }
0x52: {  	[tilespmem:s13], [sflag:$0x2] =	stream.indirect.gather [hbm4b:s3+s16], $0x1, s9, s16, $0xb8;
	[tilespmem:$0x11420] =	vst v63  }
0x53: {  	s15 =	simm.s32 $0x5400  }
0x54: {  	[tilespmem:s15], [sflag:$0x1] =	stream.indirect.gather [hbm4b:s4+s16], $0x10, s19, s16, $0xb8;
	[tilespmem:$0x11420] =	vst v63  }
0x55: {  	s17 =	simm.s32 $0x10600  }
0x56: {  	[tilespmem:s17], [sflag:$0x2] =	stream.indirect.gather [hbm4b:s3+s16], $0x1, s19, s16, $0xb8;
	[tilespmem:$0x11420] =	vst v63  }
0x57: {  	s18 =	simm.s32 $0x5C00  }
0x58: {  	[tilespmem:s18], [sflag:$0x1] =	stream.indirect.gather [hbm4b:s4+s16], $0x10, s23, s16, $0xb8;
	[tilespmem:$0x11420] =	vst v63  }
0x59: {  	s21 =	simm.s32 $0x10680  }
0x5a: {  	[tilespmem:s21], [sflag:$0x2] =	stream.indirect.gather [hbm4b:s3+s16], $0x1, s23, s16, $0xb8;
	[tilespmem:$0x11420] =	vst v63  }
0x5b: {  	s24 =	simm.s32 $0x6400  }
0x5c: {  	[tilespmem:s24], [sflag:$0x1] =	stream.indirect.gather [hbm4b:s4+s16], $0x10, s26, s16, $0xb8;
	[tilespmem:$0x11420] =	vst v63  }
0x5d: {  	s28 =	simm.s32 $0x10700  }
0x5e: {  	[tilespmem:s28], [sflag:$0x2] =	stream.indirect.gather [hbm4b:s3+s16], $0x1, s26, s16, $0xb8;
	[tilespmem:$0x11420] =	vst v63  }
0x5f: {  	s29 =	simm.s32 $0x6C00  }
0x60: {  	[tilespmem:s29], [sflag:$0x1] =	stream.indirect.gather [hbm4b:s4+s16], $0x10, s30, s16, $0xb8;
	[tilespmem:$0x11420] =	vst v63  }
0x61: {  	s6 =	simm.s32 $0x10780  }
0x62: {  	[tilespmem:s6], [sflag:$0x2] =	stream.indirect.gather [hbm4b:s3+s16], $0x1, s30, s16, $0xb8;
	[tilespmem:$0x11420] =	vst v63  }
0x63: {  	s7 =	simm.s32 $0x7400  }
0x64: {  	[tilespmem:s7], [sflag:$0x1] =	stream.indirect.gather [hbm4b:s4+s16], $0x10, s0, s16, $0xb8;
	[tilespmem:$0x11420] =	vst v63  }
0x65: {  	s9 =	simm.s32 $0x10800  }
0x66: {  	[tilespmem:s9], [sflag:$0x2] =	stream.indirect.gather [hbm4b:s3+s16], $0x1, s0, s16, $0xb8;
	[tilespmem:$0x11420] =	vst v63  }
0x67: {  	s13 =	simm.s32 $0x7C00  }
0x68: {  	[tilespmem:s13], [sflag:$0x1] =	stream.indirect.gather [hbm4b:s4+s16], $0x10, s11, s16, $0xb8;
	[tilespmem:$0x11420] =	vst v63  }
0x69: {  	s15 =	simm.s32 $0x10880  }
0x6a: {  	[tilespmem:s15], [sflag:$0x2] =	stream.indirect.gather [hbm4b:s3+s16], $0x1, s11, s16, $0xb8;
	[tilespmem:$0x11420] =	vst v63  }
0x6b: {  	s17 =	simm.s32 $0x8400  }
0x6c: {  	[tilespmem:s17], [sflag:$0x1] =	stream.indirect.gather [hbm4b:s4+s16], $0x10, s14, s16, $0xb8;
	[tilespmem:$0x11420] =	vst v63  }
0x6d: {  	s18 =	simm.s32 $0x10900  }
0x6e: {  	[tilespmem:s18], [sflag:$0x2] =	stream.indirect.gather [hbm4b:s3+s16], $0x1, s14, s16, $0xb8;
	[tilespmem:$0x11420] =	vst v63  }
0x6f: {  	s21 =	simm.s32 $0x8C00  }
0x70: {  	[tilespmem:s21], [sflag:$0x1] =	stream.indirect.gather [hbm4b:s4+s16], $0x10, s20, s16, $0xb8;
	[tilespmem:$0x11420] =	vst v63  }
0x71: {  	s24 =	simm.s32 $0x10980  }
0x72: {  	[tilespmem:s24], [sflag:$0x2] =	stream.indirect.gather [hbm4b:s3+s16], $0x1, s20, s16, $0xb8;
	[tilespmem:$0x11420] =	vst v63  }
0x73: {  	s28 =	simm.s32 $0x9400  }
0x74: {  	[tilespmem:s28], [sflag:$0x1] =	stream.indirect.gather [hbm4b:s4+s16], $0x10, s25, s16, $0xb8;
	[tilespmem:$0x11420] =	vst v63  }
0x75: {  	p0 =	por $0x0, $0x0;
	s5 =	simm.s32 $0x0;
	s29 =	simm.s32 $0x10A00  }
0x76: {  	[tilespmem:s29], [sflag:$0x2] =	stream.indirect.gather [hbm4b:s3+s16], $0x1, s25, s16, $0xb8;
	[tilespmem:$0x11420] =	vst v63  }
.LBB2_3:
0x77: {  	_ =	swait.ge [sflag:s31], $0x800  }
0x78: {  	[sflag:s31] =	ssyncset.done $0x0  }
0x79: {  	[sflag:s31] =	ssyncadd.s32 $0xFFFFF800  }
0x7a: {  	_ =	swait.ge [sflag:s1], $0x80  }
0x7b: {  	[sflag:s1] =	ssyncset.done $0x0  }
0x7c: {  	[sflag:s1] =	ssyncadd.s32 $0xFFFFFF80  }
0x7d: {  	_ =	swait.ge [sflag:s31], $0x800  }
0x7e: {  	[sflag:s31] =	ssyncset.done $0x0  }
0x7f: {  	[sflag:s31] =	ssyncadd.s32 $0xFFFFF800  }
0x80: {  	_ =	swait.ge [sflag:s1], $0x80  }
0x81: {  	[sflag:s1] =	ssyncset.done $0x0  }
0x82: {  	[sflag:s1] =	ssyncadd.s32 $0xFFFFFF80  }
0x83: {  	_ =	swait.ge [sflag:s31], $0x800  }
0x84: {  	[sflag:s31] =	ssyncset.done $0x0  }
0x85: {  	[sflag:s31] =	ssyncadd.s32 $0xFFFFF800  }
0x86: {  	_ =	swait.ge [sflag:s1], $0x80  }
0x87: {  	[sflag:s1] =	ssyncset.done $0x0  }
0x88: {  	[sflag:s1] =	ssyncadd.s32 $0xFFFFFF80  }
0x89: {  	_ =	swait.ge [sflag:s31], $0x800  }
0x8a: {  	[sflag:s31] =	ssyncset.done $0x0  }
0x8b: {  	[sflag:s31] =	ssyncadd.s32 $0xFFFFF800  }
0x8c: {  	_ =	swait.ge [sflag:s1], $0x80  }
0x8d: {  	[sflag:s1] =	ssyncset.done $0x0  }
0x8e: {  	[sflag:s1] =	ssyncadd.s32 $0xFFFFFF80  }
0x8f: {  	_ =	swait.ge [sflag:s31], $0x800  }
0x90: {  	[sflag:s31] =	ssyncset.done $0x0  }
0x91: {  	[sflag:s31] =	ssyncadd.s32 $0xFFFFF800  }
0x92: {  	_ =	swait.ge [sflag:s1], $0x80  }
0x93: {  	[sflag:s1] =	ssyncset.done $0x0  }
0x94: {  	[sflag:s1] =	ssyncadd.s32 $0xFFFFFF80  }
0x95: {  	_ =	swait.ge [sflag:s31], $0x800  }
0x96: {  	[sflag:s31] =	ssyncset.done $0x0  }
0x97: {  	[sflag:s31] =	ssyncadd.s32 $0xFFFFF800  }
0x98: {  	_ =	swait.ge [sflag:s1], $0x80  }
0x99: {  	[sflag:s1] =	ssyncset.done $0x0  }
0x9a: {  	[sflag:s1] =	ssyncadd.s32 $0xFFFFFF80  }
0x9b: {  	_ =	swait.ge [sflag:s31], $0x800  }
0x9c: {  	[sflag:s31] =	ssyncset.done $0x0  }
0x9d: {  	[sflag:s31] =	ssyncadd.s32 $0xFFFFF800  }
0x9e: {  	_ =	swait.ge [sflag:s1], $0x80  }
0x9f: {  	[sflag:s1] =	ssyncset.done $0x0  }
0xa0: {  	[sflag:s1] =	ssyncadd.s32 $0xFFFFFF80  }
0xa1: {  	_ =	swait.ge [sflag:s31], $0x800  }
0xa2: {  	[sflag:s31] =	ssyncset.done $0x0  }
0xa3: {  	[sflag:s31] =	ssyncadd.s32 $0xFFFFF800  }
0xa4: {  	_ =	swait.ge [sflag:s1], $0x80  }
0xa5: {  	[sflag:s1] =	ssyncset.done $0x0  }
0xa6: {  	[sflag:s1] =	ssyncadd.s32 $0xFFFFFF80  }
0xa7: {  	_ =	swait.ge [sflag:s31], $0x800  }
0xa8: {  	[sflag:s31] =	ssyncset.done $0x0  }
0xa9: {  	[sflag:s31] =	ssyncadd.s32 $0xFFFFF800  }
0xaa: {  	_ =	swait.ge [sflag:s1], $0x80  }
0xab: {  	[sflag:s1] =	ssyncset.done $0x0  }
0xac: {  	[sflag:s1] =	ssyncadd.s32 $0xFFFFFF80  }
0xad: {  	_ =	swait.ge [sflag:s31], $0x800  }
0xae: {  	[sflag:s31] =	ssyncset.done $0x0  }
0xaf: {  	[sflag:s31] =	ssyncadd.s32 $0xFFFFF800  }
0xb0: {  	_ =	swait.ge [sflag:s1], $0x80  }
0xb1: {  	[sflag:s1] =	ssyncset.done $0x0  }
0xb2: {  	[sflag:s1] =	ssyncadd.s32 $0xFFFFFF80  }
0xb3: {  	_ =	swait.ge [sflag:s31], $0x800  }
0xb4: {  	[sflag:s31] =	ssyncset.done $0x0  }
0xb5: {  	[sflag:s31] =	ssyncadd.s32 $0xFFFFF800  }
0xb6: {  	_ =	swait.ge [sflag:s1], $0x80  }
0xb7: {  	[sflag:s1] =	ssyncset.done $0x0  }
0xb8: {  	[sflag:s1] =	ssyncadd.s32 $0xFFFFFF80  }
0xb9: {  	_ =	swait.ge [sflag:s31], $0x800  }
0xba: {  	[sflag:s31] =	ssyncset.done $0x0  }
0xbb: {  	[sflag:s31] =	ssyncadd.s32 $0xFFFFF800  }
0xbc: {  	_ =	swait.ge [sflag:s1], $0x80  }
0xbd: {  	[sflag:s1] =	ssyncset.done $0x0  }
0xbe: {  	[sflag:s1] =	ssyncadd.s32 $0xFFFFFF80  }
0xbf: {  	p1 =	seq.s32 s5, $0x7;
	_ =	swait.ge [sflag:s31], $0x800  }
.Ltmp0:
0xc0: {  	[sflag:s31] =	ssyncset.done $0x0;
	(pc) =	sbr.rel @p1 .LBB2_5-.Ltmp0, $4  }
0xc1: {  	[sflag:s31] =	ssyncadd.s32 $0xFFFFF800  }
0xc2: {  	_ =	swait.ge [sflag:s1], $0x80  }
0xc3: {  	[sflag:s1] =	ssyncset.done $0x0  }
0xc4: {  	s13 =	sadd.s32 $0x1, s5;
	[sflag:s1] =	ssyncadd.s32 $0xFFFFFF80  }
0xc5: {  	s9 =	sand.u32 $0x1, s13;
	s17 =	smul.u32 $0x1A00, s13  }
0xc6: {  	s6 =	smul.u32 $0x1A000, s9  }
0xc7: {  	s9 =	smul.u32 $0x1A40, s9  }
0xc8: {  	s6 =	sshrl.u32 s6, $0x2  }
0xc9: {  	s17 =	sshra.s32 s17, $0x2;
	s9 =	sshrl.u32 s9, $0x2;
	s18 =	sadd.s32 $0x3400, s6  }
0xca: {  	[tilespmem:s18], [sflag:$0x1] =	stream.indirect.gather [hbm4b:s4+s16], $0x10, s17, s16, $0xb8;
	[tilespmem:$0x11420] =	vst v63  }
0xcb: {  	s21 =	sadd.s32 $0x10400, s9  }
0xcc: {  	[tilespmem:s21], [sflag:$0x2] =	stream.indirect.gather [hbm4b:s3+s16], $0x1, s17, s16, $0xb8;
	[tilespmem:$0x11420] =	vst v63  }
0xcd: {  	s24 =	sadd.s32 $0x3C00, s6;
	s21 =	sadd.s32 $0x80, s17  }
0xce: {  	[tilespmem:s24], [sflag:$0x1] =	stream.indirect.gather [hbm4b:s4+s16], $0x10, s21, s16, $0xb8;
	[tilespmem:$0x11420] =	vst v63  }
0xcf: {  	s28 =	sadd.s32 $0x10480, s9  }
0xd0: {  	[tilespmem:s28], [sflag:$0x2] =	stream.indirect.gather [hbm4b:s3+s16], $0x1, s21, s16, $0xb8;
	[tilespmem:$0x11420] =	vst v63  }
0xd1: {  	s7 =	sadd.s32 $0x100, s17;
	s29 =	sadd.s32 $0x4400, s6  }
0xd2: {  	[tilespmem:s29], [sflag:$0x1] =	stream.indirect.gather [hbm4b:s4+s16], $0x10, s7, s16, $0xb8;
	[tilespmem:$0x11420] =	vst v63  }
0xd3: {  	s15 =	sadd.s32 $0x10500, s9  }
0xd4: {  	[tilespmem:s15], [sflag:$0x2] =	stream.indirect.gather [hbm4b:s3+s16], $0x1, s7, s16, $0xb8;
	[tilespmem:$0x11420] =	vst v63  }
0xd5: {  	s24 =	sadd.s32 $0x180, s17;
	s21 =	sadd.s32 $0x4C00, s6  }
0xd6: {  	[tilespmem:s21], [sflag:$0x1] =	stream.indirect.gather [hbm4b:s4+s16], $0x10, s24, s16, $0xb8;
	[tilespmem:$0x11420] =	vst v63  }
0xd7: {  	s28 =	sadd.s32 $0x10580, s9  }
0xd8: {  	[tilespmem:s28], [sflag:$0x2] =	stream.indirect.gather [hbm4b:s3+s16], $0x1, s24, s16, $0xb8;
	[tilespmem:$0x11420] =	vst v63  }
0xd9: {  	s29 =	sadd.s32 $0x5400, s6;
	s7 =	sadd.s32 $0x200, s17  }
0xda: {  	[tilespmem:s29], [sflag:$0x1] =	stream.indirect.gather [hbm4b:s4+s16], $0x10, s7, s16, $0xb8;
	[tilespmem:$0x11420] =	vst v63  }
0xdb: {  	s15 =	sadd.s32 $0x10600, s9  }
0xdc: {  	[tilespmem:s15], [sflag:$0x2] =	stream.indirect.gather [hbm4b:s3+s16], $0x1, s7, s16, $0xb8;
	[tilespmem:$0x11420] =	vst v63  }
0xdd: {  	s21 =	sadd.s32 $0x5C00, s6;
	s24 =	sadd.s32 $0x280, s17  }
0xde: {  	[tilespmem:s21], [sflag:$0x1] =	stream.indirect.gather [hbm4b:s4+s16], $0x10, s24, s16, $0xb8;
	[tilespmem:$0x11420] =	vst v63  }
0xdf: {  	s28 =	sadd.s32 $0x10680, s9  }
0xe0: {  	[tilespmem:s28], [sflag:$0x2] =	stream.indirect.gather [hbm4b:s3+s16], $0x1, s24, s16, $0xb8;
	[tilespmem:$0x11420] =	vst v63  }
0xe1: {  	s29 =	sadd.s32 $0x6400, s6;
	s7 =	sadd.s32 $0x300, s17  }
0xe2: {  	[tilespmem:s29], [sflag:$0x1] =	stream.indirect.gather [hbm4b:s4+s16], $0x10, s7, s16, $0xb8;
	[tilespmem:$0x11420] =	vst v63  }
0xe3: {  	s15 =	sadd.s32 $0x10700, s9  }
0xe4: {  	[tilespmem:s15], [sflag:$0x2] =	stream.indirect.gather [hbm4b:s3+s16], $0x1, s7, s16, $0xb8;
	[tilespmem:$0x11420] =	vst v63  }
0xe5: {  	s21 =	sadd.s32 $0x6C00, s6;
	s24 =	sadd.s32 $0x380, s17  }
0xe6: {  	[tilespmem:s21], [sflag:$0x1] =	stream.indirect.gather [hbm4b:s4+s16], $0x10, s24, s16, $0xb8;
	[tilespmem:$0x11420] =	vst v63  }
0xe7: {  	s28 =	sadd.s32 $0x10780, s9  }
0xe8: {  	[tilespmem:s28], [sflag:$0x2] =	stream.indirect.gather [hbm4b:s3+s16], $0x1, s24, s16, $0xb8;
	[tilespmem:$0x11420] =	vst v63  }
0xe9: {  	s29 =	sadd.s32 $0x7400, s6;
	s7 =	sadd.s32 $0x400, s17  }
0xea: {  	[tilespmem:s29], [sflag:$0x1] =	stream.indirect.gather [hbm4b:s4+s16], $0x10, s7, s16, $0xb8;
	[tilespmem:$0x11420] =	vst v63  }
0xeb: {  	s15 =	sor.u32 $0x10800, s9  }
0xec: {  	[tilespmem:s15], [sflag:$0x2] =	stream.indirect.gather [hbm4b:s3+s16], $0x1, s7, s16, $0xb8;
	[tilespmem:$0x11420] =	vst v63  }
0xed: {  	s21 =	sadd.s32 $0x7C00, s6;
	s24 =	sadd.s32 $0x480, s17  }
0xee: {  	[tilespmem:s21], [sflag:$0x1] =	stream.indirect.gather [hbm4b:s4+s16], $0x10, s24, s16, $0xb8;
	[tilespmem:$0x11420] =	vst v63  }
0xef: {  	s28 =	sadd.s32 $0x10880, s9  }
0xf0: {  	[tilespmem:s28], [sflag:$0x2] =	stream.indirect.gather [hbm4b:s3+s16], $0x1, s24, s16, $0xb8;
	[tilespmem:$0x11420] =	vst v63  }
0xf1: {  	s29 =	sor.u32 $0x8400, s6;
	s7 =	sadd.s32 $0x500, s17  }
0xf2: {  	[tilespmem:s29], [sflag:$0x1] =	stream.indirect.gather [hbm4b:s4+s16], $0x10, s7, s16, $0xb8;
	[tilespmem:$0x11420] =	vst v63  }
0xf3: {  	s15 =	sadd.s32 $0x10900, s9  }
0xf4: {  	[tilespmem:s15], [sflag:$0x2] =	stream.indirect.gather [hbm4b:s3+s16], $0x1, s7, s16, $0xb8;
	[tilespmem:$0x11420] =	vst v63  }
0xf5: {  	s21 =	sadd.s32 $0x8C00, s6;
	s24 =	sadd.s32 $0x580, s17  }
0xf6: {  	[tilespmem:s21], [sflag:$0x1] =	stream.indirect.gather [hbm4b:s4+s16], $0x10, s24, s16, $0xb8;
	[tilespmem:$0x11420] =	vst v63  }
0xf7: {  	s28 =	sadd.s32 $0x10980, s9  }
0xf8: {  	[tilespmem:s28], [sflag:$0x2] =	stream.indirect.gather [hbm4b:s3+s16], $0x1, s24, s16, $0xb8;
	[tilespmem:$0x11420] =	vst v63  }
0xf9: {  	s6 =	sadd.s32 $0x9400, s6;
	s17 =	sadd.s32 $0x600, s17  }
0xfa: {  	[tilespmem:s6], [sflag:$0x1] =	stream.indirect.gather [hbm4b:s4+s16], $0x10, s17, s16, $0xb8;
	[tilespmem:$0x11420] =	vst v63  }
0xfb: {  	s29 =	sadd.s32 $0x10A00, s9  }
0xfc: {  	[tilespmem:s29], [sflag:$0x2] =	stream.indirect.gather [hbm4b:s3+s16], $0x1, s17, s16, $0xb8;
	[tilespmem:$0x11420] =	vst v63  }
.LBB2_5:
0xfd: {  	s6 =	simm.s32 $0x1  }
0xfe: {  	s6 =	simm.s32 @!p0 $0x0  }
0xff: {  	s5 =	sshll.u32 s5, $0x6;
	s9 =	smul.u32 $0x1A000, s6  }
0x100: {  	s5 =	sand.u32 $0x3FFFFFC0, s5  }
0x101: {  	s24 =	simm.s32 $0x0;
	s5 =	sadd.s32 $0x11120, s5;
	s29 =	sshrl.u32 s9, $0x2  }
0x102: {  	s17 =	smul.u32 $0x690, s6;
	v16 =	vmov s5;
	s9 =	simm.s32 $0x0;
	s18 =	sadd.s32 $0x34D0, s29  }
.LBB2_6:
0x103: {  	v17 =	vld [tilespmem:s18+$0xFFFFFF30];
	_ =	sdelay $0x1  }
0x104: {  	v18 =	vld [tilespmem:s18+$0xFFFFFF40];
	_ =	sdelay $0x1  }
0x105: {  	v19 =	vld [tilespmem:s18+$0xFFFFFF50]  }
0x106: {  	v20 =	vadd.f32 $0.0e+00, v17  }
0x107: {  	v21 =	vld [tilespmem:s18+$0xFFFFFF60]  }
0x108: {  	v17 =	vmul.f32 v17, v17;
	v20 =	vadd.f32 v18, v20;
	v18 =	vmul.f32 v18, v18  }
0x109: {  	v22 =	vld [tilespmem:s18+$0xFFFFFF70]  }
0x10a: {  	v17 =	vadd.f32 v18, v17;
	v18 =	vadd.f32 v19, v20;
	v19 =	vmul.f32 v19, v19  }
0x10b: {  	v42 =	vld [tilespmem:s18+$0xFFFFFF80]  }
0x10c: {  	v17 =	vadd.f32 v19, v17;
	v18 =	vadd.f32 v21, v18;
	v19 =	vmul.f32 v21, v21  }
0x10d: {  	v43 =	vld [tilespmem:s18+$0xFFFFFF90]  }
0x10e: {  	v17 =	vadd.f32 v19, v17;
	v18 =	vadd.f32 v22, v18;
	v19 =	vmul.f32 v22, v22  }
0x10f: {  	v44 =	vld [tilespmem:s18+$0xFFFFFFA0]  }
0x110: {  	v17 =	vadd.f32 v19, v17;
	v18 =	vadd.f32 v42, v18;
	v19 =	vmul.f32 v42, v42  }
0x111: {  	v45 =	vld [tilespmem:s18+$0xFFFFFFB0]  }
0x112: {  	v17 =	vadd.f32 v19, v17;
	v18 =	vadd.f32 v43, v18;
	v19 =	vmul.f32 v43, v43  }
0x113: {  	v46 =	vld [tilespmem:s18+$0xFFFFFFC0]  }
0x114: {  	v17 =	vadd.f32 v19, v17;
	v18 =	vadd.f32 v44, v18;
	v19 =	vmul.f32 v44, v44  }
0x115: {  	v47 =	vld [tilespmem:s18+$0xFFFFFFD0]  }
0x116: {  	v17 =	vadd.f32 v19, v17;
	v18 =	vadd.f32 v45, v18;
	v19 =	vmul.f32 v45, v45  }
0x117: {  	v48 =	vld [tilespmem:s18+$0xFFFFFFE0]  }
0x118: {  	v17 =	vadd.f32 v19, v17;
	v18 =	vadd.f32 v46, v18;
	v19 =	vmul.f32 v46, v46  }
0x119: {  	v49 =	vld [tilespmem:s18+$0xFFFFFFF0]  }
0x11a: {  	v17 =	vadd.f32 v19, v17;
	v18 =	vadd.f32 v47, v18;
	v19 =	vmul.f32 v47, v47  }
0x11b: {  	v50 =	vld [tilespmem:s18+$0x0]  }
0x11c: {  	v17 =	vadd.f32 v19, v17;
	v18 =	vadd.f32 v48, v18;
	v19 =	vmul.f32 v48, v48  }
0x11d: {  	v51 =	vld [tilespmem:s18+$0x10]  }
0x11e: {  	v17 =	vadd.f32 v19, v17;
	v18 =	vadd.f32 v49, v18;
	v19 =	vmul.f32 v49, v49  }
0x11f: {  	v52 =	vld [tilespmem:s18+$0x20]  }
0x120: {  	v17 =	vadd.f32 v19, v17;
	v18 =	vadd.f32 v50, v18;
	v19 =	vmul.f32 v50, v50  }
0x121: {  	v53 =	vld [tilespmem:s18+$0x30]  }
0x122: {  	v17 =	vadd.f32 v19, v17;
	v18 =	vadd.f32 v51, v18;
	v19 =	vmul.f32 v51, v51  }
0x123: {  	v54 =	vld [tilespmem:s18+$0x40]  }
0x124: {  	v17 =	vadd.f32 v19, v17;
	v18 =	vadd.f32 v52, v18;
	v19 =	vmul.f32 v52, v52  }
0x125: {  	v55 =	vld [tilespmem:s18+$0x50]  }
0x126: {  	v17 =	vadd.f32 v19, v17;
	v18 =	vadd.f32 v53, v18;
	v19 =	vmul.f32 v53, v53  }
0x127: {  	v56 =	vld [tilespmem:s18+$0x60]  }
0x128: {  	v17 =	vadd.f32 v19, v17;
	v18 =	vadd.f32 v54, v18;
	v19 =	vmul.f32 v54, v54  }
0x129: {  	v57 =	vld [tilespmem:s18+$0x70]  }
0x12a: {  	v17 =	vadd.f32 v19, v17;
	v18 =	vadd.f32 v55, v18;
	v19 =	vmul.f32 v55, v55  }
0x12b: {  	v58 =	vld [tilespmem:s18+$0x80]  }
0x12c: {  	v17 =	vadd.f32 v19, v17;
	v18 =	vadd.f32 v56, v18;
	v19 =	vmul.f32 v56, v56  }
0x12d: {  	v59 =	vld [tilespmem:s18+$0x90]  }
0x12e: {  	v17 =	vadd.f32 v19, v17;
	v18 =	vadd.f32 v57, v18;
	v19 =	vmul.f32 v57, v57  }
0x12f: {  	v60 =	vld [tilespmem:s18+$0xA0]  }
0x130: {  	v17 =	vadd.f32 v19, v17;
	v18 =	vadd.f32 v58, v18;
	v19 =	vmul.f32 v58, v58  }
0x131: {  	v61 =	vld [tilespmem:s18+$0xB0]  }
0x132: {  	v17 =	vadd.f32 v19, v17;
	v18 =	vadd.f32 v59, v18;
	v19 =	vmul.f32 v59, v59  }
0x133: {  	v62 =	vld [tilespmem:s18+$0xC0]  }
0x134: {  	v17 =	vadd.f32 v19, v17;
	v18 =	vadd.f32 v60, v18;
	v19 =	vmul.f32 v60, v60;
	_ =	sdelay $0x1  }
0x135: {  	v17 =	vadd.f32 v19, v17;
	v18 =	vadd.f32 v61, v18;
	v19 =	vmul.f32 v61, v61;
	_ =	sdelay $0x1  }
0x136: {  	s5 =	sadd.s32 s9, s17;
	v17 =	vadd.f32 v19, v17;
	v18 =	vadd.f32 v62, v18;
	v19 =	vmul.f32 v62, v62  }
0x137: {  	s6 =	sand.u32 $0x6, s9;
	s5 =	sand.u32 $0xFF8, s5  }
0x138: {  	s5 =	sor.u32 s6, s5;
	v17 =	vadd.f32 v19, v17;
	v18 =	vmul.f32 v18, v18  }
0x139: {  	v19 =	vld [tilespmem:s5+$0x10400]  }
0x13a: {  	v63 =	vld [tilespmem:s5+$0x10410];
	v17 =	vsub.f32 v18, v17;
	_ =	sdelay $0x1  }
0x13b: {  	v17 =	vmul.f32 $5.000000000e-01, v17;
	_ =	sdelay $0x1  }
0x13c: {  	v17 =	vadd.f32 v17, v19  }
0x13d: {  	v18 =	vnsel vm0, $0x0, v63  }
0x13e: {  	v17 =	vadd.f32 v17, v18  }
0x13f: {  	s21 =	simm.s32 $0x0  }
0x140: {  	s28 =	sshll.u32 s24, $0x4;
	s5 =	sadd.s32 $0x1A0, s18;
	[tilespmem:s21+$0x11320] =	vst v17  }
0x141: {  	s29 =	simm.s32 $0x40;
	s6 =	simm.s32 $0x80;
	s21 =	smov.u32 s9;
	v17 =	vld [tilespmem:s5+$0xFFFFFF30]  }
.LBB2_7:
0x142: {  	p1 =	sne.s32 s6, $0x3C0  }
0x143: {  	v18 =	vld [tilespmem:s5+$0xFFFFFF40];
	_ =	sdelay $0x1  }
0x144: {  	v19 =	vld [tilespmem:s5+$0xFFFFFF50]  }
0x145: {  	v20 =	vadd.f32 $0.0e+00, v17  }
0x146: {  	v21 =	vld [tilespmem:s5+$0xFFFFFF60]  }
0x147: {  	v17 =	vmul.f32 v17, v17;
	v20 =	vadd.f32 v18, v20;
	v18 =	vmul.f32 v18, v18  }
0x148: {  	v22 =	vld [tilespmem:s5+$0xFFFFFF70]  }
0x149: {  	v17 =	vadd.f32 v18, v17;
	v18 =	vadd.f32 v19, v20;
	v19 =	vmul.f32 v19, v19  }
0x14a: {  	v20 =	vld [tilespmem:s5+$0xFFFFFF80]  }
0x14b: {  	v17 =	vadd.f32 v19, v17;
	v18 =	vadd.f32 v21, v18;
	v19 =	vmul.f32 v21, v21  }
0x14c: {  	v21 =	vld [tilespmem:s5+$0xFFFFFF90]  }
0x14d: {  	v17 =	vadd.f32 v19, v17;
	v18 =	vadd.f32 v22, v18;
	v19 =	vmul.f32 v22, v22  }
0x14e: {  	v22 =	vld [tilespmem:s5+$0xFFFFFFA0]  }
0x14f: {  	v17 =	vadd.f32 v19, v17;
	v18 =	vadd.f32 v20, v18;
	v19 =	vmul.f32 v20, v20  }
0x150: {  	v20 =	vld [tilespmem:s5+$0xFFFFFFB0]  }
0x151: {  	v17 =	vadd.f32 v19, v17;
	v18 =	vadd.f32 v21, v18;
	v19 =	vmul.f32 v21, v21  }
0x152: {  	v21 =	vld [tilespmem:s5+$0xFFFFFFC0]  }
0x153: {  	v17 =	vadd.f32 v19, v17;
	v18 =	vadd.f32 v22, v18;
	v19 =	vmul.f32 v22, v22  }
0x154: {  	v22 =	vld [tilespmem:s5+$0xFFFFFFD0]  }
0x155: {  	v17 =	vadd.f32 v19, v17;
	v18 =	vadd.f32 v20, v18;
	v19 =	vmul.f32 v20, v20  }
0x156: {  	v20 =	vld [tilespmem:s5+$0xFFFFFFE0]  }
0x157: {  	v17 =	vadd.f32 v19, v17;
	v18 =	vadd.f32 v21, v18;
	v19 =	vmul.f32 v21, v21  }
0x158: {  	v21 =	vld [tilespmem:s5+$0xFFFFFFF0]  }
0x159: {  	v17 =	vadd.f32 v19, v17;
	v18 =	vadd.f32 v22, v18;
	v19 =	vmul.f32 v22, v22  }
0x15a: {  	v22 =	vld [tilespmem:s5+$0x0]  }
0x15b: {  	v17 =	vadd.f32 v19, v17;
	v18 =	vadd.f32 v20, v18;
	v19 =	vmul.f32 v20, v20  }
0x15c: {  	v20 =	vld [tilespmem:s5+$0x10]  }
0x15d: {  	v17 =	vadd.f32 v19, v17;
	v18 =	vadd.f32 v21, v18;
	v19 =	vmul.f32 v21, v21  }
0x15e: {  	v21 =	vld [tilespmem:s5+$0x20]  }
0x15f: {  	v17 =	vadd.f32 v19, v17;
	v18 =	vadd.f32 v22, v18;
	v19 =	vmul.f32 v22, v22  }
0x160: {  	v22 =	vld [tilespmem:s5+$0x30]  }
0x161: {  	v17 =	vadd.f32 v19, v17;
	v18 =	vadd.f32 v20, v18;
	v19 =	vmul.f32 v20, v20  }
0x162: {  	v20 =	vld [tilespmem:s5+$0x40]  }
0x163: {  	v17 =	vadd.f32 v19, v17;
	v18 =	vadd.f32 v21, v18;
	v19 =	vmul.f32 v21, v21  }
0x164: {  	v21 =	vld [tilespmem:s5+$0x50]  }
0x165: {  	v17 =	vadd.f32 v19, v17;
	v18 =	vadd.f32 v22, v18;
	v19 =	vmul.f32 v22, v22  }
0x166: {  	v22 =	vld [tilespmem:s5+$0x60]  }
0x167: {  	v17 =	vadd.f32 v19, v17;
	v18 =	vadd.f32 v20, v18;
	v19 =	vmul.f32 v20, v20  }
0x168: {  	v20 =	vld [tilespmem:s5+$0x70]  }
0x169: {  	v17 =	vadd.f32 v19, v17;
	v18 =	vadd.f32 v21, v18;
	v19 =	vmul.f32 v21, v21  }
0x16a: {  	v21 =	vld [tilespmem:s5+$0x80]  }
0x16b: {  	v17 =	vadd.f32 v19, v17;
	v18 =	vadd.f32 v22, v18;
	v19 =	vmul.f32 v22, v22  }
0x16c: {  	v22 =	vld [tilespmem:s5+$0x90]  }
0x16d: {  	v17 =	vadd.f32 v19, v17;
	v18 =	vadd.f32 v20, v18;
	v19 =	vmul.f32 v20, v20  }
0x16e: {  	v20 =	vld [tilespmem:s5+$0xA0]  }
0x16f: {  	v17 =	vadd.f32 v19, v17;
	v18 =	vadd.f32 v21, v18;
	v19 =	vmul.f32 v21, v21  }
0x170: {  	v21 =	vld [tilespmem:s5+$0xB0]  }
0x171: {  	v17 =	vadd.f32 v19, v17;
	v18 =	vadd.f32 v22, v18;
	v19 =	vmul.f32 v22, v22  }
0x172: {  	v22 =	vld [tilespmem:s5+$0xC0]  }
0x173: {  	v17 =	vadd.f32 v19, v17;
	v18 =	vadd.f32 v20, v18;
	v19 =	vmul.f32 v20, v20;
	_ =	sdelay $0x1  }
0x174: {  	v17 =	vadd.f32 v19, v17;
	v18 =	vadd.f32 v21, v18;
	v19 =	vmul.f32 v21, v21  }
0x175: {  	s21 =	sadd.s32 $0x1A, s21  }
0x176: {  	s7 =	sadd.s32 s21, s17;
	v17 =	vadd.f32 v19, v17;
	v18 =	vadd.f32 v22, v18;
	v19 =	vmul.f32 v22, v22  }
0x177: {  	s15 =	sand.u32 $0x6, s21;
	s7 =	sand.u32 $0xFF8, s7  }
0x178: {  	s7 =	sor.u32 s15, s7;
	v17 =	vadd.f32 v19, v17;
	v18 =	vmul.f32 v18, v18  }
0x179: {  	v19 =	vld [tilespmem:s7+$0x10400]  }
0x17a: {  	v20 =	vld [tilespmem:s7+$0x10410];
	v17 =	vsub.f32 v18, v17;
	_ =	sdelay $0x1  }
0x17b: {  	v17 =	vmul.f32 $5.000000000e-01, v17;
	_ =	sdelay $0x1  }
0x17c: {  	v17 =	vadd.f32 v17, v19  }
.Ltmp1:
0x17d: {  	v18 =	vnsel vm0, $0x0, v20;
	(pc) =	sbr.rel @p1 .LBB2_7-.Ltmp1, $4  }
0x17e: {  	v17 =	vadd.f32 v17, v18  }
0x17f: {  	s7 =	sshra.s32 s29, $0x2;
	s29 =	smov.u32 s6  }
0x180: {  	s5 =	sadd.s32 $0x1A0, s5;
	[tilespmem:s7+$0x11320] =	vst v17  }
0x181: {  	s6 =	sadd.s32 $0x40, s6;
	v17 =	vld [tilespmem:s5+$0xFFFFFF30]  }
0x182: {  	_ = 	snop  }
0x183: {  	v18 =	vld [tilespmem:s5+$0xFFFFFF40];
	_ =	sdelay $0x1  }
0x184: {  	v19 =	vld [tilespmem:s5+$0xFFFFFF50]  }
0x185: {  	v20 =	vadd.f32 $0.0e+00, v17  }
0x186: {  	v21 =	vld [tilespmem:s5+$0xFFFFFF60]  }
0x187: {  	v17 =	vmul.f32 v17, v17;
	v20 =	vadd.f32 v18, v20;
	v18 =	vmul.f32 v18, v18  }
0x188: {  	v22 =	vld [tilespmem:s5+$0xFFFFFF70]  }
0x189: {  	v17 =	vadd.f32 v18, v17;
	v18 =	vadd.f32 v19, v20;
	v19 =	vmul.f32 v19, v19  }
0x18a: {  	v37 =	vld [tilespmem:s5+$0xFFFFFF80]  }
0x18b: {  	v17 =	vadd.f32 v19, v17;
	v18 =	vadd.f32 v21, v18;
	v19 =	vmul.f32 v21, v21  }
0x18c: {  	v38 =	vld [tilespmem:s5+$0xFFFFFF90]  }
0x18d: {  	v17 =	vadd.f32 v19, v17;
	v18 =	vadd.f32 v22, v18;
	v19 =	vmul.f32 v22, v22  }
0x18e: {  	v39 =	vld [tilespmem:s5+$0xFFFFFFA0]  }
0x18f: {  	v17 =	vadd.f32 v19, v17;
	v18 =	vadd.f32 v37, v18;
	v19 =	vmul.f32 v37, v37  }
0x190: {  	v40 =	vld [tilespmem:s5+$0xFFFFFFB0]  }
0x191: {  	v17 =	vadd.f32 v19, v17;
	v18 =	vadd.f32 v38, v18;
	v19 =	vmul.f32 v38, v38  }
0x192: {  	v41 =	vld [tilespmem:s5+$0xFFFFFFC0]  }
0x193: {  	v17 =	vadd.f32 v19, v17;
	v18 =	vadd.f32 v39, v18;
	v19 =	vmul.f32 v39, v39  }
0x194: {  	v42 =	vld [tilespmem:s5+$0xFFFFFFD0]  }
0x195: {  	v17 =	vadd.f32 v19, v17;
	v18 =	vadd.f32 v40, v18;
	v19 =	vmul.f32 v40, v40  }
0x196: {  	v43 =	vld [tilespmem:s5+$0xFFFFFFE0]  }
0x197: {  	v17 =	vadd.f32 v19, v17;
	v18 =	vadd.f32 v41, v18;
	v19 =	vmul.f32 v41, v41  }
0x198: {  	v44 =	vld [tilespmem:s5+$0xFFFFFFF0]  }
0x199: {  	v17 =	vadd.f32 v19, v17;
	v18 =	vadd.f32 v42, v18;
	v19 =	vmul.f32 v42, v42  }
0x19a: {  	v45 =	vld [tilespmem:s5+$0x0]  }
0x19b: {  	v17 =	vadd.f32 v19, v17;
	v18 =	vadd.f32 v43, v18;
	v19 =	vmul.f32 v43, v43  }
0x19c: {  	v46 =	vld [tilespmem:s5+$0x10]  }
0x19d: {  	v17 =	vadd.f32 v19, v17;
	v18 =	vadd.f32 v44, v18;
	v19 =	vmul.f32 v44, v44  }
0x19e: {  	v47 =	vld [tilespmem:s5+$0x20]  }
0x19f: {  	v17 =	vadd.f32 v19, v17;
	v18 =	vadd.f32 v45, v18;
	v19 =	vmul.f32 v45, v45  }
0x1a0: {  	v48 =	vld [tilespmem:s5+$0x30]  }
0x1a1: {  	v17 =	vadd.f32 v19, v17;
	v18 =	vadd.f32 v46, v18;
	v19 =	vmul.f32 v46, v46  }
0x1a2: {  	v49 =	vld [tilespmem:s5+$0x40]  }
0x1a3: {  	v17 =	vadd.f32 v19, v17;
	v18 =	vadd.f32 v47, v18;
	v19 =	vmul.f32 v47, v47  }
0x1a4: {  	v50 =	vld [tilespmem:s5+$0x50]  }
0x1a5: {  	v17 =	vadd.f32 v19, v17;
	v18 =	vadd.f32 v48, v18;
	v19 =	vmul.f32 v48, v48  }
0x1a6: {  	v51 =	vld [tilespmem:s5+$0x60]  }
0x1a7: {  	v17 =	vadd.f32 v19, v17;
	v18 =	vadd.f32 v49, v18;
	v19 =	vmul.f32 v49, v49  }
0x1a8: {  	v52 =	vld [tilespmem:s5+$0x70]  }
0x1a9: {  	v17 =	vadd.f32 v19, v17;
	v18 =	vadd.f32 v50, v18;
	v19 =	vmul.f32 v50, v50  }
0x1aa: {  	v53 =	vld [tilespmem:s5+$0x80]  }
0x1ab: {  	v17 =	vadd.f32 v19, v17;
	v18 =	vadd.f32 v51, v18;
	v19 =	vmul.f32 v51, v51  }
0x1ac: {  	v54 =	vld [tilespmem:s5+$0x90]  }
0x1ad: {  	v17 =	vadd.f32 v19, v17;
	v18 =	vadd.f32 v52, v18;
	v19 =	vmul.f32 v52, v52  }
0x1ae: {  	v55 =	vld [tilespmem:s5+$0xA0]  }
0x1af: {  	v17 =	vadd.f32 v19, v17;
	v18 =	vadd.f32 v53, v18;
	v19 =	vmul.f32 v53, v53  }
0x1b0: {  	v56 =	vld [tilespmem:s5+$0xB0]  }
0x1b1: {  	v17 =	vadd.f32 v19, v17;
	v18 =	vadd.f32 v54, v18;
	v19 =	vmul.f32 v54, v54  }
0x1b2: {  	v57 =	vld [tilespmem:s5+$0xC0]  }
0x1b3: {  	v17 =	vadd.f32 v19, v17;
	v18 =	vadd.f32 v55, v18;
	v19 =	vmul.f32 v55, v55;
	_ =	sdelay $0x1  }
0x1b4: {  	v17 =	vadd.f32 v19, v17;
	v18 =	vadd.f32 v56, v18;
	v19 =	vmul.f32 v56, v56  }
0x1b5: {  	s21 =	sadd.s32 $0x1A, s21  }
0x1b6: {  	s6 =	sadd.s32 s21, s17;
	v17 =	vadd.f32 v19, v17;
	v18 =	vadd.f32 v57, v18;
	v19 =	vmul.f32 v57, v57  }
0x1b7: {  	s5 =	sand.u32 $0x6, s21;
	s6 =	sand.u32 $0xFF8, s6  }
0x1b8: {  	s5 =	sor.u32 s5, s6;
	v17 =	vadd.f32 v19, v17;
	v18 =	vmul.f32 v18, v18  }
0x1b9: {  	v19 =	vld [tilespmem:s5+$0x10400]  }
0x1ba: {  	v58 =	vld [tilespmem:s5+$0x10410];
	v17 =	vsub.f32 v18, v17;
	_ =	sdelay $0x1  }
0x1bb: {  	v17 =	vmul.f32 $5.000000000e-01, v17;
	_ =	sdelay $0x1  }
0x1bc: {  	v17 =	vadd.f32 v17, v19  }
0x1bd: {  	v18 =	vnsel vm0, $0x0, v58  }
0x1be: {  	v17 =	vadd.f32 v17, v18  }
0x1bf: {  	s29 =	sshra.s32 s29, $0x2  }
0x1c0: {  	[tilespmem:s29+$0x11320] =	vst v17  }
0x1c1: {  	v17 =	vld.idx.msk [tilespmem:v0+s8+$0x0], $0xffff;
	_ =	sdelay $0x1  }
0x1c2: {  	v18 =	vld.idx.msk [tilespmem:v1+s8+$0x0], $0xffff;
	_ =	sdelay $0x1  }
0x1c3: {  	v19 =	vld.idx.msk [tilespmem:v2+s8+$0x0], $0xffff  }
0x1c4: {  	v17 =	vadd.f32 $0.0e+00, v17  }
0x1c5: {  	v59 =	vld.idx.msk [tilespmem:v3+s8+$0x0], $0xffff  }
0x1c6: {  	v17 =	vadd.f32 v18, v17  }
0x1c7: {  	v18 =	vld.idx.msk [tilespmem:v4+s8+$0x0], $0xffff  }
0x1c8: {  	v17 =	vadd.f32 v19, v17  }
0x1c9: {  	v19 =	vld.idx.msk [tilespmem:v5+s8+$0x0], $0xffff  }
0x1ca: {  	v17 =	vadd.f32 v59, v17  }
0x1cb: {  	v60 =	vld.idx.msk [tilespmem:v6+s8+$0x0], $0xffff  }
0x1cc: {  	v17 =	vadd.f32 v18, v17  }
0x1cd: {  	v18 =	vld.idx.msk [tilespmem:v7+s8+$0x0], $0xffff  }
0x1ce: {  	v17 =	vadd.f32 v19, v17  }
0x1cf: {  	v19 =	vld.idx.msk [tilespmem:v8+s8+$0x0], $0xffff  }
0x1d0: {  	v17 =	vadd.f32 v60, v17  }
0x1d1: {  	v61 =	vld.idx.msk [tilespmem:v9+s8+$0x0], $0xffff  }
0x1d2: {  	v17 =	vadd.f32 v18, v17  }
0x1d3: {  	v18 =	vld.idx.msk [tilespmem:v10+s8+$0x0], $0xffff  }
0x1d4: {  	v17 =	vadd.f32 v19, v17  }
0x1d5: {  	v19 =	vld.idx.msk [tilespmem:v11+s8+$0x0], $0xffff  }
0x1d6: {  	v17 =	vadd.f32 v61, v17  }
0x1d7: {  	v62 =	vld.idx.msk [tilespmem:v12+s8+$0x0], $0xffff  }
0x1d8: {  	v17 =	vadd.f32 v18, v17  }
0x1d9: {  	v18 =	vld.idx.msk [tilespmem:v13+s8+$0x0], $0xffff  }
0x1da: {  	v17 =	vadd.f32 v19, v17  }
0x1db: {  	v19 =	vld.idx.msk [tilespmem:v14+s8+$0x0], $0xffff  }
0x1dc: {  	v17 =	vadd.f32 v62, v17  }
0x1dd: {  	v63 =	vld.idx.msk [tilespmem:v15+s8+$0x0], $0xffff  }
0x1de: {  	s24 =	sadd.s32 $0x1, s24;
	v17 =	vadd.f32 v18, v17  }
0x1df: {  	p1 =	seq.s32 s24, $0x4  }
.Ltmp2:
0x1e0: {  	v17 =	vadd.f32 v19, v17;
	(pc) =	sbr.rel @!p1 .LBB2_6-.Ltmp2, $3  }
0x1e1: {  	_ = 	snop  }
0x1e2: {  	v17 =	vadd.f32 v63, v17;
	_ =	sdelay $0x1  }
0x1e3: {  	s9 =	sadd.s32 $0x1A0, s9;
	s18 =	sadd.s32 $0x1A00, s18;
	[tilespmem:v16+s28+$0x0 ss:$0x1] =	vst.idx.msk $0xffff, v17  }
0x1e4: {  	p1 =	seq.s32 s13, $0x8  }
.Ltmp3:
0x1e5: {  	_ = 	snop;
	(pc) =	sbr.rel @!p1 .LBB2_3-.Ltmp3, $2  }
0x1e6: {  	_ =	sdelay $0x2  }
0x1e7: {  	p0 =	por !p0, !p0;
	s5 =	smov.u32 s13  }
0x1e8: {  	s5 =	rddreg [dreg:$0x4];
	s6 =	simm.s32 $0x11120  }
0x1e9: {  	[hbm4b:s5+s2] =	stream.linear.scatter [tilespmem:s6], [sflag:$0x3], $0x200, $0x38;
	[tilespmem:$0x11420] =	vst v63  }
0x1ea: {  	_ =	swait.ge [sflag:s10], $0x200  }
0x1eb: {  	s12 =	sadd.s32 $0x1, s12;
	s29 =	rddreg [dreg:$0x5]  }
0x1ec: {  	p0 =	sne.s32 s12, s29  }
.Ltmp4:
0x1ed: {  	_ = 	snop;
	(pc) =	sbr.rel @p0 .LBB2_1-.Ltmp4, $3  }
0x1ee: {  	_ =	sdelay $0x1  }
0x1ef: {  	[sflag:s10] =	ssyncset.done $0x0  }
0x1f0: {  	[sflag:s10] =	ssyncadd.s32 $0xFFFFFE00  }
0x1f1: {  	_ =	sfence.sel $0x180000  }
0x1f2: {  	[bflag:$0x0] =	sbarrier.arrive $0xFFFF  }
0x1f3: {  	_ =	strace $0x9000004A  }
0x1f4: {  	s0 =	stileid.u32;
	[bflag:$0x2] =	sbarrier.arrive $0xFFFF  }
0x1f5: {  	p0 =	sne.s32 s0, $0x0;
	s0 =	rddreg [dreg:$0x2]  }
0x1f6: {  	s0 =	sadd.s32 @!p0 $0x100000, s0  }
0x1f7: {  	[sflag:s0] =	ssyncadd.tile.s32 @!p0 $0x1;
	_ =	shalt  }
.Lfunc_end2:
_tile_overlayer_lowered:
.L_overlay_start_2:
0x1f8: {  	(tag) =	ssettag $0x2  }
0x1f9: {  	s0 =	rddreg [dreg:$0x0];
	s2 =	stileid.u32  }
0x1fa: {  	s1 =	rddreg [dreg:$0x1];
	p0 =	sne.s32 s2, $0x0  }
0x1fb: {  	s3 =	rddreg [dreg:$0x2];
	[bflag:$0x3] =	sbarrier.arrive $0xFFFF;
	s2 =	simm.s32 @!p0 $0x1C03  }
0x1fc: {  	[timem:s3], [sflag:s2] =	dma.local @!p0 [hbm:s0], s1  }
0x1fd: {  	s0 =	simm.s32 @!p0 $0x3  }
0x1fe: {  	_ =	swait.ge @!p0 [sflag:s0], s1  }
0x1ff: {  	s1 =	ssub.s32 @!p0 $0x0, s1;
	[sflag:s0] =	ssyncset.done @!p0 $0x0  }
0x200: {  	[sflag:s0] =	ssyncadd.s32 @!p0 s1  }
0x201: {  	[bflag:$0x3] =	sbarrier.arrive $0xFFFF  }
0x202: {  	_ =	shalt  }

</sc_bundles>
